<compile_context>
chip_gen: v7x
topology: tpu7x:2x2x1
jax: 0.10.2.dev20260603
libtpu: 0.0.44.dev20260713+nightly
codegen_flags: <defaults>
</compile_context>

<pallas_src>
import functools

import jax
import jax.numpy as jnp
from jax import lax
from jax.experimental import pallas as pl
from jax.experimental.pallas import tpu as pltpu
from jax.experimental.pallas import tpu_sc as plsc

NUM_MOVIES = 100000
NUM_USERS = 16384
B = 4096
MF = 64
DEG = 20

NC = 2
NS = 16
NW = NC * NS
BW = B // NW
CH = 16
NCH = BW // CH
NBUF = 4
L = 16
_RECIP20 = 3277

_PBLK = 2048
_PSHIFT = 11
_PROWS = (pl.cdiv(NUM_MOVIES, 2 * _PBLK)) * _PBLK
_PLAST = (NUM_MOVIES - 1) // _PBLK


def _proj_body(mta_ref, mtb_ref, wm_ref, bm_ref, out_ref):
  dn = (((0,), (1,)), ((), ()))
  wm = wm_ref[...]
  bm = bm_ref[...]
  ra = lax.dot_general(mta_ref[...], wm, dn,
                       preferred_element_type=jnp.float32) + bm
  rb = lax.dot_general(mtb_ref[...], wm, dn,
                       preferred_element_type=jnp.float32) + bm
  out_ref[...] = jnp.concatenate([ra, rb], axis=1)


def _tc_project(movie_t, W_movie, b_movie):
  grid = (pl.cdiv(NUM_MOVIES, 2 * _PBLK),)
  return pl.pallas_call(
      _proj_body,
      grid=grid,
      in_specs=[pl.BlockSpec((MF, _PBLK), lambda i: (0, 2 * i)),
                pl.BlockSpec((MF, _PBLK),
                             lambda i: (0, jnp.minimum(2 * i + 1, _PLAST))),
                pl.BlockSpec((64, 64), lambda i: (0, 0)),
                pl.BlockSpec((1, 64), lambda i: (0, 0))],
      out_specs=pl.BlockSpec((_PBLK, 2 * MF), lambda i: (i, 0)),
      out_shape=jax.ShapeDtypeStruct((_PROWS, 2 * MF), jnp.float32),
      compiler_params=pltpu.CompilerParams(fuse_transposed_lhs_in_matmul=True),
  )(movie_t, movie_t, W_movie, b_movie.reshape(1, 64))


def _vrow(m):
  blk = lax.shift_right_logical(m, _PSHIFT)
  s = lax.bitwise_and(m, _PBLK - 1)
  return (lax.shift_left(lax.shift_right_logical(blk, 1), _PSHIFT + 1)
          + lax.shift_left(s, 1) + lax.bitwise_and(blk, 1))


def _vrow_inplace(ref, n):
  def body(i, carry):
    sl = pl.ds(pl.multiple_of(i * L, L), L)
    ref[sl] = _vrow(ref[sl])
    return carry
  lax.fori_loop(0, n // L, body, 0)


def _sc_ids(user_ids, pos_ids, neg_ids, nbrs_flat):
  mesh = plsc.VectorSubcoreMesh(core_axis_name="c", subcore_axis_name="s")

  @functools.partial(
      pl.kernel,
      out_type=(
          jax.ShapeDtypeStruct((B * DEG,), jnp.int32),
          jax.ShapeDtypeStruct((B,), jnp.int32),
          jax.ShapeDtypeStruct((B,), jnp.int32),
      ),
      mesh=mesh,
      compiler_params=pltpu.CompilerParams(use_tc_tiling_on_sc=False,
                                           needs_layout_passes=False),
      scratch_types=[
          pltpu.VMEM((BW,), jnp.int32),
          pltpu.VMEM((BW,), jnp.int32),
          pltpu.VMEM((BW,), jnp.int32),
          pltpu.VMEM((BW * DEG,), jnp.int32),
          pltpu.VMEM((BW * DEG,), jnp.int32),
          pltpu.SemaphoreType.DMA,
      ],
  )
  def k(uid_hbm, pid_hbm, nid_hbm, nbrs_hbm,
        ids_out_hbm, pid_out_hbm, nid_out_hbm,
        uid_v, pid_v, nid_v, flat_v, ids_v, sem_nbr):
    wid = lax.axis_index("s") * NC + lax.axis_index("c")
    base = wid * BW
    pltpu.sync_copy(uid_hbm.at[pl.ds(base, BW)], uid_v)
    pltpu.sync_copy(pid_hbm.at[pl.ds(base, BW)], pid_v)
    pltpu.sync_copy(nid_hbm.at[pl.ds(base, BW)], nid_v)
    _vrow_inplace(pid_v, BW)
    _vrow_inplace(nid_v, BW)
    pltpu.sync_copy(pid_v, pid_out_hbm.at[pl.ds(base, BW)])
    pltpu.sync_copy(nid_v, nid_out_hbm.at[pl.ds(base, BW)])

    lane = lax.iota(jnp.int32, L)

    def posgen(i, carry):
      q = lane + i * L
      uq = lax.shift_right_logical(q * _RECIP20, 16)
      jq = q - uq * DEG
      uid = plsc.load_gather(uid_v, [uq])
      flat_v[pl.ds(pl.multiple_of(i * L, L), L)] = jq * NUM_USERS + uid
      return carry

    lax.fori_loop(0, BW * DEG // L, posgen, 0)
    pltpu.async_copy(nbrs_hbm.at[flat_v], ids_v, sem_nbr).wait()
    _vrow_inplace(ids_v, BW * DEG)
    pltpu.sync_copy(ids_v, ids_out_hbm.at[pl.ds(base * DEG, BW * DEG)])

  return k(user_ids, pos_ids, neg_ids, nbrs_flat)


def _sc_gather(ids_all, pid_t, nid_t, movie_proj):
  mesh = plsc.VectorSubcoreMesh(core_axis_name="c", subcore_axis_name="s")

  @functools.partial(
      pl.kernel,
      out_type=(
          jax.ShapeDtypeStruct((B, MF), jnp.float32),
          jax.ShapeDtypeStruct((B, MF), jnp.float32),
          jax.ShapeDtypeStruct((B, MF), jnp.float32),
      ),
      mesh=mesh,
      compiler_params=pltpu.CompilerParams(use_tc_tiling_on_sc=False,
                                           needs_layout_passes=False),
      scratch_types=[
          pltpu.VMEM((BW,), jnp.int32),
          pltpu.VMEM((BW,), jnp.int32),
          pltpu.VMEM((BW * DEG,), jnp.int32),
          pltpu.VMEM((NBUF, CH * DEG, MF), jnp.float32),
          pltpu.VMEM((BW, MF), jnp.float32),
          pltpu.VMEM((BW, MF), jnp.float32),
          pltpu.VMEM((BW, MF), jnp.float32),
          pltpu.SemaphoreType.DMA,
          pltpu.SemaphoreType.DMA,
          pltpu.SemaphoreType.DMA,
          pltpu.SemaphoreType.DMA,
          pltpu.SemaphoreType.DMA,
          pltpu.SemaphoreType.DMA,
      ],
  )
  def k(ids_hbm, pid_hbm, nid_hbm, movies_hbm,
        nsum_hbm, pos_hbm, neg_hbm,
        pid_v, nid_v, ids_v, rows_v, acc_v, pos_v, neg_v,
        sem_pos, sem_neg, sem_r0, sem_r1, sem_r2, sem_r3):
    sems = (sem_r0, sem_r1, sem_r2, sem_r3)
    wid = lax.axis_index("s") * NC + lax.axis_index("c")
    base = wid * BW
    pltpu.sync_copy(pid_hbm.at[pl.ds(base, BW)], pid_v)
    pltpu.sync_copy(nid_hbm.at[pl.ds(base, BW)], nid_v)
    cp_pos = pltpu.async_copy(movies_hbm.at[pid_v], pos_v, sem_pos)
    cp_neg = pltpu.async_copy(movies_hbm.at[nid_v], neg_v, sem_neg)
    pltpu.sync_copy(ids_hbm.at[pl.ds(base * DEG, BW * DEG)], ids_v)

    def fire(c, b):
      pltpu.async_copy(movies_hbm.at[ids_v.at[pl.ds(c * (CH * DEG),
                                                    CH * DEG)]],
                       rows_v.at[b], sems[b])

    def drain_and_reduce(c, b):
      pltpu.make_async_copy(movies_hbm.at[ids_v.at[pl.ds(c * (CH * DEG),
                                                         CH * DEG)]],
                            rows_v.at[b], sems[b]).wait()

      def reduce_user(uu, carry):
        r0 = uu * DEG
        for g in range(MF // 16):
          s = rows_v[b, r0, pl.ds(g * 16, 16)]
          for j in range(1, DEG):
            s = s + rows_v[b, r0 + j, pl.ds(g * 16, 16)]
          acc_v[c * CH + uu, pl.ds(g * 16, 16)] = s
        return carry

      lax.fori_loop(0, CH, reduce_user, 0)

    for b in range(NBUF):
      fire(b, b)

    def step(i, carry):
      c0 = i * NBUF
      for b in range(NBUF):
        drain_and_reduce(c0 + b, b)

        @pl.when(c0 + b + NBUF < NCH)
        def _():
          fire(c0 + b + NBUF, b)
      return carry

    lax.fori_loop(0, NCH // NBUF, step, 0)

    pltpu.sync_copy(acc_v, nsum_hbm.at[pl.ds(base, BW)])
    cp_pos.wait()
    pltpu.sync_copy(pos_v, pos_hbm.at[pl.ds(base, BW)])
    cp_neg.wait()
    pltpu.sync_copy(neg_v, neg_hbm.at[pl.ds(base, BW)])

  return k(ids_all, pid_t, nid_t, movie_proj)


_TC_BLK = 1024


def _trunk_body(users_ref, nsum_ref, pos_ref, neg_ref,
                wu_ref, w0_ref, w1_ref,
                bu_ref, b0_ref, b1_ref,
                out_u_ref, out_p_ref, out_n_ref):
  dn = (((1,), (1,)), ((), ()))
  z = jnp.zeros((64, 64), jnp.float32)

  def bd(w):
    return jnp.concatenate(
        [jnp.concatenate([w, z], axis=1), jnp.concatenate([z, w], axis=1)],
        axis=0)

  def b2(bref):
    return jnp.concatenate([bref[...], bref[...]], axis=1)

  user_e = (lax.dot_general(users_ref[...], bd(wu_ref[...]), dn,
                            preferred_element_type=jnp.float32)
            + nsum_ref[...] * (1.0 / DEG) + b2(bu_ref))
  w0 = bd(w0_ref[...])
  w1 = bd(w1_ref[...])
  b0 = b2(b0_ref)
  b1 = b2(b1_ref)

  def trunk(x):
    h = jnp.maximum(lax.dot_general(x, w0, dn,
                                    preferred_element_type=jnp.float32) + b0,
                    0.0)
    return jnp.maximum(lax.dot_general(h, w1, dn,
                                       preferred_element_type=jnp.float32) + b1,
                       0.0)

  out_u_ref[...] = trunk(user_e)
  out_p_ref[...] = trunk(pos_ref[...])
  out_n_ref[...] = trunk(neg_ref[...])


def _tc_trunk(users_p, nsum_p, pos_p, neg_p, W_user, W0, W1, b_user, b0, b1):
  grid = (B // 2 // _TC_BLK,)
  row_spec = pl.BlockSpec((_TC_BLK, 2 * MF), lambda i: (i, 0))
  w_spec = pl.BlockSpec((64, 64), lambda i: (0, 0))
  b_spec = pl.BlockSpec((1, 64), lambda i: (0, 0))
  return pl.pallas_call(
      _trunk_body,
      grid=grid,
      in_specs=[row_spec, row_spec, row_spec, row_spec,
                w_spec, w_spec, w_spec,
                b_spec, b_spec, b_spec],
      out_specs=[row_spec, row_spec, row_spec],
      out_shape=[jax.ShapeDtypeStruct((B // 2, 2 * MF), jnp.float32)] * 3,
  )(users_p, nsum_p, pos_p, neg_p, W_user, W0, W1,
    b_user.reshape(1, 64), b0.reshape(1, 64), b1.reshape(1, 64))


def kernel(users, pos_movies, neg_movies, user_ids, pos_movie_ids,
           neg_movie_ids, movie_emb, neighbors, W_user, b_user, W_movie,
           b_movie, W0, b0, W1, b1):
  proj_packed = _tc_project(movie_emb.T, W_movie, b_movie)
  movie_proj = proj_packed.reshape(2 * _PROWS, MF)
  nbrs_flat = neighbors.T.reshape(-1)
  ids_all, pid_t, nid_t = _sc_ids(user_ids, pos_movie_ids, neg_movie_ids,
                                  nbrs_flat)
  nsum, pos_e, neg_e = _sc_gather(ids_all, pid_t, nid_t, movie_proj)
  pk = (B // 2, 2 * MF)
  out_u, out_p, out_n = _tc_trunk(users.reshape(pk), nsum.reshape(pk),
                                  pos_e.reshape(pk), neg_e.reshape(pk),
                                  W_user, W0, W1, b_user, b0, b1)
  return (out_u.reshape(B, MF), out_p.reshape(B, MF), out_n.reshape(B, MF))

# --- scband reference (transcript-rebuilt; emitter-appended) ---
"""Pipeline reference for scband-mlp-model-90598040142266 (READ-ONLY COPY).

The authoritative reference and input builder live on the scoring server;
editing this copy changes nothing except your own understanding.
"""

import jax, jax.numpy as jnp
import numpy as np

NUM_MOVIES = 100000
NUM_USERS = 16384
B = 4096
MF = 64
UF = 64
D0, D1, D2 = 64, 64, 64
DEG = 20


def setup_inputs(seed: int = 0) -> dict:
    key = jax.random.key(seed)
    ks = jax.random.split(key, 16)
    users = jax.random.normal(ks[0], (B, UF), dtype=jnp.float32)
    pos_movies = jax.random.normal(ks[1], (B, MF), dtype=jnp.float32)
    neg_movies = jax.random.normal(ks[2], (B, MF), dtype=jnp.float32)
    user_ids = jax.random.randint(ks[3], (B,), 0, NUM_USERS, dtype=jnp.int32)
    pos_movie_ids = jax.random.randint(ks[4], (B,), 0, NUM_MOVIES, dtype=jnp.int32)
    neg_movie_ids = jax.random.randint(ks[5], (B,), 0, NUM_MOVIES, dtype=jnp.int32)
    movie_emb = jax.random.normal(ks[6], (NUM_MOVIES, MF), dtype=jnp.float32) * 0.02
    neighbors = jax.random.randint(ks[7], (NUM_USERS, DEG), 0, NUM_MOVIES, dtype=jnp.int32)
    W_user = jax.random.normal(ks[8], (D0, UF), dtype=jnp.float32) * (1.0 / np.sqrt(UF))
    b_user = jnp.zeros((D0,), dtype=jnp.float32)
    W_movie = jax.random.normal(ks[9], (D0, MF), dtype=jnp.float32) * (1.0 / np.sqrt(MF))
    b_movie = jnp.zeros((D0,), dtype=jnp.float32)
    W0 = jax.random.normal(ks[10], (D1, D0), dtype=jnp.float32) * (1.0 / np.sqrt(D0))
    b0 = jnp.zeros((D1,), dtype=jnp.float32)
    W1 = jax.random.normal(ks[11], (D2, D1), dtype=jnp.float32) * (1.0 / np.sqrt(D1))
    b1 = jnp.zeros((D2,), dtype=jnp.float32)
    return {
        'users': users, 'pos_movies': pos_movies, 'neg_movies': neg_movies,
        'user_ids': user_ids, 'pos_movie_ids': pos_movie_ids, 'neg_movie_ids': neg_movie_ids,
        'movie_emb': movie_emb, 'neighbors': neighbors,
        'W_user': W_user, 'b_user': b_user, 'W_movie': W_movie, 'b_movie': b_movie,
        'W0': W0, 'b0': b0, 'W1': W1, 'b1': b1,
    }


def reference(users, pos_movies, neg_movies, user_ids, pos_movie_ids, neg_movie_ids,
              movie_emb, neighbors, W_user, b_user, W_movie, b_movie, W0, b0, W1, b1):
    # user_projection / movie_projection
    user_e = users @ W_user.T + b_user                     # [B, D0]
    movie_e = movie_emb @ W_movie.T + b_movie              # [NUM_MOVIES, D0]
    # gathers (SparseCore-friendly)
    pos_e = jnp.take(movie_e, pos_movie_ids, axis=0)       # [B, D0]
    neg_e = jnp.take(movie_e, neg_movie_ids, axis=0)       # [B, D0]
    # neighbor aggregation: for each user, mean of its item-neighbor embeddings
    neigh_ids = jnp.take(neighbors, user_ids, axis=0)      # [B, DEG]
    neigh_e = jnp.take(movie_e, neigh_ids.reshape(-1), axis=0).reshape(B, DEG, -1)
    user_e = user_e + jnp.mean(neigh_e, axis=1)            # [B, D0]
    # stacked MLP trunk
    x = jnp.stack([user_e, pos_e, neg_e], axis=0)          # [3, B, D0]
    x = jax.nn.relu(x @ W0.T + b0)
    x = jax.nn.relu(x @ W1.T + b1)
    return (x[0], x[1], x[2])

if __name__ == "__main__":
    import jax
    _d = setup_inputs()
    print(jax.jit(kernel)(*tuple(_d.values())))

</pallas_src>

<mosaic_0001>
#map = affine_map<(d0, d1) -> (0)>
module attributes {stable_mosaic.version = 14 : i64} {
  func.func @k(%arg0: i32, %arg1: i32, %arg2: memref<4096xi32, #tpu.memory_space<hbm>>, %arg3: memref<4096xi32, #tpu.memory_space<hbm>>, %arg4: memref<4096xi32, #tpu.memory_space<hbm>>, %arg5: memref<327680xi32, #tpu.memory_space<hbm>>, %arg6: memref<81920xi32, #tpu.memory_space<hbm>>, %arg7: memref<4096xi32, #tpu.memory_space<hbm>>, %arg8: memref<4096xi32, #tpu.memory_space<hbm>>, %arg9: memref<128xi32, #tpu.memory_space<vmem>>, %arg10: memref<128xi32, #tpu.memory_space<vmem>>, %arg11: memref<128xi32, #tpu.memory_space<vmem>>, %arg12: memref<2560xi32, #tpu.memory_space<vmem>>, %arg13: memref<2560xi32, #tpu.memory_space<vmem>>, %arg14: memref<!tpu.dma_semaphore, #tpu.memory_space<semaphore_mem>>) attributes {dimension_semantics = [#tpu.dimension_semantics<core_parallel>, #tpu.dimension_semantics<subcore_parallel>], iteration_bounds = array<i64: 2, 16>, scalar_prefetch = 0 : i64, scratch_operands = 6 : i64, tpu.core_type = #tpu.core_type<sc_vector_subcore>, window_params = [{transform_indices = #map}, {transform_indices = #map}, {transform_indices = #map}, {transform_indices = #map}, {transform_indices = #map}, {transform_indices = #map}, {transform_indices = #map}]} {
    %mul3A = arith.constant 2 : i32
    %mul3A_0 = arith.muli %arg1, %mul3A : i32
    %add3A = arith.addi %mul3A_0, %arg0 : i32
    %mul3A_1 = arith.constant 128 : i32
    %mul3A_2 = arith.muli %add3A, %mul3A_1 : i32
    "tpu.region"() ({
      %run_scoped3A = tpu.sem_alloc : memref<!tpu.dma_semaphore, #tpu.memory_space<semaphore_mem>>
      %dma_start3A_30 = tpu.memref_slice %arg2[%mul3A_2] : memref<4096xi32, #tpu.memory_space<hbm>> -> memref<128xi32, #tpu.memory_space<hbm>>
      %dma_start3A_31 = tpu.memref_slice %arg2[%mul3A_2] : memref<4096xi32, #tpu.memory_space<hbm>> -> memref<128xi32, #tpu.memory_space<hbm>>
      tpu.enqueue_dma source(%dma_start3A_31 : memref<128xi32, #tpu.memory_space<hbm>>) target(%arg9 : memref<128xi32, #tpu.memory_space<vmem>>) target_semaphore(%run_scoped3A : memref<!tpu.dma_semaphore, #tpu.memory_space<semaphore_mem>>)
      %dma_wait3A_32 = tpu.memref_slice %arg2[%mul3A_2] : memref<4096xi32, #tpu.memory_space<hbm>> -> memref<128xi32, #tpu.memory_space<hbm>>
      %dma_wait3A_33 = tpu.memref_slice %arg2[%mul3A_2] : memref<4096xi32, #tpu.memory_space<hbm>> -> memref<128xi32, #tpu.memory_space<hbm>>
      tpu.wait_dma2 semaphore(%run_scoped3A : memref<!tpu.dma_semaphore, #tpu.memory_space<semaphore_mem>>) src(%dma_wait3A_33 : memref<128xi32, #tpu.memory_space<hbm>>) dst(%arg9 : memref<128xi32, #tpu.memory_space<vmem>>)
      tpu.yield
    }) : () -> ()
    "tpu.region"() ({
      %run_scoped3A = tpu.sem_alloc : memref<!tpu.dma_semaphore, #tpu.memory_space<semaphore_mem>>
      %dma_start3A_30 = tpu.memref_slice %arg3[%mul3A_2] : memref<4096xi32, #tpu.memory_space<hbm>> -> memref<128xi32, #tpu.memory_space<hbm>>
      %dma_start3A_31 = tpu.memref_slice %arg3[%mul3A_2] : memref<4096xi32, #tpu.memory_space<hbm>> -> memref<128xi32, #tpu.memory_space<hbm>>
      tpu.enqueue_dma source(%dma_start3A_31 : memref<128xi32, #tpu.memory_space<hbm>>) target(%arg10 : memref<128xi32, #tpu.memory_space<vmem>>) target_semaphore(%run_scoped3A : memref<!tpu.dma_semaphore, #tpu.memory_space<semaphore_mem>>)
      %dma_wait3A_32 = tpu.memref_slice %arg3[%mul3A_2] : memref<4096xi32, #tpu.memory_space<hbm>> -> memref<128xi32, #tpu.memory_space<hbm>>
      %dma_wait3A_33 = tpu.memref_slice %arg3[%mul3A_2] : memref<4096xi32, #tpu.memory_space<hbm>> -> memref<128xi32, #tpu.memory_space<hbm>>
      tpu.wait_dma2 semaphore(%run_scoped3A : memref<!tpu.dma_semaphore, #tpu.memory_space<semaphore_mem>>) src(%dma_wait3A_33 : memref<128xi32, #tpu.memory_space<hbm>>) dst(%arg10 : memref<128xi32, #tpu.memory_space<vmem>>)
      tpu.yield
    }) : () -> ()
    "tpu.region"() ({
      %run_scoped3A = tpu.sem_alloc : memref<!tpu.dma_semaphore, #tpu.memory_space<semaphore_mem>>
      %dma_start3A_30 = tpu.memref_slice %arg4[%mul3A_2] : memref<4096xi32, #tpu.memory_space<hbm>> -> memref<128xi32, #tpu.memory_space<hbm>>
      %dma_start3A_31 = tpu.memref_slice %arg4[%mul3A_2] : memref<4096xi32, #tpu.memory_space<hbm>> -> memref<128xi32, #tpu.memory_space<hbm>>
      tpu.enqueue_dma source(%dma_start3A_31 : memref<128xi32, #tpu.memory_space<hbm>>) target(%arg11 : memref<128xi32, #tpu.memory_space<vmem>>) target_semaphore(%run_scoped3A : memref<!tpu.dma_semaphore, #tpu.memory_space<semaphore_mem>>)
      %dma_wait3A_32 = tpu.memref_slice %arg4[%mul3A_2] : memref<4096xi32, #tpu.memory_space<hbm>> -> memref<128xi32, #tpu.memory_space<hbm>>
      %dma_wait3A_33 = tpu.memref_slice %arg4[%mul3A_2] : memref<4096xi32, #tpu.memory_space<hbm>> -> memref<128xi32, #tpu.memory_space<hbm>>
      tpu.wait_dma2 semaphore(%run_scoped3A : memref<!tpu.dma_semaphore, #tpu.memory_space<semaphore_mem>>) src(%dma_wait3A_33 : memref<128xi32, #tpu.memory_space<hbm>>) dst(%arg11 : memref<128xi32, #tpu.memory_space<vmem>>)
      tpu.yield
    }) : () -> ()
    %scan3A = arith.constant 0 : i32
    %scan3A_3 = arith.constant 0 : i32
    %scan3A_4 = arith.constant 8 : i32
    %scan3A_5 = arith.addi %scan3A_3, %scan3A_4 : i32
    %scan3A_6 = arith.constant 1 : i32
    scf.for %scan3A_30 = %scan3A_3 to %scan3A_5 step %scan3A_6  : i32 {
      %mul3A_31 = arith.constant 16 : i32
      %mul3A_32 = arith.muli %scan3A_30, %mul3A_31 : i32
      %multiple_of3A = tpu.assume_multiple %mul3A_32, 16 : i32
      %get3A = arith.index_cast %multiple_of3A : i32 to index
      %get3A_33 = tpu.vector_load %arg10[%get3A] {strides = array<i32>} : memref<128xi32, #tpu.memory_space<vmem>>, vector<16xi32>,
      %shift_right_logical3A = arith.constant 11 : i32
      %shift_right_logical3A_34 = vector.broadcast %shift_right_logical3A : i32 to vector<16xi32>
      %shift_right_logical3A_35 = arith.shrui %get3A_33, %shift_right_logical3A_34 : vector<16xi32>
      %and3A = arith.constant 2047 : i32
      %and3A_36 = vector.broadcast %and3A : i32 to vector<16xi32>
      %and3A_37 = arith.andi %get3A_33, %and3A_36 : vector<16xi32>
      %shift_right_logical3A_38 = arith.constant 1 : i32
      %shift_right_logical3A_39 = vector.broadcast %shift_right_logical3A_38 : i32 to vector<16xi32>
      %shift_right_logical3A_40 = arith.shrui %shift_right_logical3A_35, %shift_right_logical3A_39 : vector<16xi32>
      %shift_left3A = arith.constant 12 : i32
      %shift_left3A_41 = vector.broadcast %shift_left3A : i32 to vector<16xi32>
      %shift_left3A_42 = arith.shli %shift_right_logical3A_40, %shift_left3A_41 : vector<16xi32>
      %shift_left3A_43 = arith.constant 1 : i32
      %shift_left3A_44 = vector.broadcast %shift_left3A_43 : i32 to vector<16xi32>
      %shift_left3A_45 = arith.shli %and3A_37, %shift_left3A_44 : vector<16xi32>
      %add3A_46 = arith.addi %shift_left3A_42, %shift_left3A_45 : vector<16xi32>
      %and3A_47 = arith.constant 1 : i32
      %and3A_48 = vector.broadcast %and3A_47 : i32 to vector<16xi32>
      %and3A_49 = arith.andi %shift_right_logical3A_35, %and3A_48 : vector<16xi32>
      %add3A_50 = arith.addi %add3A_46, %and3A_49 : vector<16xi32>
      %swap3A = arith.index_cast %multiple_of3A : i32 to index
      %swap3A_51 = tpu.vector_load %arg10[%swap3A] {strides = array<i32>} : memref<128xi32, #tpu.memory_space<vmem>>, vector<16xi32>,
      tpu.vector_store %arg10[%swap3A], %add3A_50 {strides = array<i32>} : memref<128xi32, #tpu.memory_space<vmem>>, vector<16xi32>,
    }
    %scan3A_7 = arith.constant 8 : i32
    %scan3A_8 = arith.constant 0 : i32
    %scan3A_9 = arith.constant 0 : i32
    %scan3A_10 = arith.constant 8 : i32
    %scan3A_11 = arith.addi %scan3A_9, %scan3A_10 : i32
    %scan3A_12 = arith.constant 1 : i32
    scf.for %scan3A_30 = %scan3A_9 to %scan3A_11 step %scan3A_12  : i32 {
      %mul3A_31 = arith.constant 16 : i32
      %mul3A_32 = arith.muli %scan3A_30, %mul3A_31 : i32
      %multiple_of3A = tpu.assume_multiple %mul3A_32, 16 : i32
      %get3A = arith.index_cast %multiple_of3A : i32 to index
      %get3A_33 = tpu.vector_load %arg11[%get3A] {strides = array<i32>} : memref<128xi32, #tpu.memory_space<vmem>>, vector<16xi32>,
      %shift_right_logical3A = arith.constant 11 : i32
      %shift_right_logical3A_34 = vector.broadcast %shift_right_logical3A : i32 to vector<16xi32>
      %shift_right_logical3A_35 = arith.shrui %get3A_33, %shift_right_logical3A_34 : vector<16xi32>
      %and3A = arith.constant 2047 : i32
      %and3A_36 = vector.broadcast %and3A : i32 to vector<16xi32>
      %and3A_37 = arith.andi %get3A_33, %and3A_36 : vector<16xi32>
      %shift_right_logical3A_38 = arith.constant 1 : i32
      %shift_right_logical3A_39 = vector.broadcast %shift_right_logical3A_38 : i32 to vector<16xi32>
      %shift_right_logical3A_40 = arith.shrui %shift_right_logical3A_35, %shift_right_logical3A_39 : vector<16xi32>
      %shift_left3A = arith.constant 12 : i32
      %shift_left3A_41 = vector.broadcast %shift_left3A : i32 to vector<16xi32>
      %shift_left3A_42 = arith.shli %shift_right_logical3A_40, %shift_left3A_41 : vector<16xi32>
      %shift_left3A_43 = arith.constant 1 : i32
      %shift_left3A_44 = vector.broadcast %shift_left3A_43 : i32 to vector<16xi32>
      %shift_left3A_45 = arith.shli %and3A_37, %shift_left3A_44 : vector<16xi32>
      %add3A_46 = arith.addi %shift_left3A_42, %shift_left3A_45 : vector<16xi32>
      %and3A_47 = arith.constant 1 : i32
      %and3A_48 = vector.broadcast %and3A_47 : i32 to vector<16xi32>
      %and3A_49 = arith.andi %shift_right_logical3A_35, %and3A_48 : vector<16xi32>
      %add3A_50 = arith.addi %add3A_46, %and3A_49 : vector<16xi32>
      %swap3A = arith.index_cast %multiple_of3A : i32 to index
      %swap3A_51 = tpu.vector_load %arg11[%swap3A] {strides = array<i32>} : memref<128xi32, #tpu.memory_space<vmem>>, vector<16xi32>,
      tpu.vector_store %arg11[%swap3A], %add3A_50 {strides = array<i32>} : memref<128xi32, #tpu.memory_space<vmem>>, vector<16xi32>,
    }
    %scan3A_13 = arith.constant 8 : i32
    "tpu.region"() ({
      %run_scoped3A = tpu.sem_alloc : memref<!tpu.dma_semaphore, #tpu.memory_space<semaphore_mem>>
      %dma_start3A_30 = tpu.memref_slice %arg7[%mul3A_2] : memref<4096xi32, #tpu.memory_space<hbm>> -> memref<128xi32, #tpu.memory_space<hbm>>
      %dma_start3A_31 = tpu.memref_slice %arg7[%mul3A_2] : memref<4096xi32, #tpu.memory_space<hbm>> -> memref<128xi32, #tpu.memory_space<hbm>>
      tpu.enqueue_dma source(%arg10 : memref<128xi32, #tpu.memory_space<vmem>>) target(%dma_start3A_31 : memref<128xi32, #tpu.memory_space<hbm>>) target_semaphore(%run_scoped3A : memref<!tpu.dma_semaphore, #tpu.memory_space<semaphore_mem>>)
      %dma_wait3A_32 = tpu.memref_slice %arg7[%mul3A_2] : memref<4096xi32, #tpu.memory_space<hbm>> -> memref<128xi32, #tpu.memory_space<hbm>>
      %dma_wait3A_33 = tpu.memref_slice %arg7[%mul3A_2] : memref<4096xi32, #tpu.memory_space<hbm>> -> memref<128xi32, #tpu.memory_space<hbm>>
      tpu.wait_dma2 semaphore(%run_scoped3A : memref<!tpu.dma_semaphore, #tpu.memory_space<semaphore_mem>>) src(%arg10 : memref<128xi32, #tpu.memory_space<vmem>>) dst(%dma_wait3A_33 : memref<128xi32, #tpu.memory_space<hbm>>)
      tpu.yield
    }) : () -> ()
    "tpu.region"() ({
      %run_scoped3A = tpu.sem_alloc : memref<!tpu.dma_semaphore, #tpu.memory_space<semaphore_mem>>
      %dma_start3A_30 = tpu.memref_slice %arg8[%mul3A_2] : memref<4096xi32, #tpu.memory_space<hbm>> -> memref<128xi32, #tpu.memory_space<hbm>>
      %dma_start3A_31 = tpu.memref_slice %arg8[%mul3A_2] : memref<4096xi32, #tpu.memory_space<hbm>> -> memref<128xi32, #tpu.memory_space<hbm>>
      tpu.enqueue_dma source(%arg11 : memref<128xi32, #tpu.memory_space<vmem>>) target(%dma_start3A_31 : memref<128xi32, #tpu.memory_space<hbm>>) target_semaphore(%run_scoped3A : memref<!tpu.dma_semaphore, #tpu.memory_space<semaphore_mem>>)
      %dma_wait3A_32 = tpu.memref_slice %arg8[%mul3A_2] : memref<4096xi32, #tpu.memory_space<hbm>> -> memref<128xi32, #tpu.memory_space<hbm>>
      %dma_wait3A_33 = tpu.memref_slice %arg8[%mul3A_2] : memref<4096xi32, #tpu.memory_space<hbm>> -> memref<128xi32, #tpu.memory_space<hbm>>
      tpu.wait_dma2 semaphore(%run_scoped3A : memref<!tpu.dma_semaphore, #tpu.memory_space<semaphore_mem>>) src(%arg11 : memref<128xi32, #tpu.memory_space<vmem>>) dst(%dma_wait3A_33 : memref<128xi32, #tpu.memory_space<hbm>>)
      tpu.yield
    }) : () -> ()
    %iota3A = tpu.iota {dimensions = array<i32: 0>} : vector<16xi32>
    %scan3A_14 = arith.constant 0 : i32
    %scan3A_15 = arith.constant 0 : i32
    %scan3A_16 = arith.constant 160 : i32
    %scan3A_17 = arith.addi %scan3A_15, %scan3A_16 : i32
    %scan3A_18 = arith.constant 1 : i32
    scf.for %scan3A_30 = %scan3A_15 to %scan3A_17 step %scan3A_18  : i32 {
      %mul3A_31 = arith.constant 16 : i32
      %mul3A_32 = arith.muli %scan3A_30, %mul3A_31 : i32
      %add3A_33 = vector.broadcast %mul3A_32 : i32 to vector<16xi32>
      %add3A_34 = arith.addi %iota3A, %add3A_33 : vector<16xi32>
      %mul3A_35 = arith.constant 3277 : i32
      %mul3A_36 = vector.broadcast %mul3A_35 : i32 to vector<16xi32>
      %mul3A_37 = arith.muli %add3A_34, %mul3A_36 : vector<16xi32>
      %shift_right_logical3A = arith.constant 16 : i32
      %shift_right_logical3A_38 = vector.broadcast %shift_right_logical3A : i32 to vector<16xi32>
      %shift_right_logical3A_39 = arith.shrui %mul3A_37, %shift_right_logical3A_38 : vector<16xi32>
      %mul3A_40 = arith.constant 20 : i32
      %mul3A_41 = vector.broadcast %mul3A_40 : i32 to vector<16xi32>
      %mul3A_42 = arith.muli %shift_right_logical3A_39, %mul3A_41 : vector<16xi32>
      %sub3A = arith.subi %add3A_34, %mul3A_42 : vector<16xi32>
      %gather3A = tpu.vector_load_idx %arg9[%shift_right_logical3A_39] : memref<128xi32, #tpu.memory_space<vmem>>[vector<16xi32>], vector<16xi32>,
      %mul3A_43 = arith.constant 16384 : i32
      %mul3A_44 = vector.broadcast %mul3A_43 : i32 to vector<16xi32>
      %mul3A_45 = arith.muli %sub3A, %mul3A_44 : vector<16xi32>
      %add3A_46 = arith.addi %mul3A_45, %gather3A : vector<16xi32>
      %mul3A_47 = arith.constant 16 : i32
      %mul3A_48 = arith.muli %scan3A_30, %mul3A_47 : i32
      %multiple_of3A = tpu.assume_multiple %mul3A_48, 16 : i32
      %swap3A = arith.index_cast %multiple_of3A : i32 to index
      %swap3A_49 = tpu.vector_load %arg12[%swap3A] {strides = array<i32>} : memref<2560xi32, #tpu.memory_space<vmem>>, vector<16xi32>,
      tpu.vector_store %arg12[%swap3A], %add3A_46 {strides = array<i32>} : memref<2560xi32, #tpu.memory_space<vmem>>, vector<16xi32>,
    }
    %scan3A_19 = arith.constant 160 : i32
    %dma_start3A = arith.constant 0 : i32
    %dma_start3A_20 = tpu.memref_slice %arg5[%dma_start3A] : memref<327680xi32, #tpu.memory_space<hbm>> -> memref<327680xi32, #tpu.memory_space<hbm>>
    tpu.enqueue_indirect_dma source(%dma_start3A_20 : memref<327680xi32, #tpu.memory_space<hbm>>) target(%arg13 : memref<2560xi32, #tpu.memory_space<vmem>>) offsets(%arg12 : memref<2560xi32, #tpu.memory_space<vmem>>) semaphore(%arg14 : memref<!tpu.dma_semaphore, #tpu.memory_space<semaphore_mem>>)
    %dma_wait3A = arith.constant 0 : i32
    %dma_wait3A_21 = tpu.memref_slice %arg5[%dma_wait3A] : memref<327680xi32, #tpu.memory_space<hbm>> -> memref<327680xi32, #tpu.memory_space<hbm>>
    tpu.wait_indirect_dma semaphore(%arg14 : memref<!tpu.dma_semaphore, #tpu.memory_space<semaphore_mem>>) src(%dma_wait3A_21 : memref<327680xi32, #tpu.memory_space<hbm>>) dst(%arg13 : memref<2560xi32, #tpu.memory_space<vmem>>)
    %scan3A_22 = arith.constant 0 : i32
    %scan3A_23 = arith.constant 0 : i32
    %scan3A_24 = arith.constant 160 : i32
    %scan3A_25 = arith.addi %scan3A_23, %scan3A_24 : i32
    %scan3A_26 = arith.constant 1 : i32
    scf.for %scan3A_30 = %scan3A_23 to %scan3A_25 step %scan3A_26  : i32 {
      %mul3A_31 = arith.constant 16 : i32
      %mul3A_32 = arith.muli %scan3A_30, %mul3A_31 : i32
      %multiple_of3A = tpu.assume_multiple %mul3A_32, 16 : i32
      %get3A = arith.index_cast %multiple_of3A : i32 to index
      %get3A_33 = tpu.vector_load %arg13[%get3A] {strides = array<i32>} : memref<2560xi32, #tpu.memory_space<vmem>>, vector<16xi32>,
      %shift_right_logical3A = arith.constant 11 : i32
      %shift_right_logical3A_34 = vector.broadcast %shift_right_logical3A : i32 to vector<16xi32>
      %shift_right_logical3A_35 = arith.shrui %get3A_33, %shift_right_logical3A_34 : vector<16xi32>
      %and3A = arith.constant 2047 : i32
      %and3A_36 = vector.broadcast %and3A : i32 to vector<16xi32>
      %and3A_37 = arith.andi %get3A_33, %and3A_36 : vector<16xi32>
      %shift_right_logical3A_38 = arith.constant 1 : i32
      %shift_right_logical3A_39 = vector.broadcast %shift_right_logical3A_38 : i32 to vector<16xi32>
      %shift_right_logical3A_40 = arith.shrui %shift_right_logical3A_35, %shift_right_logical3A_39 : vector<16xi32>
      %shift_left3A = arith.constant 12 : i32
      %shift_left3A_41 = vector.broadcast %shift_left3A : i32 to vector<16xi32>
      %shift_left3A_42 = arith.shli %shift_right_logical3A_40, %shift_left3A_41 : vector<16xi32>
      %shift_left3A_43 = arith.constant 1 : i32
      %shift_left3A_44 = vector.broadcast %shift_left3A_43 : i32 to vector<16xi32>
      %shift_left3A_45 = arith.shli %and3A_37, %shift_left3A_44 : vector<16xi32>
      %add3A_46 = arith.addi %shift_left3A_42, %shift_left3A_45 : vector<16xi32>
      %and3A_47 = arith.constant 1 : i32
      %and3A_48 = vector.broadcast %and3A_47 : i32 to vector<16xi32>
      %and3A_49 = arith.andi %shift_right_logical3A_35, %and3A_48 : vector<16xi32>
      %add3A_50 = arith.addi %add3A_46, %and3A_49 : vector<16xi32>
      %swap3A = arith.index_cast %multiple_of3A : i32 to index
      %swap3A_51 = tpu.vector_load %arg13[%swap3A] {strides = array<i32>} : memref<2560xi32, #tpu.memory_space<vmem>>, vector<16xi32>,
      tpu.vector_store %arg13[%swap3A], %add3A_50 {strides = array<i32>} : memref<2560xi32, #tpu.memory_space<vmem>>, vector<16xi32>,
    }
    %scan3A_27 = arith.constant 160 : i32
    %mul3A_28 = arith.constant 20 : i32
    %mul3A_29 = arith.muli %mul3A_2, %mul3A_28 : i32
    "tpu.region"() ({
      %run_scoped3A = tpu.sem_alloc : memref<!tpu.dma_semaphore, #tpu.memory_space<semaphore_mem>>
      %dma_start3A_30 = tpu.memref_slice %arg6[%mul3A_29] : memref<81920xi32, #tpu.memory_space<hbm>> -> memref<2560xi32, #tpu.memory_space<hbm>>
      %dma_start3A_31 = tpu.memref_slice %arg6[%mul3A_29] : memref<81920xi32, #tpu.memory_space<hbm>> -> memref<2560xi32, #tpu.memory_space<hbm>>
      tpu.enqueue_dma source(%arg13 : memref<2560xi32, #tpu.memory_space<vmem>>) target(%dma_start3A_31 : memref<2560xi32, #tpu.memory_space<hbm>>) target_semaphore(%run_scoped3A : memref<!tpu.dma_semaphore, #tpu.memory_space<semaphore_mem>>)
      %dma_wait3A_32 = tpu.memref_slice %arg6[%mul3A_29] : memref<81920xi32, #tpu.memory_space<hbm>> -> memref<2560xi32, #tpu.memory_space<hbm>>
      %dma_wait3A_33 = tpu.memref_slice %arg6[%mul3A_29] : memref<81920xi32, #tpu.memory_space<hbm>> -> memref<2560xi32, #tpu.memory_space<hbm>>
      tpu.wait_dma2 semaphore(%run_scoped3A : memref<!tpu.dma_semaphore, #tpu.memory_space<semaphore_mem>>) src(%arg13 : memref<2560xi32, #tpu.memory_space<vmem>>) dst(%dma_wait3A_33 : memref<2560xi32, #tpu.memory_space<hbm>>)
      tpu.yield
    }) : () -> ()
    return
  }
}

#map = affine_map<(d0, d1) -> (0)>
#map1 = affine_map<(d0, d1) -> (0, 0)>
module attributes {stable_mosaic.version = 14 : i64} {
  func.func @k(%arg0: i32, %arg1: i32, %arg2: memref<81920xi32, #tpu.memory_space<hbm>>, %arg3: memref<4096xi32, #tpu.memory_space<hbm>>, %arg4: memref<4096xi32, #tpu.memory_space<hbm>>, %arg5: memref<102400x64xf32, #tpu.memory_space<hbm>>, %arg6: memref<4096x64xf32, #tpu.memory_space<hbm>>, %arg7: memref<4096x64xf32, #tpu.memory_space<hbm>>, %arg8: memref<4096x64xf32, #tpu.memory_space<hbm>>, %arg9: memref<128xi32, #tpu.memory_space<vmem>>, %arg10: memref<128xi32, #tpu.memory_space<vmem>>, %arg11: memref<2560xi32, #tpu.memory_space<vmem>>, %arg12: memref<4x320x64xf32, #tpu.memory_space<vmem>>, %arg13: memref<128x64xf32, #tpu.memory_space<vmem>>, %arg14: memref<128x64xf32, #tpu.memory_space<vmem>>, %arg15: memref<128x64xf32, #tpu.memory_space<vmem>>, %arg16: memref<!tpu.dma_semaphore, #tpu.memory_space<semaphore_mem>>, %arg17: memref<!tpu.dma_semaphore, #tpu.memory_space<semaphore_mem>>, %arg18: memref<!tpu.dma_semaphore, #tpu.memory_space<semaphore_mem>>, %arg19: memref<!tpu.dma_semaphore, #tpu.memory_space<semaphore_mem>>, %arg20: memref<!tpu.dma_semaphore, #tpu.memory_space<semaphore_mem>>, %arg21: memref<!tpu.dma_semaphore, #tpu.memory_space<semaphore_mem>>) attributes {dimension_semantics = [#tpu.dimension_semantics<core_parallel>, #tpu.dimension_semantics<subcore_parallel>], iteration_bounds = array<i64: 2, 16>, scalar_prefetch = 0 : i64, scratch_operands = 13 : i64, tpu.core_type = #tpu.core_type<sc_vector_subcore>, window_params = [{transform_indices = #map}, {transform_indices = #map}, {transform_indices = #map}, {transform_indices = #map1}, {transform_indices = #map1}, {transform_indices = #map1}, {transform_indices = #map1}]} {
    %mul3A = arith.constant 2 : i32
    %mul3A_0 = arith.muli %arg1, %mul3A : i32
    %add3A = arith.addi %mul3A_0, %arg0 : i32
    %mul3A_1 = arith.constant 128 : i32
    %mul3A_2 = arith.muli %add3A, %mul3A_1 : i32
    "tpu.region"() ({
      %run_scoped3A = tpu.sem_alloc : memref<!tpu.dma_semaphore, #tpu.memory_space<semaphore_mem>>
      %dma_start3A_60 = tpu.memref_slice %arg3[%mul3A_2] : memref<4096xi32, #tpu.memory_space<hbm>> -> memref<128xi32, #tpu.memory_space<hbm>>
      %dma_start3A_61 = tpu.memref_slice %arg3[%mul3A_2] : memref<4096xi32, #tpu.memory_space<hbm>> -> memref<128xi32, #tpu.memory_space<hbm>>
      tpu.enqueue_dma source(%dma_start3A_61 : memref<128xi32, #tpu.memory_space<hbm>>) target(%arg9 : memref<128xi32, #tpu.memory_space<vmem>>) target_semaphore(%run_scoped3A : memref<!tpu.dma_semaphore, #tpu.memory_space<semaphore_mem>>)
      %dma_wait3A_62 = tpu.memref_slice %arg3[%mul3A_2] : memref<4096xi32, #tpu.memory_space<hbm>> -> memref<128xi32, #tpu.memory_space<hbm>>
      %dma_wait3A_63 = tpu.memref_slice %arg3[%mul3A_2] : memref<4096xi32, #tpu.memory_space<hbm>> -> memref<128xi32, #tpu.memory_space<hbm>>
      tpu.wait_dma2 semaphore(%run_scoped3A : memref<!tpu.dma_semaphore, #tpu.memory_space<semaphore_mem>>) src(%dma_wait3A_63 : memref<128xi32, #tpu.memory_space<hbm>>) dst(%arg9 : memref<128xi32, #tpu.memory_space<vmem>>)
      tpu.yield
    }) : () -> ()
    "tpu.region"() ({
      %run_scoped3A = tpu.sem_alloc : memref<!tpu.dma_semaphore, #tpu.memory_space<semaphore_mem>>
      %dma_start3A_60 = tpu.memref_slice %arg4[%mul3A_2] : memref<4096xi32, #tpu.memory_space<hbm>> -> memref<128xi32, #tpu.memory_space<hbm>>
      %dma_start3A_61 = tpu.memref_slice %arg4[%mul3A_2] : memref<4096xi32, #tpu.memory_space<hbm>> -> memref<128xi32, #tpu.memory_space<hbm>>
      tpu.enqueue_dma source(%dma_start3A_61 : memref<128xi32, #tpu.memory_space<hbm>>) target(%arg10 : memref<128xi32, #tpu.memory_space<vmem>>) target_semaphore(%run_scoped3A : memref<!tpu.dma_semaphore, #tpu.memory_space<semaphore_mem>>)
      %dma_wait3A_62 = tpu.memref_slice %arg4[%mul3A_2] : memref<4096xi32, #tpu.memory_space<hbm>> -> memref<128xi32, #tpu.memory_space<hbm>>
      %dma_wait3A_63 = tpu.memref_slice %arg4[%mul3A_2] : memref<4096xi32, #tpu.memory_space<hbm>> -> memref<128xi32, #tpu.memory_space<hbm>>
      tpu.wait_dma2 semaphore(%run_scoped3A : memref<!tpu.dma_semaphore, #tpu.memory_space<semaphore_mem>>) src(%dma_wait3A_63 : memref<128xi32, #tpu.memory_space<hbm>>) dst(%arg10 : memref<128xi32, #tpu.memory_space<vmem>>)
      tpu.yield
    }) : () -> ()
    %dma_start3A = arith.constant 0 : i32
    %dma_start3A_3 = arith.constant 0 : i32
    %dma_start3A_4 = tpu.memref_slice %arg5[%dma_start3A, %dma_start3A_3] : memref<102400x64xf32, #tpu.memory_space<hbm>> -> memref<102400x64xf32, #tpu.memory_space<hbm>>
    tpu.enqueue_indirect_dma source(%dma_start3A_4 : memref<102400x64xf32, #tpu.memory_space<hbm>>) target(%arg14 : memref<128x64xf32, #tpu.memory_space<vmem>>) offsets(%arg9 : memref<128xi32, #tpu.memory_space<vmem>>) semaphore(%arg16 : memref<!tpu.dma_semaphore, #tpu.memory_space<semaphore_mem>>)
    %dma_start3A_5 = arith.constant 0 : i32
    %dma_start3A_6 = arith.constant 0 : i32
    %dma_start3A_7 = tpu.memref_slice %arg5[%dma_start3A_5, %dma_start3A_6] : memref<102400x64xf32, #tpu.memory_space<hbm>> -> memref<102400x64xf32, #tpu.memory_space<hbm>>
    tpu.enqueue_indirect_dma source(%dma_start3A_7 : memref<102400x64xf32, #tpu.memory_space<hbm>>) target(%arg15 : memref<128x64xf32, #tpu.memory_space<vmem>>) offsets(%arg10 : memref<128xi32, #tpu.memory_space<vmem>>) semaphore(%arg17 : memref<!tpu.dma_semaphore, #tpu.memory_space<semaphore_mem>>)
    %mul3A_8 = arith.constant 20 : i32
    %mul3A_9 = arith.muli %mul3A_2, %mul3A_8 : i32
    "tpu.region"() ({
      %run_scoped3A = tpu.sem_alloc : memref<!tpu.dma_semaphore, #tpu.memory_space<semaphore_mem>>
      %dma_start3A_60 = tpu.memref_slice %arg2[%mul3A_9] : memref<81920xi32, #tpu.memory_space<hbm>> -> memref<2560xi32, #tpu.memory_space<hbm>>
      %dma_start3A_61 = tpu.memref_slice %arg2[%mul3A_9] : memref<81920xi32, #tpu.memory_space<hbm>> -> memref<2560xi32, #tpu.memory_space<hbm>>
      tpu.enqueue_dma source(%dma_start3A_61 : memref<2560xi32, #tpu.memory_space<hbm>>) target(%arg11 : memref<2560xi32, #tpu.memory_space<vmem>>) target_semaphore(%run_scoped3A : memref<!tpu.dma_semaphore, #tpu.memory_space<semaphore_mem>>)
      %dma_wait3A_62 = tpu.memref_slice %arg2[%mul3A_9] : memref<81920xi32, #tpu.memory_space<hbm>> -> memref<2560xi32, #tpu.memory_space<hbm>>
      %dma_wait3A_63 = tpu.memref_slice %arg2[%mul3A_9] : memref<81920xi32, #tpu.memory_space<hbm>> -> memref<2560xi32, #tpu.memory_space<hbm>>
      tpu.wait_dma2 semaphore(%run_scoped3A : memref<!tpu.dma_semaphore, #tpu.memory_space<semaphore_mem>>) src(%dma_wait3A_63 : memref<2560xi32, #tpu.memory_space<hbm>>) dst(%arg11 : memref<2560xi32, #tpu.memory_space<vmem>>)
      tpu.yield
    }) : () -> ()
    %dma_start3A_10 = arith.constant 0 : i32
    %dma_start3A_11 = arith.constant 0 : i32
    %dma_start3A_12 = arith.constant 0 : i32
    %dma_start3A_13 = tpu.memref_slice %arg12[%dma_start3A_10, %dma_start3A_11, %dma_start3A_12] : memref<4x320x64xf32, #tpu.memory_space<vmem>> -> memref<1x320x64xf32, #tpu.memory_space<vmem>>
    %dma_start3A_14 = tpu.memref_squeeze %dma_start3A_13 : memref<1x320x64xf32, #tpu.memory_space<vmem>> -> memref<320x64xf32, #tpu.memory_space<vmem>>
    %dma_start3A_15 = arith.constant 0 : i32
    %dma_start3A_16 = tpu.memref_slice %arg11[%dma_start3A_15] : memref<2560xi32, #tpu.memory_space<vmem>> -> memref<320xi32, #tpu.memory_space<vmem>>
    %dma_start3A_17 = arith.constant 0 : i32
    %dma_start3A_18 = arith.constant 0 : i32
    %dma_start3A_19 = tpu.memref_slice %arg5[%dma_start3A_17, %dma_start3A_18] : memref<102400x64xf32, #tpu.memory_space<hbm>> -> memref<102400x64xf32, #tpu.memory_space<hbm>>
    tpu.enqueue_indirect_dma source(%dma_start3A_19 : memref<102400x64xf32, #tpu.memory_space<hbm>>) target(%dma_start3A_14 : memref<320x64xf32, #tpu.memory_space<vmem>>) offsets(%dma_start3A_16 : memref<320xi32, #tpu.memory_space<vmem>>) semaphore(%arg18 : memref<!tpu.dma_semaphore, #tpu.memory_space<semaphore_mem>>)
    %dma_start3A_20 = arith.constant 1 : i32
    %dma_start3A_21 = arith.constant 0 : i32
    %dma_start3A_22 = arith.constant 0 : i32
    %dma_start3A_23 = tpu.memref_slice %arg12[%dma_start3A_20, %dma_start3A_21, %dma_start3A_22] : memref<4x320x64xf32, #tpu.memory_space<vmem>> -> memref<1x320x64xf32, #tpu.memory_space<vmem>>
    %dma_start3A_24 = tpu.memref_squeeze %dma_start3A_23 : memref<1x320x64xf32, #tpu.memory_space<vmem>> -> memref<320x64xf32, #tpu.memory_space<vmem>>
    %dma_start3A_25 = arith.constant 320 : i32
    %dma_start3A_26 = tpu.memref_slice %arg11[%dma_start3A_25] : memref<2560xi32, #tpu.memory_space<vmem>> -> memref<320xi32, #tpu.memory_space<vmem>>
    %dma_start3A_27 = arith.constant 0 : i32
    %dma_start3A_28 = arith.constant 0 : i32
    %dma_start3A_29 = tpu.memref_slice %arg5[%dma_start3A_27, %dma_start3A_28] : memref<102400x64xf32, #tpu.memory_space<hbm>> -> memref<102400x64xf32, #tpu.memory_space<hbm>>
    tpu.enqueue_indirect_dma source(%dma_start3A_29 : memref<102400x64xf32, #tpu.memory_space<hbm>>) target(%dma_start3A_24 : memref<320x64xf32, #tpu.memory_space<vmem>>) offsets(%dma_start3A_26 : memref<320xi32, #tpu.memory_space<vmem>>) semaphore(%arg19 : memref<!tpu.dma_semaphore, #tpu.memory_space<semaphore_mem>>)
    %dma_start3A_30 = arith.constant 2 : i32
    %dma_start3A_31 = arith.constant 0 : i32
    %dma_start3A_32 = arith.constant 0 : i32
    %dma_start3A_33 = tpu.memref_slice %arg12[%dma_start3A_30, %dma_start3A_31, %dma_start3A_32] : memref<4x320x64xf32, #tpu.memory_space<vmem>> -> memref<1x320x64xf32, #tpu.memory_space<vmem>>
    %dma_start3A_34 = tpu.memref_squeeze %dma_start3A_33 : memref<1x320x64xf32, #tpu.memory_space<vmem>> -> memref<320x64xf32, #tpu.memory_space<vmem>>
    %dma_start3A_35 = arith.constant 640 : i32
    %dma_start3A_36 = tpu.memref_slice %arg11[%dma_start3A_35] : memref<2560xi32, #tpu.memory_space<vmem>> -> memref<320xi32, #tpu.memory_space<vmem>>
    %dma_start3A_37 = arith.constant 0 : i32
    %dma_start3A_38 = arith.constant 0 : i32
    %dma_start3A_39 = tpu.memref_slice %arg5[%dma_start3A_37, %dma_start3A_38] : memref<102400x64xf32, #tpu.memory_space<hbm>> -> memref<102400x64xf32, #tpu.memory_space<hbm>>
    tpu.enqueue_indirect_dma source(%dma_start3A_39 : memref<102400x64xf32, #tpu.memory_space<hbm>>) target(%dma_start3A_34 : memref<320x64xf32, #tpu.memory_space<vmem>>) offsets(%dma_start3A_36 : memref<320xi32, #tpu.memory_space<vmem>>) semaphore(%arg20 : memref<!tpu.dma_semaphore, #tpu.memory_space<semaphore_mem>>)
    %dma_start3A_40 = arith.constant 3 : i32
    %dma_start3A_41 = arith.constant 0 : i32
    %dma_start3A_42 = arith.constant 0 : i32
    %dma_start3A_43 = tpu.memref_slice %arg12[%dma_start3A_40, %dma_start3A_41, %dma_start3A_42] : memref<4x320x64xf32, #tpu.memory_space<vmem>> -> memref<1x320x64xf32, #tpu.memory_space<vmem>>
    %dma_start3A_44 = tpu.memref_squeeze %dma_start3A_43 : memref<1x320x64xf32, #tpu.memory_space<vmem>> -> memref<320x64xf32, #tpu.memory_space<vmem>>
    %dma_start3A_45 = arith.constant 960 : i32
    %dma_start3A_46 = tpu.memref_slice %arg11[%dma_start3A_45] : memref<2560xi32, #tpu.memory_space<vmem>> -> memref<320xi32, #tpu.memory_space<vmem>>
    %dma_start3A_47 = arith.constant 0 : i32
    %dma_start3A_48 = arith.constant 0 : i32
    %dma_start3A_49 = tpu.memref_slice %arg5[%dma_start3A_47, %dma_start3A_48] : memref<102400x64xf32, #tpu.memory_space<hbm>> -> memref<102400x64xf32, #tpu.memory_space<hbm>>
    tpu.enqueue_indirect_dma source(%dma_start3A_49 : memref<102400x64xf32, #tpu.memory_space<hbm>>) target(%dma_start3A_44 : memref<320x64xf32, #tpu.memory_space<vmem>>) offsets(%dma_start3A_46 : memref<320xi32, #tpu.memory_space<vmem>>) semaphore(%arg21 : memref<!tpu.dma_semaphore, #tpu.memory_space<semaphore_mem>>)
    %scan3A = arith.constant 0 : i32
    %scan3A_50 = arith.constant 0 : i32
    %scan3A_51 = arith.constant 2 : i32
    %scan3A_52 = arith.addi %scan3A_50, %scan3A_51 : i32
    %scan3A_53 = arith.constant 1 : i32
    scf.for %scan3A_60 = %scan3A_50 to %scan3A_52 step %scan3A_53  : i32 {
      %mul3A_61 = arith.constant 4 : i32
      %mul3A_62 = arith.muli %scan3A_60, %mul3A_61 : i32
      %add3A_63 = arith.constant 0 : i32
      %add3A_64 = arith.addi %mul3A_62, %add3A_63 : i32
      %mul3A_65 = arith.constant 320 : i32
      %mul3A_66 = arith.muli %add3A_64, %mul3A_65 : i32
      %dma_wait3A_67 = arith.constant 0 : i32
      %dma_wait3A_68 = arith.constant 0 : i32
      %dma_wait3A_69 = arith.constant 0 : i32
      %dma_wait3A_70 = tpu.memref_slice %arg12[%dma_wait3A_67, %dma_wait3A_68, %dma_wait3A_69] : memref<4x320x64xf32, #tpu.memory_space<vmem>> -> memref<1x320x64xf32, #tpu.memory_space<vmem>>
      %dma_wait3A_71 = tpu.memref_squeeze %dma_wait3A_70 : memref<1x320x64xf32, #tpu.memory_space<vmem>> -> memref<320x64xf32, #tpu.memory_space<vmem>>
      %dma_wait3A_72 = tpu.memref_slice %arg11[%mul3A_66] : memref<2560xi32, #tpu.memory_space<vmem>> -> memref<320xi32, #tpu.memory_space<vmem>>
      %dma_wait3A_73 = arith.constant 0 : i32
      %dma_wait3A_74 = arith.constant 0 : i32
      %dma_wait3A_75 = tpu.memref_slice %arg5[%dma_wait3A_73, %dma_wait3A_74] : memref<102400x64xf32, #tpu.memory_space<hbm>> -> memref<102400x64xf32, #tpu.memory_space<hbm>>
      tpu.wait_indirect_dma semaphore(%arg18 : memref<!tpu.dma_semaphore, #tpu.memory_space<semaphore_mem>>) src(%dma_wait3A_75 : memref<102400x64xf32, #tpu.memory_space<hbm>>) dst(%dma_wait3A_71 : memref<320x64xf32, #tpu.memory_space<vmem>>)
      %scan3A_76 = arith.constant 0 : i32
      %scan3A_77 = arith.constant 0 : i32
      %scan3A_78 = arith.constant 16 : i32
      %scan3A_79 = arith.addi %scan3A_77, %scan3A_78 : i32
      %scan3A_80 = arith.constant 1 : i32
      scf.for %scan3A_172 = %scan3A_77 to %scan3A_79 step %scan3A_80  : i32 {
        %mul3A_173 = arith.constant 20 : i32
        %mul3A_174 = arith.muli %scan3A_172, %mul3A_173 : i32
        %get3A = arith.constant 0 : i32
        %get3A_175 = arith.index_cast %get3A : i32 to index
        %get3A_176 = arith.index_cast %mul3A_174 : i32 to index
        %get3A_177 = arith.constant 0 : index
        %get3A_178 = tpu.vector_load %arg12[%get3A_175, %get3A_176, %get3A_177] {strides = array<i32>} : memref<4x320x64xf32, #tpu.memory_space<vmem>>, vector<16xf32>,
        %add3A_179 = arith.constant 1 : i32
        %add3A_180 = arith.addi %mul3A_174, %add3A_179 : i32
        %get3A_181 = arith.constant 0 : i32
        %get3A_182 = arith.index_cast %get3A_181 : i32 to index
        %get3A_183 = arith.index_cast %add3A_180 : i32 to index
        %get3A_184 = arith.constant 0 : index
        %get3A_185 = tpu.vector_load %arg12[%get3A_182, %get3A_183, %get3A_184] {strides = array<i32>} : memref<4x320x64xf32, #tpu.memory_space<vmem>>, vector<16xf32>,
        %add3A_186 = arith.addf %get3A_178, %get3A_185 : vector<16xf32>
        %add3A_187 = arith.constant 2 : i32
        %add3A_188 = arith.addi %mul3A_174, %add3A_187 : i32
        %get3A_189 = arith.constant 0 : i32
        %get3A_190 = arith.index_cast %get3A_189 : i32 to index
        %get3A_191 = arith.index_cast %add3A_188 : i32 to index
        %get3A_192 = arith.constant 0 : index
        %get3A_193 = tpu.vector_load %arg12[%get3A_190, %get3A_191, %get3A_192] {strides = array<i32>} : memref<4x320x64xf32, #tpu.memory_space<vmem>>, vector<16xf32>,
        %add3A_194 = arith.addf %add3A_186, %get3A_193 : vector<16xf32>
        %add3A_195 = arith.constant 3 : i32
        %add3A_196 = arith.addi %mul3A_174, %add3A_195 : i32
        %get3A_197 = arith.constant 0 : i32
        %get3A_198 = arith.index_cast %get3A_197 : i32 to index
        %get3A_199 = arith.index_cast %add3A_196 : i32 to index
        %get3A_200 = arith.constant 0 : index
        %get3A_201 = tpu.vector_load %arg12[%get3A_198, %get3A_199, %get3A_200] {strides = array<i32>} : memref<4x320x64xf32, #tpu.memory_space<vmem>>, vector<16xf32>,
        %add3A_202 = arith.addf %add3A_194, %get3A_201 : vector<16xf32>
        %add3A_203 = arith.constant 4 : i32
        %add3A_204 = arith.addi %mul3A_174, %add3A_203 : i32
        %get3A_205 = arith.constant 0 : i32
        %get3A_206 = arith.index_cast %get3A_205 : i32 to index
        %get3A_207 = arith.index_cast %add3A_204 : i32 to index
        %get3A_208 = arith.constant 0 : index
        %get3A_209 = tpu.vector_load %arg12[%get3A_206, %get3A_207, %get3A_208] {strides = array<i32>} : memref<4x320x64xf32, #tpu.memory_space<vmem>>, vector<16xf32>,
        %add3A_210 = arith.addf %add3A_202, %get3A_209 : vector<16xf32>
        %add3A_211 = arith.constant 5 : i32
        %add3A_212 = arith.addi %mul3A_174, %add3A_211 : i32
        %get3A_213 = arith.constant 0 : i32
        %get3A_214 = arith.index_cast %get3A_213 : i32 to index
        %get3A_215 = arith.index_cast %add3A_212 : i32 to index
        %get3A_216 = arith.constant 0 : index
        %get3A_217 = tpu.vector_load %arg12[%get3A_214, %get3A_215, %get3A_216] {strides = array<i32>} : memref<4x320x64xf32, #tpu.memory_space<vmem>>, vector<16xf32>,
        %add3A_218 = arith.addf %add3A_210, %get3A_217 : vector<16xf32>
        %add3A_219 = arith.constant 6 : i32
        %add3A_220 = arith.addi %mul3A_174, %add3A_219 : i32
        %get3A_221 = arith.constant 0 : i32
        %get3A_222 = arith.index_cast %get3A_221 : i32 to index
        %get3A_223 = arith.index_cast %add3A_220 : i32 to index
        %get3A_224 = arith.constant 0 : index
        %get3A_225 = tpu.vector_load %arg12[%get3A_222, %get3A_223, %get3A_224] {strides = array<i32>} : memref<4x320x64xf32, #tpu.memory_space<vmem>>, vector<16xf32>,
        %add3A_226 = arith.addf %add3A_218, %get3A_225 : vector<16xf32>
        %add3A_227 = arith.constant 7 : i32
        %add3A_228 = arith.addi %mul3A_174, %add3A_227 : i32
        %get3A_229 = arith.constant 0 : i32
        %get3A_230 = arith.index_cast %get3A_229 : i32 to index
        %get3A_231 = arith.index_cast %add3A_228 : i32 to index
        %get3A_232 = arith.constant 0 : index
        %get3A_233 = tpu.vector_load %arg12[%get3A_230, %get3A_231, %get3A_232] {strides = array<i32>} : memref<4x320x64xf32, #tpu.memory_space<vmem>>, vector<16xf32>,
        %add3A_234 = arith.addf %add3A_226, %get3A_233 : vector<16xf32>
        %add3A_235 = arith.constant 8 : i32
        %add3A_236 = arith.addi %mul3A_174, %add3A_235 : i32
        %get3A_237 = arith.constant 0 : i32
        %get3A_238 = arith.index_cast %get3A_237 : i32 to index
        %get3A_239 = arith.index_cast %add3A_236 : i32 to index
        %get3A_240 = arith.constant 0 : index
        %get3A_241 = tpu.vector_load %arg12[%get3A_238, %get3A_239, %get3A_240] {strides = array<i32>} : memref<4x320x64xf32, #tpu.memory_space<vmem>>, vector<16xf32>,
        %add3A_242 = arith.addf %add3A_234, %get3A_241 : vector<16xf32>
        %add3A_243 = arith.constant 9 : i32
        %add3A_244 = arith.addi %mul3A_174, %add3A_243 : i32
        %get3A_245 = arith.constant 0 : i32
        %get3A_246 = arith.index_cast %get3A_245 : i32 to index
        %get3A_247 = arith.index_cast %add3A_244 : i32 to index
        %get3A_248 = arith.constant 0 : index
        %get3A_249 = tpu.vector_load %arg12[%get3A_246, %get3A_247, %get3A_248] {strides = array<i32>} : memref<4x320x64xf32, #tpu.memory_space<vmem>>, vector<16xf32>,
        %add3A_250 = arith.addf %add3A_242, %get3A_249 : vector<16xf32>
        %add3A_251 = arith.constant 10 : i32
        %add3A_252 = arith.addi %mul3A_174, %add3A_251 : i32
        %get3A_253 = arith.constant 0 : i32
        %get3A_254 = arith.index_cast %get3A_253 : i32 to index
        %get3A_255 = arith.index_cast %add3A_252 : i32 to index
        %get3A_256 = arith.constant 0 : index
        %get3A_257 = tpu.vector_load %arg12[%get3A_254, %get3A_255, %get3A_256] {strides = array<i32>} : memref<4x320x64xf32, #tpu.memory_space<vmem>>, vector<16xf32>,
        %add3A_258 = arith.addf %add3A_250, %get3A_257 : vector<16xf32>
        %add3A_259 = arith.constant 11 : i32
        %add3A_260 = arith.addi %mul3A_174, %add3A_259 : i32
        %get3A_261 = arith.constant 0 : i32
        %get3A_262 = arith.index_cast %get3A_261 : i32 to index
        %get3A_263 = arith.index_cast %add3A_260 : i32 to index
        %get3A_264 = arith.constant 0 : index
        %get3A_265 = tpu.vector_load %arg12[%get3A_262, %get3A_263, %get3A_264] {strides = array<i32>} : memref<4x320x64xf32, #tpu.memory_space<vmem>>, vector<16xf32>,
        %add3A_266 = arith.addf %add3A_258, %get3A_265 : vector<16xf32>
        %add3A_267 = arith.constant 12 : i32
        %add3A_268 = arith.addi %mul3A_174, %add3A_267 : i32
        %get3A_269 = arith.constant 0 : i32
        %get3A_270 = arith.index_cast %get3A_269 : i32 to index
        %get3A_271 = arith.index_cast %add3A_268 : i32 to index
        %get3A_272 = arith.constant 0 : index
        %get3A_273 = tpu.vector_load %arg12[%get3A_270, %get3A_271, %get3A_272] {strides = array<i32>} : memref<4x320x64xf32, #tpu.memory_space<vmem>>, vector<16xf32>,
        %add3A_274 = arith.addf %add3A_266, %get3A_273 : vector<16xf32>
        %add3A_275 = arith.constant 13 : i32
        %add3A_276 = arith.addi %mul3A_174, %add3A_275 : i32
        %get3A_277 = arith.constant 0 : i32
        %get3A_278 = arith.index_cast %get3A_277 : i32 to index
        %get3A_279 = arith.index_cast %add3A_276 : i32 to index
        %get3A_280 = arith.constant 0 : index
        %get3A_281 = tpu.vector_load %arg12[%get3A_278, %get3A_279, %get3A_280] {strides = array<i32>} : memref<4x320x64xf32, #tpu.memory_space<vmem>>, vector<16xf32>,
        %add3A_282 = arith.addf %add3A_274, %get3A_281 : vector<16xf32>
        %add3A_283 = arith.constant 14 : i32
        %add3A_284 = arith.addi %mul3A_174, %add3A_283 : i32
        %get3A_285 = arith.constant 0 : i32
        %get3A_286 = arith.index_cast %get3A_285 : i32 to index
        %get3A_287 = arith.index_cast %add3A_284 : i32 to index
        %get3A_288 = arith.constant 0 : index
        %get3A_289 = tpu.vector_load %arg12[%get3A_286, %get3A_287, %get3A_288] {strides = array<i32>} : memref<4x320x64xf32, #tpu.memory_space<vmem>>, vector<16xf32>,
        %add3A_290 = arith.addf %add3A_282, %get3A_289 : vector<16xf32>
        %add3A_291 = arith.constant 15 : i32
        %add3A_292 = arith.addi %mul3A_174, %add3A_291 : i32
        %get3A_293 = arith.constant 0 : i32
        %get3A_294 = arith.index_cast %get3A_293 : i32 to index
        %get3A_295 = arith.index_cast %add3A_292 : i32 to index
        %get3A_296 = arith.constant 0 : index
        %get3A_297 = tpu.vector_load %arg12[%get3A_294, %get3A_295, %get3A_296] {strides = array<i32>} : memref<4x320x64xf32, #tpu.memory_space<vmem>>, vector<16xf32>,
        %add3A_298 = arith.addf %add3A_290, %get3A_297 : vector<16xf32>
        %add3A_299 = arith.constant 16 : i32
        %add3A_300 = arith.addi %mul3A_174, %add3A_299 : i32
        %get3A_301 = arith.constant 0 : i32
        %get3A_302 = arith.index_cast %get3A_301 : i32 to index
        %get3A_303 = arith.index_cast %add3A_300 : i32 to index
        %get3A_304 = arith.constant 0 : index
        %get3A_305 = tpu.vector_load %arg12[%get3A_302, %get3A_303, %get3A_304] {strides = array<i32>} : memref<4x320x64xf32, #tpu.memory_space<vmem>>, vector<16xf32>,
        %add3A_306 = arith.addf %add3A_298, %get3A_305 : vector<16xf32>
        %add3A_307 = arith.constant 17 : i32
        %add3A_308 = arith.addi %mul3A_174, %add3A_307 : i32
        %get3A_309 = arith.constant 0 : i32
        %get3A_310 = arith.index_cast %get3A_309 : i32 to index
        %get3A_311 = arith.index_cast %add3A_308 : i32 to index
        %get3A_312 = arith.constant 0 : index
        %get3A_313 = tpu.vector_load %arg12[%get3A_310, %get3A_311, %get3A_312] {strides = array<i32>} : memref<4x320x64xf32, #tpu.memory_space<vmem>>, vector<16xf32>,
        %add3A_314 = arith.addf %add3A_306, %get3A_313 : vector<16xf32>
        %add3A_315 = arith.constant 18 : i32
        %add3A_316 = arith.addi %mul3A_174, %add3A_315 : i32
        %get3A_317 = arith.constant 0 : i32
        %get3A_318 = arith.index_cast %get3A_317 : i32 to index
        %get3A_319 = arith.index_cast %add3A_316 : i32 to index
        %get3A_320 = arith.constant 0 : index
        %get3A_321 = tpu.vector_load %arg12[%get3A_318, %get3A_319, %get3A_320] {strides = array<i32>} : memref<4x320x64xf32, #tpu.memory_space<vmem>>, vector<16xf32>,
        %add3A_322 = arith.addf %add3A_314, %get3A_321 : vector<16xf32>
        %add3A_323 = arith.constant 19 : i32
        %add3A_324 = arith.addi %mul3A_174, %add3A_323 : i32
        %get3A_325 = arith.constant 0 : i32
        %get3A_326 = arith.index_cast %get3A_325 : i32 to index
        %get3A_327 = arith.index_cast %add3A_324 : i32 to index
        %get3A_328 = arith.constant 0 : index
        %get3A_329 = tpu.vector_load %arg12[%get3A_326, %get3A_327, %get3A_328] {strides = array<i32>} : memref<4x320x64xf32, #tpu.memory_space<vmem>>, vector<16xf32>,
        %add3A_330 = arith.addf %add3A_322, %get3A_329 : vector<16xf32>
        %mul3A_331 = arith.constant 16 : i32
        %mul3A_332 = arith.muli %add3A_64, %mul3A_331 : i32
        %add3A_333 = arith.addi %mul3A_332, %scan3A_172 : i32
        %swap3A = arith.index_cast %add3A_333 : i32 to index
        %swap3A_334 = arith.constant 0 : index
        %swap3A_335 = tpu.vector_load %arg13[%swap3A, %swap3A_334] {strides = array<i32>} : memref<128x64xf32, #tpu.memory_space<vmem>>, vector<16xf32>,
        tpu.vector_store %arg13[%swap3A, %swap3A_334], %add3A_330 {strides = array<i32>} : memref<128x64xf32, #tpu.memory_space<vmem>>, vector<16xf32>,
        %get3A_336 = arith.constant 0 : i32
        %get3A_337 = arith.index_cast %get3A_336 : i32 to index
        %get3A_338 = arith.index_cast %mul3A_174 : i32 to index
        %get3A_339 = arith.constant 16 : index
        %get3A_340 = tpu.vector_load %arg12[%get3A_337, %get3A_338, %get3A_339] {strides = array<i32>} : memref<4x320x64xf32, #tpu.memory_space<vmem>>, vector<16xf32>,
        %add3A_341 = arith.constant 1 : i32
        %add3A_342 = arith.addi %mul3A_174, %add3A_341 : i32
        %get3A_343 = arith.constant 0 : i32
        %get3A_344 = arith.index_cast %get3A_343 : i32 to index
        %get3A_345 = arith.index_cast %add3A_342 : i32 to index
        %get3A_346 = arith.constant 16 : index
        %get3A_347 = tpu.vector_load %arg12[%get3A_344, %get3A_345, %get3A_346] {strides = array<i32>} : memref<4x320x64xf32, #tpu.memory_space<vmem>>, vector<16xf32>,
        %add3A_348 = arith.addf %get3A_340, %get3A_347 : vector<16xf32>
        %add3A_349 = arith.constant 2 : i32
        %add3A_350 = arith.addi %mul3A_174, %add3A_349 : i32
        %get3A_351 = arith.constant 0 : i32
        %get3A_352 = arith.index_cast %get3A_351 : i32 to index
        %get3A_353 = arith.index_cast %add3A_350 : i32 to index
        %get3A_354 = arith.constant 16 : index
        %get3A_355 = tpu.vector_load %arg12[%get3A_352, %get3A_353, %get3A_354] {strides = array<i32>} : memref<4x320x64xf32, #tpu.memory_space<vmem>>, vector<16xf32>,
        %add3A_356 = arith.addf %add3A_348, %get3A_355 : vector<16xf32>
        %add3A_357 = arith.constant 3 : i32
        %add3A_358 = arith.addi %mul3A_174, %add3A_357 : i32
        %get3A_359 = arith.constant 0 : i32
        %get3A_360 = arith.index_cast %get3A_359 : i32 to index
        %get3A_361 = arith.index_cast %add3A_358 : i32 to index
        %get3A_362 = arith.constant 16 : index
        %get3A_363 = tpu.vector_load %arg12[%get3A_360, %get3A_361, %get3A_362] {strides = array<i32>} : memref<4x320x64xf32, #tpu.memory_space<vmem>>, vector<16xf32>,
        %add3A_364 = arith.addf %add3A_356, %get3A_363 : vector<16xf32>
        %add3A_365 = arith.constant 4 : i32
        %add3A_366 = arith.addi %mul3A_174, %add3A_365 : i32
        %get3A_367 = arith.constant 0 : i32
        %get3A_368 = arith.index_cast %get3A_367 : i32 to index
        %get3A_369 = arith.index_cast %add3A_366 : i32 to index
        %get3A_370 = arith.constant 16 : index
        %get3A_371 = tpu.vector_load %arg12[%get3A_368, %get3A_369, %get3A_370] {strides = array<i32>} : memref<4x320x64xf32, #tpu.memory_space<vmem>>, vector<16xf32>,
        %add3A_372 = arith.addf %add3A_364, %get3A_371 : vector<16xf32>
        %add3A_373 = arith.constant 5 : i32
        %add3A_374 = arith.addi %mul3A_174, %add3A_373 : i32
        %get3A_375 = arith.constant 0 : i32
        %get3A_376 = arith.index_cast %get3A_375 : i32 to index
        %get3A_377 = arith.index_cast %add3A_374 : i32 to index
        %get3A_378 = arith.constant 16 : index
        %get3A_379 = tpu.vector_load %arg12[%get3A_376, %get3A_377, %get3A_378] {strides = array<i32>} : memref<4x320x64xf32, #tpu.memory_space<vmem>>, vector<16xf32>,
        %add3A_380 = arith.addf %add3A_372, %get3A_379 : vector<16xf32>
        %add3A_381 = arith.constant 6 : i32
        %add3A_382 = arith.addi %mul3A_174, %add3A_381 : i32
        %get3A_383 = arith.constant 0 : i32
        %get3A_384 = arith.index_cast %get3A_383 : i32 to index
        %get3A_385 = arith.index_cast %add3A_382 : i32 to index
        %get3A_386 = arith.constant 16 : index
        %get3A_387 = tpu.vector_load %arg12[%get3A_384, %get3A_385, %get3A_386] {strides = array<i32>} : memref<4x320x64xf32, #tpu.memory_space<vmem>>, vector<16xf32>,
        %add3A_388 = arith.addf %add3A_380, %get3A_387 : vector<16xf32>
        %add3A_389 = arith.constant 7 : i32
        %add3A_390 = arith.addi %mul3A_174, %add3A_389 : i32
        %get3A_391 = arith.constant 0 : i32
        %get3A_392 = arith.index_cast %get3A_391 : i32 to index
        %get3A_393 = arith.index_cast %add3A_390 : i32 to index
        %get3A_394 = arith.constant 16 : index
        %get3A_395 = tpu.vector_load %arg12[%get3A_392, %get3A_393, %get3A_394] {strides = array<i32>} : memref<4x320x64xf32, #tpu.memory_space<vmem>>, vector<16xf32>,
        %add3A_396 = arith.addf %add3A_388, %get3A_395 : vector<16xf32>
        %add3A_397 = arith.constant 8 : i32
        %add3A_398 = arith.addi %mul3A_174, %add3A_397 : i32
        %get3A_399 = arith.constant 0 : i32
        %get3A_400 = arith.index_cast %get3A_399 : i32 to index
        %get3A_401 = arith.index_cast %add3A_398 : i32 to index
        %get3A_402 = arith.constant 16 : index
        %get3A_403 = tpu.vector_load %arg12[%get3A_400, %get3A_401, %get3A_402] {strides = array<i32>} : memref<4x320x64xf32, #tpu.memory_space<vmem>>, vector<16xf32>,
        %add3A_404 = arith.addf %add3A_396, %get3A_403 : vector<16xf32>
        %add3A_405 = arith.constant 9 : i32
        %add3A_406 = arith.addi %mul3A_174, %add3A_405 : i32
        %get3A_407 = arith.constant 0 : i32
        %get3A_408 = arith.index_cast %get3A_407 : i32 to index
        %get3A_409 = arith.index_cast %add3A_406 : i32 to index
        %get3A_410 = arith.constant 16 : index
        %get3A_411 = tpu.vector_load %arg12[%get3A_408, %get3A_409, %get3A_410] {strides = array<i32>} : memref<4x320x64xf32, #tpu.memory_space<vmem>>, vector<16xf32>,
        %add3A_412 = arith.addf %add3A_404, %get3A_411 : vector<16xf32>
        %add3A_413 = arith.constant 10 : i32
        %add3A_414 = arith.addi %mul3A_174, %add3A_413 : i32
        %get3A_415 = arith.constant 0 : i32
        %get3A_416 = arith.index_cast %get3A_415 : i32 to index
        %get3A_417 = arith.index_cast %add3A_414 : i32 to index
        %get3A_418 = arith.constant 16 : index
        %get3A_419 = tpu.vector_load %arg12[%get3A_416, %get3A_417, %get3A_418] {strides = array<i32>} : memref<4x320x64xf32, #tpu.memory_space<vmem>>, vector<16xf32>,
        %add3A_420 = arith.addf %add3A_412, %get3A_419 : vector<16xf32>
        %add3A_421 = arith.constant 11 : i32
        %add3A_422 = arith.addi %mul3A_174, %add3A_421 : i32
        %get3A_423 = arith.constant 0 : i32
        %get3A_424 = arith.index_cast %get3A_423 : i32 to index
        %get3A_425 = arith.index_cast %add3A_422 : i32 to index
        %get3A_426 = arith.constant 16 : index
        %get3A_427 = tpu.vector_load %arg12[%get3A_424, %get3A_425, %get3A_426] {strides = array<i32>} : memref<4x320x64xf32, #tpu.memory_space<vmem>>, vector<16xf32>,
        %add3A_428 = arith.addf %add3A_420, %get3A_427 : vector<16xf32>
        %add3A_429 = arith.constant 12 : i32
        %add3A_430 = arith.addi %mul3A_174, %add3A_429 : i32
        %get3A_431 = arith.constant 0 : i32
        %get3A_432 = arith.index_cast %get3A_431 : i32 to index
        %get3A_433 = arith.index_cast %add3A_430 : i32 to index
        %get3A_434 = arith.constant 16 : index
        %get3A_435 = tpu.vector_load %arg12[%get3A_432, %get3A_433, %get3A_434] {strides = array<i32>} : memref<4x320x64xf32, #tpu.memory_space<vmem>>, vector<16xf32>,
        %add3A_436 = arith.addf %add3A_428, %get3A_435 : vector<16xf32>
        %add3A_437 = arith.constant 13 : i32
        %add3A_438 = arith.addi %mul3A_174, %add3A_437 : i32
        %get3A_439 = arith.constant 0 : i32
        %get3A_440 = arith.index_cast %get3A_439 : i32 to index
        %get3A_441 = arith.index_cast %add3A_438 : i32 to index
        %get3A_442 = arith.constant 16 : index
        %get3A_443 = tpu.vector_load %arg12[%get3A_440, %get3A_441, %get3A_442] {strides = array<i32>} : memref<4x320x64xf32, #tpu.memory_space<vmem>>, vector<16xf32>,
        %add3A_444 = arith.addf %add3A_436, %get3A_443 : vector<16xf32>
        %add3A_445 = arith.constant 14 : i32
        %add3A_446 = arith.addi %mul3A_174, %add3A_445 : i32
        %get3A_447 = arith.constant 0 : i32
        %get3A_448 = arith.index_cast %get3A_447 : i32 to index
        %get3A_449 = arith.index_cast %add3A_446 : i32 to index
        %get3A_450 = arith.constant 16 : index
        %get3A_451 = tpu.vector_load %arg12[%get3A_448, %get3A_449, %get3A_450] {strides = array<i32>} : memref<4x320x64xf32, #tpu.memory_space<vmem>>, vector<16xf32>,
        %add3A_452 = arith.addf %add3A_444, %get3A_451 : vector<16xf32>
        %add3A_453 = arith.constant 15 : i32
        %add3A_454 = arith.addi %mul3A_174, %add3A_453 : i32
        %get3A_455 = arith.constant 0 : i32
        %get3A_456 = arith.index_cast %get3A_455 : i32 to index
        %get3A_457 = arith.index_cast %add3A_454 : i32 to index
        %get3A_458 = arith.constant 16 : index
        %get3A_459 = tpu.vector_load %arg12[%get3A_456, %get3A_457, %get3A_458] {strides = array<i32>} : memref<4x320x64xf32, #tpu.memory_space<vmem>>, vector<16xf32>,
        %add3A_460 = arith.addf %add3A_452, %get3A_459 : vector<16xf32>
        %add3A_461 = arith.constant 16 : i32
        %add3A_462 = arith.addi %mul3A_174, %add3A_461 : i32
        %get3A_463 = arith.constant 0 : i32
        %get3A_464 = arith.index_cast %get3A_463 : i32 to index
        %get3A_465 = arith.index_cast %add3A_462 : i32 to index
        %get3A_466 = arith.constant 16 : index
        %get3A_467 = tpu.vector_load %arg12[%get3A_464, %get3A_465, %get3A_466] {strides = array<i32>} : memref<4x320x64xf32, #tpu.memory_space<vmem>>, vector<16xf32>,
        %add3A_468 = arith.addf %add3A_460, %get3A_467 : vector<16xf32>
        %add3A_469 = arith.constant 17 : i32
        %add3A_470 = arith.addi %mul3A_174, %add3A_469 : i32
        %get3A_471 = arith.constant 0 : i32
        %get3A_472 = arith.index_cast %get3A_471 : i32 to index
        %get3A_473 = arith.index_cast %add3A_470 : i32 to index
        %get3A_474 = arith.constant 16 : index
        %get3A_475 = tpu.vector_load %arg12[%get3A_472, %get3A_473, %get3A_474] {strides = array<i32>} : memref<4x320x64xf32, #tpu.memory_space<vmem>>, vector<16xf32>,
        %add3A_476 = arith.addf %add3A_468, %get3A_475 : vector<16xf32>
        %add3A_477 = arith.constant 18 : i32
        %add3A_478 = arith.addi %mul3A_174, %add3A_477 : i32
        %get3A_479 = arith.constant 0 : i32
        %get3A_480 = arith.index_cast %get3A_479 : i32 to index
        %get3A_481 = arith.index_cast %add3A_478 : i32 to index
        %get3A_482 = arith.constant 16 : index
        %get3A_483 = tpu.vector_load %arg12[%get3A_480, %get3A_481, %get3A_482] {strides = array<i32>} : memref<4x320x64xf32, #tpu.memory_space<vmem>>, vector<16xf32>,
        %add3A_484 = arith.addf %add3A_476, %get3A_483 : vector<16xf32>
        %add3A_485 = arith.constant 19 : i32
        %add3A_486 = arith.addi %mul3A_174, %add3A_485 : i32
        %get3A_487 = arith.constant 0 : i32
        %get3A_488 = arith.index_cast %get3A_487 : i32 to index
        %get3A_489 = arith.index_cast %add3A_486 : i32 to index
        %get3A_490 = arith.constant 16 : index
        %get3A_491 = tpu.vector_load %arg12[%get3A_488, %get3A_489, %get3A_490] {strides = array<i32>} : memref<4x320x64xf32, #tpu.memory_space<vmem>>, vector<16xf32>,
        %add3A_492 = arith.addf %add3A_484, %get3A_491 : vector<16xf32>
        %mul3A_493 = arith.constant 16 : i32
        %mul3A_494 = arith.muli %add3A_64, %mul3A_493 : i32
        %add3A_495 = arith.addi %mul3A_494, %scan3A_172 : i32
        %swap3A_496 = arith.index_cast %add3A_495 : i32 to index
        %swap3A_497 = arith.constant 16 : index
        %swap3A_498 = tpu.vector_load %arg13[%swap3A_496, %swap3A_497] {strides = array<i32>} : memref<128x64xf32, #tpu.memory_space<vmem>>, vector<16xf32>,
        tpu.vector_store %arg13[%swap3A_496, %swap3A_497], %add3A_492 {strides = array<i32>} : memref<128x64xf32, #tpu.memory_space<vmem>>, vector<16xf32>,
        %get3A_499 = arith.constant 0 : i32
        %get3A_500 = arith.index_cast %get3A_499 : i32 to index
        %get3A_501 = arith.index_cast %mul3A_174 : i32 to index
        %get3A_502 = arith.constant 32 : index
        %get3A_503 = tpu.vector_load %arg12[%get3A_500, %get3A_501, %get3A_502] {strides = array<i32>} : memref<4x320x64xf32, #tpu.memory_space<vmem>>, vector<16xf32>,
        %add3A_504 = arith.constant 1 : i32
        %add3A_505 = arith.addi %mul3A_174, %add3A_504 : i32
        %get3A_506 = arith.constant 0 : i32
        %get3A_507 = arith.index_cast %get3A_506 : i32 to index
        %get3A_508 = arith.index_cast %add3A_505 : i32 to index
        %get3A_509 = arith.constant 32 : index
        %get3A_510 = tpu.vector_load %arg12[%get3A_507, %get3A_508, %get3A_509] {strides = array<i32>} : memref<4x320x64xf32, #tpu.memory_space<vmem>>, vector<16xf32>,
        %add3A_511 = arith.addf %get3A_503, %get3A_510 : vector<16xf32>
        %add3A_512 = arith.constant 2 : i32
        %add3A_513 = arith.addi %mul3A_174, %add3A_512 : i32
        %get3A_514 = arith.constant 0 : i32
        %get3A_515 = arith.index_cast %get3A_514 : i32 to index
        %get3A_516 = arith.index_cast %add3A_513 : i32 to index
        %get3A_517 = arith.constant 32 : index
        %get3A_518 = tpu.vector_load %arg12[%get3A_515, %get3A_516, %get3A_517] {strides = array<i32>} : memref<4x320x64xf32, #tpu.memory_space<vmem>>, vector<16xf32>,
        %add3A_519 = arith.addf %add3A_511, %get3A_518 : vector<16xf32>
        %add3A_520 = arith.constant 3 : i32
        %add3A_521 = arith.addi %mul3A_174, %add3A_520 : i32
        %get3A_522 = arith.constant 0 : i32
        %get3A_523 = arith.index_cast %get3A_522 : i32 to index
        %get3A_524 = arith.index_cast %add3A_521 : i32 to index
        %get3A_525 = arith.constant 32 : index
        %get3A_526 = tpu.vector_load %arg12[%get3A_523, %get3A_524, %get3A_525] {strides = array<i32>} : memref<4x320x64xf32, #tpu.memory_space<vmem>>, vector<16xf32>,
        %add3A_527 = arith.addf %add3A_519, %get3A_526 : vector<16xf32>
        %add3A_528 = arith.constant 4 : i32
        %add3A_529 = arith.addi %mul3A_174, %add3A_528 : i32
        %get3A_530 = arith.constant 0 : i32
        %get3A_531 = arith.index_cast %get3A_530 : i32 to index
        %get3A_532 = arith.index_cast %add3A_529 : i32 to index
        %get3A_533 = arith.constant 32 : index
        %get3A_534 = tpu.vector_load %arg12[%get3A_531, %get3A_532, %get3A_533] {strides = array<i32>} : memref<4x320x64xf32, #tpu.memory_space<vmem>>, vector<16xf32>,
        %add3A_535 = arith.addf %add3A_527, %get3A_534 : vector<16xf32>
        %add3A_536 = arith.constant 5 : i32
        %add3A_537 = arith.addi %mul3A_174, %add3A_536 : i32
        %get3A_538 = arith.constant 0 : i32
        %get3A_539 = arith.index_cast %get3A_538 : i32 to index
        %get3A_540 = arith.index_cast %add3A_537 : i32 to index
        %get3A_541 = arith.constant 32 : index
        %get3A_542 = tpu.vector_load %arg12[%get3A_539, %get3A_540, %get3A_541] {strides = array<i32>} : memref<4x320x64xf32, #tpu.memory_space<vmem>>, vector<16xf32>,
        %add3A_543 = arith.addf %add3A_535, %get3A_542 : vector<16xf32>
        %add3A_544 = arith.constant 6 : i32
        %add3A_545 = arith.addi %mul3A_174, %add3A_544 : i32
        %get3A_546 = arith.constant 0 : i32
        %get3A_547 = arith.index_cast %get3A_546 : i32 to index
        %get3A_548 = arith.index_cast %add3A_545 : i32 to index
        %get3A_549 = arith.constant 32 : index
        %get3A_550 = tpu.vector_load %arg12[%get3A_547, %get3A_548, %get3A_549] {strides = array<i32>} : memref<4x320x64xf32, #tpu.memory_space<vmem>>, vector<16xf32>,
        %add3A_551 = arith.addf %add3A_543, %get3A_550 : vector<16xf32>
        %add3A_552 = arith.constant 7 : i32
        %add3A_553 = arith.addi %mul3A_174, %add3A_552 : i32
        %get3A_554 = arith.constant 0 : i32
        %get3A_555 = arith.index_cast %get3A_554 : i32 to index
        %get3A_556 = arith.index_cast %add3A_553 : i32 to index
        %get3A_557 = arith.constant 32 : index
        %get3A_558 = tpu.vector_load %arg12[%get3A_555, %get3A_556, %get3A_557] {strides = array<i32>} : memref<4x320x64xf32, #tpu.memory_space<vmem>>, vector<16xf32>,
        %add3A_559 = arith.addf %add3A_551, %get3A_558 : vector<16xf32>
        %add3A_560 = arith.constant 8 : i32
        %add3A_561 = arith.addi %mul3A_174, %add3A_560 : i32
        %get3A_562 = arith.constant 0 : i32
        %get3A_563 = arith.index_cast %get3A_562 : i32 to index
        %get3A_564 = arith.index_cast %add3A_561 : i32 to index
        %get3A_565 = arith.constant 32 : index
        %get3A_566 = tpu.vector_load %arg12[%get3A_563, %get3A_564, %get3A_565] {strides = array<i32>} : memref<4x320x64xf32, #tpu.memory_space<vmem>>, vector<16xf32>,
        %add3A_567 = arith.addf %add3A_559, %get3A_566 : vector<16xf32>
        %add3A_568 = arith.constant 9 : i32
        %add3A_569 = arith.addi %mul3A_174, %add3A_568 : i32
        %get3A_570 = arith.constant 0 : i32
        %get3A_571 = arith.index_cast %get3A_570 : i32 to index
        %get3A_572 = arith.index_cast %add3A_569 : i32 to index
        %get3A_573 = arith.constant 32 : index
        %get3A_574 = tpu.vector_load %arg12[%get3A_571, %get3A_572, %get3A_573] {strides = array<i32>} : memref<4x320x64xf32, #tpu.memory_space<vmem>>, vector<16xf32>,
        %add3A_575 = arith.addf %add3A_567, %get3A_574 : vector<16xf32>
        %add3A_576 = arith.constant 10 : i32
        %add3A_577 = arith.addi %mul3A_174, %add3A_576 : i32
        %get3A_578 = arith.constant 0 : i32
        %get3A_579 = arith.index_cast %get3A_578 : i32 to index
        %get3A_580 = arith.index_cast %add3A_577 : i32 to index
        %get3A_581 = arith.constant 32 : index
        %get3A_582 = tpu.vector_load %arg12[%get3A_579, %get3A_580, %get3A_581] {strides = array<i32>} : memref<4x320x64xf32, #tpu.memory_space<vmem>>, vector<16xf32>,
        %add3A_583 = arith.addf %add3A_575, %get3A_582 : vector<16xf32>
        %add3A_584 = arith.constant 11 : i32
        %add3A_585 = arith.addi %mul3A_174, %add3A_584 : i32
        %get3A_586 = arith.constant 0 : i32
        %get3A_587 = arith.index_cast %get3A_586 : i32 to index
        %get3A_588 = arith.index_cast %add3A_585 : i32 to index
        %get3A_589 = arith.constant 32 : index
        %get3A_590 = tpu.vector_load %arg12[%get3A_587, %get3A_588, %get3A_589] {strides = array<i32>} : memref<4x320x64xf32, #tpu.memory_space<vmem>>, vector<16xf32>,
        %add3A_591 = arith.addf %add3A_583, %get3A_590 : vector<16xf32>
        %add3A_592 = arith.constant 12 : i32
        %add3A_593 = arith.addi %mul3A_174, %add3A_592 : i32
        %get3A_594 = arith.constant 0 : i32
        %get3A_595 = arith.index_cast %get3A_594 : i32 to index
        %get3A_596 = arith.index_cast %add3A_593 : i32 to index
        %get3A_597 = arith.constant 32 : index
        %get3A_598 = tpu.vector_load %arg12[%get3A_595, %get3A_596, %get3A_597] {strides = array<i32>} : memref<4x320x64xf32, #tpu.memory_space<vmem>>, vector<16xf32>,
        %add3A_599 = arith.addf %add3A_591, %get3A_598 : vector<16xf32>
        %add3A_600 = arith.constant 13 : i32
        %add3A_601 = arith.addi %mul3A_174, %add3A_600 : i32
        %get3A_602 = arith.constant 0 : i32
        %get3A_603 = arith.index_cast %get3A_602 : i32 to index
        %get3A_604 = arith.index_cast %add3A_601 : i32 to index
        %get3A_605 = arith.constant 32 : index
        %get3A_606 = tpu.vector_load %arg12[%get3A_603, %get3A_604, %get3A_605] {strides = array<i32>} : memref<4x320x64xf32, #tpu.memory_space<vmem>>, vector<16xf32>,
        %add3A_607 = arith.addf %add3A_599, %get3A_606 : vector<16xf32>
        %add3A_608 = arith.constant 14 : i32
        %add3A_609 = arith.addi %mul3A_174, %add3A_608 : i32
        %get3A_610 = arith.constant 0 : i32
        %get3A_611 = arith.index_cast %get3A_610 : i32 to index
        %get3A_612 = arith.index_cast %add3A_609 : i32 to index
        %get3A_613 = arith.constant 32 : index
        %get3A_614 = tpu.vector_load %arg12[%get3A_611, %get3A_612, %get3A_613] {strides = array<i32>} : memref<4x320x64xf32, #tpu.memory_space<vmem>>, vector<16xf32>,
        %add3A_615 = arith.addf %add3A_607, %get3A_614 : vector<16xf32>
        %add3A_616 = arith.constant 15 : i32
        %add3A_617 = arith.addi %mul3A_174, %add3A_616 : i32
        %get3A_618 = arith.constant 0 : i32
        %get3A_619 = arith.index_cast %get3A_618 : i32 to index
        %get3A_620 = arith.index_cast %add3A_617 : i32 to index
        %get3A_621 = arith.constant 32 : index
        %get3A_622 = tpu.vector_load %arg12[%get3A_619, %get3A_620, %get3A_621] {strides = array<i32>} : memref<4x320x64xf32, #tpu.memory_space<vmem>>, vector<16xf32>,
        %add3A_623 = arith.addf %add3A_615, %get3A_622 : vector<16xf32>
        %add3A_624 = arith.constant 16 : i32
        %add3A_625 = arith.addi %mul3A_174, %add3A_624 : i32
        %get3A_626 = arith.constant 0 : i32
        %get3A_627 = arith.index_cast %get3A_626 : i32 to index
        %get3A_628 = arith.index_cast %add3A_625 : i32 to index
        %get3A_629 = arith.constant 32 : index
        %get3A_630 = tpu.vector_load %arg12[%get3A_627, %get3A_628, %get3A_629] {strides = array<i32>} : memref<4x320x64xf32, #tpu.memory_space<vmem>>, vector<16xf32>,
        %add3A_631 = arith.addf %add3A_623, %get3A_630 : vector<16xf32>
        %add3A_632 = arith.constant 17 : i32
        %add3A_633 = arith.addi %mul3A_174, %add3A_632 : i32
        %get3A_634 = arith.constant 0 : i32
        %get3A_635 = arith.index_cast %get3A_634 : i32 to index
        %get3A_636 = arith.index_cast %add3A_633 : i32 to index
        %get3A_637 = arith.constant 32 : index
        %get3A_638 = tpu.vector_load %arg12[%get3A_635, %get3A_636, %get3A_637] {strides = array<i32>} : memref<4x320x64xf32, #tpu.memory_space<vmem>>, vector<16xf32>,
        %add3A_639 = arith.addf %add3A_631, %get3A_638 : vector<16xf32>
        %add3A_640 = arith.constant 18 : i32
        %add3A_641 = arith.addi %mul3A_174, %add3A_640 : i32
        %get3A_642 = arith.constant 0 : i32
        %get3A_643 = arith.index_cast %get3A_642 : i32 to index
        %get3A_644 = arith.index_cast %add3A_641 : i32 to index
        %get3A_645 = arith.constant 32 : index
        %get3A_646 = tpu.vector_load %arg12[%get3A_643, %get3A_644, %get3A_645] {strides = array<i32>} : memref<4x320x64xf32, #tpu.memory_space<vmem>>, vector<16xf32>,
        %add3A_647 = arith.addf %add3A_639, %get3A_646 : vector<16xf32>
        %add3A_648 = arith.constant 19 : i32
        %add3A_649 = arith.addi %mul3A_174, %add3A_648 : i32
        %get3A_650 = arith.constant 0 : i32
        %get3A_651 = arith.index_cast %get3A_650 : i32 to index
        %get3A_652 = arith.index_cast %add3A_649 : i32 to index
        %get3A_653 = arith.constant 32 : index
        %get3A_654 = tpu.vector_load %arg12[%get3A_651, %get3A_652, %get3A_653] {strides = array<i32>} : memref<4x320x64xf32, #tpu.memory_space<vmem>>, vector<16xf32>,
        %add3A_655 = arith.addf %add3A_647, %get3A_654 : vector<16xf32>
        %mul3A_656 = arith.constant 16 : i32
        %mul3A_657 = arith.muli %add3A_64, %mul3A_656 : i32
        %add3A_658 = arith.addi %mul3A_657, %scan3A_172 : i32
        %swap3A_659 = arith.index_cast %add3A_658 : i32 to index
        %swap3A_660 = arith.constant 32 : index
        %swap3A_661 = tpu.vector_load %arg13[%swap3A_659, %swap3A_660] {strides = array<i32>} : memref<128x64xf32, #tpu.memory_space<vmem>>, vector<16xf32>,
        tpu.vector_store %arg13[%swap3A_659, %swap3A_660], %add3A_655 {strides = array<i32>} : memref<128x64xf32, #tpu.memory_space<vmem>>, vector<16xf32>,
        %get3A_662 = arith.constant 0 : i32
        %get3A_663 = arith.index_cast %get3A_662 : i32 to index
        %get3A_664 = arith.index_cast %mul3A_174 : i32 to index
        %get3A_665 = arith.constant 48 : index
        %get3A_666 = tpu.vector_load %arg12[%get3A_663, %get3A_664, %get3A_665] {strides = array<i32>} : memref<4x320x64xf32, #tpu.memory_space<vmem>>, vector<16xf32>,
        %add3A_667 = arith.constant 1 : i32
        %add3A_668 = arith.addi %mul3A_174, %add3A_667 : i32
        %get3A_669 = arith.constant 0 : i32
        %get3A_670 = arith.index_cast %get3A_669 : i32 to index
        %get3A_671 = arith.index_cast %add3A_668 : i32 to index
        %get3A_672 = arith.constant 48 : index
        %get3A_673 = tpu.vector_load %arg12[%get3A_670, %get3A_671, %get3A_672] {strides = array<i32>} : memref<4x320x64xf32, #tpu.memory_space<vmem>>, vector<16xf32>,
        %add3A_674 = arith.addf %get3A_666, %get3A_673 : vector<16xf32>
        %add3A_675 = arith.constant 2 : i32
        %add3A_676 = arith.addi %mul3A_174, %add3A_675 : i32
        %get3A_677 = arith.constant 0 : i32
        %get3A_678 = arith.index_cast %get3A_677 : i32 to index
        %get3A_679 = arith.index_cast %add3A_676 : i32 to index
        %get3A_680 = arith.constant 48 : index
        %get3A_681 = tpu.vector_load %arg12[%get3A_678, %get3A_679, %get3A_680] {strides = array<i32>} : memref<4x320x64xf32, #tpu.memory_space<vmem>>, vector<16xf32>,
        %add3A_682 = arith.addf %add3A_674, %get3A_681 : vector<16xf32>
        %add3A_683 = arith.constant 3 : i32
        %add3A_684 = arith.addi %mul3A_174, %add3A_683 : i32
        %get3A_685 = arith.constant 0 : i32
        %get3A_686 = arith.index_cast %get3A_685 : i32 to index
        %get3A_687 = arith.index_cast %add3A_684 : i32 to index
        %get3A_688 = arith.constant 48 : index
        %get3A_689 = tpu.vector_load %arg12[%get3A_686, %get3A_687, %get3A_688] {strides = array<i32>} : memref<4x320x64xf32, #tpu.memory_space<vmem>>, vector<16xf32>,
        %add3A_690 = arith.addf %add3A_682, %get3A_689 : vector<16xf32>
        %add3A_691 = arith.constant 4 : i32
        %add3A_692 = arith.addi %mul3A_174, %add3A_691 : i32
        %get3A_693 = arith.constant 0 : i32
        %get3A_694 = arith.index_cast %get3A_693 : i32 to index
        %get3A_695 = arith.index_cast %add3A_692 : i32 to index
        %get3A_696 = arith.constant 48 : index
        %get3A_697 = tpu.vector_load %arg12[%get3A_694, %get3A_695, %get3A_696] {strides = array<i32>} : memref<4x320x64xf32, #tpu.memory_space<vmem>>, vector<16xf32>,
        %add3A_698 = arith.addf %add3A_690, %get3A_697 : vector<16xf32>
        %add3A_699 = arith.constant 5 : i32
        %add3A_700 = arith.addi %mul3A_174, %add3A_699 : i32
        %get3A_701 = arith.constant 0 : i32
        %get3A_702 = arith.index_cast %get3A_701 : i32 to index
        %get3A_703 = arith.index_cast %add3A_700 : i32 to index
        %get3A_704 = arith.constant 48 : index
        %get3A_705 = tpu.vector_load %arg12[%get3A_702, %get3A_703, %get3A_704] {strides = array<i32>} : memref<4x320x64xf32, #tpu.memory_space<vmem>>, vector<16xf32>,
        %add3A_706 = arith.addf %add3A_698, %get3A_705 : vector<16xf32>
        %add3A_707 = arith.constant 6 : i32
        %add3A_708 = arith.addi %mul3A_174, %add3A_707 : i32
        %get3A_709 = arith.constant 0 : i32
        %get3A_710 = arith.index_cast %get3A_709 : i32 to index
        %get3A_711 = arith.index_cast %add3A_708 : i32 to index
        %get3A_712 = arith.constant 48 : index
        %get3A_713 = tpu.vector_load %arg12[%get3A_710, %get3A_711, %get3A_712] {strides = array<i32>} : memref<4x320x64xf32, #tpu.memory_space<vmem>>, vector<16xf32>,
        %add3A_714 = arith.addf %add3A_706, %get3A_713 : vector<16xf32>
        %add3A_715 = arith.constant 7 : i32
        %add3A_716 = arith.addi %mul3A_174, %add3A_715 : i32
        %get3A_717 = arith.constant 0 : i32
        %get3A_718 = arith.index_cast %get3A_717 : i32 to index
        %get3A_719 = arith.index_cast %add3A_716 : i32 to index
        %get3A_720 = arith.constant 48 : index
        %get3A_721 = tpu.vector_load %arg12[%get3A_718, %get3A_719, %get3A_720] {strides = array<i32>} : memref<4x320x64xf32, #tpu.memory_space<vmem>>, vector<16xf32>,
        %add3A_722 = arith.addf %add3A_714, %get3A_721 : vector<16xf32>
        %add3A_723 = arith.constant 8 : i32
        %add3A_724 = arith.addi %mul3A_174, %add3A_723 : i32
        %get3A_725 = arith.constant 0 : i32
        %get3A_726 = arith.index_cast %get3A_725 : i32 to index
        %get3A_727 = arith.index_cast %add3A_724 : i32 to index
        %get3A_728 = arith.constant 48 : index
        %get3A_729 = tpu.vector_load %arg12[%get3A_726, %get3A_727, %get3A_728] {strides = array<i32>} : memref<4x320x64xf32, #tpu.memory_space<vmem>>, vector<16xf32>,
        %add3A_730 = arith.addf %add3A_722, %get3A_729 : vector<16xf32>
        %add3A_731 = arith.constant 9 : i32
        %add3A_732 = arith.addi %mul3A_174, %add3A_731 : i32
        %get3A_733 = arith.constant 0 : i32
        %get3A_734 = arith.index_cast %get3A_733 : i32 to index
        %get3A_735 = arith.index_cast %add3A_732 : i32 to index
        %get3A_736 = arith.constant 48 : index
        %get3A_737 = tpu.vector_load %arg12[%get3A_734, %get3A_735, %get3A_736] {strides = array<i32>} : memref<4x320x64xf32, #tpu.memory_space<vmem>>, vector<16xf32>,
        %add3A_738 = arith.addf %add3A_730, %get3A_737 : vector<16xf32>
        %add3A_739 = arith.constant 10 : i32
        %add3A_740 = arith.addi %mul3A_174, %add3A_739 : i32
        %get3A_741 = arith.constant 0 : i32
        %get3A_742 = arith.index_cast %get3A_741 : i32 to index
        %get3A_743 = arith.index_cast %add3A_740 : i32 to index
        %get3A_744 = arith.constant 48 : index
        %get3A_745 = tpu.vector_load %arg12[%get3A_742, %get3A_743, %get3A_744] {strides = array<i32>} : memref<4x320x64xf32, #tpu.memory_space<vmem>>, vector<16xf32>,
        %add3A_746 = arith.addf %add3A_738, %get3A_745 : vector<16xf32>
        %add3A_747 = arith.constant 11 : i32
        %add3A_748 = arith.addi %mul3A_174, %add3A_747 : i32
        %get3A_749 = arith.constant 0 : i32
        %get3A_750 = arith.index_cast %get3A_749 : i32 to index
        %get3A_751 = arith.index_cast %add3A_748 : i32 to index
        %get3A_752 = arith.constant 48 : index
        %get3A_753 = tpu.vector_load %arg12[%get3A_750, %get3A_751, %get3A_752] {strides = array<i32>} : memref<4x320x64xf32, #tpu.memory_space<vmem>>, vector<16xf32>,
        %add3A_754 = arith.addf %add3A_746, %get3A_753 : vector<16xf32>
        %add3A_755 = arith.constant 12 : i32
        %add3A_756 = arith.addi %mul3A_174, %add3A_755 : i32
        %get3A_757 = arith.constant 0 : i32
        %get3A_758 = arith.index_cast %get3A_757 : i32 to index
        %get3A_759 = arith.index_cast %add3A_756 : i32 to index
        %get3A_760 = arith.constant 48 : index
        %get3A_761 = tpu.vector_load %arg12[%get3A_758, %get3A_759, %get3A_760] {strides = array<i32>} : memref<4x320x64xf32, #tpu.memory_space<vmem>>, vector<16xf32>,
        %add3A_762 = arith.addf %add3A_754, %get3A_761 : vector<16xf32>
        %add3A_763 = arith.constant 13 : i32
        %add3A_764 = arith.addi %mul3A_174, %add3A_763 : i32
        %get3A_765 = arith.constant 0 : i32
        %get3A_766 = arith.index_cast %get3A_765 : i32 to index
        %get3A_767 = arith.index_cast %add3A_764 : i32 to index
        %get3A_768 = arith.constant 48 : index
        %get3A_769 = tpu.vector_load %arg12[%get3A_766, %get3A_767, %get3A_768] {strides = array<i32>} : memref<4x320x64xf32, #tpu.memory_space<vmem>>, vector<16xf32>,
        %add3A_770 = arith.addf %add3A_762, %get3A_769 : vector<16xf32>
        %add3A_771 = arith.constant 14 : i32
        %add3A_772 = arith.addi %mul3A_174, %add3A_771 : i32
        %get3A_773 = arith.constant 0 : i32
        %get3A_774 = arith.index_cast %get3A_773 : i32 to index
        %get3A_775 = arith.index_cast %add3A_772 : i32 to index
        %get3A_776 = arith.constant 48 : index
        %get3A_777 = tpu.vector_load %arg12[%get3A_774, %get3A_775, %get3A_776] {strides = array<i32>} : memref<4x320x64xf32, #tpu.memory_space<vmem>>, vector<16xf32>,
        %add3A_778 = arith.addf %add3A_770, %get3A_777 : vector<16xf32>
        %add3A_779 = arith.constant 15 : i32
        %add3A_780 = arith.addi %mul3A_174, %add3A_779 : i32
        %get3A_781 = arith.constant 0 : i32
        %get3A_782 = arith.index_cast %get3A_781 : i32 to index
        %get3A_783 = arith.index_cast %add3A_780 : i32 to index
        %get3A_784 = arith.constant 48 : index
        %get3A_785 = tpu.vector_load %arg12[%get3A_782, %get3A_783, %get3A_784] {strides = array<i32>} : memref<4x320x64xf32, #tpu.memory_space<vmem>>, vector<16xf32>,
        %add3A_786 = arith.addf %add3A_778, %get3A_785 : vector<16xf32>
        %add3A_787 = arith.constant 16 : i32
        %add3A_788 = arith.addi %mul3A_174, %add3A_787 : i32
        %get3A_789 = arith.constant 0 : i32
        %get3A_790 = arith.index_cast %get3A_789 : i32 to index
        %get3A_791 = arith.index_cast %add3A_788 : i32 to index
        %get3A_792 = arith.constant 48 : index
        %get3A_793 = tpu.vector_load %arg12[%get3A_790, %get3A_791, %get3A_792] {strides = array<i32>} : memref<4x320x64xf32, #tpu.memory_space<vmem>>, vector<16xf32>,
        %add3A_794 = arith.addf %add3A_786, %get3A_793 : vector<16xf32>
        %add3A_795 = arith.constant 17 : i32
        %add3A_796 = arith.addi %mul3A_174, %add3A_795 : i32
        %get3A_797 = arith.constant 0 : i32
        %get3A_798 = arith.index_cast %get3A_797 : i32 to index
        %get3A_799 = arith.index_cast %add3A_796 : i32 to index
        %get3A_800 = arith.constant 48 : index
        %get3A_801 = tpu.vector_load %arg12[%get3A_798, %get3A_799, %get3A_800] {strides = array<i32>} : memref<4x320x64xf32, #tpu.memory_space<vmem>>, vector<16xf32>,
        %add3A_802 = arith.addf %add3A_794, %get3A_801 : vector<16xf32>
        %add3A_803 = arith.constant 18 : i32
        %add3A_804 = arith.addi %mul3A_174, %add3A_803 : i32
        %get3A_805 = arith.constant 0 : i32
        %get3A_806 = arith.index_cast %get3A_805 : i32 to index
        %get3A_807 = arith.index_cast %add3A_804 : i32 to index
        %get3A_808 = arith.constant 48 : index
        %get3A_809 = tpu.vector_load %arg12[%get3A_806, %get3A_807, %get3A_808] {strides = array<i32>} : memref<4x320x64xf32, #tpu.memory_space<vmem>>, vector<16xf32>,
        %add3A_810 = arith.addf %add3A_802, %get3A_809 : vector<16xf32>
        %add3A_811 = arith.constant 19 : i32
        %add3A_812 = arith.addi %mul3A_174, %add3A_811 : i32
        %get3A_813 = arith.constant 0 : i32
        %get3A_814 = arith.index_cast %get3A_813 : i32 to index
        %get3A_815 = arith.index_cast %add3A_812 : i32 to index
        %get3A_816 = arith.constant 48 : index
        %get3A_817 = tpu.vector_load %arg12[%get3A_814, %get3A_815, %get3A_816] {strides = array<i32>} : memref<4x320x64xf32, #tpu.memory_space<vmem>>, vector<16xf32>,
        %add3A_818 = arith.addf %add3A_810, %get3A_817 : vector<16xf32>
        %mul3A_819 = arith.constant 16 : i32
        %mul3A_820 = arith.muli %add3A_64, %mul3A_819 : i32
        %add3A_821 = arith.addi %mul3A_820, %scan3A_172 : i32
        %swap3A_822 = arith.index_cast %add3A_821 : i32 to index
        %swap3A_823 = arith.constant 48 : index
        %swap3A_824 = tpu.vector_load %arg13[%swap3A_822, %swap3A_823] {strides = array<i32>} : memref<128x64xf32, #tpu.memory_space<vmem>>, vector<16xf32>,
        tpu.vector_store %arg13[%swap3A_822, %swap3A_823], %add3A_818 {strides = array<i32>} : memref<128x64xf32, #tpu.memory_space<vmem>>, vector<16xf32>,
      }
      %scan3A_81 = arith.constant 16 : i32
      %add3A_82 = arith.constant 0 : i32
      %add3A_83 = arith.addi %mul3A_62, %add3A_82 : i32
      %add3A_84 = arith.constant 4 : i32
      %add3A_85 = arith.addi %add3A_83, %add3A_84 : i32
      %lt3A = arith.constant 8 : i32
      %lt3A_86 = arith.cmpi slt, %add3A_85, %lt3A : i32
      %convert_element_type3A = arith.extui %lt3A_86 : i1 to i32
      %cond3A = arith.constant 0 : i32
      %cond3A_87 = arith.cmpi ne, %convert_element_type3A, %cond3A : i32
      scf.if %cond3A_87 {
        %add3A_172 = arith.constant 0 : i32
        %add3A_173 = arith.addi %mul3A_62, %add3A_172 : i32
        %add3A_174 = arith.constant 4 : i32
        %add3A_175 = arith.addi %add3A_173, %add3A_174 : i32
        %mul3A_176 = arith.constant 320 : i32
        %mul3A_177 = arith.muli %add3A_175, %mul3A_176 : i32
        %dma_start3A_178 = arith.constant 0 : i32
        %dma_start3A_179 = arith.constant 0 : i32
        %dma_start3A_180 = arith.constant 0 : i32
        %dma_start3A_181 = tpu.memref_slice %arg12[%dma_start3A_178, %dma_start3A_179, %dma_start3A_180] : memref<4x320x64xf32, #tpu.memory_space<vmem>> -> memref<1x320x64xf32, #tpu.memory_space<vmem>>
        %dma_start3A_182 = tpu.memref_squeeze %dma_start3A_181 : memref<1x320x64xf32, #tpu.memory_space<vmem>> -> memref<320x64xf32, #tpu.memory_space<vmem>>
        %dma_start3A_183 = tpu.memref_slice %arg11[%mul3A_177] : memref<2560xi32, #tpu.memory_space<vmem>> -> memref<320xi32, #tpu.memory_space<vmem>>
        %dma_start3A_184 = arith.constant 0 : i32
        %dma_start3A_185 = arith.constant 0 : i32
        %dma_start3A_186 = tpu.memref_slice %arg5[%dma_start3A_184, %dma_start3A_185] : memref<102400x64xf32, #tpu.memory_space<hbm>> -> memref<102400x64xf32, #tpu.memory_space<hbm>>
        tpu.enqueue_indirect_dma source(%dma_start3A_186 : memref<102400x64xf32, #tpu.memory_space<hbm>>) target(%dma_start3A_182 : memref<320x64xf32, #tpu.memory_space<vmem>>) offsets(%dma_start3A_183 : memref<320xi32, #tpu.memory_space<vmem>>) semaphore(%arg18 : memref<!tpu.dma_semaphore, #tpu.memory_space<semaphore_mem>>)
      } else {
      }
      %add3A_88 = arith.constant 1 : i32
      %add3A_89 = arith.addi %mul3A_62, %add3A_88 : i32
      %mul3A_90 = arith.constant 320 : i32
      %mul3A_91 = arith.muli %add3A_89, %mul3A_90 : i32
      %dma_wait3A_92 = arith.constant 1 : i32
      %dma_wait3A_93 = arith.constant 0 : i32
      %dma_wait3A_94 = arith.constant 0 : i32
      %dma_wait3A_95 = tpu.memref_slice %arg12[%dma_wait3A_92, %dma_wait3A_93, %dma_wait3A_94] : memref<4x320x64xf32, #tpu.memory_space<vmem>> -> memref<1x320x64xf32, #tpu.memory_space<vmem>>
      %dma_wait3A_96 = tpu.memref_squeeze %dma_wait3A_95 : memref<1x320x64xf32, #tpu.memory_space<vmem>> -> memref<320x64xf32, #tpu.memory_space<vmem>>
      %dma_wait3A_97 = tpu.memref_slice %arg11[%mul3A_91] : memref<2560xi32, #tpu.memory_space<vmem>> -> memref<320xi32, #tpu.memory_space<vmem>>
      %dma_wait3A_98 = arith.constant 0 : i32
      %dma_wait3A_99 = arith.constant 0 : i32
      %dma_wait3A_100 = tpu.memref_slice %arg5[%dma_wait3A_98, %dma_wait3A_99] : memref<102400x64xf32, #tpu.memory_space<hbm>> -> memref<102400x64xf32, #tpu.memory_space<hbm>>
      tpu.wait_indirect_dma semaphore(%arg19 : memref<!tpu.dma_semaphore, #tpu.memory_space<semaphore_mem>>) src(%dma_wait3A_100 : memref<102400x64xf32, #tpu.memory_space<hbm>>) dst(%dma_wait3A_96 : memref<320x64xf32, #tpu.memory_space<vmem>>)
      %scan3A_101 = arith.constant 0 : i32
      %scan3A_102 = arith.constant 0 : i32
      %scan3A_103 = arith.constant 16 : i32
      %scan3A_104 = arith.addi %scan3A_102, %scan3A_103 : i32
      %scan3A_105 = arith.constant 1 : i32
      scf.for %scan3A_172 = %scan3A_102 to %scan3A_104 step %scan3A_105  : i32 {
        %mul3A_173 = arith.constant 20 : i32
        %mul3A_174 = arith.muli %scan3A_172, %mul3A_173 : i32
        %get3A = arith.constant 1 : i32
        %get3A_175 = arith.index_cast %get3A : i32 to index
        %get3A_176 = arith.index_cast %mul3A_174 : i32 to index
        %get3A_177 = arith.constant 0 : index
        %get3A_178 = tpu.vector_load %arg12[%get3A_175, %get3A_176, %get3A_177] {strides = array<i32>} : memref<4x320x64xf32, #tpu.memory_space<vmem>>, vector<16xf32>,
        %add3A_179 = arith.constant 1 : i32
        %add3A_180 = arith.addi %mul3A_174, %add3A_179 : i32
        %get3A_181 = arith.constant 1 : i32
        %get3A_182 = arith.index_cast %get3A_181 : i32 to index
        %get3A_183 = arith.index_cast %add3A_180 : i32 to index
        %get3A_184 = arith.constant 0 : index
        %get3A_185 = tpu.vector_load %arg12[%get3A_182, %get3A_183, %get3A_184] {strides = array<i32>} : memref<4x320x64xf32, #tpu.memory_space<vmem>>, vector<16xf32>,
        %add3A_186 = arith.addf %get3A_178, %get3A_185 : vector<16xf32>
        %add3A_187 = arith.constant 2 : i32
        %add3A_188 = arith.addi %mul3A_174, %add3A_187 : i32
        %get3A_189 = arith.constant 1 : i32
        %get3A_190 = arith.index_cast %get3A_189 : i32 to index
        %get3A_191 = arith.index_cast %add3A_188 : i32 to index
        %get3A_192 = arith.constant 0 : index
        %get3A_193 = tpu.vector_load %arg12[%get3A_190, %get3A_191, %get3A_192] {strides = array<i32>} : memref<4x320x64xf32, #tpu.memory_space<vmem>>, vector<16xf32>,
        %add3A_194 = arith.addf %add3A_186, %get3A_193 : vector<16xf32>
        %add3A_195 = arith.constant 3 : i32
        %add3A_196 = arith.addi %mul3A_174, %add3A_195 : i32
        %get3A_197 = arith.constant 1 : i32
        %get3A_198 = arith.index_cast %get3A_197 : i32 to index
        %get3A_199 = arith.index_cast %add3A_196 : i32 to index
        %get3A_200 = arith.constant 0 : index
        %get3A_201 = tpu.vector_load %arg12[%get3A_198, %get3A_199, %get3A_200] {strides = array<i32>} : memref<4x320x64xf32, #tpu.memory_space<vmem>>, vector<16xf32>,
        %add3A_202 = arith.addf %add3A_194, %get3A_201 : vector<16xf32>
        %add3A_203 = arith.constant 4 : i32
        %add3A_204 = arith.addi %mul3A_174, %add3A_203 : i32
        %get3A_205 = arith.constant 1 : i32
        %get3A_206 = arith.index_cast %get3A_205 : i32 to index
        %get3A_207 = arith.index_cast %add3A_204 : i32 to index
        %get3A_208 = arith.constant 0 : index
        %get3A_209 = tpu.vector_load %arg12[%get3A_206, %get3A_207, %get3A_208] {strides = array<i32>} : memref<4x320x64xf32, #tpu.memory_space<vmem>>, vector<16xf32>,
        %add3A_210 = arith.addf %add3A_202, %get3A_209 : vector<16xf32>
        %add3A_211 = arith.constant 5 : i32
        %add3A_212 = arith.addi %mul3A_174, %add3A_211 : i32
        %get3A_213 = arith.constant 1 : i32
        %get3A_214 = arith.index_cast %get3A_213 : i32 to index
        %get3A_215 = arith.index_cast %add3A_212 : i32 to index
        %get3A_216 = arith.constant 0 : index
        %get3A_217 = tpu.vector_load %arg12[%get3A_214, %get3A_215, %get3A_216] {strides = array<i32>} : memref<4x320x64xf32, #tpu.memory_space<vmem>>, vector<16xf32>,
        %add3A_218 = arith.addf %add3A_210, %get3A_217 : vector<16xf32>
        %add3A_219 = arith.constant 6 : i32
        %add3A_220 = arith.addi %mul3A_174, %add3A_219 : i32
        %get3A_221 = arith.constant 1 : i32
        %get3A_222 = arith.index_cast %get3A_221 : i32 to index
        %get3A_223 = arith.index_cast %add3A_220 : i32 to index
        %get3A_224 = arith.constant 0 : index
        %get3A_225 = tpu.vector_load %arg12[%get3A_222, %get3A_223, %get3A_224] {strides = array<i32>} : memref<4x320x64xf32, #tpu.memory_space<vmem>>, vector<16xf32>,
        %add3A_226 = arith.addf %add3A_218, %get3A_225 : vector<16xf32>
        %add3A_227 = arith.constant 7 : i32
        %add3A_228 = arith.addi %mul3A_174, %add3A_227 : i32
        %get3A_229 = arith.constant 1 : i32
        %get3A_230 = arith.index_cast %get3A_229 : i32 to index
        %get3A_231 = arith.index_cast %add3A_228 : i32 to index
        %get3A_232 = arith.constant 0 : index
        %get3A_233 = tpu.vector_load %arg12[%get3A_230, %get3A_231, %get3A_232] {strides = array<i32>} : memref<4x320x64xf32, #tpu.memory_space<vmem>>, vector<16xf32>,
        %add3A_234 = arith.addf %add3A_226, %get3A_233 : vector<16xf32>
        %add3A_235 = arith.constant 8 : i32
        %add3A_236 = arith.addi %mul3A_174, %add3A_235 : i32
        %get3A_237 = arith.constant 1 : i32
        %get3A_238 = arith.index_cast %get3A_237 : i32 to index
        %get3A_239 = arith.index_cast %add3A_236 : i32 to index
        %get3A_240 = arith.constant 0 : index
        %get3A_241 = tpu.vector_load %arg12[%get3A_238, %get3A_239, %get3A_240] {strides = array<i32>} : memref<4x320x64xf32, #tpu.memory_space<vmem>>, vector<16xf32>,
        %add3A_242 = arith.addf %add3A_234, %get3A_241 : vector<16xf32>
        %add3A_243 = arith.constant 9 : i32
        %add3A_244 = arith.addi %mul3A_174, %add3A_243 : i32
        %get3A_245 = arith.constant 1 : i32
        %get3A_246 = arith.index_cast %get3A_245 : i32 to index
        %get3A_247 = arith.index_cast %add3A_244 : i32 to index
        %get3A_248 = arith.constant 0 : index
        %get3A_249 = tpu.vector_load %arg12[%get3A_246, %get3A_247, %get3A_248] {strides = array<i32>} : memref<4x320x64xf32, #tpu.memory_space<vmem>>, vector<16xf32>,
        %add3A_250 = arith.addf %add3A_242, %get3A_249 : vector<16xf32>
        %add3A_251 = arith.constant 10 : i32
        %add3A_252 = arith.addi %mul3A_174, %add3A_251 : i32
        %get3A_253 = arith.constant 1 : i32
        %get3A_254 = arith.index_cast %get3A_253 : i32 to index
        %get3A_255 = arith.index_cast %add3A_252 : i32 to index
        %get3A_256 = arith.constant 0 : index
        %get3A_257 = tpu.vector_load %arg12[%get3A_254, %get3A_255, %get3A_256] {strides = array<i32>} : memref<4x320x64xf32, #tpu.memory_space<vmem>>, vector<16xf32>,
        %add3A_258 = arith.addf %add3A_250, %get3A_257 : vector<16xf32>
        %add3A_259 = arith.constant 11 : i32
        %add3A_260 = arith.addi %mul3A_174, %add3A_259 : i32
        %get3A_261 = arith.constant 1 : i32
        %get3A_262 = arith.index_cast %get3A_261 : i32 to index
        %get3A_263 = arith.index_cast %add3A_260 : i32 to index
        %get3A_264 = arith.constant 0 : index
        %get3A_265 = tpu.vector_load %arg12[%get3A_262, %get3A_263, %get3A_264] {strides = array<i32>} : memref<4x320x64xf32, #tpu.memory_space<vmem>>, vector<16xf32>,
        %add3A_266 = arith.addf %add3A_258, %get3A_265 : vector<16xf32>
        %add3A_267 = arith.constant 12 : i32
        %add3A_268 = arith.addi %mul3A_174, %add3A_267 : i32
        %get3A_269 = arith.constant 1 : i32
        %get3A_270 = arith.index_cast %get3A_269 : i32 to index
        %get3A_271 = arith.index_cast %add3A_268 : i32 to index
        %get3A_272 = arith.constant 0 : index
        %get3A_273 = tpu.vector_load %arg12[%get3A_270, %get3A_271, %get3A_272] {strides = array<i32>} : memref<4x320x64xf32, #tpu.memory_space<vmem>>, vector<16xf32>,
        %add3A_274 = arith.addf %add3A_266, %get3A_273 : vector<16xf32>
        %add3A_275 = arith.constant 13 : i32
        %add3A_276 = arith.addi %mul3A_174, %add3A_275 : i32
        %get3A_277 = arith.constant 1 : i32
        %get3A_278 = arith.index_cast %get3A_277 : i32 to index
        %get3A_279 = arith.index_cast %add3A_276 : i32 to index
        %get3A_280 = arith.constant 0 : index
        %get3A_281 = tpu.vector_load %arg12[%get3A_278, %get3A_279, %get3A_280] {strides = array<i32>} : memref<4x320x64xf32, #tpu.memory_space<vmem>>, vector<16xf32>,
        %add3A_282 = arith.addf %add3A_274, %get3A_281 : vector<16xf32>
        %add3A_283 = arith.constant 14 : i32
        %add3A_284 = arith.addi %mul3A_174, %add3A_283 : i32
        %get3A_285 = arith.constant 1 : i32
        %get3A_286 = arith.index_cast %get3A_285 : i32 to index
        %get3A_287 = arith.index_cast %add3A_284 : i32 to index
        %get3A_288 = arith.constant 0 : index
        %get3A_289 = tpu.vector_load %arg12[%get3A_286, %get3A_287, %get3A_288] {strides = array<i32>} : memref<4x320x64xf32, #tpu.memory_space<vmem>>, vector<16xf32>,
        %add3A_290 = arith.addf %add3A_282, %get3A_289 : vector<16xf32>
        %add3A_291 = arith.constant 15 : i32
        %add3A_292 = arith.addi %mul3A_174, %add3A_291 : i32
        %get3A_293 = arith.constant 1 : i32
        %get3A_294 = arith.index_cast %get3A_293 : i32 to index
        %get3A_295 = arith.index_cast %add3A_292 : i32 to index
        %get3A_296 = arith.constant 0 : index
        %get3A_297 = tpu.vector_load %arg12[%get3A_294, %get3A_295, %get3A_296] {strides = array<i32>} : memref<4x320x64xf32, #tpu.memory_space<vmem>>, vector<16xf32>,
        %add3A_298 = arith.addf %add3A_290, %get3A_297 : vector<16xf32>
        %add3A_299 = arith.constant 16 : i32
        %add3A_300 = arith.addi %mul3A_174, %add3A_299 : i32
        %get3A_301 = arith.constant 1 : i32
        %get3A_302 = arith.index_cast %get3A_301 : i32 to index
        %get3A_303 = arith.index_cast %add3A_300 : i32 to index
        %get3A_304 = arith.constant 0 : index
        %get3A_305 = tpu.vector_load %arg12[%get3A_302, %get3A_303, %get3A_304] {strides = array<i32>} : memref<4x320x64xf32, #tpu.memory_space<vmem>>, vector<16xf32>,
        %add3A_306 = arith.addf %add3A_298, %get3A_305 : vector<16xf32>
        %add3A_307 = arith.constant 17 : i32
        %add3A_308 = arith.addi %mul3A_174, %add3A_307 : i32
        %get3A_309 = arith.constant 1 : i32
        %get3A_310 = arith.index_cast %get3A_309 : i32 to index
        %get3A_311 = arith.index_cast %add3A_308 : i32 to index
        %get3A_312 = arith.constant 0 : index
        %get3A_313 = tpu.vector_load %arg12[%get3A_310, %get3A_311, %get3A_312] {strides = array<i32>} : memref<4x320x64xf32, #tpu.memory_space<vmem>>, vector<16xf32>,
        %add3A_314 = arith.addf %add3A_306, %get3A_313 : vector<16xf32>
        %add3A_315 = arith.constant 18 : i32
        %add3A_316 = arith.addi %mul3A_174, %add3A_315 : i32
        %get3A_317 = arith.constant 1 : i32
        %get3A_318 = arith.index_cast %get3A_317 : i32 to index
        %get3A_319 = arith.index_cast %add3A_316 : i32 to index
        %get3A_320 = arith.constant 0 : index
        %get3A_321 = tpu.vector_load %arg12[%get3A_318, %get3A_319, %get3A_320] {strides = array<i32>} : memref<4x320x64xf32, #tpu.memory_space<vmem>>, vector<16xf32>,
        %add3A_322 = arith.addf %add3A_314, %get3A_321 : vector<16xf32>
        %add3A_323 = arith.constant 19 : i32
        %add3A_324 = arith.addi %mul3A_174, %add3A_323 : i32
        %get3A_325 = arith.constant 1 : i32
        %get3A_326 = arith.index_cast %get3A_325 : i32 to index
        %get3A_327 = arith.index_cast %add3A_324 : i32 to index
        %get3A_328 = arith.constant 0 : index
        %get3A_329 = tpu.vector_load %arg12[%get3A_326, %get3A_327, %get3A_328] {strides = array<i32>} : memref<4x320x64xf32, #tpu.memory_space<vmem>>, vector<16xf32>,
        %add3A_330 = arith.addf %add3A_322, %get3A_329 : vector<16xf32>
        %mul3A_331 = arith.constant 16 : i32
        %mul3A_332 = arith.muli %add3A_89, %mul3A_331 : i32
        %add3A_333 = arith.addi %mul3A_332, %scan3A_172 : i32
        %swap3A = arith.index_cast %add3A_333 : i32 to index
        %swap3A_334 = arith.constant 0 : index
        %swap3A_335 = tpu.vector_load %arg13[%swap3A, %swap3A_334] {strides = array<i32>} : memref<128x64xf32, #tpu.memory_space<vmem>>, vector<16xf32>,
        tpu.vector_store %arg13[%swap3A, %swap3A_334], %add3A_330 {strides = array<i32>} : memref<128x64xf32, #tpu.memory_space<vmem>>, vector<16xf32>,
        %get3A_336 = arith.constant 1 : i32
        %get3A_337 = arith.index_cast %get3A_336 : i32 to index
        %get3A_338 = arith.index_cast %mul3A_174 : i32 to index
        %get3A_339 = arith.constant 16 : index
        %get3A_340 = tpu.vector_load %arg12[%get3A_337, %get3A_338, %get3A_339] {strides = array<i32>} : memref<4x320x64xf32, #tpu.memory_space<vmem>>, vector<16xf32>,
        %add3A_341 = arith.constant 1 : i32
        %add3A_342 = arith.addi %mul3A_174, %add3A_341 : i32
        %get3A_343 = arith.constant 1 : i32
        %get3A_344 = arith.index_cast %get3A_343 : i32 to index
        %get3A_345 = arith.index_cast %add3A_342 : i32 to index
        %get3A_346 = arith.constant 16 : index
        %get3A_347 = tpu.vector_load %arg12[%get3A_344, %get3A_345, %get3A_346] {strides = array<i32>} : memref<4x320x64xf32, #tpu.memory_space<vmem>>, vector<16xf32>,
        %add3A_348 = arith.addf %get3A_340, %get3A_347 : vector<16xf32>
        %add3A_349 = arith.constant 2 : i32
        %add3A_350 = arith.addi %mul3A_174, %add3A_349 : i32
        %get3A_351 = arith.constant 1 : i32
        %get3A_352 = arith.index_cast %get3A_351 : i32 to index
        %get3A_353 = arith.index_cast %add3A_350 : i32 to index
        %get3A_354 = arith.constant 16 : index
        %get3A_355 = tpu.vector_load %arg12[%get3A_352, %get3A_353, %get3A_354] {strides = array<i32>} : memref<4x320x64xf32, #tpu.memory_space<vmem>>, vector<16xf32>,
        %add3A_356 = arith.addf %add3A_348, %get3A_355 : vector<16xf32>
        %add3A_357 = arith.constant 3 : i32
        %add3A_358 = arith.addi %mul3A_174, %add3A_357 : i32
        %get3A_359 = arith.constant 1 : i32
        %get3A_360 = arith.index_cast %get3A_359 : i32 to index
        %get3A_361 = arith.index_cast %add3A_358 : i32 to index
        %get3A_362 = arith.constant 16 : index
        %get3A_363 = tpu.vector_load %arg12[%get3A_360, %get3A_361, %get3A_362] {strides = array<i32>} : memref<4x320x64xf32, #tpu.memory_space<vmem>>, vector<16xf32>,
        %add3A_364 = arith.addf %add3A_356, %get3A_363 : vector<16xf32>
        %add3A_365 = arith.constant 4 : i32
        %add3A_366 = arith.addi %mul3A_174, %add3A_365 : i32
        %get3A_367 = arith.constant 1 : i32
        %get3A_368 = arith.index_cast %get3A_367 : i32 to index
        %get3A_369 = arith.index_cast %add3A_366 : i32 to index
        %get3A_370 = arith.constant 16 : index
        %get3A_371 = tpu.vector_load %arg12[%get3A_368, %get3A_369, %get3A_370] {strides = array<i32>} : memref<4x320x64xf32, #tpu.memory_space<vmem>>, vector<16xf32>,
        %add3A_372 = arith.addf %add3A_364, %get3A_371 : vector<16xf32>
        %add3A_373 = arith.constant 5 : i32
        %add3A_374 = arith.addi %mul3A_174, %add3A_373 : i32
        %get3A_375 = arith.constant 1 : i32
        %get3A_376 = arith.index_cast %get3A_375 : i32 to index
        %get3A_377 = arith.index_cast %add3A_374 : i32 to index
        %get3A_378 = arith.constant 16 : index
        %get3A_379 = tpu.vector_load %arg12[%get3A_376, %get3A_377, %get3A_378] {strides = array<i32>} : memref<4x320x64xf32, #tpu.memory_space<vmem>>, vector<16xf32>,
        %add3A_380 = arith.addf %add3A_372, %get3A_379 : vector<16xf32>
        %add3A_381 = arith.constant 6 : i32
        %add3A_382 = arith.addi %mul3A_174, %add3A_381 : i32
        %get3A_383 = arith.constant 1 : i32
        %get3A_384 = arith.index_cast %get3A_383 : i32 to index
        %get3A_385 = arith.index_cast %add3A_382 : i32 to index
        %get3A_386 = arith.constant 16 : index
        %get3A_387 = tpu.vector_load %arg12[%get3A_384, %get3A_385, %get3A_386] {strides = array<i32>} : memref<4x320x64xf32, #tpu.memory_space<vmem>>, vector<16xf32>,
        %add3A_388 = arith.addf %add3A_380, %get3A_387 : vector<16xf32>
        %add3A_389 = arith.constant 7 : i32
        %add3A_390 = arith.addi %mul3A_174, %add3A_389 : i32
        %get3A_391 = arith.constant 1 : i32
        %get3A_392 = arith.index_cast %get3A_391 : i32 to index
        %get3A_393 = arith.index_cast %add3A_390 : i32 to index
        %get3A_394 = arith.constant 16 : index
        %get3A_395 = tpu.vector_load %arg12[%get3A_392, %get3A_393, %get3A_394] {strides = array<i32>} : memref<4x320x64xf32, #tpu.memory_space<vmem>>, vector<16xf32>,
        %add3A_396 = arith.addf %add3A_388, %get3A_395 : vector<16xf32>
        %add3A_397 = arith.constant 8 : i32
        %add3A_398 = arith.addi %mul3A_174, %add3A_397 : i32
        %get3A_399 = arith.constant 1 : i32
        %get3A_400 = arith.index_cast %get3A_399 : i32 to index
        %get3A_401 = arith.index_cast %add3A_398 : i32 to index
        %get3A_402 = arith.constant 16 : index
        %get3A_403 = tpu.vector_load %arg12[%get3A_400, %get3A_401, %get3A_402] {strides = array<i32>} : memref<4x320x64xf32, #tpu.memory_space<vmem>>, vector<16xf32>,
        %add3A_404 = arith.addf %add3A_396, %get3A_403 : vector<16xf32>
        %add3A_405 = arith.constant 9 : i32
        %add3A_406 = arith.addi %mul3A_174, %add3A_405 : i32
        %get3A_407 = arith.constant 1 : i32
        %get3A_408 = arith.index_cast %get3A_407 : i32 to index
        %get3A_409 = arith.index_cast %add3A_406 : i32 to index
        %get3A_410 = arith.constant 16 : index
        %get3A_411 = tpu.vector_load %arg12[%get3A_408, %get3A_409, %get3A_410] {strides = array<i32>} : memref<4x320x64xf32, #tpu.memory_space<vmem>>, vector<16xf32>,
        %add3A_412 = arith.addf %add3A_404, %get3A_411 : vector<16xf32>
        %add3A_413 = arith.constant 10 : i32
        %add3A_414 = arith.addi %mul3A_174, %add3A_413 : i32
        %get3A_415 = arith.constant 1 : i32
        %get3A_416 = arith.index_cast %get3A_415 : i32 to index
        %get3A_417 = arith.index_cast %add3A_414 : i32 to index
        %get3A_418 = arith.constant 16 : index
        %get3A_419 = tpu.vector_load %arg12[%get3A_416, %get3A_417, %get3A_418] {strides = array<i32>} : memref<4x320x64xf32, #tpu.memory_space<vmem>>, vector<16xf32>,
        %add3A_420 = arith.addf %add3A_412, %get3A_419 : vector<16xf32>
        %add3A_421 = arith.constant 11 : i32
        %add3A_422 = arith.addi %mul3A_174, %add3A_421 : i32
        %get3A_423 = arith.constant 1 : i32
        %get3A_424 = arith.index_cast %get3A_423 : i32 to index
        %get3A_425 = arith.index_cast %add3A_422 : i32 to index
        %get3A_426 = arith.constant 16 : index
        %get3A_427 = tpu.vector_load %arg12[%get3A_424, %get3A_425, %get3A_426] {strides = array<i32>} : memref<4x320x64xf32, #tpu.memory_space<vmem>>, vector<16xf32>,
        %add3A_428 = arith.addf %add3A_420, %get3A_427 : vector<16xf32>
        %add3A_429 = arith.constant 12 : i32
        %add3A_430 = arith.addi %mul3A_174, %add3A_429 : i32
        %get3A_431 = arith.constant 1 : i32
        %get3A_432 = arith.index_cast %get3A_431 : i32 to index
        %get3A_433 = arith.index_cast %add3A_430 : i32 to index
        %get3A_434 = arith.constant 16 : index
        %get3A_435 = tpu.vector_load %arg12[%get3A_432, %get3A_433, %get3A_434] {strides = array<i32>} : memref<4x320x64xf32, #tpu.memory_space<vmem>>, vector<16xf32>,
        %add3A_436 = arith.addf %add3A_428, %get3A_435 : vector<16xf32>
        %add3A_437 = arith.constant 13 : i32
        %add3A_438 = arith.addi %mul3A_174, %add3A_437 : i32
        %get3A_439 = arith.constant 1 : i32
        %get3A_440 = arith.index_cast %get3A_439 : i32 to index
        %get3A_441 = arith.index_cast %add3A_438 : i32 to index
        %get3A_442 = arith.constant 16 : index
        %get3A_443 = tpu.vector_load %arg12[%get3A_440, %get3A_441, %get3A_442] {strides = array<i32>} : memref<4x320x64xf32, #tpu.memory_space<vmem>>, vector<16xf32>,
        %add3A_444 = arith.addf %add3A_436, %get3A_443 : vector<16xf32>
        %add3A_445 = arith.constant 14 : i32
        %add3A_446 = arith.addi %mul3A_174, %add3A_445 : i32
        %get3A_447 = arith.constant 1 : i32
        %get3A_448 = arith.index_cast %get3A_447 : i32 to index
        %get3A_449 = arith.index_cast %add3A_446 : i32 to index
        %get3A_450 = arith.constant 16 : index
        %get3A_451 = tpu.vector_load %arg12[%get3A_448, %get3A_449, %get3A_450] {strides = array<i32>} : memref<4x320x64xf32, #tpu.memory_space<vmem>>, vector<16xf32>,
        %add3A_452 = arith.addf %add3A_444, %get3A_451 : vector<16xf32>
        %add3A_453 = arith.constant 15 : i32
        %add3A_454 = arith.addi %mul3A_174, %add3A_453 : i32
        %get3A_455 = arith.constant 1 : i32
        %get3A_456 = arith.index_cast %get3A_455 : i32 to index
        %get3A_457 = arith.index_cast %add3A_454 : i32 to index
        %get3A_458 = arith.constant 16 : index
        %get3A_459 = tpu.vector_load %arg12[%get3A_456, %get3A_457, %get3A_458] {strides = array<i32>} : memref<4x320x64xf32, #tpu.memory_space<vmem>>, vector<16xf32>,
        %add3A_460 = arith.addf %add3A_452, %get3A_459 : vector<16xf32>
        %add3A_461 = arith.constant 16 : i32
        %add3A_462 = arith.addi %mul3A_174, %add3A_461 : i32
        %get3A_463 = arith.constant 1 : i32
        %get3A_464 = arith.index_cast %get3A_463 : i32 to index
        %get3A_465 = arith.index_cast %add3A_462 : i32 to index
        %get3A_466 = arith.constant 16 : index
        %get3A_467 = tpu.vector_load %arg12[%get3A_464, %get3A_465, %get3A_466] {strides = array<i32>} : memref<4x320x64xf32, #tpu.memory_space<vmem>>, vector<16xf32>,
        %add3A_468 = arith.addf %add3A_460, %get3A_467 : vector<16xf32>
        %add3A_469 = arith.constant 17 : i32
        %add3A_470 = arith.addi %mul3A_174, %add3A_469 : i32
        %get3A_471 = arith.constant 1 : i32
        %get3A_472 = arith.index_cast %get3A_471 : i32 to index
        %get3A_473 = arith.index_cast %add3A_470 : i32 to index
        %get3A_474 = arith.constant 16 : index
        %get3A_475 = tpu.vector_load %arg12[%get3A_472, %get3A_473, %get3A_474] {strides = array<i32>} : memref<4x320x64xf32, #tpu.memory_space<vmem>>, vector<16xf32>,
        %add3A_476 = arith.addf %add3A_468, %get3A_475 : vector<16xf32>
        %add3A_477 = arith.constant 18 : i32
        %add3A_478 = arith.addi %mul3A_174, %add3A_477 : i32
        %get3A_479 = arith.constant 1 : i32
        %get3A_480 = arith.index_cast %get3A_479 : i32 to index
        %get3A_481 = arith.index_cast %add3A_478 : i32 to index
        %get3A_482 = arith.constant 16 : index
        %get3A_483 = tpu.vector_load %arg12[%get3A_480, %get3A_481, %get3A_482] {strides = array<i32>} : memref<4x320x64xf32, #tpu.memory_space<vmem>>, vector<16xf32>,
        %add3A_484 = arith.addf %add3A_476, %get3A_483 : vector<16xf32>
        %add3A_485 = arith.constant 19 : i32
        %add3A_486 = arith.addi %mul3A_174, %add3A_485 : i32
        %get3A_487 = arith.constant 1 : i32
        %get3A_488 = arith.index_cast %get3A_487 : i32 to index
        %get3A_489 = arith.index_cast %add3A_486 : i32 to index
        %get3A_490 = arith.constant 16 : index
        %get3A_491 = tpu.vector_load %arg12[%get3A_488, %get3A_489, %get3A_490] {strides = array<i32>} : memref<4x320x64xf32, #tpu.memory_space<vmem>>, vector<16xf32>,
        %add3A_492 = arith.addf %add3A_484, %get3A_491 : vector<16xf32>
        %mul3A_493 = arith.constant 16 : i32
        %mul3A_494 = arith.muli %add3A_89, %mul3A_493 : i32
        %add3A_495 = arith.addi %mul3A_494, %scan3A_172 : i32
        %swap3A_496 = arith.index_cast %add3A_495 : i32 to index
        %swap3A_497 = arith.constant 16 : index
        %swap3A_498 = tpu.vector_load %arg13[%swap3A_496, %swap3A_497] {strides = array<i32>} : memref<128x64xf32, #tpu.memory_space<vmem>>, vector<16xf32>,
        tpu.vector_store %arg13[%swap3A_496, %swap3A_497], %add3A_492 {strides = array<i32>} : memref<128x64xf32, #tpu.memory_space<vmem>>, vector<16xf32>,
        %get3A_499 = arith.constant 1 : i32
        %get3A_500 = arith.index_cast %get3A_499 : i32 to index
        %get3A_501 = arith.index_cast %mul3A_174 : i32 to index
        %get3A_502 = arith.constant 32 : index
        %get3A_503 = tpu.vector_load %arg12[%get3A_500, %get3A_501, %get3A_502] {strides = array<i32>} : memref<4x320x64xf32, #tpu.memory_space<vmem>>, vector<16xf32>,
        %add3A_504 = arith.constant 1 : i32
        %add3A_505 = arith.addi %mul3A_174, %add3A_504 : i32
        %get3A_506 = arith.constant 1 : i32
        %get3A_507 = arith.index_cast %get3A_506 : i32 to index
        %get3A_508 = arith.index_cast %add3A_505 : i32 to index
        %get3A_509 = arith.constant 32 : index
        %get3A_510 = tpu.vector_load %arg12[%get3A_507, %get3A_508, %get3A_509] {strides = array<i32>} : memref<4x320x64xf32, #tpu.memory_space<vmem>>, vector<16xf32>,
        %add3A_511 = arith.addf %get3A_503, %get3A_510 : vector<16xf32>
        %add3A_512 = arith.constant 2 : i32
        %add3A_513 = arith.addi %mul3A_174, %add3A_512 : i32
        %get3A_514 = arith.constant 1 : i32
        %get3A_515 = arith.index_cast %get3A_514 : i32 to index
        %get3A_516 = arith.index_cast %add3A_513 : i32 to index
        %get3A_517 = arith.constant 32 : index
        %get3A_518 = tpu.vector_load %arg12[%get3A_515, %get3A_516, %get3A_517] {strides = array<i32>} : memref<4x320x64xf32, #tpu.memory_space<vmem>>, vector<16xf32>,
        %add3A_519 = arith.addf %add3A_511, %get3A_518 : vector<16xf32>
        %add3A_520 = arith.constant 3 : i32
        %add3A_521 = arith.addi %mul3A_174, %add3A_520 : i32
        %get3A_522 = arith.constant 1 : i32
        %get3A_523 = arith.index_cast %get3A_522 : i32 to index
        %get3A_524 = arith.index_cast %add3A_521 : i32 to index
        %get3A_525 = arith.constant 32 : index
        %get3A_526 = tpu.vector_load %arg12[%get3A_523, %get3A_524, %get3A_525] {strides = array<i32>} : memref<4x320x64xf32, #tpu.memory_space<vmem>>, vector<16xf32>,
        %add3A_527 = arith.addf %add3A_519, %get3A_526 : vector<16xf32>
        %add3A_528 = arith.constant 4 : i32
        %add3A_529 = arith.addi %mul3A_174, %add3A_528 : i32
        %get3A_530 = arith.constant 1 : i32
        %get3A_531 = arith.index_cast %get3A_530 : i32 to index
        %get3A_532 = arith.index_cast %add3A_529 : i32 to index
        %get3A_533 = arith.constant 32 : index
        %get3A_534 = tpu.vector_load %arg12[%get3A_531, %get3A_532, %get3A_533] {strides = array<i32>} : memref<4x320x64xf32, #tpu.memory_space<vmem>>, vector<16xf32>,
        %add3A_535 = arith.addf %add3A_527, %get3A_534 : vector<16xf32>
        %add3A_536 = arith.constant 5 : i32
        %add3A_537 = arith.addi %mul3A_174, %add3A_536 : i32
        %get3A_538 = arith.constant 1 : i32
        %get3A_539 = arith.index_cast %get3A_538 : i32 to index
        %get3A_540 = arith.index_cast %add3A_537 : i32 to index
        %get3A_541 = arith.constant 32 : index
        %get3A_542 = tpu.vector_load %arg12[%get3A_539, %get3A_540, %get3A_541] {strides = array<i32>} : memref<4x320x64xf32, #tpu.memory_space<vmem>>, vector<16xf32>,
        %add3A_543 = arith.addf %add3A_535, %get3A_542 : vector<16xf32>
        %add3A_544 = arith.constant 6 : i32
        %add3A_545 = arith.addi %mul3A_174, %add3A_544 : i32
        %get3A_546 = arith.constant 1 : i32
        %get3A_547 = arith.index_cast %get3A_546 : i32 to index
        %get3A_548 = arith.index_cast %add3A_545 : i32 to index
        %get3A_549 = arith.constant 32 : index
        %get3A_550 = tpu.vector_load %arg12[%get3A_547, %get3A_548, %get3A_549] {strides = array<i32>} : memref<4x320x64xf32, #tpu.memory_space<vmem>>, vector<16xf32>,
        %add3A_551 = arith.addf %add3A_543, %get3A_550 : vector<16xf32>
        %add3A_552 = arith.constant 7 : i32
        %add3A_553 = arith.addi %mul3A_174, %add3A_552 : i32
        %get3A_554 = arith.constant 1 : i32
        %get3A_555 = arith.index_cast %get3A_554 : i32 to index
        %get3A_556 = arith.index_cast %add3A_553 : i32 to index
        %get3A_557 = arith.constant 32 : index
        %get3A_558 = tpu.vector_load %arg12[%get3A_555, %get3A_556, %get3A_557] {strides = array<i32>} : memref<4x320x64xf32, #tpu.memory_space<vmem>>, vector<16xf32>,
        %add3A_559 = arith.addf %add3A_551, %get3A_558 : vector<16xf32>
        %add3A_560 = arith.constant 8 : i32
        %add3A_561 = arith.addi %mul3A_174, %add3A_560 : i32
        %get3A_562 = arith.constant 1 : i32
        %get3A_563 = arith.index_cast %get3A_562 : i32 to index
        %get3A_564 = arith.index_cast %add3A_561 : i32 to index
        %get3A_565 = arith.constant 32 : index
        %get3A_566 = tpu.vector_load %arg12[%get3A_563, %get3A_564, %get3A_565] {strides = array<i32>} : memref<4x320x64xf32, #tpu.memory_space<vmem>>, vector<16xf32>,
        %add3A_567 = arith.addf %add3A_559, %get3A_566 : vector<16xf32>
        %add3A_568 = arith.constant 9 : i32
        %add3A_569 = arith.addi %mul3A_174, %add3A_568 : i32
        %get3A_570 = arith.constant 1 : i32
        %get3A_571 = arith.index_cast %get3A_570 : i32 to index
        %get3A_572 = arith.index_cast %add3A_569 : i32 to index
        %get3A_573 = arith.constant 32 : index
        %get3A_574 = tpu.vector_load %arg12[%get3A_571, %get3A_572, %get3A_573] {strides = array<i32>} : memref<4x320x64xf32, #tpu.memory_space<vmem>>, vector<16xf32>,
        %add3A_575 = arith.addf %add3A_567, %get3A_574 : vector<16xf32>
        %add3A_576 = arith.constant 10 : i32
        %add3A_577 = arith.addi %mul3A_174, %add3A_576 : i32
        %get3A_578 = arith.constant 1 : i32
        %get3A_579 = arith.index_cast %get3A_578 : i32 to index
        %get3A_580 = arith.index_cast %add3A_577 : i32 to index
        %get3A_581 = arith.constant 32 : index
        %get3A_582 = tpu.vector_load %arg12[%get3A_579, %get3A_580, %get3A_581] {strides = array<i32>} : memref<4x320x64xf32, #tpu.memory_space<vmem>>, vector<16xf32>,
        %add3A_583 = arith.addf %add3A_575, %get3A_582 : vector<16xf32>
        %add3A_584 = arith.constant 11 : i32
        %add3A_585 = arith.addi %mul3A_174, %add3A_584 : i32
        %get3A_586 = arith.constant 1 : i32
        %get3A_587 = arith.index_cast %get3A_586 : i32 to index
        %get3A_588 = arith.index_cast %add3A_585 : i32 to index
        %get3A_589 = arith.constant 32 : index
        %get3A_590 = tpu.vector_load %arg12[%get3A_587, %get3A_588, %get3A_589] {strides = array<i32>} : memref<4x320x64xf32, #tpu.memory_space<vmem>>, vector<16xf32>,
        %add3A_591 = arith.addf %add3A_583, %get3A_590 : vector<16xf32>
        %add3A_592 = arith.constant 12 : i32
        %add3A_593 = arith.addi %mul3A_174, %add3A_592 : i32
        %get3A_594 = arith.constant 1 : i32
        %get3A_595 = arith.index_cast %get3A_594 : i32 to index
        %get3A_596 = arith.index_cast %add3A_593 : i32 to index
        %get3A_597 = arith.constant 32 : index
        %get3A_598 = tpu.vector_load %arg12[%get3A_595, %get3A_596, %get3A_597] {strides = array<i32>} : memref<4x320x64xf32, #tpu.memory_space<vmem>>, vector<16xf32>,
        %add3A_599 = arith.addf %add3A_591, %get3A_598 : vector<16xf32>
        %add3A_600 = arith.constant 13 : i32
        %add3A_601 = arith.addi %mul3A_174, %add3A_600 : i32
        %get3A_602 = arith.constant 1 : i32
        %get3A_603 = arith.index_cast %get3A_602 : i32 to index
        %get3A_604 = arith.index_cast %add3A_601 : i32 to index
        %get3A_605 = arith.constant 32 : index
        %get3A_606 = tpu.vector_load %arg12[%get3A_603, %get3A_604, %get3A_605] {strides = array<i32>} : memref<4x320x64xf32, #tpu.memory_space<vmem>>, vector<16xf32>,
        %add3A_607 = arith.addf %add3A_599, %get3A_606 : vector<16xf32>
        %add3A_608 = arith.constant 14 : i32
        %add3A_609 = arith.addi %mul3A_174, %add3A_608 : i32
        %get3A_610 = arith.constant 1 : i32
        %get3A_611 = arith.index_cast %get3A_610 : i32 to index
        %get3A_612 = arith.index_cast %add3A_609 : i32 to index
        %get3A_613 = arith.constant 32 : index
        %get3A_614 = tpu.vector_load %arg12[%get3A_611, %get3A_612, %get3A_613] {strides = array<i32>} : memref<4x320x64xf32, #tpu.memory_space<vmem>>, vector<16xf32>,
        %add3A_615 = arith.addf %add3A_607, %get3A_614 : vector<16xf32>
        %add3A_616 = arith.constant 15 : i32
        %add3A_617 = arith.addi %mul3A_174, %add3A_616 : i32
        %get3A_618 = arith.constant 1 : i32
        %get3A_619 = arith.index_cast %get3A_618 : i32 to index
        %get3A_620 = arith.index_cast %add3A_617 : i32 to index
        %get3A_621 = arith.constant 32 : index
        %get3A_622 = tpu.vector_load %arg12[%get3A_619, %get3A_620, %get3A_621] {strides = array<i32>} : memref<4x320x64xf32, #tpu.memory_space<vmem>>, vector<16xf32>,
        %add3A_623 = arith.addf %add3A_615, %get3A_622 : vector<16xf32>
        %add3A_624 = arith.constant 16 : i32
        %add3A_625 = arith.addi %mul3A_174, %add3A_624 : i32
        %get3A_626 = arith.constant 1 : i32
        %get3A_627 = arith.index_cast %get3A_626 : i32 to index
        %get3A_628 = arith.index_cast %add3A_625 : i32 to index
        %get3A_629 = arith.constant 32 : index
        %get3A_630 = tpu.vector_load %arg12[%get3A_627, %get3A_628, %get3A_629] {strides = array<i32>} : memref<4x320x64xf32, #tpu.memory_space<vmem>>, vector<16xf32>,
        %add3A_631 = arith.addf %add3A_623, %get3A_630 : vector<16xf32>
        %add3A_632 = arith.constant 17 : i32
        %add3A_633 = arith.addi %mul3A_174, %add3A_632 : i32
        %get3A_634 = arith.constant 1 : i32
        %get3A_635 = arith.index_cast %get3A_634 : i32 to index
        %get3A_636 = arith.index_cast %add3A_633 : i32 to index
        %get3A_637 = arith.constant 32 : index
        %get3A_638 = tpu.vector_load %arg12[%get3A_635, %get3A_636, %get3A_637] {strides = array<i32>} : memref<4x320x64xf32, #tpu.memory_space<vmem>>, vector<16xf32>,
        %add3A_639 = arith.addf %add3A_631, %get3A_638 : vector<16xf32>
        %add3A_640 = arith.constant 18 : i32
        %add3A_641 = arith.addi %mul3A_174, %add3A_640 : i32
        %get3A_642 = arith.constant 1 : i32
        %get3A_643 = arith.index_cast %get3A_642 : i32 to index
        %get3A_644 = arith.index_cast %add3A_641 : i32 to index
        %get3A_645 = arith.constant 32 : index
        %get3A_646 = tpu.vector_load %arg12[%get3A_643, %get3A_644, %get3A_645] {strides = array<i32>} : memref<4x320x64xf32, #tpu.memory_space<vmem>>, vector<16xf32>,
        %add3A_647 = arith.addf %add3A_639, %get3A_646 : vector<16xf32>
        %add3A_648 = arith.constant 19 : i32
        %add3A_649 = arith.addi %mul3A_174, %add3A_648 : i32
        %get3A_650 = arith.constant 1 : i32
        %get3A_651 = arith.index_cast %get3A_650 : i32 to index
        %get3A_652 = arith.index_cast %add3A_649 : i32 to index
        %get3A_653 = arith.constant 32 : index
        %get3A_654 = tpu.vector_load %arg12[%get3A_651, %get3A_652, %get3A_653] {strides = array<i32>} : memref<4x320x64xf32, #tpu.memory_space<vmem>>, vector<16xf32>,
        %add3A_655 = arith.addf %add3A_647, %get3A_654 : vector<16xf32>
        %mul3A_656 = arith.constant 16 : i32
        %mul3A_657 = arith.muli %add3A_89, %mul3A_656 : i32
        %add3A_658 = arith.addi %mul3A_657, %scan3A_172 : i32
        %swap3A_659 = arith.index_cast %add3A_658 : i32 to index
        %swap3A_660 = arith.constant 32 : index
        %swap3A_661 = tpu.vector_load %arg13[%swap3A_659, %swap3A_660] {strides = array<i32>} : memref<128x64xf32, #tpu.memory_space<vmem>>, vector<16xf32>,
        tpu.vector_store %arg13[%swap3A_659, %swap3A_660], %add3A_655 {strides = array<i32>} : memref<128x64xf32, #tpu.memory_space<vmem>>, vector<16xf32>,
        %get3A_662 = arith.constant 1 : i32
        %get3A_663 = arith.index_cast %get3A_662 : i32 to index
        %get3A_664 = arith.index_cast %mul3A_174 : i32 to index
        %get3A_665 = arith.constant 48 : index
        %get3A_666 = tpu.vector_load %arg12[%get3A_663, %get3A_664, %get3A_665] {strides = array<i32>} : memref<4x320x64xf32, #tpu.memory_space<vmem>>, vector<16xf32>,
        %add3A_667 = arith.constant 1 : i32
        %add3A_668 = arith.addi %mul3A_174, %add3A_667 : i32
        %get3A_669 = arith.constant 1 : i32
        %get3A_670 = arith.index_cast %get3A_669 : i32 to index
        %get3A_671 = arith.index_cast %add3A_668 : i32 to index
        %get3A_672 = arith.constant 48 : index
        %get3A_673 = tpu.vector_load %arg12[%get3A_670, %get3A_671, %get3A_672] {strides = array<i32>} : memref<4x320x64xf32, #tpu.memory_space<vmem>>, vector<16xf32>,
        %add3A_674 = arith.addf %get3A_666, %get3A_673 : vector<16xf32>
        %add3A_675 = arith.constant 2 : i32
        %add3A_676 = arith.addi %mul3A_174, %add3A_675 : i32
        %get3A_677 = arith.constant 1 : i32
        %get3A_678 = arith.index_cast %get3A_677 : i32 to index
        %get3A_679 = arith.index_cast %add3A_676 : i32 to index
        %get3A_680 = arith.constant 48 : index
        %get3A_681 = tpu.vector_load %arg12[%get3A_678, %get3A_679, %get3A_680] {strides = array<i32>} : memref<4x320x64xf32, #tpu.memory_space<vmem>>, vector<16xf32>,
        %add3A_682 = arith.addf %add3A_674, %get3A_681 : vector<16xf32>
        %add3A_683 = arith.constant 3 : i32
        %add3A_684 = arith.addi %mul3A_174, %add3A_683 : i32
        %get3A_685 = arith.constant 1 : i32
        %get3A_686 = arith.index_cast %get3A_685 : i32 to index
        %get3A_687 = arith.index_cast %add3A_684 : i32 to index
        %get3A_688 = arith.constant 48 : index
        %get3A_689 = tpu.vector_load %arg12[%get3A_686, %get3A_687, %get3A_688] {strides = array<i32>} : memref<4x320x64xf32, #tpu.memory_space<vmem>>, vector<16xf32>,
        %add3A_690 = arith.addf %add3A_682, %get3A_689 : vector<16xf32>
        %add3A_691 = arith.constant 4 : i32
        %add3A_692 = arith.addi %mul3A_174, %add3A_691 : i32
        %get3A_693 = arith.constant 1 : i32
        %get3A_694 = arith.index_cast %get3A_693 : i32 to index
        %get3A_695 = arith.index_cast %add3A_692 : i32 to index
        %get3A_696 = arith.constant 48 : index
        %get3A_697 = tpu.vector_load %arg12[%get3A_694, %get3A_695, %get3A_696] {strides = array<i32>} : memref<4x320x64xf32, #tpu.memory_space<vmem>>, vector<16xf32>,
        %add3A_698 = arith.addf %add3A_690, %get3A_697 : vector<16xf32>
        %add3A_699 = arith.constant 5 : i32
        %add3A_700 = arith.addi %mul3A_174, %add3A_699 : i32
        %get3A_701 = arith.constant 1 : i32
        %get3A_702 = arith.index_cast %get3A_701 : i32 to index
        %get3A_703 = arith.index_cast %add3A_700 : i32 to index
        %get3A_704 = arith.constant 48 : index
        %get3A_705 = tpu.vector_load %arg12[%get3A_702, %get3A_703, %get3A_704] {strides = array<i32>} : memref<4x320x64xf32, #tpu.memory_space<vmem>>, vector<16xf32>,
        %add3A_706 = arith.addf %add3A_698, %get3A_705 : vector<16xf32>
        %add3A_707 = arith.constant 6 : i32
        %add3A_708 = arith.addi %mul3A_174, %add3A_707 : i32
        %get3A_709 = arith.constant 1 : i32
        %get3A_710 = arith.index_cast %get3A_709 : i32 to index
        %get3A_711 = arith.index_cast %add3A_708 : i32 to index
        %get3A_712 = arith.constant 48 : index
        %get3A_713 = tpu.vector_load %arg12[%get3A_710, %get3A_711, %get3A_712] {strides = array<i32>} : memref<4x320x64xf32, #tpu.memory_space<vmem>>, vector<16xf32>,
        %add3A_714 = arith.addf %add3A_706, %get3A_713 : vector<16xf32>
        %add3A_715 = arith.constant 7 : i32
        %add3A_716 = arith.addi %mul3A_174, %add3A_715 : i32
        %get3A_717 = arith.constant 1 : i32
        %get3A_718 = arith.index_cast %get3A_717 : i32 to index
        %get3A_719 = arith.index_cast %add3A_716 : i32 to index
        %get3A_720 = arith.constant 48 : index
        %get3A_721 = tpu.vector_load %arg12[%get3A_718, %get3A_719, %get3A_720] {strides = array<i32>} : memref<4x320x64xf32, #tpu.memory_space<vmem>>, vector<16xf32>,
        %add3A_722 = arith.addf %add3A_714, %get3A_721 : vector<16xf32>
        %add3A_723 = arith.constant 8 : i32
        %add3A_724 = arith.addi %mul3A_174, %add3A_723 : i32
        %get3A_725 = arith.constant 1 : i32
        %get3A_726 = arith.index_cast %get3A_725 : i32 to index
        %get3A_727 = arith.index_cast %add3A_724 : i32 to index
        %get3A_728 = arith.constant 48 : index
        %get3A_729 = tpu.vector_load %arg12[%get3A_726, %get3A_727, %get3A_728] {strides = array<i32>} : memref<4x320x64xf32, #tpu.memory_space<vmem>>, vector<16xf32>,
        %add3A_730 = arith.addf %add3A_722, %get3A_729 : vector<16xf32>
        %add3A_731 = arith.constant 9 : i32
        %add3A_732 = arith.addi %mul3A_174, %add3A_731 : i32
        %get3A_733 = arith.constant 1 : i32
        %get3A_734 = arith.index_cast %get3A_733 : i32 to index
        %get3A_735 = arith.index_cast %add3A_732 : i32 to index
        %get3A_736 = arith.constant 48 : index
        %get3A_737 = tpu.vector_load %arg12[%get3A_734, %get3A_735, %get3A_736] {strides = array<i32>} : memref<4x320x64xf32, #tpu.memory_space<vmem>>, vector<16xf32>,
        %add3A_738 = arith.addf %add3A_730, %get3A_737 : vector<16xf32>
        %add3A_739 = arith.constant 10 : i32
        %add3A_740 = arith.addi %mul3A_174, %add3A_739 : i32
        %get3A_741 = arith.constant 1 : i32
        %get3A_742 = arith.index_cast %get3A_741 : i32 to index
        %get3A_743 = arith.index_cast %add3A_740 : i32 to index
        %get3A_744 = arith.constant 48 : index
        %get3A_745 = tpu.vector_load %arg12[%get3A_742, %get3A_743, %get3A_744] {strides = array<i32>} : memref<4x320x64xf32, #tpu.memory_space<vmem>>, vector<16xf32>,
        %add3A_746 = arith.addf %add3A_738, %get3A_745 : vector<16xf32>
        %add3A_747 = arith.constant 11 : i32
        %add3A_748 = arith.addi %mul3A_174, %add3A_747 : i32
        %get3A_749 = arith.constant 1 : i32
        %get3A_750 = arith.index_cast %get3A_749 : i32 to index
        %get3A_751 = arith.index_cast %add3A_748 : i32 to index
        %get3A_752 = arith.constant 48 : index
        %get3A_753 = tpu.vector_load %arg12[%get3A_750, %get3A_751, %get3A_752] {strides = array<i32>} : memref<4x320x64xf32, #tpu.memory_space<vmem>>, vector<16xf32>,
        %add3A_754 = arith.addf %add3A_746, %get3A_753 : vector<16xf32>
        %add3A_755 = arith.constant 12 : i32
        %add3A_756 = arith.addi %mul3A_174, %add3A_755 : i32
        %get3A_757 = arith.constant 1 : i32
        %get3A_758 = arith.index_cast %get3A_757 : i32 to index
        %get3A_759 = arith.index_cast %add3A_756 : i32 to index
        %get3A_760 = arith.constant 48 : index
        %get3A_761 = tpu.vector_load %arg12[%get3A_758, %get3A_759, %get3A_760] {strides = array<i32>} : memref<4x320x64xf32, #tpu.memory_space<vmem>>, vector<16xf32>,
        %add3A_762 = arith.addf %add3A_754, %get3A_761 : vector<16xf32>
        %add3A_763 = arith.constant 13 : i32
        %add3A_764 = arith.addi %mul3A_174, %add3A_763 : i32
        %get3A_765 = arith.constant 1 : i32
        %get3A_766 = arith.index_cast %get3A_765 : i32 to index
        %get3A_767 = arith.index_cast %add3A_764 : i32 to index
        %get3A_768 = arith.constant 48 : index
        %get3A_769 = tpu.vector_load %arg12[%get3A_766, %get3A_767, %get3A_768] {strides = array<i32>} : memref<4x320x64xf32, #tpu.memory_space<vmem>>, vector<16xf32>,
        %add3A_770 = arith.addf %add3A_762, %get3A_769 : vector<16xf32>
        %add3A_771 = arith.constant 14 : i32
        %add3A_772 = arith.addi %mul3A_174, %add3A_771 : i32
        %get3A_773 = arith.constant 1 : i32
        %get3A_774 = arith.index_cast %get3A_773 : i32 to index
        %get3A_775 = arith.index_cast %add3A_772 : i32 to index
        %get3A_776 = arith.constant 48 : index
        %get3A_777 = tpu.vector_load %arg12[%get3A_774, %get3A_775, %get3A_776] {strides = array<i32>} : memref<4x320x64xf32, #tpu.memory_space<vmem>>, vector<16xf32>,
        %add3A_778 = arith.addf %add3A_770, %get3A_777 : vector<16xf32>
        %add3A_779 = arith.constant 15 : i32
        %add3A_780 = arith.addi %mul3A_174, %add3A_779 : i32
        %get3A_781 = arith.constant 1 : i32
        %get3A_782 = arith.index_cast %get3A_781 : i32 to index
        %get3A_783 = arith.index_cast %add3A_780 : i32 to index
        %get3A_784 = arith.constant 48 : index
        %get3A_785 = tpu.vector_load %arg12[%get3A_782, %get3A_783, %get3A_784] {strides = array<i32>} : memref<4x320x64xf32, #tpu.memory_space<vmem>>, vector<16xf32>,
        %add3A_786 = arith.addf %add3A_778, %get3A_785 : vector<16xf32>
        %add3A_787 = arith.constant 16 : i32
        %add3A_788 = arith.addi %mul3A_174, %add3A_787 : i32
        %get3A_789 = arith.constant 1 : i32
        %get3A_790 = arith.index_cast %get3A_789 : i32 to index
        %get3A_791 = arith.index_cast %add3A_788 : i32 to index
        %get3A_792 = arith.constant 48 : index
        %get3A_793 = tpu.vector_load %arg12[%get3A_790, %get3A_791, %get3A_792] {strides = array<i32>} : memref<4x320x64xf32, #tpu.memory_space<vmem>>, vector<16xf32>,
        %add3A_794 = arith.addf %add3A_786, %get3A_793 : vector<16xf32>
        %add3A_795 = arith.constant 17 : i32
        %add3A_796 = arith.addi %mul3A_174, %add3A_795 : i32
        %get3A_797 = arith.constant 1 : i32
        %get3A_798 = arith.index_cast %get3A_797 : i32 to index
        %get3A_799 = arith.index_cast %add3A_796 : i32 to index
        %get3A_800 = arith.constant 48 : index
        %get3A_801 = tpu.vector_load %arg12[%get3A_798, %get3A_799, %get3A_800] {strides = array<i32>} : memref<4x320x64xf32, #tpu.memory_space<vmem>>, vector<16xf32>,
        %add3A_802 = arith.addf %add3A_794, %get3A_801 : vector<16xf32>
        %add3A_803 = arith.constant 18 : i32
        %add3A_804 = arith.addi %mul3A_174, %add3A_803 : i32
        %get3A_805 = arith.constant 1 : i32
        %get3A_806 = arith.index_cast %get3A_805 : i32 to index
        %get3A_807 = arith.index_cast %add3A_804 : i32 to index
        %get3A_808 = arith.constant 48 : index
        %get3A_809 = tpu.vector_load %arg12[%get3A_806, %get3A_807, %get3A_808] {strides = array<i32>} : memref<4x320x64xf32, #tpu.memory_space<vmem>>, vector<16xf32>,
        %add3A_810 = arith.addf %add3A_802, %get3A_809 : vector<16xf32>
        %add3A_811 = arith.constant 19 : i32
        %add3A_812 = arith.addi %mul3A_174, %add3A_811 : i32
        %get3A_813 = arith.constant 1 : i32
        %get3A_814 = arith.index_cast %get3A_813 : i32 to index
        %get3A_815 = arith.index_cast %add3A_812 : i32 to index
        %get3A_816 = arith.constant 48 : index
        %get3A_817 = tpu.vector_load %arg12[%get3A_814, %get3A_815, %get3A_816] {strides = array<i32>} : memref<4x320x64xf32, #tpu.memory_space<vmem>>, vector<16xf32>,
        %add3A_818 = arith.addf %add3A_810, %get3A_817 : vector<16xf32>
        %mul3A_819 = arith.constant 16 : i32
        %mul3A_820 = arith.muli %add3A_89, %mul3A_819 : i32
        %add3A_821 = arith.addi %mul3A_820, %scan3A_172 : i32
        %swap3A_822 = arith.index_cast %add3A_821 : i32 to index
        %swap3A_823 = arith.constant 48 : index
        %swap3A_824 = tpu.vector_load %arg13[%swap3A_822, %swap3A_823] {strides = array<i32>} : memref<128x64xf32, #tpu.memory_space<vmem>>, vector<16xf32>,
        tpu.vector_store %arg13[%swap3A_822, %swap3A_823], %add3A_818 {strides = array<i32>} : memref<128x64xf32, #tpu.memory_space<vmem>>, vector<16xf32>,
      }
      %scan3A_106 = arith.constant 16 : i32
      %add3A_107 = arith.constant 1 : i32
      %add3A_108 = arith.addi %mul3A_62, %add3A_107 : i32
      %add3A_109 = arith.constant 4 : i32
      %add3A_110 = arith.addi %add3A_108, %add3A_109 : i32
      %lt3A_111 = arith.constant 8 : i32
      %lt3A_112 = arith.cmpi slt, %add3A_110, %lt3A_111 : i32
      %convert_element_type3A_113 = arith.extui %lt3A_112 : i1 to i32
      %cond3A_114 = arith.constant 0 : i32
      %cond3A_115 = arith.cmpi ne, %convert_element_type3A_113, %cond3A_114 : i32
      scf.if %cond3A_115 {
        %add3A_172 = arith.constant 1 : i32
        %add3A_173 = arith.addi %mul3A_62, %add3A_172 : i32
        %add3A_174 = arith.constant 4 : i32
        %add3A_175 = arith.addi %add3A_173, %add3A_174 : i32
        %mul3A_176 = arith.constant 320 : i32
        %mul3A_177 = arith.muli %add3A_175, %mul3A_176 : i32
        %dma_start3A_178 = arith.constant 1 : i32
        %dma_start3A_179 = arith.constant 0 : i32
        %dma_start3A_180 = arith.constant 0 : i32
        %dma_start3A_181 = tpu.memref_slice %arg12[%dma_start3A_178, %dma_start3A_179, %dma_start3A_180] : memref<4x320x64xf32, #tpu.memory_space<vmem>> -> memref<1x320x64xf32, #tpu.memory_space<vmem>>
        %dma_start3A_182 = tpu.memref_squeeze %dma_start3A_181 : memref<1x320x64xf32, #tpu.memory_space<vmem>> -> memref<320x64xf32, #tpu.memory_space<vmem>>
        %dma_start3A_183 = tpu.memref_slice %arg11[%mul3A_177] : memref<2560xi32, #tpu.memory_space<vmem>> -> memref<320xi32, #tpu.memory_space<vmem>>
        %dma_start3A_184 = arith.constant 0 : i32
        %dma_start3A_185 = arith.constant 0 : i32
        %dma_start3A_186 = tpu.memref_slice %arg5[%dma_start3A_184, %dma_start3A_185] : memref<102400x64xf32, #tpu.memory_space<hbm>> -> memref<102400x64xf32, #tpu.memory_space<hbm>>
        tpu.enqueue_indirect_dma source(%dma_start3A_186 : memref<102400x64xf32, #tpu.memory_space<hbm>>) target(%dma_start3A_182 : memref<320x64xf32, #tpu.memory_space<vmem>>) offsets(%dma_start3A_183 : memref<320xi32, #tpu.memory_space<vmem>>) semaphore(%arg19 : memref<!tpu.dma_semaphore, #tpu.memory_space<semaphore_mem>>)
      } else {
      }
      %add3A_116 = arith.constant 2 : i32
      %add3A_117 = arith.addi %mul3A_62, %add3A_116 : i32
      %mul3A_118 = arith.constant 320 : i32
      %mul3A_119 = arith.muli %add3A_117, %mul3A_118 : i32
      %dma_wait3A_120 = arith.constant 2 : i32
      %dma_wait3A_121 = arith.constant 0 : i32
      %dma_wait3A_122 = arith.constant 0 : i32
      %dma_wait3A_123 = tpu.memref_slice %arg12[%dma_wait3A_120, %dma_wait3A_121, %dma_wait3A_122] : memref<4x320x64xf32, #tpu.memory_space<vmem>> -> memref<1x320x64xf32, #tpu.memory_space<vmem>>
      %dma_wait3A_124 = tpu.memref_squeeze %dma_wait3A_123 : memref<1x320x64xf32, #tpu.memory_space<vmem>> -> memref<320x64xf32, #tpu.memory_space<vmem>>
      %dma_wait3A_125 = tpu.memref_slice %arg11[%mul3A_119] : memref<2560xi32, #tpu.memory_space<vmem>> -> memref<320xi32, #tpu.memory_space<vmem>>
      %dma_wait3A_126 = arith.constant 0 : i32
      %dma_wait3A_127 = arith.constant 0 : i32
      %dma_wait3A_128 = tpu.memref_slice %arg5[%dma_wait3A_126, %dma_wait3A_127] : memref<102400x64xf32, #tpu.memory_space<hbm>> -> memref<102400x64xf32, #tpu.memory_space<hbm>>
      tpu.wait_indirect_dma semaphore(%arg20 : memref<!tpu.dma_semaphore, #tpu.memory_space<semaphore_mem>>) src(%dma_wait3A_128 : memref<102400x64xf32, #tpu.memory_space<hbm>>) dst(%dma_wait3A_124 : memref<320x64xf32, #tpu.memory_space<vmem>>)
      %scan3A_129 = arith.constant 0 : i32
      %scan3A_130 = arith.constant 0 : i32
      %scan3A_131 = arith.constant 16 : i32
      %scan3A_132 = arith.addi %scan3A_130, %scan3A_131 : i32
      %scan3A_133 = arith.constant 1 : i32
      scf.for %scan3A_172 = %scan3A_130 to %scan3A_132 step %scan3A_133  : i32 {
        %mul3A_173 = arith.constant 20 : i32
        %mul3A_174 = arith.muli %scan3A_172, %mul3A_173 : i32
        %get3A = arith.constant 2 : i32
        %get3A_175 = arith.index_cast %get3A : i32 to index
        %get3A_176 = arith.index_cast %mul3A_174 : i32 to index
        %get3A_177 = arith.constant 0 : index
        %get3A_178 = tpu.vector_load %arg12[%get3A_175, %get3A_176, %get3A_177] {strides = array<i32>} : memref<4x320x64xf32, #tpu.memory_space<vmem>>, vector<16xf32>,
        %add3A_179 = arith.constant 1 : i32
        %add3A_180 = arith.addi %mul3A_174, %add3A_179 : i32
        %get3A_181 = arith.constant 2 : i32
        %get3A_182 = arith.index_cast %get3A_181 : i32 to index
        %get3A_183 = arith.index_cast %add3A_180 : i32 to index
        %get3A_184 = arith.constant 0 : index
        %get3A_185 = tpu.vector_load %arg12[%get3A_182, %get3A_183, %get3A_184] {strides = array<i32>} : memref<4x320x64xf32, #tpu.memory_space<vmem>>, vector<16xf32>,
        %add3A_186 = arith.addf %get3A_178, %get3A_185 : vector<16xf32>
        %add3A_187 = arith.constant 2 : i32
        %add3A_188 = arith.addi %mul3A_174, %add3A_187 : i32
        %get3A_189 = arith.constant 2 : i32
        %get3A_190 = arith.index_cast %get3A_189 : i32 to index
        %get3A_191 = arith.index_cast %add3A_188 : i32 to index
        %get3A_192 = arith.constant 0 : index
        %get3A_193 = tpu.vector_load %arg12[%get3A_190, %get3A_191, %get3A_192] {strides = array<i32>} : memref<4x320x64xf32, #tpu.memory_space<vmem>>, vector<16xf32>,
        %add3A_194 = arith.addf %add3A_186, %get3A_193 : vector<16xf32>
        %add3A_195 = arith.constant 3 : i32
        %add3A_196 = arith.addi %mul3A_174, %add3A_195 : i32
        %get3A_197 = arith.constant 2 : i32
        %get3A_198 = arith.index_cast %get3A_197 : i32 to index
        %get3A_199 = arith.index_cast %add3A_196 : i32 to index
        %get3A_200 = arith.constant 0 : index
        %get3A_201 = tpu.vector_load %arg12[%get3A_198, %get3A_199, %get3A_200] {strides = array<i32>} : memref<4x320x64xf32, #tpu.memory_space<vmem>>, vector<16xf32>,
        %add3A_202 = arith.addf %add3A_194, %get3A_201 : vector<16xf32>
        %add3A_203 = arith.constant 4 : i32
        %add3A_204 = arith.addi %mul3A_174, %add3A_203 : i32
        %get3A_205 = arith.constant 2 : i32
        %get3A_206 = arith.index_cast %get3A_205 : i32 to index
        %get3A_207 = arith.index_cast %add3A_204 : i32 to index
        %get3A_208 = arith.constant 0 : index
        %get3A_209 = tpu.vector_load %arg12[%get3A_206, %get3A_207, %get3A_208] {strides = array<i32>} : memref<4x320x64xf32, #tpu.memory_space<vmem>>, vector<16xf32>,
        %add3A_210 = arith.addf %add3A_202, %get3A_209 : vector<16xf32>
        %add3A_211 = arith.constant 5 : i32
        %add3A_212 = arith.addi %mul3A_174, %add3A_211 : i32
        %get3A_213 = arith.constant 2 : i32
        %get3A_214 = arith.index_cast %get3A_213 : i32 to index
        %get3A_215 = arith.index_cast %add3A_212 : i32 to index
        %get3A_216 = arith.constant 0 : index
        %get3A_217 = tpu.vector_load %arg12[%get3A_214, %get3A_215, %get3A_216] {strides = array<i32>} : memref<4x320x64xf32, #tpu.memory_space<vmem>>, vector<16xf32>,
        %add3A_218 = arith.addf %add3A_210, %get3A_217 : vector<16xf32>
        %add3A_219 = arith.constant 6 : i32
        %add3A_220 = arith.addi %mul3A_174, %add3A_219 : i32
        %get3A_221 = arith.constant 2 : i32
        %get3A_222 = arith.index_cast %get3A_221 : i32 to index
        %get3A_223 = arith.index_cast %add3A_220 : i32 to index
        %get3A_224 = arith.constant 0 : index
        %get3A_225 = tpu.vector_load %arg12[%get3A_222, %get3A_223, %get3A_224] {strides = array<i32>} : memref<4x320x64xf32, #tpu.memory_space<vmem>>, vector<16xf32>,
        %add3A_226 = arith.addf %add3A_218, %get3A_225 : vector<16xf32>
        %add3A_227 = arith.constant 7 : i32
        %add3A_228 = arith.addi %mul3A_174, %add3A_227 : i32
        %get3A_229 = arith.constant 2 : i32
        %get3A_230 = arith.index_cast %get3A_229 : i32 to index
        %get3A_231 = arith.index_cast %add3A_228 : i32 to index
        %get3A_232 = arith.constant 0 : index
        %get3A_233 = tpu.vector_load %arg12[%get3A_230, %get3A_231, %get3A_232] {strides = array<i32>} : memref<4x320x64xf32, #tpu.memory_space<vmem>>, vector<16xf32>,
        %add3A_234 = arith.addf %add3A_226, %get3A_233 : vector<16xf32>
        %add3A_235 = arith.constant 8 : i32
        %add3A_236 = arith.addi %mul3A_174, %add3A_235 : i32
        %get3A_237 = arith.constant 2 : i32
        %get3A_238 = arith.index_cast %get3A_237 : i32 to index
        %get3A_239 = arith.index_cast %add3A_236 : i32 to index
        %get3A_240 = arith.constant 0 : index
        %get3A_241 = tpu.vector_load %arg12[%get3A_238, %get3A_239, %get3A_240] {strides = array<i32>} : memref<4x320x64xf32, #tpu.memory_space<vmem>>, vector<16xf32>,
        %add3A_242 = arith.addf %add3A_234, %get3A_241 : vector<16xf32>
        %add3A_243 = arith.constant 9 : i32
        %add3A_244 = arith.addi %mul3A_174, %add3A_243 : i32
        %get3A_245 = arith.constant 2 : i32
        %get3A_246 = arith.index_cast %get3A_245 : i32 to index
        %get3A_247 = arith.index_cast %add3A_244 : i32 to index
        %get3A_248 = arith.constant 0 : index
        %get3A_249 = tpu.vector_load %arg12[%get3A_246, %get3A_247, %get3A_248] {strides = array<i32>} : memref<4x320x64xf32, #tpu.memory_space<vmem>>, vector<16xf32>,
        %add3A_250 = arith.addf %add3A_242, %get3A_249 : vector<16xf32>
        %add3A_251 = arith.constant 10 : i32
        %add3A_252 = arith.addi %mul3A_174, %add3A_251 : i32
        %get3A_253 = arith.constant 2 : i32
        %get3A_254 = arith.index_cast %get3A_253 : i32 to index
        %get3A_255 = arith.index_cast %add3A_252 : i32 to index
        %get3A_256 = arith.constant 0 : index
        %get3A_257 = tpu.vector_load %arg12[%get3A_254, %get3A_255, %get3A_256] {strides = array<i32>} : memref<4x320x64xf32, #tpu.memory_space<vmem>>, vector<16xf32>,
        %add3A_258 = arith.addf %add3A_250, %get3A_257 : vector<16xf32>
        %add3A_259 = arith.constant 11 : i32
        %add3A_260 = arith.addi %mul3A_174, %add3A_259 : i32
        %get3A_261 = arith.constant 2 : i32
        %get3A_262 = arith.index_cast %get3A_261 : i32 to index
        %get3A_263 = arith.index_cast %add3A_260 : i32 to index
        %get3A_264 = arith.constant 0 : index
        %get3A_265 = tpu.vector_load %arg12[%get3A_262, %get3A_263, %get3A_264] {strides = array<i32>} : memref<4x320x64xf32, #tpu.memory_space<vmem>>, vector<16xf32>,
        %add3A_266 = arith.addf %add3A_258, %get3A_265 : vector<16xf32>
        %add3A_267 = arith.constant 12 : i32
        %add3A_268 = arith.addi %mul3A_174, %add3A_267 : i32
        %get3A_269 = arith.constant 2 : i32
        %get3A_270 = arith.index_cast %get3A_269 : i32 to index
        %get3A_271 = arith.index_cast %add3A_268 : i32 to index
        %get3A_272 = arith.constant 0 : index
        %get3A_273 = tpu.vector_load %arg12[%get3A_270, %get3A_271, %get3A_272] {strides = array<i32>} : memref<4x320x64xf32, #tpu.memory_space<vmem>>, vector<16xf32>,
        %add3A_274 = arith.addf %add3A_266, %get3A_273 : vector<16xf32>
        %add3A_275 = arith.constant 13 : i32
        %add3A_276 = arith.addi %mul3A_174, %add3A_275 : i32
        %get3A_277 = arith.constant 2 : i32
        %get3A_278 = arith.index_cast %get3A_277 : i32 to index
        %get3A_279 = arith.index_cast %add3A_276 : i32 to index
        %get3A_280 = arith.constant 0 : index
        %get3A_281 = tpu.vector_load %arg12[%get3A_278, %get3A_279, %get3A_280] {strides = array<i32>} : memref<4x320x64xf32, #tpu.memory_space<vmem>>, vector<16xf32>,
        %add3A_282 = arith.addf %add3A_274, %get3A_281 : vector<16xf32>
        %add3A_283 = arith.constant 14 : i32
        %add3A_284 = arith.addi %mul3A_174, %add3A_283 : i32
        %get3A_285 = arith.constant 2 : i32
        %get3A_286 = arith.index_cast %get3A_285 : i32 to index
        %get3A_287 = arith.index_cast %add3A_284 : i32 to index
        %get3A_288 = arith.constant 0 : index
        %get3A_289 = tpu.vector_load %arg12[%get3A_286, %get3A_287, %get3A_288] {strides = array<i32>} : memref<4x320x64xf32, #tpu.memory_space<vmem>>, vector<16xf32>,
        %add3A_290 = arith.addf %add3A_282, %get3A_289 : vector<16xf32>
        %add3A_291 = arith.constant 15 : i32
        %add3A_292 = arith.addi %mul3A_174, %add3A_291 : i32
        %get3A_293 = arith.constant 2 : i32
        %get3A_294 = arith.index_cast %get3A_293 : i32 to index
        %get3A_295 = arith.index_cast %add3A_292 : i32 to index
        %get3A_296 = arith.constant 0 : index
        %get3A_297 = tpu.vector_load %arg12[%get3A_294, %get3A_295, %get3A_296] {strides = array<i32>} : memref<4x320x64xf32, #tpu.memory_space<vmem>>, vector<16xf32>,
        %add3A_298 = arith.addf %add3A_290, %get3A_297 : vector<16xf32>
        %add3A_299 = arith.constant 16 : i32
        %add3A_300 = arith.addi %mul3A_174, %add3A_299 : i32
        %get3A_301 = arith.constant 2 : i32
        %get3A_302 = arith.index_cast %get3A_301 : i32 to index
        %get3A_303 = arith.index_cast %add3A_300 : i32 to index
        %get3A_304 = arith.constant 0 : index
        %get3A_305 = tpu.vector_load %arg12[%get3A_302, %get3A_303, %get3A_304] {strides = array<i32>} : memref<4x320x64xf32, #tpu.memory_space<vmem>>, vector<16xf32>,
        %add3A_306 = arith.addf %add3A_298, %get3A_305 : vector<16xf32>
        %add3A_307 = arith.constant 17 : i32
        %add3A_308 = arith.addi %mul3A_174, %add3A_307 : i32
        %get3A_309 = arith.constant 2 : i32
        %get3A_310 = arith.index_cast %get3A_309 : i32 to index
        %get3A_311 = arith.index_cast %add3A_308 : i32 to index
        %get3A_312 = arith.constant 0 : index
        %get3A_313 = tpu.vector_load %arg12[%get3A_310, %get3A_311, %get3A_312] {strides = array<i32>} : memref<4x320x64xf32, #tpu.memory_space<vmem>>, vector<16xf32>,
        %add3A_314 = arith.addf %add3A_306, %get3A_313 : vector<16xf32>
        %add3A_315 = arith.constant 18 : i32
        %add3A_316 = arith.addi %mul3A_174, %add3A_315 : i32
        %get3A_317 = arith.constant 2 : i32
        %get3A_318 = arith.index_cast %get3A_317 : i32 to index
        %get3A_319 = arith.index_cast %add3A_316 : i32 to index
        %get3A_320 = arith.constant 0 : index
        %get3A_321 = tpu.vector_load %arg12[%get3A_318, %get3A_319, %get3A_320] {strides = array<i32>} : memref<4x320x64xf32, #tpu.memory_space<vmem>>, vector<16xf32>,
        %add3A_322 = arith.addf %add3A_314, %get3A_321 : vector<16xf32>
        %add3A_323 = arith.constant 19 : i32
        %add3A_324 = arith.addi %mul3A_174, %add3A_323 : i32
        %get3A_325 = arith.constant 2 : i32
        %get3A_326 = arith.index_cast %get3A_325 : i32 to index
        %get3A_327 = arith.index_cast %add3A_324 : i32 to index
        %get3A_328 = arith.constant 0 : index
        %get3A_329 = tpu.vector_load %arg12[%get3A_326, %get3A_327, %get3A_328] {strides = array<i32>} : memref<4x320x64xf32, #tpu.memory_space<vmem>>, vector<16xf32>,
        %add3A_330 = arith.addf %add3A_322, %get3A_329 : vector<16xf32>
        %mul3A_331 = arith.constant 16 : i32
        %mul3A_332 = arith.muli %add3A_117, %mul3A_331 : i32
        %add3A_333 = arith.addi %mul3A_332, %scan3A_172 : i32
        %swap3A = arith.index_cast %add3A_333 : i32 to index
        %swap3A_334 = arith.constant 0 : index
        %swap3A_335 = tpu.vector_load %arg13[%swap3A, %swap3A_334] {strides = array<i32>} : memref<128x64xf32, #tpu.memory_space<vmem>>, vector<16xf32>,
        tpu.vector_store %arg13[%swap3A, %swap3A_334], %add3A_330 {strides = array<i32>} : memref<128x64xf32, #tpu.memory_space<vmem>>, vector<16xf32>,
        %get3A_336 = arith.constant 2 : i32
        %get3A_337 = arith.index_cast %get3A_336 : i32 to index
        %get3A_338 = arith.index_cast %mul3A_174 : i32 to index
        %get3A_339 = arith.constant 16 : index
        %get3A_340 = tpu.vector_load %arg12[%get3A_337, %get3A_338, %get3A_339] {strides = array<i32>} : memref<4x320x64xf32, #tpu.memory_space<vmem>>, vector<16xf32>,
        %add3A_341 = arith.constant 1 : i32
        %add3A_342 = arith.addi %mul3A_174, %add3A_341 : i32
        %get3A_343 = arith.constant 2 : i32
        %get3A_344 = arith.index_cast %get3A_343 : i32 to index
        %get3A_345 = arith.index_cast %add3A_342 : i32 to index
        %get3A_346 = arith.constant 16 : index
        %get3A_347 = tpu.vector_load %arg12[%get3A_344, %get3A_345, %get3A_346] {strides = array<i32>} : memref<4x320x64xf32, #tpu.memory_space<vmem>>, vector<16xf32>,
        %add3A_348 = arith.addf %get3A_340, %get3A_347 : vector<16xf32>
        %add3A_349 = arith.constant 2 : i32
        %add3A_350 = arith.addi %mul3A_174, %add3A_349 : i32
        %get3A_351 = arith.constant 2 : i32
        %get3A_352 = arith.index_cast %get3A_351 : i32 to index
        %get3A_353 = arith.index_cast %add3A_350 : i32 to index
        %get3A_354 = arith.constant 16 : index
        %get3A_355 = tpu.vector_load %arg12[%get3A_352, %get3A_353, %get3A_354] {strides = array<i32>} : memref<4x320x64xf32, #tpu.memory_space<vmem>>, vector<16xf32>,
        %add3A_356 = arith.addf %add3A_348, %get3A_355 : vector<16xf32>
        %add3A_357 = arith.constant 3 : i32
        %add3A_358 = arith.addi %mul3A_174, %add3A_357 : i32
        %get3A_359 = arith.constant 2 : i32
        %get3A_360 = arith.index_cast %get3A_359 : i32 to index
        %get3A_361 = arith.index_cast %add3A_358 : i32 to index
        %get3A_362 = arith.constant 16 : index
        %get3A_363 = tpu.vector_load %arg12[%get3A_360, %get3A_361, %get3A_362] {strides = array<i32>} : memref<4x320x64xf32, #tpu.memory_space<vmem>>, vector<16xf32>,
        %add3A_364 = arith.addf %add3A_356, %get3A_363 : vector<16xf32>
        %add3A_365 = arith.constant 4 : i32
        %add3A_366 = arith.addi %mul3A_174, %add3A_365 : i32
        %get3A_367 = arith.constant 2 : i32
        %get3A_368 = arith.index_cast %get3A_367 : i32 to index
        %get3A_369 = arith.index_cast %add3A_366 : i32 to index
        %get3A_370 = arith.constant 16 : index
        %get3A_371 = tpu.vector_load %arg12[%get3A_368, %get3A_369, %get3A_370] {strides = array<i32>} : memref<4x320x64xf32, #tpu.memory_space<vmem>>, vector<16xf32>,
        %add3A_372 = arith.addf %add3A_364, %get3A_371 : vector<16xf32>
        %add3A_373 = arith.constant 5 : i32
        %add3A_374 = arith.addi %mul3A_174, %add3A_373 : i32
        %get3A_375 = arith.constant 2 : i32
        %get3A_376 = arith.index_cast %get3A_375 : i32 to index
        %get3A_377 = arith.index_cast %add3A_374 : i32 to index
        %get3A_378 = arith.constant 16 : index
        %get3A_379 = tpu.vector_load %arg12[%get3A_376, %get3A_377, %get3A_378] {strides = array<i32>} : memref<4x320x64xf32, #tpu.memory_space<vmem>>, vector<16xf32>,
        %add3A_380 = arith.addf %add3A_372, %get3A_379 : vector<16xf32>
        %add3A_381 = arith.constant 6 : i32
        %add3A_382 = arith.addi %mul3A_174, %add3A_381 : i32
        %get3A_383 = arith.constant 2 : i32
        %get3A_384 = arith.index_cast %get3A_383 : i32 to index
        %get3A_385 = arith.index_cast %add3A_382 : i32 to index
        %get3A_386 = arith.constant 16 : index
        %get3A_387 = tpu.vector_load %arg12[%get3A_384, %get3A_385, %get3A_386] {strides = array<i32>} : memref<4x320x64xf32, #tpu.memory_space<vmem>>, vector<16xf32>,
        %add3A_388 = arith.addf %add3A_380, %get3A_387 : vector<16xf32>
        %add3A_389 = arith.constant 7 : i32
        %add3A_390 = arith.addi %mul3A_174, %add3A_389 : i32
        %get3A_391 = arith.constant 2 : i32
        %get3A_392 = arith.index_cast %get3A_391 : i32 to index
        %get3A_393 = arith.index_cast %add3A_390 : i32 to index
        %get3A_394 = arith.constant 16 : index
        %get3A_395 = tpu.vector_load %arg12[%get3A_392, %get3A_393, %get3A_394] {strides = array<i32>} : memref<4x320x64xf32, #tpu.memory_space<vmem>>, vector<16xf32>,
        %add3A_396 = arith.addf %add3A_388, %get3A_395 : vector<16xf32>
        %add3A_397 = arith.constant 8 : i32
        %add3A_398 = arith.addi %mul3A_174, %add3A_397 : i32
        %get3A_399 = arith.constant 2 : i32
        %get3A_400 = arith.index_cast %get3A_399 : i32 to index
        %get3A_401 = arith.index_cast %add3A_398 : i32 to index
        %get3A_402 = arith.constant 16 : index
        %get3A_403 = tpu.vector_load %arg12[%get3A_400, %get3A_401, %get3A_402] {strides = array<i32>} : memref<4x320x64xf32, #tpu.memory_space<vmem>>, vector<16xf32>,
        %add3A_404 = arith.addf %add3A_396, %get3A_403 : vector<16xf32>
        %add3A_405 = arith.constant 9 : i32
        %add3A_406 = arith.addi %mul3A_174, %add3A_405 : i32
        %get3A_407 = arith.constant 2 : i32
        %get3A_408 = arith.index_cast %get3A_407 : i32 to index
        %get3A_409 = arith.index_cast %add3A_406 : i32 to index
        %get3A_410 = arith.constant 16 : index
        %get3A_411 = tpu.vector_load %arg12[%get3A_408, %get3A_409, %get3A_410] {strides = array<i32>} : memref<4x320x64xf32, #tpu.memory_space<vmem>>, vector<16xf32>,
        %add3A_412 = arith.addf %add3A_404, %get3A_411 : vector<16xf32>
        %add3A_413 = arith.constant 10 : i32
        %add3A_414 = arith.addi %mul3A_174, %add3A_413 : i32
        %get3A_415 = arith.constant 2 : i32
        %get3A_416 = arith.index_cast %get3A_415 : i32 to index
        %get3A_417 = arith.index_cast %add3A_414 : i32 to index
        %get3A_418 = arith.constant 16 : index
        %get3A_419 = tpu.vector_load %arg12[%get3A_416, %get3A_417, %get3A_418] {strides = array<i32>} : memref<4x320x64xf32, #tpu.memory_space<vmem>>, vector<16xf32>,
        %add3A_420 = arith.addf %add3A_412, %get3A_419 : vector<16xf32>
        %add3A_421 = arith.constant 11 : i32
        %add3A_422 = arith.addi %mul3A_174, %add3A_421 : i32
        %get3A_423 = arith.constant 2 : i32
        %get3A_424 = arith.index_cast %get3A_423 : i32 to index
        %get3A_425 = arith.index_cast %add3A_422 : i32 to index
        %get3A_426 = arith.constant 16 : index
        %get3A_427 = tpu.vector_load %arg12[%get3A_424, %get3A_425, %get3A_426] {strides = array<i32>} : memref<4x320x64xf32, #tpu.memory_space<vmem>>, vector<16xf32>,
        %add3A_428 = arith.addf %add3A_420, %get3A_427 : vector<16xf32>
        %add3A_429 = arith.constant 12 : i32
        %add3A_430 = arith.addi %mul3A_174, %add3A_429 : i32
        %get3A_431 = arith.constant 2 : i32
        %get3A_432 = arith.index_cast %get3A_431 : i32 to index
        %get3A_433 = arith.index_cast %add3A_430 : i32 to index
        %get3A_434 = arith.constant 16 : index
        %get3A_435 = tpu.vector_load %arg12[%get3A_432, %get3A_433, %get3A_434] {strides = array<i32>} : memref<4x320x64xf32, #tpu.memory_space<vmem>>, vector<16xf32>,
        %add3A_436 = arith.addf %add3A_428, %get3A_435 : vector<16xf32>
        %add3A_437 = arith.constant 13 : i32
        %add3A_438 = arith.addi %mul3A_174, %add3A_437 : i32
        %get3A_439 = arith.constant 2 : i32
        %get3A_440 = arith.index_cast %get3A_439 : i32 to index
        %get3A_441 = arith.index_cast %add3A_438 : i32 to index
        %get3A_442 = arith.constant 16 : index
        %get3A_443 = tpu.vector_load %arg12[%get3A_440, %get3A_441, %get3A_442] {strides = array<i32>} : memref<4x320x64xf32, #tpu.memory_space<vmem>>, vector<16xf32>,
        %add3A_444 = arith.addf %add3A_436, %get3A_443 : vector<16xf32>
        %add3A_445 = arith.constant 14 : i32
        %add3A_446 = arith.addi %mul3A_174, %add3A_445 : i32
        %get3A_447 = arith.constant 2 : i32
        %get3A_448 = arith.index_cast %get3A_447 : i32 to index
        %get3A_449 = arith.index_cast %add3A_446 : i32 to index
        %get3A_450 = arith.constant 16 : index
        %get3A_451 = tpu.vector_load %arg12[%get3A_448, %get3A_449, %get3A_450] {strides = array<i32>} : memref<4x320x64xf32, #tpu.memory_space<vmem>>, vector<16xf32>,
        %add3A_452 = arith.addf %add3A_444, %get3A_451 : vector<16xf32>
        %add3A_453 = arith.constant 15 : i32
        %add3A_454 = arith.addi %mul3A_174, %add3A_453 : i32
        %get3A_455 = arith.constant 2 : i32
        %get3A_456 = arith.index_cast %get3A_455 : i32 to index
        %get3A_457 = arith.index_cast %add3A_454 : i32 to index
        %get3A_458 = arith.constant 16 : index
        %get3A_459 = tpu.vector_load %arg12[%get3A_456, %get3A_457, %get3A_458] {strides = array<i32>} : memref<4x320x64xf32, #tpu.memory_space<vmem>>, vector<16xf32>,
        %add3A_460 = arith.addf %add3A_452, %get3A_459 : vector<16xf32>
        %add3A_461 = arith.constant 16 : i32
        %add3A_462 = arith.addi %mul3A_174, %add3A_461 : i32
        %get3A_463 = arith.constant 2 : i32
        %get3A_464 = arith.index_cast %get3A_463 : i32 to index
        %get3A_465 = arith.index_cast %add3A_462 : i32 to index
        %get3A_466 = arith.constant 16 : index
        %get3A_467 = tpu.vector_load %arg12[%get3A_464, %get3A_465, %get3A_466] {strides = array<i32>} : memref<4x320x64xf32, #tpu.memory_space<vmem>>, vector<16xf32>,
        %add3A_468 = arith.addf %add3A_460, %get3A_467 : vector<16xf32>
        %add3A_469 = arith.constant 17 : i32
        %add3A_470 = arith.addi %mul3A_174, %add3A_469 : i32
        %get3A_471 = arith.constant 2 : i32
        %get3A_472 = arith.index_cast %get3A_471 : i32 to index
        %get3A_473 = arith.index_cast %add3A_470 : i32 to index
        %get3A_474 = arith.constant 16 : index
        %get3A_475 = tpu.vector_load %arg12[%get3A_472, %get3A_473, %get3A_474] {strides = array<i32>} : memref<4x320x64xf32, #tpu.memory_space<vmem>>, vector<16xf32>,
        %add3A_476 = arith.addf %add3A_468, %get3A_475 : vector<16xf32>
        %add3A_477 = arith.constant 18 : i32
        %add3A_478 = arith.addi %mul3A_174, %add3A_477 : i32
        %get3A_479 = arith.constant 2 : i32
        %get3A_480 = arith.index_cast %get3A_479 : i32 to index
        %get3A_481 = arith.index_cast %add3A_478 : i32 to index
        %get3A_482 = arith.constant 16 : index
        %get3A_483 = tpu.vector_load %arg12[%get3A_480, %get3A_481, %get3A_482] {strides = array<i32>} : memref<4x320x64xf32, #tpu.memory_space<vmem>>, vector<16xf32>,
        %add3A_484 = arith.addf %add3A_476, %get3A_483 : vector<16xf32>
        %add3A_485 = arith.constant 19 : i32
        %add3A_486 = arith.addi %mul3A_174, %add3A_485 : i32
        %get3A_487 = arith.constant 2 : i32
        %get3A_488 = arith.index_cast %get3A_487 : i32 to index
        %get3A_489 = arith.index_cast %add3A_486 : i32 to index
        %get3A_490 = arith.constant 16 : index
        %get3A_491 = tpu.vector_load %arg12[%get3A_488, %get3A_489, %get3A_490] {strides = array<i32>} : memref<4x320x64xf32, #tpu.memory_space<vmem>>, vector<16xf32>,
        %add3A_492 = arith.addf %add3A_484, %get3A_491 : vector<16xf32>
        %mul3A_493 = arith.constant 16 : i32
        %mul3A_494 = arith.muli %add3A_117, %mul3A_493 : i32
        %add3A_495 = arith.addi %mul3A_494, %scan3A_172 : i32
        %swap3A_496 = arith.index_cast %add3A_495 : i32 to index
        %swap3A_497 = arith.constant 16 : index
        %swap3A_498 = tpu.vector_load %arg13[%swap3A_496, %swap3A_497] {strides = array<i32>} : memref<128x64xf32, #tpu.memory_space<vmem>>, vector<16xf32>,
        tpu.vector_store %arg13[%swap3A_496, %swap3A_497], %add3A_492 {strides = array<i32>} : memref<128x64xf32, #tpu.memory_space<vmem>>, vector<16xf32>,
        %get3A_499 = arith.constant 2 : i32
        %get3A_500 = arith.index_cast %get3A_499 : i32 to index
        %get3A_501 = arith.index_cast %mul3A_174 : i32 to index
        %get3A_502 = arith.constant 32 : index
        %get3A_503 = tpu.vector_load %arg12[%get3A_500, %get3A_501, %get3A_502] {strides = array<i32>} : memref<4x320x64xf32, #tpu.memory_space<vmem>>, vector<16xf32>,
        %add3A_504 = arith.constant 1 : i32
        %add3A_505 = arith.addi %mul3A_174, %add3A_504 : i32
        %get3A_506 = arith.constant 2 : i32
        %get3A_507 = arith.index_cast %get3A_506 : i32 to index
        %get3A_508 = arith.index_cast %add3A_505 : i32 to index
        %get3A_509 = arith.constant 32 : index
        %get3A_510 = tpu.vector_load %arg12[%get3A_507, %get3A_508, %get3A_509] {strides = array<i32>} : memref<4x320x64xf32, #tpu.memory_space<vmem>>, vector<16xf32>,
        %add3A_511 = arith.addf %get3A_503, %get3A_510 : vector<16xf32>
        %add3A_512 = arith.constant 2 : i32
        %add3A_513 = arith.addi %mul3A_174, %add3A_512 : i32
        %get3A_514 = arith.constant 2 : i32
        %get3A_515 = arith.index_cast %get3A_514 : i32 to index
        %get3A_516 = arith.index_cast %add3A_513 : i32 to index
        %get3A_517 = arith.constant 32 : index
        %get3A_518 = tpu.vector_load %arg12[%get3A_515, %get3A_516, %get3A_517] {strides = array<i32>} : memref<4x320x64xf32, #tpu.memory_space<vmem>>, vector<16xf32>,
        %add3A_519 = arith.addf %add3A_511, %get3A_518 : vector<16xf32>
        %add3A_520 = arith.constant 3 : i32
        %add3A_521 = arith.addi %mul3A_174, %add3A_520 : i32
        %get3A_522 = arith.constant 2 : i32
        %get3A_523 = arith.index_cast %get3A_522 : i32 to index
        %get3A_524 = arith.index_cast %add3A_521 : i32 to index
        %get3A_525 = arith.constant 32 : index
        %get3A_526 = tpu.vector_load %arg12[%get3A_523, %get3A_524, %get3A_525] {strides = array<i32>} : memref<4x320x64xf32, #tpu.memory_space<vmem>>, vector<16xf32>,
        %add3A_527 = arith.addf %add3A_519, %get3A_526 : vector<16xf32>
        %add3A_528 = arith.constant 4 : i32
        %add3A_529 = arith.addi %mul3A_174, %add3A_528 : i32
        %get3A_530 = arith.constant 2 : i32
        %get3A_531 = arith.index_cast %get3A_530 : i32 to index
        %get3A_532 = arith.index_cast %add3A_529 : i32 to index
        %get3A_533 = arith.constant 32 : index
        %get3A_534 = tpu.vector_load %arg12[%get3A_531, %get3A_532, %get3A_533] {strides = array<i32>} : memref<4x320x64xf32, #tpu.memory_space<vmem>>, vector<16xf32>,
        %add3A_535 = arith.addf %add3A_527, %get3A_534 : vector<16xf32>
        %add3A_536 = arith.constant 5 : i32
        %add3A_537 = arith.addi %mul3A_174, %add3A_536 : i32
        %get3A_538 = arith.constant 2 : i32
        %get3A_539 = arith.index_cast %get3A_538 : i32 to index
        %get3A_540 = arith.index_cast %add3A_537 : i32 to index
        %get3A_541 = arith.constant 32 : index
        %get3A_542 = tpu.vector_load %arg12[%get3A_539, %get3A_540, %get3A_541] {strides = array<i32>} : memref<4x320x64xf32, #tpu.memory_space<vmem>>, vector<16xf32>,
        %add3A_543 = arith.addf %add3A_535, %get3A_542 : vector<16xf32>
        %add3A_544 = arith.constant 6 : i32
        %add3A_545 = arith.addi %mul3A_174, %add3A_544 : i32
        %get3A_546 = arith.constant 2 : i32
        %get3A_547 = arith.index_cast %get3A_546 : i32 to index
        %get3A_548 = arith.index_cast %add3A_545 : i32 to index
        %get3A_549 = arith.constant 32 : index
        %get3A_550 = tpu.vector_load %arg12[%get3A_547, %get3A_548, %get3A_549] {strides = array<i32>} : memref<4x320x64xf32, #tpu.memory_space<vmem>>, vector<16xf32>,
        %add3A_551 = arith.addf %add3A_543, %get3A_550 : vector<16xf32>
        %add3A_552 = arith.constant 7 : i32
        %add3A_553 = arith.addi %mul3A_174, %add3A_552 : i32
        %get3A_554 = arith.constant 2 : i32
        %get3A_555 = arith.index_cast %get3A_554 : i32 to index
        %get3A_556 = arith.index_cast %add3A_553 : i32 to index
        %get3A_557 = arith.constant 32 : index
        %get3A_558 = tpu.vector_load %arg12[%get3A_555, %get3A_556, %get3A_557] {strides = array<i32>} : memref<4x320x64xf32, #tpu.memory_space<vmem>>, vector<16xf32>,
        %add3A_559 = arith.addf %add3A_551, %get3A_558 : vector<16xf32>
        %add3A_560 = arith.constant 8 : i32
        %add3A_561 = arith.addi %mul3A_174, %add3A_560 : i32
        %get3A_562 = arith.constant 2 : i32
        %get3A_563 = arith.index_cast %get3A_562 : i32 to index
        %get3A_564 = arith.index_cast %add3A_561 : i32 to index
        %get3A_565 = arith.constant 32 : index
        %get3A_566 = tpu.vector_load %arg12[%get3A_563, %get3A_564, %get3A_565] {strides = array<i32>} : memref<4x320x64xf32, #tpu.memory_space<vmem>>, vector<16xf32>,
        %add3A_567 = arith.addf %add3A_559, %get3A_566 : vector<16xf32>
        %add3A_568 = arith.constant 9 : i32
        %add3A_569 = arith.addi %mul3A_174, %add3A_568 : i32
        %get3A_570 = arith.constant 2 : i32
        %get3A_571 = arith.index_cast %get3A_570 : i32 to index
        %get3A_572 = arith.index_cast %add3A_569 : i32 to index
        %get3A_573 = arith.constant 32 : index
        %get3A_574 = tpu.vector_load %arg12[%get3A_571, %get3A_572, %get3A_573] {strides = array<i32>} : memref<4x320x64xf32, #tpu.memory_space<vmem>>, vector<16xf32>,
        %add3A_575 = arith.addf %add3A_567, %get3A_574 : vector<16xf32>
        %add3A_576 = arith.constant 10 : i32
        %add3A_577 = arith.addi %mul3A_174, %add3A_576 : i32
        %get3A_578 = arith.constant 2 : i32
        %get3A_579 = arith.index_cast %get3A_578 : i32 to index
        %get3A_580 = arith.index_cast %add3A_577 : i32 to index
        %get3A_581 = arith.constant 32 : index
        %get3A_582 = tpu.vector_load %arg12[%get3A_579, %get3A_580, %get3A_581] {strides = array<i32>} : memref<4x320x64xf32, #tpu.memory_space<vmem>>, vector<16xf32>,
        %add3A_583 = arith.addf %add3A_575, %get3A_582 : vector<16xf32>
        %add3A_584 = arith.constant 11 : i32
        %add3A_585 = arith.addi %mul3A_174, %add3A_584 : i32
        %get3A_586 = arith.constant 2 : i32
        %get3A_587 = arith.index_cast %get3A_586 : i32 to index
        %get3A_588 = arith.index_cast %add3A_585 : i32 to index
        %get3A_589 = arith.constant 32 : index
        %get3A_590 = tpu.vector_load %arg12[%get3A_587, %get3A_588, %get3A_589] {strides = array<i32>} : memref<4x320x64xf32, #tpu.memory_space<vmem>>, vector<16xf32>,
        %add3A_591 = arith.addf %add3A_583, %get3A_590 : vector<16xf32>
        %add3A_592 = arith.constant 12 : i32
        %add3A_593 = arith.addi %mul3A_174, %add3A_592 : i32
        %get3A_594 = arith.constant 2 : i32
        %get3A_595 = arith.index_cast %get3A_594 : i32 to index
        %get3A_596 = arith.index_cast %add3A_593 : i32 to index
        %get3A_597 = arith.constant 32 : index
        %get3A_598 = tpu.vector_load %arg12[%get3A_595, %get3A_596, %get3A_597] {strides = array<i32>} : memref<4x320x64xf32, #tpu.memory_space<vmem>>, vector<16xf32>,
        %add3A_599 = arith.addf %add3A_591, %get3A_598 : vector<16xf32>
        %add3A_600 = arith.constant 13 : i32
        %add3A_601 = arith.addi %mul3A_174, %add3A_600 : i32
        %get3A_602 = arith.constant 2 : i32
        %get3A_603 = arith.index_cast %get3A_602 : i32 to index
        %get3A_604 = arith.index_cast %add3A_601 : i32 to index
        %get3A_605 = arith.constant 32 : index
        %get3A_606 = tpu.vector_load %arg12[%get3A_603, %get3A_604, %get3A_605] {strides = array<i32>} : memref<4x320x64xf32, #tpu.memory_space<vmem>>, vector<16xf32>,
        %add3A_607 = arith.addf %add3A_599, %get3A_606 : vector<16xf32>
        %add3A_608 = arith.constant 14 : i32
        %add3A_609 = arith.addi %mul3A_174, %add3A_608 : i32
        %get3A_610 = arith.constant 2 : i32
        %get3A_611 = arith.index_cast %get3A_610 : i32 to index
        %get3A_612 = arith.index_cast %add3A_609 : i32 to index
        %get3A_613 = arith.constant 32 : index
        %get3A_614 = tpu.vector_load %arg12[%get3A_611, %get3A_612, %get3A_613] {strides = array<i32>} : memref<4x320x64xf32, #tpu.memory_space<vmem>>, vector<16xf32>,
        %add3A_615 = arith.addf %add3A_607, %get3A_614 : vector<16xf32>
        %add3A_616 = arith.constant 15 : i32
        %add3A_617 = arith.addi %mul3A_174, %add3A_616 : i32
        %get3A_618 = arith.constant 2 : i32
        %get3A_619 = arith.index_cast %get3A_618 : i32 to index
        %get3A_620 = arith.index_cast %add3A_617 : i32 to index
        %get3A_621 = arith.constant 32 : index
        %get3A_622 = tpu.vector_load %arg12[%get3A_619, %get3A_620, %get3A_621] {strides = array<i32>} : memref<4x320x64xf32, #tpu.memory_space<vmem>>, vector<16xf32>,
        %add3A_623 = arith.addf %add3A_615, %get3A_622 : vector<16xf32>
        %add3A_624 = arith.constant 16 : i32
        %add3A_625 = arith.addi %mul3A_174, %add3A_624 : i32
        %get3A_626 = arith.constant 2 : i32
        %get3A_627 = arith.index_cast %get3A_626 : i32 to index
        %get3A_628 = arith.index_cast %add3A_625 : i32 to index
        %get3A_629 = arith.constant 32 : index
        %get3A_630 = tpu.vector_load %arg12[%get3A_627, %get3A_628, %get3A_629] {strides = array<i32>} : memref<4x320x64xf32, #tpu.memory_space<vmem>>, vector<16xf32>,
        %add3A_631 = arith.addf %add3A_623, %get3A_630 : vector<16xf32>
        %add3A_632 = arith.constant 17 : i32
        %add3A_633 = arith.addi %mul3A_174, %add3A_632 : i32
        %get3A_634 = arith.constant 2 : i32
        %get3A_635 = arith.index_cast %get3A_634 : i32 to index
        %get3A_636 = arith.index_cast %add3A_633 : i32 to index
        %get3A_637 = arith.constant 32 : index
        %get3A_638 = tpu.vector_load %arg12[%get3A_635, %get3A_636, %get3A_637] {strides = array<i32>} : memref<4x320x64xf32, #tpu.memory_space<vmem>>, vector<16xf32>,
        %add3A_639 = arith.addf %add3A_631, %get3A_638 : vector<16xf32>
        %add3A_640 = arith.constant 18 : i32
        %add3A_641 = arith.addi %mul3A_174, %add3A_640 : i32
        %get3A_642 = arith.constant 2 : i32
        %get3A_643 = arith.index_cast %get3A_642 : i32 to index
        %get3A_644 = arith.index_cast %add3A_641 : i32 to index
        %get3A_645 = arith.constant 32 : index
        %get3A_646 = tpu.vector_load %arg12[%get3A_643, %get3A_644, %get3A_645] {strides = array<i32>} : memref<4x320x64xf32, #tpu.memory_space<vmem>>, vector<16xf32>,
        %add3A_647 = arith.addf %add3A_639, %get3A_646 : vector<16xf32>
        %add3A_648 = arith.constant 19 : i32
        %add3A_649 = arith.addi %mul3A_174, %add3A_648 : i32
        %get3A_650 = arith.constant 2 : i32
        %get3A_651 = arith.index_cast %get3A_650 : i32 to index
        %get3A_652 = arith.index_cast %add3A_649 : i32 to index
        %get3A_653 = arith.constant 32 : index
        %get3A_654 = tpu.vector_load %arg12[%get3A_651, %get3A_652, %get3A_653] {strides = array<i32>} : memref<4x320x64xf32, #tpu.memory_space<vmem>>, vector<16xf32>,
        %add3A_655 = arith.addf %add3A_647, %get3A_654 : vector<16xf32>
        %mul3A_656 = arith.constant 16 : i32
        %mul3A_657 = arith.muli %add3A_117, %mul3A_656 : i32
        %add3A_658 = arith.addi %mul3A_657, %scan3A_172 : i32
        %swap3A_659 = arith.index_cast %add3A_658 : i32 to index
        %swap3A_660 = arith.constant 32 : index
        %swap3A_661 = tpu.vector_load %arg13[%swap3A_659, %swap3A_660] {strides = array<i32>} : memref<128x64xf32, #tpu.memory_space<vmem>>, vector<16xf32>,
        tpu.vector_store %arg13[%swap3A_659, %swap3A_660], %add3A_655 {strides = array<i32>} : memref<128x64xf32, #tpu.memory_space<vmem>>, vector<16xf32>,
        %get3A_662 = arith.constant 2 : i32
        %get3A_663 = arith.index_cast %get3A_662 : i32 to index
        %get3A_664 = arith.index_cast %mul3A_174 : i32 to index
        %get3A_665 = arith.constant 48 : index
        %get3A_666 = tpu.vector_load %arg12[%get3A_663, %get3A_664, %get3A_665] {strides = array<i32>} : memref<4x320x64xf32, #tpu.memory_space<vmem>>, vector<16xf32>,
        %add3A_667 = arith.constant 1 : i32
        %add3A_668 = arith.addi %mul3A_174, %add3A_667 : i32
        %get3A_669 = arith.constant 2 : i32
        %get3A_670 = arith.index_cast %get3A_669 : i32 to index
        %get3A_671 = arith.index_cast %add3A_668 : i32 to index
        %get3A_672 = arith.constant 48 : index
        %get3A_673 = tpu.vector_load %arg12[%get3A_670, %get3A_671, %get3A_672] {strides = array<i32>} : memref<4x320x64xf32, #tpu.memory_space<vmem>>, vector<16xf32>,
        %add3A_674 = arith.addf %get3A_666, %get3A_673 : vector<16xf32>
        %add3A_675 = arith.constant 2 : i32
        %add3A_676 = arith.addi %mul3A_174, %add3A_675 : i32
        %get3A_677 = arith.constant 2 : i32
        %get3A_678 = arith.index_cast %get3A_677 : i32 to index
        %get3A_679 = arith.index_cast %add3A_676 : i32 to index
        %get3A_680 = arith.constant 48 : index
        %get3A_681 = tpu.vector_load %arg12[%get3A_678, %get3A_679, %get3A_680] {strides = array<i32>} : memref<4x320x64xf32, #tpu.memory_space<vmem>>, vector<16xf32>,
        %add3A_682 = arith.addf %add3A_674, %get3A_681 : vector<16xf32>
        %add3A_683 = arith.constant 3 : i32
        %add3A_684 = arith.addi %mul3A_174, %add3A_683 : i32
        %get3A_685 = arith.constant 2 : i32
        %get3A_686 = arith.index_cast %get3A_685 : i32 to index
        %get3A_687 = arith.index_cast %add3A_684 : i32 to index
        %get3A_688 = arith.constant 48 : index
        %get3A_689 = tpu.vector_load %arg12[%get3A_686, %get3A_687, %get3A_688] {strides = array<i32>} : memref<4x320x64xf32, #tpu.memory_space<vmem>>, vector<16xf32>,
        %add3A_690 = arith.addf %add3A_682, %get3A_689 : vector<16xf32>
        %add3A_691 = arith.constant 4 : i32
        %add3A_692 = arith.addi %mul3A_174, %add3A_691 : i32
        %get3A_693 = arith.constant 2 : i32
        %get3A_694 = arith.index_cast %get3A_693 : i32 to index
        %get3A_695 = arith.index_cast %add3A_692 : i32 to index
        %get3A_696 = arith.constant 48 : index
        %get3A_697 = tpu.vector_load %arg12[%get3A_694, %get3A_695, %get3A_696] {strides = array<i32>} : memref<4x320x64xf32, #tpu.memory_space<vmem>>, vector<16xf32>,
        %add3A_698 = arith.addf %add3A_690, %get3A_697 : vector<16xf32>
        %add3A_699 = arith.constant 5 : i32
        %add3A_700 = arith.addi %mul3A_174, %add3A_699 : i32
        %get3A_701 = arith.constant 2 : i32
        %get3A_702 = arith.index_cast %get3A_701 : i32 to index
        %get3A_703 = arith.index_cast %add3A_700 : i32 to index
        %get3A_704 = arith.constant 48 : index
        %get3A_705 = tpu.vector_load %arg12[%get3A_702, %get3A_703, %get3A_704] {strides = array<i32>} : memref<4x320x64xf32, #tpu.memory_space<vmem>>, vector<16xf32>,
        %add3A_706 = arith.addf %add3A_698, %get3A_705 : vector<16xf32>
        %add3A_707 = arith.constant 6 : i32
        %add3A_708 = arith.addi %mul3A_174, %add3A_707 : i32
        %get3A_709 = arith.constant 2 : i32
        %get3A_710 = arith.index_cast %get3A_709 : i32 to index
        %get3A_711 = arith.index_cast %add3A_708 : i32 to index
        %get3A_712 = arith.constant 48 : index
        %get3A_713 = tpu.vector_load %arg12[%get3A_710, %get3A_711, %get3A_712] {strides = array<i32>} : memref<4x320x64xf32, #tpu.memory_space<vmem>>, vector<16xf32>,
        %add3A_714 = arith.addf %add3A_706, %get3A_713 : vector<16xf32>
        %add3A_715 = arith.constant 7 : i32
        %add3A_716 = arith.addi %mul3A_174, %add3A_715 : i32
        %get3A_717 = arith.constant 2 : i32
        %get3A_718 = arith.index_cast %get3A_717 : i32 to index
        %get3A_719 = arith.index_cast %add3A_716 : i32 to index
        %get3A_720 = arith.constant 48 : index
        %get3A_721 = tpu.vector_load %arg12[%get3A_718, %get3A_719, %get3A_720] {strides = array<i32>} : memref<4x320x64xf32, #tpu.memory_space<vmem>>, vector<16xf32>,
        %add3A_722 = arith.addf %add3A_714, %get3A_721 : vector<16xf32>
        %add3A_723 = arith.constant 8 : i32
        %add3A_724 = arith.addi %mul3A_174, %add3A_723 : i32
        %get3A_725 = arith.constant 2 : i32
        %get3A_726 = arith.index_cast %get3A_725 : i32 to index
        %get3A_727 = arith.index_cast %add3A_724 : i32 to index
        %get3A_728 = arith.constant 48 : index
        %get3A_729 = tpu.vector_load %arg12[%get3A_726, %get3A_727, %get3A_728] {strides = array<i32>} : memref<4x320x64xf32, #tpu.memory_space<vmem>>, vector<16xf32>,
        %add3A_730 = arith.addf %add3A_722, %get3A_729 : vector<16xf32>
        %add3A_731 = arith.constant 9 : i32
        %add3A_732 = arith.addi %mul3A_174, %add3A_731 : i32
        %get3A_733 = arith.constant 2 : i32
        %get3A_734 = arith.index_cast %get3A_733 : i32 to index
        %get3A_735 = arith.index_cast %add3A_732 : i32 to index
        %get3A_736 = arith.constant 48 : index
        %get3A_737 = tpu.vector_load %arg12[%get3A_734, %get3A_735, %get3A_736] {strides = array<i32>} : memref<4x320x64xf32, #tpu.memory_space<vmem>>, vector<16xf32>,
        %add3A_738 = arith.addf %add3A_730, %get3A_737 : vector<16xf32>
        %add3A_739 = arith.constant 10 : i32
        %add3A_740 = arith.addi %mul3A_174, %add3A_739 : i32
        %get3A_741 = arith.constant 2 : i32
        %get3A_742 = arith.index_cast %get3A_741 : i32 to index
        %get3A_743 = arith.index_cast %add3A_740 : i32 to index
        %get3A_744 = arith.constant 48 : index
        %get3A_745 = tpu.vector_load %arg12[%get3A_742, %get3A_743, %get3A_744] {strides = array<i32>} : memref<4x320x64xf32, #tpu.memory_space<vmem>>, vector<16xf32>,
        %add3A_746 = arith.addf %add3A_738, %get3A_745 : vector<16xf32>
        %add3A_747 = arith.constant 11 : i32
        %add3A_748 = arith.addi %mul3A_174, %add3A_747 : i32
        %get3A_749 = arith.constant 2 : i32
        %get3A_750 = arith.index_cast %get3A_749 : i32 to index
        %get3A_751 = arith.index_cast %add3A_748 : i32 to index
        %get3A_752 = arith.constant 48 : index
        %get3A_753 = tpu.vector_load %arg12[%get3A_750, %get3A_751, %get3A_752] {strides = array<i32>} : memref<4x320x64xf32, #tpu.memory_space<vmem>>, vector<16xf32>,
        %add3A_754 = arith.addf %add3A_746, %get3A_753 : vector<16xf32>
        %add3A_755 = arith.constant 12 : i32
        %add3A_756 = arith.addi %mul3A_174, %add3A_755 : i32
        %get3A_757 = arith.constant 2 : i32
        %get3A_758 = arith.index_cast %get3A_757 : i32 to index
        %get3A_759 = arith.index_cast %add3A_756 : i32 to index
        %get3A_760 = arith.constant 48 : index
        %get3A_761 = tpu.vector_load %arg12[%get3A_758, %get3A_759, %get3A_760] {strides = array<i32>} : memref<4x320x64xf32, #tpu.memory_space<vmem>>, vector<16xf32>,
        %add3A_762 = arith.addf %add3A_754, %get3A_761 : vector<16xf32>
        %add3A_763 = arith.constant 13 : i32
        %add3A_764 = arith.addi %mul3A_174, %add3A_763 : i32
        %get3A_765 = arith.constant 2 : i32
        %get3A_766 = arith.index_cast %get3A_765 : i32 to index
        %get3A_767 = arith.index_cast %add3A_764 : i32 to index
        %get3A_768 = arith.constant 48 : index
        %get3A_769 = tpu.vector_load %arg12[%get3A_766, %get3A_767, %get3A_768] {strides = array<i32>} : memref<4x320x64xf32, #tpu.memory_space<vmem>>, vector<16xf32>,
        %add3A_770 = arith.addf %add3A_762, %get3A_769 : vector<16xf32>
        %add3A_771 = arith.constant 14 : i32
        %add3A_772 = arith.addi %mul3A_174, %add3A_771 : i32
        %get3A_773 = arith.constant 2 : i32
        %get3A_774 = arith.index_cast %get3A_773 : i32 to index
        %get3A_775 = arith.index_cast %add3A_772 : i32 to index
        %get3A_776 = arith.constant 48 : index
        %get3A_777 = tpu.vector_load %arg12[%get3A_774, %get3A_775, %get3A_776] {strides = array<i32>} : memref<4x320x64xf32, #tpu.memory_space<vmem>>, vector<16xf32>,
        %add3A_778 = arith.addf %add3A_770, %get3A_777 : vector<16xf32>
        %add3A_779 = arith.constant 15 : i32
        %add3A_780 = arith.addi %mul3A_174, %add3A_779 : i32
        %get3A_781 = arith.constant 2 : i32
        %get3A_782 = arith.index_cast %get3A_781 : i32 to index
        %get3A_783 = arith.index_cast %add3A_780 : i32 to index
        %get3A_784 = arith.constant 48 : index
        %get3A_785 = tpu.vector_load %arg12[%get3A_782, %get3A_783, %get3A_784] {strides = array<i32>} : memref<4x320x64xf32, #tpu.memory_space<vmem>>, vector<16xf32>,
        %add3A_786 = arith.addf %add3A_778, %get3A_785 : vector<16xf32>
        %add3A_787 = arith.constant 16 : i32
        %add3A_788 = arith.addi %mul3A_174, %add3A_787 : i32
        %get3A_789 = arith.constant 2 : i32
        %get3A_790 = arith.index_cast %get3A_789 : i32 to index
        %get3A_791 = arith.index_cast %add3A_788 : i32 to index
        %get3A_792 = arith.constant 48 : index
        %get3A_793 = tpu.vector_load %arg12[%get3A_790, %get3A_791, %get3A_792] {strides = array<i32>} : memref<4x320x64xf32, #tpu.memory_space<vmem>>, vector<16xf32>,
        %add3A_794 = arith.addf %add3A_786, %get3A_793 : vector<16xf32>
        %add3A_795 = arith.constant 17 : i32
        %add3A_796 = arith.addi %mul3A_174, %add3A_795 : i32
        %get3A_797 = arith.constant 2 : i32
        %get3A_798 = arith.index_cast %get3A_797 : i32 to index
        %get3A_799 = arith.index_cast %add3A_796 : i32 to index
        %get3A_800 = arith.constant 48 : index
        %get3A_801 = tpu.vector_load %arg12[%get3A_798, %get3A_799, %get3A_800] {strides = array<i32>} : memref<4x320x64xf32, #tpu.memory_space<vmem>>, vector<16xf32>,
        %add3A_802 = arith.addf %add3A_794, %get3A_801 : vector<16xf32>
        %add3A_803 = arith.constant 18 : i32
        %add3A_804 = arith.addi %mul3A_174, %add3A_803 : i32
        %get3A_805 = arith.constant 2 : i32
        %get3A_806 = arith.index_cast %get3A_805 : i32 to index
        %get3A_807 = arith.index_cast %add3A_804 : i32 to index
        %get3A_808 = arith.constant 48 : index
        %get3A_809 = tpu.vector_load %arg12[%get3A_806, %get3A_807, %get3A_808] {strides = array<i32>} : memref<4x320x64xf32, #tpu.memory_space<vmem>>, vector<16xf32>,
        %add3A_810 = arith.addf %add3A_802, %get3A_809 : vector<16xf32>
        %add3A_811 = arith.constant 19 : i32
        %add3A_812 = arith.addi %mul3A_174, %add3A_811 : i32
        %get3A_813 = arith.constant 2 : i32
        %get3A_814 = arith.index_cast %get3A_813 : i32 to index
        %get3A_815 = arith.index_cast %add3A_812 : i32 to index
        %get3A_816 = arith.constant 48 : index
        %get3A_817 = tpu.vector_load %arg12[%get3A_814, %get3A_815, %get3A_816] {strides = array<i32>} : memref<4x320x64xf32, #tpu.memory_space<vmem>>, vector<16xf32>,
        %add3A_818 = arith.addf %add3A_810, %get3A_817 : vector<16xf32>
        %mul3A_819 = arith.constant 16 : i32
        %mul3A_820 = arith.muli %add3A_117, %mul3A_819 : i32
        %add3A_821 = arith.addi %mul3A_820, %scan3A_172 : i32
        %swap3A_822 = arith.index_cast %add3A_821 : i32 to index
        %swap3A_823 = arith.constant 48 : index
        %swap3A_824 = tpu.vector_load %arg13[%swap3A_822, %swap3A_823] {strides = array<i32>} : memref<128x64xf32, #tpu.memory_space<vmem>>, vector<16xf32>,
        tpu.vector_store %arg13[%swap3A_822, %swap3A_823], %add3A_818 {strides = array<i32>} : memref<128x64xf32, #tpu.memory_space<vmem>>, vector<16xf32>,
      }
      %scan3A_134 = arith.constant 16 : i32
      %add3A_135 = arith.constant 2 : i32
      %add3A_136 = arith.addi %mul3A_62, %add3A_135 : i32
      %add3A_137 = arith.constant 4 : i32
      %add3A_138 = arith.addi %add3A_136, %add3A_137 : i32
      %lt3A_139 = arith.constant 8 : i32
      %lt3A_140 = arith.cmpi slt, %add3A_138, %lt3A_139 : i32
      %convert_element_type3A_141 = arith.extui %lt3A_140 : i1 to i32
      %cond3A_142 = arith.constant 0 : i32
      %cond3A_143 = arith.cmpi ne, %convert_element_type3A_141, %cond3A_142 : i32
      scf.if %cond3A_143 {
        %add3A_172 = arith.constant 2 : i32
        %add3A_173 = arith.addi %mul3A_62, %add3A_172 : i32
        %add3A_174 = arith.constant 4 : i32
        %add3A_175 = arith.addi %add3A_173, %add3A_174 : i32
        %mul3A_176 = arith.constant 320 : i32
        %mul3A_177 = arith.muli %add3A_175, %mul3A_176 : i32
        %dma_start3A_178 = arith.constant 2 : i32
        %dma_start3A_179 = arith.constant 0 : i32
        %dma_start3A_180 = arith.constant 0 : i32
        %dma_start3A_181 = tpu.memref_slice %arg12[%dma_start3A_178, %dma_start3A_179, %dma_start3A_180] : memref<4x320x64xf32, #tpu.memory_space<vmem>> -> memref<1x320x64xf32, #tpu.memory_space<vmem>>
        %dma_start3A_182 = tpu.memref_squeeze %dma_start3A_181 : memref<1x320x64xf32, #tpu.memory_space<vmem>> -> memref<320x64xf32, #tpu.memory_space<vmem>>
        %dma_start3A_183 = tpu.memref_slice %arg11[%mul3A_177] : memref<2560xi32, #tpu.memory_space<vmem>> -> memref<320xi32, #tpu.memory_space<vmem>>
        %dma_start3A_184 = arith.constant 0 : i32
        %dma_start3A_185 = arith.constant 0 : i32
        %dma_start3A_186 = tpu.memref_slice %arg5[%dma_start3A_184, %dma_start3A_185] : memref<102400x64xf32, #tpu.memory_space<hbm>> -> memref<102400x64xf32, #tpu.memory_space<hbm>>
        tpu.enqueue_indirect_dma source(%dma_start3A_186 : memref<102400x64xf32, #tpu.memory_space<hbm>>) target(%dma_start3A_182 : memref<320x64xf32, #tpu.memory_space<vmem>>) offsets(%dma_start3A_183 : memref<320xi32, #tpu.memory_space<vmem>>) semaphore(%arg20 : memref<!tpu.dma_semaphore, #tpu.memory_space<semaphore_mem>>)
      } else {
      }
      %add3A_144 = arith.constant 3 : i32
      %add3A_145 = arith.addi %mul3A_62, %add3A_144 : i32
      %mul3A_146 = arith.constant 320 : i32
      %mul3A_147 = arith.muli %add3A_145, %mul3A_146 : i32
      %dma_wait3A_148 = arith.constant 3 : i32
      %dma_wait3A_149 = arith.constant 0 : i32
      %dma_wait3A_150 = arith.constant 0 : i32
      %dma_wait3A_151 = tpu.memref_slice %arg12[%dma_wait3A_148, %dma_wait3A_149, %dma_wait3A_150] : memref<4x320x64xf32, #tpu.memory_space<vmem>> -> memref<1x320x64xf32, #tpu.memory_space<vmem>>
      %dma_wait3A_152 = tpu.memref_squeeze %dma_wait3A_151 : memref<1x320x64xf32, #tpu.memory_space<vmem>> -> memref<320x64xf32, #tpu.memory_space<vmem>>
      %dma_wait3A_153 = tpu.memref_slice %arg11[%mul3A_147] : memref<2560xi32, #tpu.memory_space<vmem>> -> memref<320xi32, #tpu.memory_space<vmem>>
      %dma_wait3A_154 = arith.constant 0 : i32
      %dma_wait3A_155 = arith.constant 0 : i32
      %dma_wait3A_156 = tpu.memref_slice %arg5[%dma_wait3A_154, %dma_wait3A_155] : memref<102400x64xf32, #tpu.memory_space<hbm>> -> memref<102400x64xf32, #tpu.memory_space<hbm>>
      tpu.wait_indirect_dma semaphore(%arg21 : memref<!tpu.dma_semaphore, #tpu.memory_space<semaphore_mem>>) src(%dma_wait3A_156 : memref<102400x64xf32, #tpu.memory_space<hbm>>) dst(%dma_wait3A_152 : memref<320x64xf32, #tpu.memory_space<vmem>>)
      %scan3A_157 = arith.constant 0 : i32
      %scan3A_158 = arith.constant 0 : i32
      %scan3A_159 = arith.constant 16 : i32
      %scan3A_160 = arith.addi %scan3A_158, %scan3A_159 : i32
      %scan3A_161 = arith.constant 1 : i32
      scf.for %scan3A_172 = %scan3A_158 to %scan3A_160 step %scan3A_161  : i32 {
        %mul3A_173 = arith.constant 20 : i32
        %mul3A_174 = arith.muli %scan3A_172, %mul3A_173 : i32
        %get3A = arith.constant 3 : i32
        %get3A_175 = arith.index_cast %get3A : i32 to index
        %get3A_176 = arith.index_cast %mul3A_174 : i32 to index
        %get3A_177 = arith.constant 0 : index
        %get3A_178 = tpu.vector_load %arg12[%get3A_175, %get3A_176, %get3A_177] {strides = array<i32>} : memref<4x320x64xf32, #tpu.memory_space<vmem>>, vector<16xf32>,
        %add3A_179 = arith.constant 1 : i32
        %add3A_180 = arith.addi %mul3A_174, %add3A_179 : i32
        %get3A_181 = arith.constant 3 : i32
        %get3A_182 = arith.index_cast %get3A_181 : i32 to index
        %get3A_183 = arith.index_cast %add3A_180 : i32 to index
        %get3A_184 = arith.constant 0 : index
        %get3A_185 = tpu.vector_load %arg12[%get3A_182, %get3A_183, %get3A_184] {strides = array<i32>} : memref<4x320x64xf32, #tpu.memory_space<vmem>>, vector<16xf32>,
        %add3A_186 = arith.addf %get3A_178, %get3A_185 : vector<16xf32>
        %add3A_187 = arith.constant 2 : i32
        %add3A_188 = arith.addi %mul3A_174, %add3A_187 : i32
        %get3A_189 = arith.constant 3 : i32
        %get3A_190 = arith.index_cast %get3A_189 : i32 to index
        %get3A_191 = arith.index_cast %add3A_188 : i32 to index
        %get3A_192 = arith.constant 0 : index
        %get3A_193 = tpu.vector_load %arg12[%get3A_190, %get3A_191, %get3A_192] {strides = array<i32>} : memref<4x320x64xf32, #tpu.memory_space<vmem>>, vector<16xf32>,
        %add3A_194 = arith.addf %add3A_186, %get3A_193 : vector<16xf32>
        %add3A_195 = arith.constant 3 : i32
        %add3A_196 = arith.addi %mul3A_174, %add3A_195 : i32
        %get3A_197 = arith.constant 3 : i32
        %get3A_198 = arith.index_cast %get3A_197 : i32 to index
        %get3A_199 = arith.index_cast %add3A_196 : i32 to index
        %get3A_200 = arith.constant 0 : index
        %get3A_201 = tpu.vector_load %arg12[%get3A_198, %get3A_199, %get3A_200] {strides = array<i32>} : memref<4x320x64xf32, #tpu.memory_space<vmem>>, vector<16xf32>,
        %add3A_202 = arith.addf %add3A_194, %get3A_201 : vector<16xf32>
        %add3A_203 = arith.constant 4 : i32
        %add3A_204 = arith.addi %mul3A_174, %add3A_203 : i32
        %get3A_205 = arith.constant 3 : i32
        %get3A_206 = arith.index_cast %get3A_205 : i32 to index
        %get3A_207 = arith.index_cast %add3A_204 : i32 to index
        %get3A_208 = arith.constant 0 : index
        %get3A_209 = tpu.vector_load %arg12[%get3A_206, %get3A_207, %get3A_208] {strides = array<i32>} : memref<4x320x64xf32, #tpu.memory_space<vmem>>, vector<16xf32>,
        %add3A_210 = arith.addf %add3A_202, %get3A_209 : vector<16xf32>
        %add3A_211 = arith.constant 5 : i32
        %add3A_212 = arith.addi %mul3A_174, %add3A_211 : i32
        %get3A_213 = arith.constant 3 : i32
        %get3A_214 = arith.index_cast %get3A_213 : i32 to index
        %get3A_215 = arith.index_cast %add3A_212 : i32 to index
        %get3A_216 = arith.constant 0 : index
        %get3A_217 = tpu.vector_load %arg12[%get3A_214, %get3A_215, %get3A_216] {strides = array<i32>} : memref<4x320x64xf32, #tpu.memory_space<vmem>>, vector<16xf32>,
        %add3A_218 = arith.addf %add3A_210, %get3A_217 : vector<16xf32>
        %add3A_219 = arith.constant 6 : i32
        %add3A_220 = arith.addi %mul3A_174, %add3A_219 : i32
        %get3A_221 = arith.constant 3 : i32
        %get3A_222 = arith.index_cast %get3A_221 : i32 to index
        %get3A_223 = arith.index_cast %add3A_220 : i32 to index
        %get3A_224 = arith.constant 0 : index
        %get3A_225 = tpu.vector_load %arg12[%get3A_222, %get3A_223, %get3A_224] {strides = array<i32>} : memref<4x320x64xf32, #tpu.memory_space<vmem>>, vector<16xf32>,
        %add3A_226 = arith.addf %add3A_218, %get3A_225 : vector<16xf32>
        %add3A_227 = arith.constant 7 : i32
        %add3A_228 = arith.addi %mul3A_174, %add3A_227 : i32
        %get3A_229 = arith.constant 3 : i32
        %get3A_230 = arith.index_cast %get3A_229 : i32 to index
        %get3A_231 = arith.index_cast %add3A_228 : i32 to index
        %get3A_232 = arith.constant 0 : index
        %get3A_233 = tpu.vector_load %arg12[%get3A_230, %get3A_231, %get3A_232] {strides = array<i32>} : memref<4x320x64xf32, #tpu.memory_space<vmem>>, vector<16xf32>,
        %add3A_234 = arith.addf %add3A_226, %get3A_233 : vector<16xf32>
        %add3A_235 = arith.constant 8 : i32
        %add3A_236 = arith.addi %mul3A_174, %add3A_235 : i32
        %get3A_237 = arith.constant 3 : i32
        %get3A_238 = arith.index_cast %get3A_237 : i32 to index
        %get3A_239 = arith.index_cast %add3A_236 : i32 to index
        %get3A_240 = arith.constant 0 : index
        %get3A_241 = tpu.vector_load %arg12[%get3A_238, %get3A_239, %get3A_240] {strides = array<i32>} : memref<4x320x64xf32, #tpu.memory_space<vmem>>, vector<16xf32>,
        %add3A_242 = arith.addf %add3A_234, %get3A_241 : vector<16xf32>
        %add3A_243 = arith.constant 9 : i32
        %add3A_244 = arith.addi %mul3A_174, %add3A_243 : i32
        %get3A_245 = arith.constant 3 : i32
        %get3A_246 = arith.index_cast %get3A_245 : i32 to index
        %get3A_247 = arith.index_cast %add3A_244 : i32 to index
        %get3A_248 = arith.constant 0 : index
        %get3A_249 = tpu.vector_load %arg12[%get3A_246, %get3A_247, %get3A_248] {strides = array<i32>} : memref<4x320x64xf32, #tpu.memory_space<vmem>>, vector<16xf32>,
        %add3A_250 = arith.addf %add3A_242, %get3A_249 : vector<16xf32>
        %add3A_251 = arith.constant 10 : i32
        %add3A_252 = arith.addi %mul3A_174, %add3A_251 : i32
        %get3A_253 = arith.constant 3 : i32
        %get3A_254 = arith.index_cast %get3A_253 : i32 to index
        %get3A_255 = arith.index_cast %add3A_252 : i32 to index
        %get3A_256 = arith.constant 0 : index
        %get3A_257 = tpu.vector_load %arg12[%get3A_254, %get3A_255, %get3A_256] {strides = array<i32>} : memref<4x320x64xf32, #tpu.memory_space<vmem>>, vector<16xf32>,
        %add3A_258 = arith.addf %add3A_250, %get3A_257 : vector<16xf32>
        %add3A_259 = arith.constant 11 : i32
        %add3A_260 = arith.addi %mul3A_174, %add3A_259 : i32
        %get3A_261 = arith.constant 3 : i32
        %get3A_262 = arith.index_cast %get3A_261 : i32 to index
        %get3A_263 = arith.index_cast %add3A_260 : i32 to index
        %get3A_264 = arith.constant 0 : index
        %get3A_265 = tpu.vector_load %arg12[%get3A_262, %get3A_263, %get3A_264] {strides = array<i32>} : memref<4x320x64xf32, #tpu.memory_space<vmem>>, vector<16xf32>,
        %add3A_266 = arith.addf %add3A_258, %get3A_265 : vector<16xf32>
        %add3A_267 = arith.constant 12 : i32
        %add3A_268 = arith.addi %mul3A_174, %add3A_267 : i32
        %get3A_269 = arith.constant 3 : i32
        %get3A_270 = arith.index_cast %get3A_269 : i32 to index
        %get3A_271 = arith.index_cast %add3A_268 : i32 to index
        %get3A_272 = arith.constant 0 : index
        %get3A_273 = tpu.vector_load %arg12[%get3A_270, %get3A_271, %get3A_272] {strides = array<i32>} : memref<4x320x64xf32, #tpu.memory_space<vmem>>, vector<16xf32>,
        %add3A_274 = arith.addf %add3A_266, %get3A_273 : vector<16xf32>
        %add3A_275 = arith.constant 13 : i32
        %add3A_276 = arith.addi %mul3A_174, %add3A_275 : i32
        %get3A_277 = arith.constant 3 : i32
        %get3A_278 = arith.index_cast %get3A_277 : i32 to index
        %get3A_279 = arith.index_cast %add3A_276 : i32 to index
        %get3A_280 = arith.constant 0 : index
        %get3A_281 = tpu.vector_load %arg12[%get3A_278, %get3A_279, %get3A_280] {strides = array<i32>} : memref<4x320x64xf32, #tpu.memory_space<vmem>>, vector<16xf32>,
        %add3A_282 = arith.addf %add3A_274, %get3A_281 : vector<16xf32>
        %add3A_283 = arith.constant 14 : i32
        %add3A_284 = arith.addi %mul3A_174, %add3A_283 : i32
        %get3A_285 = arith.constant 3 : i32
        %get3A_286 = arith.index_cast %get3A_285 : i32 to index
        %get3A_287 = arith.index_cast %add3A_284 : i32 to index
        %get3A_288 = arith.constant 0 : index
        %get3A_289 = tpu.vector_load %arg12[%get3A_286, %get3A_287, %get3A_288] {strides = array<i32>} : memref<4x320x64xf32, #tpu.memory_space<vmem>>, vector<16xf32>,
        %add3A_290 = arith.addf %add3A_282, %get3A_289 : vector<16xf32>
        %add3A_291 = arith.constant 15 : i32
        %add3A_292 = arith.addi %mul3A_174, %add3A_291 : i32
        %get3A_293 = arith.constant 3 : i32
        %get3A_294 = arith.index_cast %get3A_293 : i32 to index
        %get3A_295 = arith.index_cast %add3A_292 : i32 to index
        %get3A_296 = arith.constant 0 : index
        %get3A_297 = tpu.vector_load %arg12[%get3A_294, %get3A_295, %get3A_296] {strides = array<i32>} : memref<4x320x64xf32, #tpu.memory_space<vmem>>, vector<16xf32>,
        %add3A_298 = arith.addf %add3A_290, %get3A_297 : vector<16xf32>
        %add3A_299 = arith.constant 16 : i32
        %add3A_300 = arith.addi %mul3A_174, %add3A_299 : i32
        %get3A_301 = arith.constant 3 : i32
        %get3A_302 = arith.index_cast %get3A_301 : i32 to index
        %get3A_303 = arith.index_cast %add3A_300 : i32 to index
        %get3A_304 = arith.constant 0 : index
        %get3A_305 = tpu.vector_load %arg12[%get3A_302, %get3A_303, %get3A_304] {strides = array<i32>} : memref<4x320x64xf32, #tpu.memory_space<vmem>>, vector<16xf32>,
        %add3A_306 = arith.addf %add3A_298, %get3A_305 : vector<16xf32>
        %add3A_307 = arith.constant 17 : i32
        %add3A_308 = arith.addi %mul3A_174, %add3A_307 : i32
        %get3A_309 = arith.constant 3 : i32
        %get3A_310 = arith.index_cast %get3A_309 : i32 to index
        %get3A_311 = arith.index_cast %add3A_308 : i32 to index
        %get3A_312 = arith.constant 0 : index
        %get3A_313 = tpu.vector_load %arg12[%get3A_310, %get3A_311, %get3A_312] {strides = array<i32>} : memref<4x320x64xf32, #tpu.memory_space<vmem>>, vector<16xf32>,
        %add3A_314 = arith.addf %add3A_306, %get3A_313 : vector<16xf32>
        %add3A_315 = arith.constant 18 : i32
        %add3A_316 = arith.addi %mul3A_174, %add3A_315 : i32
        %get3A_317 = arith.constant 3 : i32
        %get3A_318 = arith.index_cast %get3A_317 : i32 to index
        %get3A_319 = arith.index_cast %add3A_316 : i32 to index
        %get3A_320 = arith.constant 0 : index
        %get3A_321 = tpu.vector_load %arg12[%get3A_318, %get3A_319, %get3A_320] {strides = array<i32>} : memref<4x320x64xf32, #tpu.memory_space<vmem>>, vector<16xf32>,
        %add3A_322 = arith.addf %add3A_314, %get3A_321 : vector<16xf32>
        %add3A_323 = arith.constant 19 : i32
        %add3A_324 = arith.addi %mul3A_174, %add3A_323 : i32
        %get3A_325 = arith.constant 3 : i32
        %get3A_326 = arith.index_cast %get3A_325 : i32 to index
        %get3A_327 = arith.index_cast %add3A_324 : i32 to index
        %get3A_328 = arith.constant 0 : index
        %get3A_329 = tpu.vector_load %arg12[%get3A_326, %get3A_327, %get3A_328] {strides = array<i32>} : memref<4x320x64xf32, #tpu.memory_space<vmem>>, vector<16xf32>,
        %add3A_330 = arith.addf %add3A_322, %get3A_329 : vector<16xf32>
        %mul3A_331 = arith.constant 16 : i32
        %mul3A_332 = arith.muli %add3A_145, %mul3A_331 : i32
        %add3A_333 = arith.addi %mul3A_332, %scan3A_172 : i32
        %swap3A = arith.index_cast %add3A_333 : i32 to index
        %swap3A_334 = arith.constant 0 : index
        %swap3A_335 = tpu.vector_load %arg13[%swap3A, %swap3A_334] {strides = array<i32>} : memref<128x64xf32, #tpu.memory_space<vmem>>, vector<16xf32>,
        tpu.vector_store %arg13[%swap3A, %swap3A_334], %add3A_330 {strides = array<i32>} : memref<128x64xf32, #tpu.memory_space<vmem>>, vector<16xf32>,
        %get3A_336 = arith.constant 3 : i32
        %get3A_337 = arith.index_cast %get3A_336 : i32 to index
        %get3A_338 = arith.index_cast %mul3A_174 : i32 to index
        %get3A_339 = arith.constant 16 : index
        %get3A_340 = tpu.vector_load %arg12[%get3A_337, %get3A_338, %get3A_339] {strides = array<i32>} : memref<4x320x64xf32, #tpu.memory_space<vmem>>, vector<16xf32>,
        %add3A_341 = arith.constant 1 : i32
        %add3A_342 = arith.addi %mul3A_174, %add3A_341 : i32
        %get3A_343 = arith.constant 3 : i32
        %get3A_344 = arith.index_cast %get3A_343 : i32 to index
        %get3A_345 = arith.index_cast %add3A_342 : i32 to index
        %get3A_346 = arith.constant 16 : index
        %get3A_347 = tpu.vector_load %arg12[%get3A_344, %get3A_345, %get3A_346] {strides = array<i32>} : memref<4x320x64xf32, #tpu.memory_space<vmem>>, vector<16xf32>,
        %add3A_348 = arith.addf %get3A_340, %get3A_347 : vector<16xf32>
        %add3A_349 = arith.constant 2 : i32
        %add3A_350 = arith.addi %mul3A_174, %add3A_349 : i32
        %get3A_351 = arith.constant 3 : i32
        %get3A_352 = arith.index_cast %get3A_351 : i32 to index
        %get3A_353 = arith.index_cast %add3A_350 : i32 to index
        %get3A_354 = arith.constant 16 : index
        %get3A_355 = tpu.vector_load %arg12[%get3A_352, %get3A_353, %get3A_354] {strides = array<i32>} : memref<4x320x64xf32, #tpu.memory_space<vmem>>, vector<16xf32>,
        %add3A_356 = arith.addf %add3A_348, %get3A_355 : vector<16xf32>
        %add3A_357 = arith.constant 3 : i32
        %add3A_358 = arith.addi %mul3A_174, %add3A_357 : i32
        %get3A_359 = arith.constant 3 : i32
        %get3A_360 = arith.index_cast %get3A_359 : i32 to index
        %get3A_361 = arith.index_cast %add3A_358 : i32 to index
        %get3A_362 = arith.constant 16 : index
        %get3A_363 = tpu.vector_load %arg12[%get3A_360, %get3A_361, %get3A_362] {strides = array<i32>} : memref<4x320x64xf32, #tpu.memory_space<vmem>>, vector<16xf32>,
        %add3A_364 = arith.addf %add3A_356, %get3A_363 : vector<16xf32>
        %add3A_365 = arith.constant 4 : i32
        %add3A_366 = arith.addi %mul3A_174, %add3A_365 : i32
        %get3A_367 = arith.constant 3 : i32
        %get3A_368 = arith.index_cast %get3A_367 : i32 to index
        %get3A_369 = arith.index_cast %add3A_366 : i32 to index
        %get3A_370 = arith.constant 16 : index
        %get3A_371 = tpu.vector_load %arg12[%get3A_368, %get3A_369, %get3A_370] {strides = array<i32>} : memref<4x320x64xf32, #tpu.memory_space<vmem>>, vector<16xf32>,
        %add3A_372 = arith.addf %add3A_364, %get3A_371 : vector<16xf32>
        %add3A_373 = arith.constant 5 : i32
        %add3A_374 = arith.addi %mul3A_174, %add3A_373 : i32
        %get3A_375 = arith.constant 3 : i32
        %get3A_376 = arith.index_cast %get3A_375 : i32 to index
        %get3A_377 = arith.index_cast %add3A_374 : i32 to index
        %get3A_378 = arith.constant 16 : index
        %get3A_379 = tpu.vector_load %arg12[%get3A_376, %get3A_377, %get3A_378] {strides = array<i32>} : memref<4x320x64xf32, #tpu.memory_space<vmem>>, vector<16xf32>,
        %add3A_380 = arith.addf %add3A_372, %get3A_379 : vector<16xf32>
        %add3A_381 = arith.constant 6 : i32
        %add3A_382 = arith.addi %mul3A_174, %add3A_381 : i32
        %get3A_383 = arith.constant 3 : i32
        %get3A_384 = arith.index_cast %get3A_383 : i32 to index
        %get3A_385 = arith.index_cast %add3A_382 : i32 to index
        %get3A_386 = arith.constant 16 : index
        %get3A_387 = tpu.vector_load %arg12[%get3A_384, %get3A_385, %get3A_386] {strides = array<i32>} : memref<4x320x64xf32, #tpu.memory_space<vmem>>, vector<16xf32>,
        %add3A_388 = arith.addf %add3A_380, %get3A_387 : vector<16xf32>
        %add3A_389 = arith.constant 7 : i32
        %add3A_390 = arith.addi %mul3A_174, %add3A_389 : i32
        %get3A_391 = arith.constant 3 : i32
        %get3A_392 = arith.index_cast %get3A_391 : i32 to index
        %get3A_393 = arith.index_cast %add3A_390 : i32 to index
        %get3A_394 = arith.constant 16 : index
        %get3A_395 = tpu.vector_load %arg12[%get3A_392, %get3A_393, %get3A_394] {strides = array<i32>} : memref<4x320x64xf32, #tpu.memory_space<vmem>>, vector<16xf32>,
        %add3A_396 = arith.addf %add3A_388, %get3A_395 : vector<16xf32>
        %add3A_397 = arith.constant 8 : i32
        %add3A_398 = arith.addi %mul3A_174, %add3A_397 : i32
        %get3A_399 = arith.constant 3 : i32
        %get3A_400 = arith.index_cast %get3A_399 : i32 to index
        %get3A_401 = arith.index_cast %add3A_398 : i32 to index
        %get3A_402 = arith.constant 16 : index
        %get3A_403 = tpu.vector_load %arg12[%get3A_400, %get3A_401, %get3A_402] {strides = array<i32>} : memref<4x320x64xf32, #tpu.memory_space<vmem>>, vector<16xf32>,
        %add3A_404 = arith.addf %add3A_396, %get3A_403 : vector<16xf32>
        %add3A_405 = arith.constant 9 : i32
        %add3A_406 = arith.addi %mul3A_174, %add3A_405 : i32
        %get3A_407 = arith.constant 3 : i32
        %get3A_408 = arith.index_cast %get3A_407 : i32 to index
        %get3A_409 = arith.index_cast %add3A_406 : i32 to index
        %get3A_410 = arith.constant 16 : index
        %get3A_411 = tpu.vector_load %arg12[%get3A_408, %get3A_409, %get3A_410] {strides = array<i32>} : memref<4x320x64xf32, #tpu.memory_space<vmem>>, vector<16xf32>,
        %add3A_412 = arith.addf %add3A_404, %get3A_411 : vector<16xf32>
        %add3A_413 = arith.constant 10 : i32
        %add3A_414 = arith.addi %mul3A_174, %add3A_413 : i32
        %get3A_415 = arith.constant 3 : i32
        %get3A_416 = arith.index_cast %get3A_415 : i32 to index
        %get3A_417 = arith.index_cast %add3A_414 : i32 to index
        %get3A_418 = arith.constant 16 : index
        %get3A_419 = tpu.vector_load %arg12[%get3A_416, %get3A_417, %get3A_418] {strides = array<i32>} : memref<4x320x64xf32, #tpu.memory_space<vmem>>, vector<16xf32>,
        %add3A_420 = arith.addf %add3A_412, %get3A_419 : vector<16xf32>
        %add3A_421 = arith.constant 11 : i32
        %add3A_422 = arith.addi %mul3A_174, %add3A_421 : i32
        %get3A_423 = arith.constant 3 : i32
        %get3A_424 = arith.index_cast %get3A_423 : i32 to index
        %get3A_425 = arith.index_cast %add3A_422 : i32 to index
        %get3A_426 = arith.constant 16 : index
        %get3A_427 = tpu.vector_load %arg12[%get3A_424, %get3A_425, %get3A_426] {strides = array<i32>} : memref<4x320x64xf32, #tpu.memory_space<vmem>>, vector<16xf32>,
        %add3A_428 = arith.addf %add3A_420, %get3A_427 : vector<16xf32>
        %add3A_429 = arith.constant 12 : i32
        %add3A_430 = arith.addi %mul3A_174, %add3A_429 : i32
        %get3A_431 = arith.constant 3 : i32
        %get3A_432 = arith.index_cast %get3A_431 : i32 to index
        %get3A_433 = arith.index_cast %add3A_430 : i32 to index
        %get3A_434 = arith.constant 16 : index
        %get3A_435 = tpu.vector_load %arg12[%get3A_432, %get3A_433, %get3A_434] {strides = array<i32>} : memref<4x320x64xf32, #tpu.memory_space<vmem>>, vector<16xf32>,
        %add3A_436 = arith.addf %add3A_428, %get3A_435 : vector<16xf32>
        %add3A_437 = arith.constant 13 : i32
        %add3A_438 = arith.addi %mul3A_174, %add3A_437 : i32
        %get3A_439 = arith.constant 3 : i32
        %get3A_440 = arith.index_cast %get3A_439 : i32 to index
        %get3A_441 = arith.index_cast %add3A_438 : i32 to index
        %get3A_442 = arith.constant 16 : index
        %get3A_443 = tpu.vector_load %arg12[%get3A_440, %get3A_441, %get3A_442] {strides = array<i32>} : memref<4x320x64xf32, #tpu.memory_space<vmem>>, vector<16xf32>,
        %add3A_444 = arith.addf %add3A_436, %get3A_443 : vector<16xf32>
        %add3A_445 = arith.constant 14 : i32
        %add3A_446 = arith.addi %mul3A_174, %add3A_445 : i32
        %get3A_447 = arith.constant 3 : i32
        %get3A_448 = arith.index_cast %get3A_447 : i32 to index
        %get3A_449 = arith.index_cast %add3A_446 : i32 to index
        %get3A_450 = arith.constant 16 : index
        %get3A_451 = tpu.vector_load %arg12[%get3A_448, %get3A_449, %get3A_450] {strides = array<i32>} : memref<4x320x64xf32, #tpu.memory_space<vmem>>, vector<16xf32>,
        %add3A_452 = arith.addf %add3A_444, %get3A_451 : vector<16xf32>
        %add3A_453 = arith.constant 15 : i32
        %add3A_454 = arith.addi %mul3A_174, %add3A_453 : i32
        %get3A_455 = arith.constant 3 : i32
        %get3A_456 = arith.index_cast %get3A_455 : i32 to index
        %get3A_457 = arith.index_cast %add3A_454 : i32 to index
        %get3A_458 = arith.constant 16 : index
        %get3A_459 = tpu.vector_load %arg12[%get3A_456, %get3A_457, %get3A_458] {strides = array<i32>} : memref<4x320x64xf32, #tpu.memory_space<vmem>>, vector<16xf32>,
        %add3A_460 = arith.addf %add3A_452, %get3A_459 : vector<16xf32>
        %add3A_461 = arith.constant 16 : i32
        %add3A_462 = arith.addi %mul3A_174, %add3A_461 : i32
        %get3A_463 = arith.constant 3 : i32
        %get3A_464 = arith.index_cast %get3A_463 : i32 to index
        %get3A_465 = arith.index_cast %add3A_462 : i32 to index
        %get3A_466 = arith.constant 16 : index
        %get3A_467 = tpu.vector_load %arg12[%get3A_464, %get3A_465, %get3A_466] {strides = array<i32>} : memref<4x320x64xf32, #tpu.memory_space<vmem>>, vector<16xf32>,
        %add3A_468 = arith.addf %add3A_460, %get3A_467 : vector<16xf32>
        %add3A_469 = arith.constant 17 : i32
        %add3A_470 = arith.addi %mul3A_174, %add3A_469 : i32
        %get3A_471 = arith.constant 3 : i32
        %get3A_472 = arith.index_cast %get3A_471 : i32 to index
        %get3A_473 = arith.index_cast %add3A_470 : i32 to index
        %get3A_474 = arith.constant 16 : index
        %get3A_475 = tpu.vector_load %arg12[%get3A_472, %get3A_473, %get3A_474] {strides = array<i32>} : memref<4x320x64xf32, #tpu.memory_space<vmem>>, vector<16xf32>,
        %add3A_476 = arith.addf %add3A_468, %get3A_475 : vector<16xf32>
        %add3A_477 = arith.constant 18 : i32
        %add3A_478 = arith.addi %mul3A_174, %add3A_477 : i32
        %get3A_479 = arith.constant 3 : i32
        %get3A_480 = arith.index_cast %get3A_479 : i32 to index
        %get3A_481 = arith.index_cast %add3A_478 : i32 to index
        %get3A_482 = arith.constant 16 : index
        %get3A_483 = tpu.vector_load %arg12[%get3A_480, %get3A_481, %get3A_482] {strides = array<i32>} : memref<4x320x64xf32, #tpu.memory_space<vmem>>, vector<16xf32>,
        %add3A_484 = arith.addf %add3A_476, %get3A_483 : vector<16xf32>
        %add3A_485 = arith.constant 19 : i32
        %add3A_486 = arith.addi %mul3A_174, %add3A_485 : i32
        %get3A_487 = arith.constant 3 : i32
        %get3A_488 = arith.index_cast %get3A_487 : i32 to index
        %get3A_489 = arith.index_cast %add3A_486 : i32 to index
        %get3A_490 = arith.constant 16 : index
        %get3A_491 = tpu.vector_load %arg12[%get3A_488, %get3A_489, %get3A_490] {strides = array<i32>} : memref<4x320x64xf32, #tpu.memory_space<vmem>>, vector<16xf32>,
        %add3A_492 = arith.addf %add3A_484, %get3A_491 : vector<16xf32>
        %mul3A_493 = arith.constant 16 : i32
        %mul3A_494 = arith.muli %add3A_145, %mul3A_493 : i32
        %add3A_495 = arith.addi %mul3A_494, %scan3A_172 : i32
        %swap3A_496 = arith.index_cast %add3A_495 : i32 to index
        %swap3A_497 = arith.constant 16 : index
        %swap3A_498 = tpu.vector_load %arg13[%swap3A_496, %swap3A_497] {strides = array<i32>} : memref<128x64xf32, #tpu.memory_space<vmem>>, vector<16xf32>,
        tpu.vector_store %arg13[%swap3A_496, %swap3A_497], %add3A_492 {strides = array<i32>} : memref<128x64xf32, #tpu.memory_space<vmem>>, vector<16xf32>,
        %get3A_499 = arith.constant 3 : i32
        %get3A_500 = arith.index_cast %get3A_499 : i32 to index
        %get3A_501 = arith.index_cast %mul3A_174 : i32 to index
        %get3A_502 = arith.constant 32 : index
        %get3A_503 = tpu.vector_load %arg12[%get3A_500, %get3A_501, %get3A_502] {strides = array<i32>} : memref<4x320x64xf32, #tpu.memory_space<vmem>>, vector<16xf32>,
        %add3A_504 = arith.constant 1 : i32
        %add3A_505 = arith.addi %mul3A_174, %add3A_504 : i32
        %get3A_506 = arith.constant 3 : i32
        %get3A_507 = arith.index_cast %get3A_506 : i32 to index
        %get3A_508 = arith.index_cast %add3A_505 : i32 to index
        %get3A_509 = arith.constant 32 : index
        %get3A_510 = tpu.vector_load %arg12[%get3A_507, %get3A_508, %get3A_509] {strides = array<i32>} : memref<4x320x64xf32, #tpu.memory_space<vmem>>, vector<16xf32>,
        %add3A_511 = arith.addf %get3A_503, %get3A_510 : vector<16xf32>
        %add3A_512 = arith.constant 2 : i32
        %add3A_513 = arith.addi %mul3A_174, %add3A_512 : i32
        %get3A_514 = arith.constant 3 : i32
        %get3A_515 = arith.index_cast %get3A_514 : i32 to index
        %get3A_516 = arith.index_cast %add3A_513 : i32 to index
        %get3A_517 = arith.constant 32 : index
        %get3A_518 = tpu.vector_load %arg12[%get3A_515, %get3A_516, %get3A_517] {strides = array<i32>} : memref<4x320x64xf32, #tpu.memory_space<vmem>>, vector<16xf32>,
        %add3A_519 = arith.addf %add3A_511, %get3A_518 : vector<16xf32>
        %add3A_520 = arith.constant 3 : i32
        %add3A_521 = arith.addi %mul3A_174, %add3A_520 : i32
        %get3A_522 = arith.constant 3 : i32
        %get3A_523 = arith.index_cast %get3A_522 : i32 to index
        %get3A_524 = arith.index_cast %add3A_521 : i32 to index
        %get3A_525 = arith.constant 32 : index
        %get3A_526 = tpu.vector_load %arg12[%get3A_523, %get3A_524, %get3A_525] {strides = array<i32>} : memref<4x320x64xf32, #tpu.memory_space<vmem>>, vector<16xf32>,
        %add3A_527 = arith.addf %add3A_519, %get3A_526 : vector<16xf32>
        %add3A_528 = arith.constant 4 : i32
        %add3A_529 = arith.addi %mul3A_174, %add3A_528 : i32
        %get3A_530 = arith.constant 3 : i32
        %get3A_531 = arith.index_cast %get3A_530 : i32 to index
        %get3A_532 = arith.index_cast %add3A_529 : i32 to index
        %get3A_533 = arith.constant 32 : index
        %get3A_534 = tpu.vector_load %arg12[%get3A_531, %get3A_532, %get3A_533] {strides = array<i32>} : memref<4x320x64xf32, #tpu.memory_space<vmem>>, vector<16xf32>,
        %add3A_535 = arith.addf %add3A_527, %get3A_534 : vector<16xf32>
        %add3A_536 = arith.constant 5 : i32
        %add3A_537 = arith.addi %mul3A_174, %add3A_536 : i32
        %get3A_538 = arith.constant 3 : i32
        %get3A_539 = arith.index_cast %get3A_538 : i32 to index
        %get3A_540 = arith.index_cast %add3A_537 : i32 to index
        %get3A_541 = arith.constant 32 : index
        %get3A_542 = tpu.vector_load %arg12[%get3A_539, %get3A_540, %get3A_541] {strides = array<i32>} : memref<4x320x64xf32, #tpu.memory_space<vmem>>, vector<16xf32>,
        %add3A_543 = arith.addf %add3A_535, %get3A_542 : vector<16xf32>
        %add3A_544 = arith.constant 6 : i32
        %add3A_545 = arith.addi %mul3A_174, %add3A_544 : i32
        %get3A_546 = arith.constant 3 : i32
        %get3A_547 = arith.index_cast %get3A_546 : i32 to index
        %get3A_548 = arith.index_cast %add3A_545 : i32 to index
        %get3A_549 = arith.constant 32 : index
        %get3A_550 = tpu.vector_load %arg12[%get3A_547, %get3A_548, %get3A_549] {strides = array<i32>} : memref<4x320x64xf32, #tpu.memory_space<vmem>>, vector<16xf32>,
        %add3A_551 = arith.addf %add3A_543, %get3A_550 : vector<16xf32>
        %add3A_552 = arith.constant 7 : i32
        %add3A_553 = arith.addi %mul3A_174, %add3A_552 : i32
        %get3A_554 = arith.constant 3 : i32
        %get3A_555 = arith.index_cast %get3A_554 : i32 to index
        %get3A_556 = arith.index_cast %add3A_553 : i32 to index
        %get3A_557 = arith.constant 32 : index
        %get3A_558 = tpu.vector_load %arg12[%get3A_555, %get3A_556, %get3A_557] {strides = array<i32>} : memref<4x320x64xf32, #tpu.memory_space<vmem>>, vector<16xf32>,
        %add3A_559 = arith.addf %add3A_551, %get3A_558 : vector<16xf32>
        %add3A_560 = arith.constant 8 : i32
        %add3A_561 = arith.addi %mul3A_174, %add3A_560 : i32
        %get3A_562 = arith.constant 3 : i32
        %get3A_563 = arith.index_cast %get3A_562 : i32 to index
        %get3A_564 = arith.index_cast %add3A_561 : i32 to index
        %get3A_565 = arith.constant 32 : index
        %get3A_566 = tpu.vector_load %arg12[%get3A_563, %get3A_564, %get3A_565] {strides = array<i32>} : memref<4x320x64xf32, #tpu.memory_space<vmem>>, vector<16xf32>,
        %add3A_567 = arith.addf %add3A_559, %get3A_566 : vector<16xf32>
        %add3A_568 = arith.constant 9 : i32
        %add3A_569 = arith.addi %mul3A_174, %add3A_568 : i32
        %get3A_570 = arith.constant 3 : i32
        %get3A_571 = arith.index_cast %get3A_570 : i32 to index
        %get3A_572 = arith.index_cast %add3A_569 : i32 to index
        %get3A_573 = arith.constant 32 : index
        %get3A_574 = tpu.vector_load %arg12[%get3A_571, %get3A_572, %get3A_573] {strides = array<i32>} : memref<4x320x64xf32, #tpu.memory_space<vmem>>, vector<16xf32>,
        %add3A_575 = arith.addf %add3A_567, %get3A_574 : vector<16xf32>
        %add3A_576 = arith.constant 10 : i32
        %add3A_577 = arith.addi %mul3A_174, %add3A_576 : i32
        %get3A_578 = arith.constant 3 : i32
        %get3A_579 = arith.index_cast %get3A_578 : i32 to index
        %get3A_580 = arith.index_cast %add3A_577 : i32 to index
        %get3A_581 = arith.constant 32 : index
        %get3A_582 = tpu.vector_load %arg12[%get3A_579, %get3A_580, %get3A_581] {strides = array<i32>} : memref<4x320x64xf32, #tpu.memory_space<vmem>>, vector<16xf32>,
        %add3A_583 = arith.addf %add3A_575, %get3A_582 : vector<16xf32>
        %add3A_584 = arith.constant 11 : i32
        %add3A_585 = arith.addi %mul3A_174, %add3A_584 : i32
        %get3A_586 = arith.constant 3 : i32
        %get3A_587 = arith.index_cast %get3A_586 : i32 to index
        %get3A_588 = arith.index_cast %add3A_585 : i32 to index
        %get3A_589 = arith.constant 32 : index
        %get3A_590 = tpu.vector_load %arg12[%get3A_587, %get3A_588, %get3A_589] {strides = array<i32>} : memref<4x320x64xf32, #tpu.memory_space<vmem>>, vector<16xf32>,
        %add3A_591 = arith.addf %add3A_583, %get3A_590 : vector<16xf32>
        %add3A_592 = arith.constant 12 : i32
        %add3A_593 = arith.addi %mul3A_174, %add3A_592 : i32
        %get3A_594 = arith.constant 3 : i32
        %get3A_595 = arith.index_cast %get3A_594 : i32 to index
        %get3A_596 = arith.index_cast %add3A_593 : i32 to index
        %get3A_597 = arith.constant 32 : index
        %get3A_598 = tpu.vector_load %arg12[%get3A_595, %get3A_596, %get3A_597] {strides = array<i32>} : memref<4x320x64xf32, #tpu.memory_space<vmem>>, vector<16xf32>,
        %add3A_599 = arith.addf %add3A_591, %get3A_598 : vector<16xf32>
        %add3A_600 = arith.constant 13 : i32
        %add3A_601 = arith.addi %mul3A_174, %add3A_600 : i32
        %get3A_602 = arith.constant 3 : i32
        %get3A_603 = arith.index_cast %get3A_602 : i32 to index
        %get3A_604 = arith.index_cast %add3A_601 : i32 to index
        %get3A_605 = arith.constant 32 : index
        %get3A_606 = tpu.vector_load %arg12[%get3A_603, %get3A_604, %get3A_605] {strides = array<i32>} : memref<4x320x64xf32, #tpu.memory_space<vmem>>, vector<16xf32>,
        %add3A_607 = arith.addf %add3A_599, %get3A_606 : vector<16xf32>
        %add3A_608 = arith.constant 14 : i32
        %add3A_609 = arith.addi %mul3A_174, %add3A_608 : i32
        %get3A_610 = arith.constant 3 : i32
        %get3A_611 = arith.index_cast %get3A_610 : i32 to index
        %get3A_612 = arith.index_cast %add3A_609 : i32 to index
        %get3A_613 = arith.constant 32 : index
        %get3A_614 = tpu.vector_load %arg12[%get3A_611, %get3A_612, %get3A_613] {strides = array<i32>} : memref<4x320x64xf32, #tpu.memory_space<vmem>>, vector<16xf32>,
        %add3A_615 = arith.addf %add3A_607, %get3A_614 : vector<16xf32>
        %add3A_616 = arith.constant 15 : i32
        %add3A_617 = arith.addi %mul3A_174, %add3A_616 : i32
        %get3A_618 = arith.constant 3 : i32
        %get3A_619 = arith.index_cast %get3A_618 : i32 to index
        %get3A_620 = arith.index_cast %add3A_617 : i32 to index
        %get3A_621 = arith.constant 32 : index
        %get3A_622 = tpu.vector_load %arg12[%get3A_619, %get3A_620, %get3A_621] {strides = array<i32>} : memref<4x320x64xf32, #tpu.memory_space<vmem>>, vector<16xf32>,
        %add3A_623 = arith.addf %add3A_615, %get3A_622 : vector<16xf32>
        %add3A_624 = arith.constant 16 : i32
        %add3A_625 = arith.addi %mul3A_174, %add3A_624 : i32
        %get3A_626 = arith.constant 3 : i32
        %get3A_627 = arith.index_cast %get3A_626 : i32 to index
        %get3A_628 = arith.index_cast %add3A_625 : i32 to index
        %get3A_629 = arith.constant 32 : index
        %get3A_630 = tpu.vector_load %arg12[%get3A_627, %get3A_628, %get3A_629] {strides = array<i32>} : memref<4x320x64xf32, #tpu.memory_space<vmem>>, vector<16xf32>,
        %add3A_631 = arith.addf %add3A_623, %get3A_630 : vector<16xf32>
        %add3A_632 = arith.constant 17 : i32
        %add3A_633 = arith.addi %mul3A_174, %add3A_632 : i32
        %get3A_634 = arith.constant 3 : i32
        %get3A_635 = arith.index_cast %get3A_634 : i32 to index
        %get3A_636 = arith.index_cast %add3A_633 : i32 to index
        %get3A_637 = arith.constant 32 : index
        %get3A_638 = tpu.vector_load %arg12[%get3A_635, %get3A_636, %get3A_637] {strides = array<i32>} : memref<4x320x64xf32, #tpu.memory_space<vmem>>, vector<16xf32>,
        %add3A_639 = arith.addf %add3A_631, %get3A_638 : vector<16xf32>
        %add3A_640 = arith.constant 18 : i32
        %add3A_641 = arith.addi %mul3A_174, %add3A_640 : i32
        %get3A_642 = arith.constant 3 : i32
        %get3A_643 = arith.index_cast %get3A_642 : i32 to index
        %get3A_644 = arith.index_cast %add3A_641 : i32 to index
        %get3A_645 = arith.constant 32 : index
        %get3A_646 = tpu.vector_load %arg12[%get3A_643, %get3A_644, %get3A_645] {strides = array<i32>} : memref<4x320x64xf32, #tpu.memory_space<vmem>>, vector<16xf32>,
        %add3A_647 = arith.addf %add3A_639, %get3A_646 : vector<16xf32>
        %add3A_648 = arith.constant 19 : i32
        %add3A_649 = arith.addi %mul3A_174, %add3A_648 : i32
        %get3A_650 = arith.constant 3 : i32
        %get3A_651 = arith.index_cast %get3A_650 : i32 to index
        %get3A_652 = arith.index_cast %add3A_649 : i32 to index
        %get3A_653 = arith.constant 32 : index
        %get3A_654 = tpu.vector_load %arg12[%get3A_651, %get3A_652, %get3A_653] {strides = array<i32>} : memref<4x320x64xf32, #tpu.memory_space<vmem>>, vector<16xf32>,
        %add3A_655 = arith.addf %add3A_647, %get3A_654 : vector<16xf32>
        %mul3A_656 = arith.constant 16 : i32
        %mul3A_657 = arith.muli %add3A_145, %mul3A_656 : i32
        %add3A_658 = arith.addi %mul3A_657, %scan3A_172 : i32
        %swap3A_659 = arith.index_cast %add3A_658 : i32 to index
        %swap3A_660 = arith.constant 32 : index
        %swap3A_661 = tpu.vector_load %arg13[%swap3A_659, %swap3A_660] {strides = array<i32>} : memref<128x64xf32, #tpu.memory_space<vmem>>, vector<16xf32>,
        tpu.vector_store %arg13[%swap3A_659, %swap3A_660], %add3A_655 {strides = array<i32>} : memref<128x64xf32, #tpu.memory_space<vmem>>, vector<16xf32>,
        %get3A_662 = arith.constant 3 : i32
        %get3A_663 = arith.index_cast %get3A_662 : i32 to index
        %get3A_664 = arith.index_cast %mul3A_174 : i32 to index
        %get3A_665 = arith.constant 48 : index
        %get3A_666 = tpu.vector_load %arg12[%get3A_663, %get3A_664, %get3A_665] {strides = array<i32>} : memref<4x320x64xf32, #tpu.memory_space<vmem>>, vector<16xf32>,
        %add3A_667 = arith.constant 1 : i32
        %add3A_668 = arith.addi %mul3A_174, %add3A_667 : i32
        %get3A_669 = arith.constant 3 : i32
        %get3A_670 = arith.index_cast %get3A_669 : i32 to index
        %get3A_671 = arith.index_cast %add3A_668 : i32 to index
        %get3A_672 = arith.constant 48 : index
        %get3A_673 = tpu.vector_load %arg12[%get3A_670, %get3A_671, %get3A_672] {strides = array<i32>} : memref<4x320x64xf32, #tpu.memory_space<vmem>>, vector<16xf32>,
        %add3A_674 = arith.addf %get3A_666, %get3A_673 : vector<16xf32>
        %add3A_675 = arith.constant 2 : i32
        %add3A_676 = arith.addi %mul3A_174, %add3A_675 : i32
        %get3A_677 = arith.constant 3 : i32
        %get3A_678 = arith.index_cast %get3A_677 : i32 to index
        %get3A_679 = arith.index_cast %add3A_676 : i32 to index
        %get3A_680 = arith.constant 48 : index
        %get3A_681 = tpu.vector_load %arg12[%get3A_678, %get3A_679, %get3A_680] {strides = array<i32>} : memref<4x320x64xf32, #tpu.memory_space<vmem>>, vector<16xf32>,
        %add3A_682 = arith.addf %add3A_674, %get3A_681 : vector<16xf32>
        %add3A_683 = arith.constant 3 : i32
        %add3A_684 = arith.addi %mul3A_174, %add3A_683 : i32
        %get3A_685 = arith.constant 3 : i32
        %get3A_686 = arith.index_cast %get3A_685 : i32 to index
        %get3A_687 = arith.index_cast %add3A_684 : i32 to index
        %get3A_688 = arith.constant 48 : index
        %get3A_689 = tpu.vector_load %arg12[%get3A_686, %get3A_687, %get3A_688] {strides = array<i32>} : memref<4x320x64xf32, #tpu.memory_space<vmem>>, vector<16xf32>,
        %add3A_690 = arith.addf %add3A_682, %get3A_689 : vector<16xf32>
        %add3A_691 = arith.constant 4 : i32
        %add3A_692 = arith.addi %mul3A_174, %add3A_691 : i32
        %get3A_693 = arith.constant 3 : i32
        %get3A_694 = arith.index_cast %get3A_693 : i32 to index
        %get3A_695 = arith.index_cast %add3A_692 : i32 to index
        %get3A_696 = arith.constant 48 : index
        %get3A_697 = tpu.vector_load %arg12[%get3A_694, %get3A_695, %get3A_696] {strides = array<i32>} : memref<4x320x64xf32, #tpu.memory_space<vmem>>, vector<16xf32>,
        %add3A_698 = arith.addf %add3A_690, %get3A_697 : vector<16xf32>
        %add3A_699 = arith.constant 5 : i32
        %add3A_700 = arith.addi %mul3A_174, %add3A_699 : i32
        %get3A_701 = arith.constant 3 : i32
        %get3A_702 = arith.index_cast %get3A_701 : i32 to index
        %get3A_703 = arith.index_cast %add3A_700 : i32 to index
        %get3A_704 = arith.constant 48 : index
        %get3A_705 = tpu.vector_load %arg12[%get3A_702, %get3A_703, %get3A_704] {strides = array<i32>} : memref<4x320x64xf32, #tpu.memory_space<vmem>>, vector<16xf32>,
        %add3A_706 = arith.addf %add3A_698, %get3A_705 : vector<16xf32>
        %add3A_707 = arith.constant 6 : i32
        %add3A_708 = arith.addi %mul3A_174, %add3A_707 : i32
        %get3A_709 = arith.constant 3 : i32
        %get3A_710 = arith.index_cast %get3A_709 : i32 to index
        %get3A_711 = arith.index_cast %add3A_708 : i32 to index
        %get3A_712 = arith.constant 48 : index
        %get3A_713 = tpu.vector_load %arg12[%get3A_710, %get3A_711, %get3A_712] {strides = array<i32>} : memref<4x320x64xf32, #tpu.memory_space<vmem>>, vector<16xf32>,
        %add3A_714 = arith.addf %add3A_706, %get3A_713 : vector<16xf32>
        %add3A_715 = arith.constant 7 : i32
        %add3A_716 = arith.addi %mul3A_174, %add3A_715 : i32
        %get3A_717 = arith.constant 3 : i32
        %get3A_718 = arith.index_cast %get3A_717 : i32 to index
        %get3A_719 = arith.index_cast %add3A_716 : i32 to index
        %get3A_720 = arith.constant 48 : index
        %get3A_721 = tpu.vector_load %arg12[%get3A_718, %get3A_719, %get3A_720] {strides = array<i32>} : memref<4x320x64xf32, #tpu.memory_space<vmem>>, vector<16xf32>,
        %add3A_722 = arith.addf %add3A_714, %get3A_721 : vector<16xf32>
        %add3A_723 = arith.constant 8 : i32
        %add3A_724 = arith.addi %mul3A_174, %add3A_723 : i32
        %get3A_725 = arith.constant 3 : i32
        %get3A_726 = arith.index_cast %get3A_725 : i32 to index
        %get3A_727 = arith.index_cast %add3A_724 : i32 to index
        %get3A_728 = arith.constant 48 : index
        %get3A_729 = tpu.vector_load %arg12[%get3A_726, %get3A_727, %get3A_728] {strides = array<i32>} : memref<4x320x64xf32, #tpu.memory_space<vmem>>, vector<16xf32>,
        %add3A_730 = arith.addf %add3A_722, %get3A_729 : vector<16xf32>
        %add3A_731 = arith.constant 9 : i32
        %add3A_732 = arith.addi %mul3A_174, %add3A_731 : i32
        %get3A_733 = arith.constant 3 : i32
        %get3A_734 = arith.index_cast %get3A_733 : i32 to index
        %get3A_735 = arith.index_cast %add3A_732 : i32 to index
        %get3A_736 = arith.constant 48 : index
        %get3A_737 = tpu.vector_load %arg12[%get3A_734, %get3A_735, %get3A_736] {strides = array<i32>} : memref<4x320x64xf32, #tpu.memory_space<vmem>>, vector<16xf32>,
        %add3A_738 = arith.addf %add3A_730, %get3A_737 : vector<16xf32>
        %add3A_739 = arith.constant 10 : i32
        %add3A_740 = arith.addi %mul3A_174, %add3A_739 : i32
        %get3A_741 = arith.constant 3 : i32
        %get3A_742 = arith.index_cast %get3A_741 : i32 to index
        %get3A_743 = arith.index_cast %add3A_740 : i32 to index
        %get3A_744 = arith.constant 48 : index
        %get3A_745 = tpu.vector_load %arg12[%get3A_742, %get3A_743, %get3A_744] {strides = array<i32>} : memref<4x320x64xf32, #tpu.memory_space<vmem>>, vector<16xf32>,
        %add3A_746 = arith.addf %add3A_738, %get3A_745 : vector<16xf32>
        %add3A_747 = arith.constant 11 : i32
        %add3A_748 = arith.addi %mul3A_174, %add3A_747 : i32
        %get3A_749 = arith.constant 3 : i32
        %get3A_750 = arith.index_cast %get3A_749 : i32 to index
        %get3A_751 = arith.index_cast %add3A_748 : i32 to index
        %get3A_752 = arith.constant 48 : index
        %get3A_753 = tpu.vector_load %arg12[%get3A_750, %get3A_751, %get3A_752] {strides = array<i32>} : memref<4x320x64xf32, #tpu.memory_space<vmem>>, vector<16xf32>,
        %add3A_754 = arith.addf %add3A_746, %get3A_753 : vector<16xf32>
        %add3A_755 = arith.constant 12 : i32
        %add3A_756 = arith.addi %mul3A_174, %add3A_755 : i32
        %get3A_757 = arith.constant 3 : i32
        %get3A_758 = arith.index_cast %get3A_757 : i32 to index
        %get3A_759 = arith.index_cast %add3A_756 : i32 to index
        %get3A_760 = arith.constant 48 : index
        %get3A_761 = tpu.vector_load %arg12[%get3A_758, %get3A_759, %get3A_760] {strides = array<i32>} : memref<4x320x64xf32, #tpu.memory_space<vmem>>, vector<16xf32>,
        %add3A_762 = arith.addf %add3A_754, %get3A_761 : vector<16xf32>
        %add3A_763 = arith.constant 13 : i32
        %add3A_764 = arith.addi %mul3A_174, %add3A_763 : i32
        %get3A_765 = arith.constant 3 : i32
        %get3A_766 = arith.index_cast %get3A_765 : i32 to index
        %get3A_767 = arith.index_cast %add3A_764 : i32 to index
        %get3A_768 = arith.constant 48 : index
        %get3A_769 = tpu.vector_load %arg12[%get3A_766, %get3A_767, %get3A_768] {strides = array<i32>} : memref<4x320x64xf32, #tpu.memory_space<vmem>>, vector<16xf32>,
        %add3A_770 = arith.addf %add3A_762, %get3A_769 : vector<16xf32>
        %add3A_771 = arith.constant 14 : i32
        %add3A_772 = arith.addi %mul3A_174, %add3A_771 : i32
        %get3A_773 = arith.constant 3 : i32
        %get3A_774 = arith.index_cast %get3A_773 : i32 to index
        %get3A_775 = arith.index_cast %add3A_772 : i32 to index
        %get3A_776 = arith.constant 48 : index
        %get3A_777 = tpu.vector_load %arg12[%get3A_774, %get3A_775, %get3A_776] {strides = array<i32>} : memref<4x320x64xf32, #tpu.memory_space<vmem>>, vector<16xf32>,
        %add3A_778 = arith.addf %add3A_770, %get3A_777 : vector<16xf32>
        %add3A_779 = arith.constant 15 : i32
        %add3A_780 = arith.addi %mul3A_174, %add3A_779 : i32
        %get3A_781 = arith.constant 3 : i32
        %get3A_782 = arith.index_cast %get3A_781 : i32 to index
        %get3A_783 = arith.index_cast %add3A_780 : i32 to index
        %get3A_784 = arith.constant 48 : index
        %get3A_785 = tpu.vector_load %arg12[%get3A_782, %get3A_783, %get3A_784] {strides = array<i32>} : memref<4x320x64xf32, #tpu.memory_space<vmem>>, vector<16xf32>,
        %add3A_786 = arith.addf %add3A_778, %get3A_785 : vector<16xf32>
        %add3A_787 = arith.constant 16 : i32
        %add3A_788 = arith.addi %mul3A_174, %add3A_787 : i32
        %get3A_789 = arith.constant 3 : i32
        %get3A_790 = arith.index_cast %get3A_789 : i32 to index
        %get3A_791 = arith.index_cast %add3A_788 : i32 to index
        %get3A_792 = arith.constant 48 : index
        %get3A_793 = tpu.vector_load %arg12[%get3A_790, %get3A_791, %get3A_792] {strides = array<i32>} : memref<4x320x64xf32, #tpu.memory_space<vmem>>, vector<16xf32>,
        %add3A_794 = arith.addf %add3A_786, %get3A_793 : vector<16xf32>
        %add3A_795 = arith.constant 17 : i32
        %add3A_796 = arith.addi %mul3A_174, %add3A_795 : i32
        %get3A_797 = arith.constant 3 : i32
        %get3A_798 = arith.index_cast %get3A_797 : i32 to index
        %get3A_799 = arith.index_cast %add3A_796 : i32 to index
        %get3A_800 = arith.constant 48 : index
        %get3A_801 = tpu.vector_load %arg12[%get3A_798, %get3A_799, %get3A_800] {strides = array<i32>} : memref<4x320x64xf32, #tpu.memory_space<vmem>>, vector<16xf32>,
        %add3A_802 = arith.addf %add3A_794, %get3A_801 : vector<16xf32>
        %add3A_803 = arith.constant 18 : i32
        %add3A_804 = arith.addi %mul3A_174, %add3A_803 : i32
        %get3A_805 = arith.constant 3 : i32
        %get3A_806 = arith.index_cast %get3A_805 : i32 to index
        %get3A_807 = arith.index_cast %add3A_804 : i32 to index
        %get3A_808 = arith.constant 48 : index
        %get3A_809 = tpu.vector_load %arg12[%get3A_806, %get3A_807, %get3A_808] {strides = array<i32>} : memref<4x320x64xf32, #tpu.memory_space<vmem>>, vector<16xf32>,
        %add3A_810 = arith.addf %add3A_802, %get3A_809 : vector<16xf32>
        %add3A_811 = arith.constant 19 : i32
        %add3A_812 = arith.addi %mul3A_174, %add3A_811 : i32
        %get3A_813 = arith.constant 3 : i32
        %get3A_814 = arith.index_cast %get3A_813 : i32 to index
        %get3A_815 = arith.index_cast %add3A_812 : i32 to index
        %get3A_816 = arith.constant 48 : index
        %get3A_817 = tpu.vector_load %arg12[%get3A_814, %get3A_815, %get3A_816] {strides = array<i32>} : memref<4x320x64xf32, #tpu.memory_space<vmem>>, vector<16xf32>,
        %add3A_818 = arith.addf %add3A_810, %get3A_817 : vector<16xf32>
        %mul3A_819 = arith.constant 16 : i32
        %mul3A_820 = arith.muli %add3A_145, %mul3A_819 : i32
        %add3A_821 = arith.addi %mul3A_820, %scan3A_172 : i32
        %swap3A_822 = arith.index_cast %add3A_821 : i32 to index
        %swap3A_823 = arith.constant 48 : index
        %swap3A_824 = tpu.vector_load %arg13[%swap3A_822, %swap3A_823] {strides = array<i32>} : memref<128x64xf32, #tpu.memory_space<vmem>>, vector<16xf32>,
        tpu.vector_store %arg13[%swap3A_822, %swap3A_823], %add3A_818 {strides = array<i32>} : memref<128x64xf32, #tpu.memory_space<vmem>>, vector<16xf32>,
      }
      %scan3A_162 = arith.constant 16 : i32
      %add3A_163 = arith.constant 3 : i32
      %add3A_164 = arith.addi %mul3A_62, %add3A_163 : i32
      %add3A_165 = arith.constant 4 : i32
      %add3A_166 = arith.addi %add3A_164, %add3A_165 : i32
      %lt3A_167 = arith.constant 8 : i32
      %lt3A_168 = arith.cmpi slt, %add3A_166, %lt3A_167 : i32
      %convert_element_type3A_169 = arith.extui %lt3A_168 : i1 to i32
      %cond3A_170 = arith.constant 0 : i32
      %cond3A_171 = arith.cmpi ne, %convert_element_type3A_169, %cond3A_170 : i32
      scf.if %cond3A_171 {
        %add3A_172 = arith.constant 3 : i32
        %add3A_173 = arith.addi %mul3A_62, %add3A_172 : i32
        %add3A_174 = arith.constant 4 : i32
        %add3A_175 = arith.addi %add3A_173, %add3A_174 : i32
        %mul3A_176 = arith.constant 320 : i32
        %mul3A_177 = arith.muli %add3A_175, %mul3A_176 : i32
        %dma_start3A_178 = arith.constant 3 : i32
        %dma_start3A_179 = arith.constant 0 : i32
        %dma_start3A_180 = arith.constant 0 : i32
        %dma_start3A_181 = tpu.memref_slice %arg12[%dma_start3A_178, %dma_start3A_179, %dma_start3A_180] : memref<4x320x64xf32, #tpu.memory_space<vmem>> -> memref<1x320x64xf32, #tpu.memory_space<vmem>>
        %dma_start3A_182 = tpu.memref_squeeze %dma_start3A_181 : memref<1x320x64xf32, #tpu.memory_space<vmem>> -> memref<320x64xf32, #tpu.memory_space<vmem>>
        %dma_start3A_183 = tpu.memref_slice %arg11[%mul3A_177] : memref<2560xi32, #tpu.memory_space<vmem>> -> memref<320xi32, #tpu.memory_space<vmem>>
        %dma_start3A_184 = arith.constant 0 : i32
        %dma_start3A_185 = arith.constant 0 : i32
        %dma_start3A_186 = tpu.memref_slice %arg5[%dma_start3A_184, %dma_start3A_185] : memref<102400x64xf32, #tpu.memory_space<hbm>> -> memref<102400x64xf32, #tpu.memory_space<hbm>>
        tpu.enqueue_indirect_dma source(%dma_start3A_186 : memref<102400x64xf32, #tpu.memory_space<hbm>>) target(%dma_start3A_182 : memref<320x64xf32, #tpu.memory_space<vmem>>) offsets(%dma_start3A_183 : memref<320xi32, #tpu.memory_space<vmem>>) semaphore(%arg21 : memref<!tpu.dma_semaphore, #tpu.memory_space<semaphore_mem>>)
      } else {
      }
    }
    %scan3A_54 = arith.constant 2 : i32
    "tpu.region"() ({
      %run_scoped3A = tpu.sem_alloc : memref<!tpu.dma_semaphore, #tpu.memory_space<semaphore_mem>>
      %dma_start3A_60 = arith.constant 0 : i32
      %dma_start3A_61 = tpu.memref_slice %arg6[%mul3A_2, %dma_start3A_60] : memref<4096x64xf32, #tpu.memory_space<hbm>> -> memref<128x64xf32, #tpu.memory_space<hbm>>
      %dma_start3A_62 = arith.constant 0 : i32
      %dma_start3A_63 = tpu.memref_slice %arg6[%mul3A_2, %dma_start3A_62] : memref<4096x64xf32, #tpu.memory_space<hbm>> -> memref<128x64xf32, #tpu.memory_space<hbm>>
      tpu.enqueue_dma source(%arg13 : memref<128x64xf32, #tpu.memory_space<vmem>>) target(%dma_start3A_63 : memref<128x64xf32, #tpu.memory_space<hbm>>) target_semaphore(%run_scoped3A : memref<!tpu.dma_semaphore, #tpu.memory_space<semaphore_mem>>)
      %dma_wait3A_64 = arith.constant 0 : i32
      %dma_wait3A_65 = tpu.memref_slice %arg6[%mul3A_2, %dma_wait3A_64] : memref<4096x64xf32, #tpu.memory_space<hbm>> -> memref<128x64xf32, #tpu.memory_space<hbm>>
      %dma_wait3A_66 = arith.constant 0 : i32
      %dma_wait3A_67 = tpu.memref_slice %arg6[%mul3A_2, %dma_wait3A_66] : memref<4096x64xf32, #tpu.memory_space<hbm>> -> memref<128x64xf32, #tpu.memory_space<hbm>>
      tpu.wait_dma2 semaphore(%run_scoped3A : memref<!tpu.dma_semaphore, #tpu.memory_space<semaphore_mem>>) src(%arg13 : memref<128x64xf32, #tpu.memory_space<vmem>>) dst(%dma_wait3A_67 : memref<128x64xf32, #tpu.memory_space<hbm>>)
      tpu.yield
    }) : () -> ()
    %dma_wait3A = arith.constant 0 : i32
    %dma_wait3A_55 = arith.constant 0 : i32
    %dma_wait3A_56 = tpu.memref_slice %arg5[%dma_wait3A, %dma_wait3A_55] : memref<102400x64xf32, #tpu.memory_space<hbm>> -> memref<102400x64xf32, #tpu.memory_space<hbm>>
    tpu.wait_indirect_dma semaphore(%arg16 : memref<!tpu.dma_semaphore, #tpu.memory_space<semaphore_mem>>) src(%dma_wait3A_56 : memref<102400x64xf32, #tpu.memory_space<hbm>>) dst(%arg14 : memref<128x64xf32, #tpu.memory_space<vmem>>)
    "tpu.region"() ({
      %run_scoped3A = tpu.sem_alloc : memref<!tpu.dma_semaphore, #tpu.memory_space<semaphore_mem>>
      %dma_start3A_60 = arith.constant 0 : i32
      %dma_start3A_61 = tpu.memref_slice %arg7[%mul3A_2, %dma_start3A_60] : memref<4096x64xf32, #tpu.memory_space<hbm>> -> memref<128x64xf32, #tpu.memory_space<hbm>>
      %dma_start3A_62 = arith.constant 0 : i32
      %dma_start3A_63 = tpu.memref_slice %arg7[%mul3A_2, %dma_start3A_62] : memref<4096x64xf32, #tpu.memory_space<hbm>> -> memref<128x64xf32, #tpu.memory_space<hbm>>
      tpu.enqueue_dma source(%arg14 : memref<128x64xf32, #tpu.memory_space<vmem>>) target(%dma_start3A_63 : memref<128x64xf32, #tpu.memory_space<hbm>>) target_semaphore(%run_scoped3A : memref<!tpu.dma_semaphore, #tpu.memory_space<semaphore_mem>>)
      %dma_wait3A_64 = arith.constant 0 : i32
      %dma_wait3A_65 = tpu.memref_slice %arg7[%mul3A_2, %dma_wait3A_64] : memref<4096x64xf32, #tpu.memory_space<hbm>> -> memref<128x64xf32, #tpu.memory_space<hbm>>
      %dma_wait3A_66 = arith.constant 0 : i32
      %dma_wait3A_67 = tpu.memref_slice %arg7[%mul3A_2, %dma_wait3A_66] : memref<4096x64xf32, #tpu.memory_space<hbm>> -> memref<128x64xf32, #tpu.memory_space<hbm>>
      tpu.wait_dma2 semaphore(%run_scoped3A : memref<!tpu.dma_semaphore, #tpu.memory_space<semaphore_mem>>) src(%arg14 : memref<128x64xf32, #tpu.memory_space<vmem>>) dst(%dma_wait3A_67 : memref<128x64xf32, #tpu.memory_space<hbm>>)
      tpu.yield
    }) : () -> ()
    %dma_wait3A_57 = arith.constant 0 : i32
    %dma_wait3A_58 = arith.constant 0 : i32
    %dma_wait3A_59 = tpu.memref_slice %arg5[%dma_wait3A_57, %dma_wait3A_58] : memref<102400x64xf32, #tpu.memory_space<hbm>> -> memref<102400x64xf32, #tpu.memory_space<hbm>>
    tpu.wait_indirect_dma semaphore(%arg17 : memref<!tpu.dma_semaphore, #tpu.memory_space<semaphore_mem>>) src(%dma_wait3A_59 : memref<102400x64xf32, #tpu.memory_space<hbm>>) dst(%arg15 : memref<128x64xf32, #tpu.memory_space<vmem>>)
    "tpu.region"() ({
      %run_scoped3A = tpu.sem_alloc : memref<!tpu.dma_semaphore, #tpu.memory_space<semaphore_mem>>
      %dma_start3A_60 = arith.constant 0 : i32
      %dma_start3A_61 = tpu.memref_slice %arg8[%mul3A_2, %dma_start3A_60] : memref<4096x64xf32, #tpu.memory_space<hbm>> -> memref<128x64xf32, #tpu.memory_space<hbm>>
      %dma_start3A_62 = arith.constant 0 : i32
      %dma_start3A_63 = tpu.memref_slice %arg8[%mul3A_2, %dma_start3A_62] : memref<4096x64xf32, #tpu.memory_space<hbm>> -> memref<128x64xf32, #tpu.memory_space<hbm>>
      tpu.enqueue_dma source(%arg15 : memref<128x64xf32, #tpu.memory_space<vmem>>) target(%dma_start3A_63 : memref<128x64xf32, #tpu.memory_space<hbm>>) target_semaphore(%run_scoped3A : memref<!tpu.dma_semaphore, #tpu.memory_space<semaphore_mem>>)
      %dma_wait3A_64 = arith.constant 0 : i32
      %dma_wait3A_65 = tpu.memref_slice %arg8[%mul3A_2, %dma_wait3A_64] : memref<4096x64xf32, #tpu.memory_space<hbm>> -> memref<128x64xf32, #tpu.memory_space<hbm>>
      %dma_wait3A_66 = arith.constant 0 : i32
      %dma_wait3A_67 = tpu.memref_slice %arg8[%mul3A_2, %dma_wait3A_66] : memref<4096x64xf32, #tpu.memory_space<hbm>> -> memref<128x64xf32, #tpu.memory_space<hbm>>
      tpu.wait_dma2 semaphore(%run_scoped3A : memref<!tpu.dma_semaphore, #tpu.memory_space<semaphore_mem>>) src(%arg15 : memref<128x64xf32, #tpu.memory_space<vmem>>) dst(%dma_wait3A_67 : memref<128x64xf32, #tpu.memory_space<hbm>>)
      tpu.yield
    }) : () -> ()
    return
  }
}

module attributes {stable_mosaic.version = 14 : i64} {
  func.func @_proj_body(%arg0: i32, %arg1: memref<64x2048xf32, #tpu.memory_space<vmem>>, %arg2: memref<64x2048xf32, #tpu.memory_space<vmem>>, %arg3: memref<64x64xf32, #tpu.memory_space<vmem>>, %arg4: memref<1x64xf32, #tpu.memory_space<vmem>>, %arg5: memref<2048x128xf32, #tpu.memory_space<vmem>>) attributes {dimension_semantics = [#tpu.dimension_semantics<arbitrary>], iteration_bounds = array<i64: 25>, scalar_prefetch = 0 : i64, scratch_operands = 0 : i64, tpu.core_type = #tpu.core_type<tc>, window_params = [{transform_indices = @transform_0, window_bounds = array<i64: 64, 2048>}, {transform_indices = @transform_1, window_bounds = array<i64: 64, 2048>}, {pipeline_mode = #tpu.pipeline_mode<synchronous>, transform_indices = @transform_2, window_bounds = array<i64: 64, 64>}, {pipeline_mode = #tpu.pipeline_mode<synchronous>, transform_indices = @transform_3, window_bounds = array<i64: 1, 64>}, {transform_indices = @transform_4, window_bounds = array<i64: 2048, 128>}]} {
    %get3A = arith.constant 0 : index
    %get3A_0 = arith.constant 0 : index
    %get3A_1 = vector.load %arg3[%get3A, %get3A_0] : memref<64x64xf32, #tpu.memory_space<vmem>>, vector<64x64xf32>
    %get3A_2 = arith.constant 0 : index
    %get3A_3 = arith.constant 0 : index
    %get3A_4 = vector.load %arg4[%get3A_2, %get3A_3] : memref<1x64xf32, #tpu.memory_space<vmem>>, vector<1x64xf32>
    %get3A_5 = arith.constant 0 : index
    %get3A_6 = arith.constant 0 : index
    %get3A_7 = vector.load %arg1[%get3A_5, %get3A_6] : memref<64x2048xf32, #tpu.memory_space<vmem>>, vector<64x2048xf32>
    %dot_general3A = arith.constant dense<0.000000e+00> : vector<2048x64xf32>
    %dot_general3A_8 = tpu.matmul %get3A_7, %get3A_1, %dot_general3A {dimension_numbers = #tpu.dot_dimension_numbers<[0], [1], [1], [0], [0, 1, 1, 0], [], []>, transpose_lhs_hint = true} : vector<64x2048xf32>, vector<64x64xf32>, vector<2048x64xf32> -> vector<2048x64xf32>
    %add3A = vector.broadcast %get3A_4 : vector<1x64xf32> to vector<2048x64xf32>
    %add3A_9 = arith.addf %dot_general3A_8, %add3A : vector<2048x64xf32>
    %get3A_10 = arith.constant 0 : index
    %get3A_11 = arith.constant 0 : index
    %get3A_12 = vector.load %arg2[%get3A_10, %get3A_11] : memref<64x2048xf32, #tpu.memory_space<vmem>>, vector<64x2048xf32>
    %dot_general3A_13 = arith.constant dense<0.000000e+00> : vector<2048x64xf32>
    %dot_general3A_14 = tpu.matmul %get3A_12, %get3A_1, %dot_general3A_13 {dimension_numbers = #tpu.dot_dimension_numbers<[0], [1], [1], [0], [0, 1, 1, 0], [], []>, transpose_lhs_hint = true} : vector<64x2048xf32>, vector<64x64xf32>, vector<2048x64xf32> -> vector<2048x64xf32>
    %add3A_15 = vector.broadcast %get3A_4 : vector<1x64xf32> to vector<2048x64xf32>
    %add3A_16 = arith.addf %dot_general3A_14, %add3A_15 : vector<2048x64xf32>
    %concatenate3A = tpu.concatenate %add3A_9, %add3A_16 in 1 : vector<2048x64xf32>, vector<2048x64xf32> -> vector<2048x128xf32>
    %swap3A = arith.constant 0 : index
    %swap3A_17 = arith.constant 0 : index
    %swap3A_18 = vector.load %arg5[%swap3A, %swap3A_17] : memref<2048x128xf32, #tpu.memory_space<vmem>>, vector<2048x128xf32>
    tpu.vector_store %arg5[%swap3A, %swap3A_17], %concatenate3A {strides = array<i32>} : memref<2048x128xf32, #tpu.memory_space<vmem>>, vector<2048x128xf32>,
    return
  }
  func.func @transform_0(%arg0: i32) -> (i32, i32) {
    %mul3A = arith.constant 2 : i32
    %mul3A_0 = arith.muli %mul3A, %arg0 : i32
    %c0_i32 = arith.constant 0 : i32
    %c0_i32_1 = arith.constant 0 : i32
    return %c0_i32, %mul3A_0 : i32, i32
  }
  func.func @transform_1(%arg0: i32) -> (i32, i32) {
    %mul3A = arith.constant 2 : i32
    %mul3A_0 = arith.muli %mul3A, %arg0 : i32
    %add3A = arith.constant 1 : i32
    %add3A_1 = arith.addi %mul3A_0, %add3A : i32
    %min3A = arith.constant 48 : i32
    %min3A_2 = arith.minsi %add3A_1, %min3A : i32
    %c0_i32 = arith.constant 0 : i32
    %c0_i32_3 = arith.constant 0 : i32
    return %c0_i32, %min3A_2 : i32, i32
  }
  func.func @transform_2(%arg0: i32) -> (i32, i32) {
    %c0_i32 = arith.constant 0 : i32
    %c0_i32_0 = arith.constant 0 : i32
    %c0_i32_1 = arith.constant 0 : i32
    return %c0_i32, %c0_i32_0 : i32, i32
  }
  func.func @transform_3(%arg0: i32) -> (i32, i32) {
    %c0_i32 = arith.constant 0 : i32
    %c0_i32_0 = arith.constant 0 : i32
    %c0_i32_1 = arith.constant 0 : i32
    return %c0_i32, %c0_i32_0 : i32, i32
  }
  func.func @transform_4(%arg0: i32) -> (i32, i32) {
    %c0_i32 = arith.constant 0 : i32
    %c0_i32_0 = arith.constant 0 : i32
    return %arg0, %c0_i32 : i32, i32
  }
}

module attributes {stable_mosaic.version = 14 : i64} {
  func.func @_trunk_body(%arg0: i32, %arg1: memref<1024x128xf32, #tpu.memory_space<vmem>>, %arg2: memref<1024x128xf32, #tpu.memory_space<vmem>>, %arg3: memref<1024x128xf32, #tpu.memory_space<vmem>>, %arg4: memref<1024x128xf32, #tpu.memory_space<vmem>>, %arg5: memref<64x64xf32, #tpu.memory_space<vmem>>, %arg6: memref<64x64xf32, #tpu.memory_space<vmem>>, %arg7: memref<64x64xf32, #tpu.memory_space<vmem>>, %arg8: memref<1x64xf32, #tpu.memory_space<vmem>>, %arg9: memref<1x64xf32, #tpu.memory_space<vmem>>, %arg10: memref<1x64xf32, #tpu.memory_space<vmem>>, %arg11: memref<1024x128xf32, #tpu.memory_space<vmem>>, %arg12: memref<1024x128xf32, #tpu.memory_space<vmem>>, %arg13: memref<1024x128xf32, #tpu.memory_space<vmem>>) attributes {dimension_semantics = [#tpu.dimension_semantics<arbitrary>], iteration_bounds = array<i64: 2>, scalar_prefetch = 0 : i64, scratch_operands = 0 : i64, tpu.core_type = #tpu.core_type<tc>, window_params = [{transform_indices = @transform_0, window_bounds = array<i64: 1024, 128>}, {transform_indices = @transform_1, window_bounds = array<i64: 1024, 128>}, {transform_indices = @transform_2, window_bounds = array<i64: 1024, 128>}, {transform_indices = @transform_3, window_bounds = array<i64: 1024, 128>}, {pipeline_mode = #tpu.pipeline_mode<synchronous>, transform_indices = @transform_4, window_bounds = array<i64: 64, 64>}, {pipeline_mode = #tpu.pipeline_mode<synchronous>, transform_indices = @transform_5, window_bounds = array<i64: 64, 64>}, {pipeline_mode = #tpu.pipeline_mode<synchronous>, transform_indices = @transform_6, window_bounds = array<i64: 64, 64>}, {pipeline_mode = #tpu.pipeline_mode<synchronous>, transform_indices = @transform_7, window_bounds = array<i64: 1, 64>}, {pipeline_mode = #tpu.pipeline_mode<synchronous>, transform_indices = @transform_8, window_bounds = array<i64: 1, 64>}, {pipeline_mode = #tpu.pipeline_mode<synchronous>, transform_indices = @transform_9, window_bounds = array<i64: 1, 64>}, {transform_indices = @transform_10, window_bounds = array<i64: 1024, 128>}, {transform_indices = @transform_11, window_bounds = array<i64: 1024, 128>}, {transform_indices = @transform_12, window_bounds = array<i64: 1024, 128>}]} {
    %broadcast_in_dim3A = arith.constant 0.000000e+00 : f32
    %broadcast_in_dim3A_0 = vector.broadcast %broadcast_in_dim3A : f32 to vector<64x64xf32>
    %get3A = arith.constant 0 : index
    %get3A_1 = arith.constant 0 : index
    %get3A_2 = vector.load %arg1[%get3A, %get3A_1] : memref<1024x128xf32, #tpu.memory_space<vmem>>, vector<1024x128xf32>
    %get3A_3 = arith.constant 0 : index
    %get3A_4 = arith.constant 0 : index
    %get3A_5 = vector.load %arg5[%get3A_3, %get3A_4] : memref<64x64xf32, #tpu.memory_space<vmem>>, vector<64x64xf32>
    %concatenate3A = tpu.concatenate %get3A_5, %broadcast_in_dim3A_0 in 1 : vector<64x64xf32>, vector<64x64xf32> -> vector<64x128xf32>
    %concatenate3A_6 = tpu.concatenate %broadcast_in_dim3A_0, %get3A_5 in 1 : vector<64x64xf32>, vector<64x64xf32> -> vector<64x128xf32>
    %concatenate3A_7 = tpu.concatenate %concatenate3A, %concatenate3A_6 in 0 : vector<64x128xf32>, vector<64x128xf32> -> vector<128x128xf32>
    %dot_general3A = arith.constant dense<0.000000e+00> : vector<1024x128xf32>
    %dot_general3A_8 = tpu.matmul %get3A_2, %concatenate3A_7, %dot_general3A {dimension_numbers = #tpu.dot_dimension_numbers<[1], [1], [0], [0], [0, 0, 1, 0], [], []>, transpose_lhs_hint = false} : vector<1024x128xf32>, vector<128x128xf32>, vector<1024x128xf32> -> vector<1024x128xf32>
    %get3A_9 = arith.constant 0 : index
    %get3A_10 = arith.constant 0 : index
    %get3A_11 = vector.load %arg2[%get3A_9, %get3A_10] : memref<1024x128xf32, #tpu.memory_space<vmem>>, vector<1024x128xf32>
    %mul3A = arith.constant 5.000000e-02 : f32
    %mul3A_12 = vector.broadcast %mul3A : f32 to vector<1024x128xf32>
    %mul3A_13 = arith.mulf %get3A_11, %mul3A_12 : vector<1024x128xf32>
    %add3A = arith.addf %dot_general3A_8, %mul3A_13 : vector<1024x128xf32>
    %get3A_14 = arith.constant 0 : index
    %get3A_15 = arith.constant 0 : index
    %get3A_16 = vector.load %arg8[%get3A_14, %get3A_15] : memref<1x64xf32, #tpu.memory_space<vmem>>, vector<1x64xf32>
    %get3A_17 = arith.constant 0 : index
    %get3A_18 = arith.constant 0 : index
    %get3A_19 = vector.load %arg8[%get3A_17, %get3A_18] : memref<1x64xf32, #tpu.memory_space<vmem>>, vector<1x64xf32>
    %concatenate3A_20 = tpu.concatenate %get3A_16, %get3A_19 in 1 : vector<1x64xf32>, vector<1x64xf32> -> vector<1x128xf32>
    %add3A_21 = vector.broadcast %concatenate3A_20 : vector<1x128xf32> to vector<1024x128xf32>
    %add3A_22 = arith.addf %add3A, %add3A_21 : vector<1024x128xf32>
    %get3A_23 = arith.constant 0 : index
    %get3A_24 = arith.constant 0 : index
    %get3A_25 = vector.load %arg6[%get3A_23, %get3A_24] : memref<64x64xf32, #tpu.memory_space<vmem>>, vector<64x64xf32>
    %concatenate3A_26 = tpu.concatenate %get3A_25, %broadcast_in_dim3A_0 in 1 : vector<64x64xf32>, vector<64x64xf32> -> vector<64x128xf32>
    %concatenate3A_27 = tpu.concatenate %broadcast_in_dim3A_0, %get3A_25 in 1 : vector<64x64xf32>, vector<64x64xf32> -> vector<64x128xf32>
    %concatenate3A_28 = tpu.concatenate %concatenate3A_26, %concatenate3A_27 in 0 : vector<64x128xf32>, vector<64x128xf32> -> vector<128x128xf32>
    %get3A_29 = arith.constant 0 : index
    %get3A_30 = arith.constant 0 : index
    %get3A_31 = vector.load %arg7[%get3A_29, %get3A_30] : memref<64x64xf32, #tpu.memory_space<vmem>>, vector<64x64xf32>
    %concatenate3A_32 = tpu.concatenate %get3A_31, %broadcast_in_dim3A_0 in 1 : vector<64x64xf32>, vector<64x64xf32> -> vector<64x128xf32>
    %concatenate3A_33 = tpu.concatenate %broadcast_in_dim3A_0, %get3A_31 in 1 : vector<64x64xf32>, vector<64x64xf32> -> vector<64x128xf32>
    %concatenate3A_34 = tpu.concatenate %concatenate3A_32, %concatenate3A_33 in 0 : vector<64x128xf32>, vector<64x128xf32> -> vector<128x128xf32>
    %get3A_35 = arith.constant 0 : index
    %get3A_36 = arith.constant 0 : index
    %get3A_37 = vector.load %arg9[%get3A_35, %get3A_36] : memref<1x64xf32, #tpu.memory_space<vmem>>, vector<1x64xf32>
    %get3A_38 = arith.constant 0 : index
    %get3A_39 = arith.constant 0 : index
    %get3A_40 = vector.load %arg9[%get3A_38, %get3A_39] : memref<1x64xf32, #tpu.memory_space<vmem>>, vector<1x64xf32>
    %concatenate3A_41 = tpu.concatenate %get3A_37, %get3A_40 in 1 : vector<1x64xf32>, vector<1x64xf32> -> vector<1x128xf32>
    %get3A_42 = arith.constant 0 : index
    %get3A_43 = arith.constant 0 : index
    %get3A_44 = vector.load %arg10[%get3A_42, %get3A_43] : memref<1x64xf32, #tpu.memory_space<vmem>>, vector<1x64xf32>
    %get3A_45 = arith.constant 0 : index
    %get3A_46 = arith.constant 0 : index
    %get3A_47 = vector.load %arg10[%get3A_45, %get3A_46] : memref<1x64xf32, #tpu.memory_space<vmem>>, vector<1x64xf32>
    %concatenate3A_48 = tpu.concatenate %get3A_44, %get3A_47 in 1 : vector<1x64xf32>, vector<1x64xf32> -> vector<1x128xf32>
    %dot_general3A_49 = arith.constant dense<0.000000e+00> : vector<1024x128xf32>
    %dot_general3A_50 = tpu.matmul %add3A_22, %concatenate3A_28, %dot_general3A_49 {dimension_numbers = #tpu.dot_dimension_numbers<[1], [1], [0], [0], [0, 0, 1, 0], [], []>, transpose_lhs_hint = false} : vector<1024x128xf32>, vector<128x128xf32>, vector<1024x128xf32> -> vector<1024x128xf32>
    %add3A_51 = vector.broadcast %concatenate3A_41 : vector<1x128xf32> to vector<1024x128xf32>
    %add3A_52 = arith.addf %dot_general3A_50, %add3A_51 : vector<1024x128xf32>
    %max3A = arith.constant 0.000000e+00 : f32
    %max3A_53 = vector.broadcast %max3A : f32 to vector<1024x128xf32>
    %max3A_54 = arith.maximumf %add3A_52, %max3A_53 : vector<1024x128xf32>
    %dot_general3A_55 = arith.constant dense<0.000000e+00> : vector<1024x128xf32>
    %dot_general3A_56 = tpu.matmul %max3A_54, %concatenate3A_34, %dot_general3A_55 {dimension_numbers = #tpu.dot_dimension_numbers<[1], [1], [0], [0], [0, 0, 1, 0], [], []>, transpose_lhs_hint = false} : vector<1024x128xf32>, vector<128x128xf32>, vector<1024x128xf32> -> vector<1024x128xf32>
    %add3A_57 = vector.broadcast %concatenate3A_48 : vector<1x128xf32> to vector<1024x128xf32>
    %add3A_58 = arith.addf %dot_general3A_56, %add3A_57 : vector<1024x128xf32>
    %max3A_59 = arith.constant 0.000000e+00 : f32
    %max3A_60 = vector.broadcast %max3A_59 : f32 to vector<1024x128xf32>
    %max3A_61 = arith.maximumf %add3A_58, %max3A_60 : vector<1024x128xf32>
    %swap3A = arith.constant 0 : index
    %swap3A_62 = arith.constant 0 : index
    %swap3A_63 = vector.load %arg11[%swap3A, %swap3A_62] : memref<1024x128xf32, #tpu.memory_space<vmem>>, vector<1024x128xf32>
    tpu.vector_store %arg11[%swap3A, %swap3A_62], %max3A_61 {strides = array<i32>} : memref<1024x128xf32, #tpu.memory_space<vmem>>, vector<1024x128xf32>,
    %get3A_64 = arith.constant 0 : index
    %get3A_65 = arith.constant 0 : index
    %get3A_66 = vector.load %arg3[%get3A_64, %get3A_65] : memref<1024x128xf32, #tpu.memory_space<vmem>>, vector<1024x128xf32>
    %dot_general3A_67 = arith.constant dense<0.000000e+00> : vector<1024x128xf32>
    %dot_general3A_68 = tpu.matmul %get3A_66, %concatenate3A_28, %dot_general3A_67 {dimension_numbers = #tpu.dot_dimension_numbers<[1], [1], [0], [0], [0, 0, 1, 0], [], []>, transpose_lhs_hint = false} : vector<1024x128xf32>, vector<128x128xf32>, vector<1024x128xf32> -> vector<1024x128xf32>
    %add3A_69 = vector.broadcast %concatenate3A_41 : vector<1x128xf32> to vector<1024x128xf32>
    %add3A_70 = arith.addf %dot_general3A_68, %add3A_69 : vector<1024x128xf32>
    %max3A_71 = arith.constant 0.000000e+00 : f32
    %max3A_72 = vector.broadcast %max3A_71 : f32 to vector<1024x128xf32>
    %max3A_73 = arith.maximumf %add3A_70, %max3A_72 : vector<1024x128xf32>
    %dot_general3A_74 = arith.constant dense<0.000000e+00> : vector<1024x128xf32>
    %dot_general3A_75 = tpu.matmul %max3A_73, %concatenate3A_34, %dot_general3A_74 {dimension_numbers = #tpu.dot_dimension_numbers<[1], [1], [0], [0], [0, 0, 1, 0], [], []>, transpose_lhs_hint = false} : vector<1024x128xf32>, vector<128x128xf32>, vector<1024x128xf32> -> vector<1024x128xf32>
    %add3A_76 = vector.broadcast %concatenate3A_48 : vector<1x128xf32> to vector<1024x128xf32>
    %add3A_77 = arith.addf %dot_general3A_75, %add3A_76 : vector<1024x128xf32>
    %max3A_78 = arith.constant 0.000000e+00 : f32
    %max3A_79 = vector.broadcast %max3A_78 : f32 to vector<1024x128xf32>
    %max3A_80 = arith.maximumf %add3A_77, %max3A_79 : vector<1024x128xf32>
    %swap3A_81 = arith.constant 0 : index
    %swap3A_82 = arith.constant 0 : index
    %swap3A_83 = vector.load %arg12[%swap3A_81, %swap3A_82] : memref<1024x128xf32, #tpu.memory_space<vmem>>, vector<1024x128xf32>
    tpu.vector_store %arg12[%swap3A_81, %swap3A_82], %max3A_80 {strides = array<i32>} : memref<1024x128xf32, #tpu.memory_space<vmem>>, vector<1024x128xf32>,
    %get3A_84 = arith.constant 0 : index
    %get3A_85 = arith.constant 0 : index
    %get3A_86 = vector.load %arg4[%get3A_84, %get3A_85] : memref<1024x128xf32, #tpu.memory_space<vmem>>, vector<1024x128xf32>
    %dot_general3A_87 = arith.constant dense<0.000000e+00> : vector<1024x128xf32>
    %dot_general3A_88 = tpu.matmul %get3A_86, %concatenate3A_28, %dot_general3A_87 {dimension_numbers = #tpu.dot_dimension_numbers<[1], [1], [0], [0], [0, 0, 1, 0], [], []>, transpose_lhs_hint = false} : vector<1024x128xf32>, vector<128x128xf32>, vector<1024x128xf32> -> vector<1024x128xf32>
    %add3A_89 = vector.broadcast %concatenate3A_41 : vector<1x128xf32> to vector<1024x128xf32>
    %add3A_90 = arith.addf %dot_general3A_88, %add3A_89 : vector<1024x128xf32>
    %max3A_91 = arith.constant 0.000000e+00 : f32
    %max3A_92 = vector.broadcast %max3A_91 : f32 to vector<1024x128xf32>
    %max3A_93 = arith.maximumf %add3A_90, %max3A_92 : vector<1024x128xf32>
    %dot_general3A_94 = arith.constant dense<0.000000e+00> : vector<1024x128xf32>
    %dot_general3A_95 = tpu.matmul %max3A_93, %concatenate3A_34, %dot_general3A_94 {dimension_numbers = #tpu.dot_dimension_numbers<[1], [1], [0], [0], [0, 0, 1, 0], [], []>, transpose_lhs_hint = false} : vector<1024x128xf32>, vector<128x128xf32>, vector<1024x128xf32> -> vector<1024x128xf32>
    %add3A_96 = vector.broadcast %concatenate3A_48 : vector<1x128xf32> to vector<1024x128xf32>
    %add3A_97 = arith.addf %dot_general3A_95, %add3A_96 : vector<1024x128xf32>
    %max3A_98 = arith.constant 0.000000e+00 : f32
    %max3A_99 = vector.broadcast %max3A_98 : f32 to vector<1024x128xf32>
    %max3A_100 = arith.maximumf %add3A_97, %max3A_99 : vector<1024x128xf32>
    %swap3A_101 = arith.constant 0 : index
    %swap3A_102 = arith.constant 0 : index
    %swap3A_103 = vector.load %arg13[%swap3A_101, %swap3A_102] : memref<1024x128xf32, #tpu.memory_space<vmem>>, vector<1024x128xf32>
    tpu.vector_store %arg13[%swap3A_101, %swap3A_102], %max3A_100 {strides = array<i32>} : memref<1024x128xf32, #tpu.memory_space<vmem>>, vector<1024x128xf32>,
    return
  }
  func.func @transform_0(%arg0: i32) -> (i32, i32) {
    %c0_i32 = arith.constant 0 : i32
    %c0_i32_0 = arith.constant 0 : i32
    return %arg0, %c0_i32 : i32, i32
  }
  func.func @transform_1(%arg0: i32) -> (i32, i32) {
    %c0_i32 = arith.constant 0 : i32
    %c0_i32_0 = arith.constant 0 : i32
    return %arg0, %c0_i32 : i32, i32
  }
  func.func @transform_2(%arg0: i32) -> (i32, i32) {
    %c0_i32 = arith.constant 0 : i32
    %c0_i32_0 = arith.constant 0 : i32
    return %arg0, %c0_i32 : i32, i32
  }
  func.func @transform_3(%arg0: i32) -> (i32, i32) {
    %c0_i32 = arith.constant 0 : i32
    %c0_i32_0 = arith.constant 0 : i32
    return %arg0, %c0_i32 : i32, i32
  }
  func.func @transform_4(%arg0: i32) -> (i32, i32) {
    %c0_i32 = arith.constant 0 : i32
    %c0_i32_0 = arith.constant 0 : i32
    %c0_i32_1 = arith.constant 0 : i32
    return %c0_i32, %c0_i32_0 : i32, i32
  }
  func.func @transform_5(%arg0: i32) -> (i32, i32) {
    %c0_i32 = arith.constant 0 : i32
    %c0_i32_0 = arith.constant 0 : i32
    %c0_i32_1 = arith.constant 0 : i32
    return %c0_i32, %c0_i32_0 : i32, i32
  }
  func.func @transform_6(%arg0: i32) -> (i32, i32) {
    %c0_i32 = arith.constant 0 : i32
    %c0_i32_0 = arith.constant 0 : i32
    %c0_i32_1 = arith.constant 0 : i32
    return %c0_i32, %c0_i32_0 : i32, i32
  }
  func.func @transform_7(%arg0: i32) -> (i32, i32) {
    %c0_i32 = arith.constant 0 : i32
    %c0_i32_0 = arith.constant 0 : i32
    %c0_i32_1 = arith.constant 0 : i32
    return %c0_i32, %c0_i32_0 : i32, i32
  }
  func.func @transform_8(%arg0: i32) -> (i32, i32) {
    %c0_i32 = arith.constant 0 : i32
    %c0_i32_0 = arith.constant 0 : i32
    %c0_i32_1 = arith.constant 0 : i32
    return %c0_i32, %c0_i32_0 : i32, i32
  }
  func.func @transform_9(%arg0: i32) -> (i32, i32) {
    %c0_i32 = arith.constant 0 : i32
    %c0_i32_0 = arith.constant 0 : i32
    %c0_i32_1 = arith.constant 0 : i32
    return %c0_i32, %c0_i32_0 : i32, i32
  }
  func.func @transform_10(%arg0: i32) -> (i32, i32) {
    %c0_i32 = arith.constant 0 : i32
    %c0_i32_0 = arith.constant 0 : i32
    return %arg0, %c0_i32 : i32, i32
  }
  func.func @transform_11(%arg0: i32) -> (i32, i32) {
    %c0_i32 = arith.constant 0 : i32
    %c0_i32_0 = arith.constant 0 : i32
    return %arg0, %c0_i32 : i32, i32
  }
  func.func @transform_12(%arg0: i32) -> (i32, i32) {
    %c0_i32 = arith.constant 0 : i32
    %c0_i32_0 = arith.constant 0 : i32
    return %arg0, %c0_i32 : i32, i32
  }
}

</mosaic_0001>

<sc_bundles>
// kernel: kernel.6.cloned.1.call-start
scs
__scs_entry_jumppad:
0x0: {  	(pc) =	sbr.rel $0x88, $3  }
0x1: {  	(tag) =	ssettag $0x0;
	lr =	simm.s32 $0x1  }
0x2: {  	[smem:$0x3F93] =	sst lr;
	_ =	strace $0xD0000000  }
0x3: {  	_ = 	snop  }
0x4: {  	_ = 	snop  }
0x5: {  	_ = 	snop  }
0x6: {  	_ = 	snop  }
0x7: {  	_ = 	snop  }
__scs_overlays_trampoline_lowered:
0x8: {  	[smem:$0x3FA2] =	sst s0  }
0x9: {  	[smem:$0x3FA3] =	sst s1  }
0xa: {  	[smem:$0x3FA4] =	sst s2  }
0xb: {  	[smem:$0x3FA5] =	sst s3  }
0xc: {  	[smem:$0x3FA6] =	sst s4  }
0xd: {  	[smem:$0x3FA7] =	sst s5  }
0xe: {  	[smem:$0x3FA8] =	sst s6  }
0xf: {  	[smem:$0x3FA9] =	sst s7  }
0x10: {  	[smem:$0x3FAA] =	sst s8  }
0x11: {  	[smem:$0x3FAB] =	sst s9;
	s0 =	simm.s32 @!p0 $0x0  }
0x12: {  	s1 =	sld [smem:$0x3F91];
	s0 =	simm.s32 @p0 $0x1  }
0x13: {  	[smem:$0x3FAC] =	sst s0;
	s0 =	simm.s32 @!p1 $0x0  }
0x14: {  	s2 =	sld [smem:$0x3F90];
	s0 =	simm.s32 @p1 $0x1  }
0x15: {  	[smem:$0x3FAD] =	sst s0;
	s0 =	simm.s32 @!p2 $0x0  }
0x16: {  	s3 =	sld [smem:$0x3FDB];
	s0 =	simm.s32 @p2 $0x1  }
0x17: {  	s4 =	simm.s32 $0x1BF5;
	[smem:$0x3FAF] =	sst s0  }
0x18: {  	s0 =	sld [smem:$0x3F92];
	_ =	swait.ge [sflag:s4], $0x0  }
0x19: {  	s7 =	sld [smem:$0x3F93]  }
0x1a: {  	s8 =	sadd.s32 $0xFFFFE003, lr  }
0x1b: {  	s9 =	sadd.s32 $0xFFFFFEF7, lr;
	s5 =	simm.s32 $0xFFFFFFFF;
	p2 =	slt.u32 s8, $0xFFFFF086  }
0x1c: {  	p1 =	slt.u32 s9, $0xF7A;
	s5 =	simm.s32 @!p2 $0x0  }
0x1d: {  	s5 =	simm.s32 @p1 $0x1;
	p0 =	seq.s32 s7, s2  }
0x1e: {  	s7 =	smul.u32 @!p0 $0xF7A, s2;
	p2 =	seq.s32 @!p0 s5, $0x0  }
0x1f: {  	s9 =	smul.u32 $0xF7A, s1;
	s8 =	simm.s32 @!p0 $0x1BF5;
	p2 =	por !p2, p0  }
0x20: {  	[sflag:s8] =	ssyncset.s32 @!p0 $0xFFFFF086;
	s6 =	sadd.s32 @!p0 s3, s7;
	s7 =	simm.s32 @!p0 $0x108  }
0x21: {  	s3 =	sadd.s32 s3, s9;
	s6 =	sadd.s32 @!p0 $0x88, s6;
	s7 =	simm.s32 @p2 $0x1082  }
0x22: {  	[simem:s7], [sflag:s8] =	dma.local @!p0 [hbm:s6], $0xF7A  }
0x23: {  	s9 =	sor.u32 $0xD0000000, s2;
	s6 =	simm.s32 $0x108;
	_ =	swait.ge @!p0 [sflag:s8], $0x0  }
0x24: {  	s3 =	sadd.s32 $0x88, s3;
	s6 =	simm.s32 @!p1 $0x1082;
	[sflag:s4] =	ssyncset.s32 $0xFFFFF086  }
0x25: {  	[simem:s6], [sflag:s4] =	dma.local [hbm:s3], $0xF7A  }
0x26: {  	[smem:$0x3F93] =	sst s1;
	(tag) =	ssettag s2;
	_ =	strace s9  }
0x27: {  	s1 =	sld [smem:$0x3FA3]  }
0x28: {  	s2 =	sld [smem:$0x3FA4]  }
0x29: {  	s4 =	sld [smem:$0x3FA6]  }
0x2a: {  	p0 =	seq.s32 s5, $0x0;
	s5 =	sld [smem:$0x3FA7]  }
0x2b: {  	s6 =	sld [smem:$0x3FA8]  }
0x2c: {  	s7 =	sld [smem:$0x3FA9]  }
0x2d: {  	s3 =	simm.s32 $0x108;
	s8 =	sld [smem:$0x3FAA]  }
0x2e: {  	s3 =	simm.s32 @!p0 $0x1082;
	s9 =	sld [smem:$0x3FAB]  }
0x2f: {  	lr =	sadd.s32 s0, s3;
	s0 =	sld [smem:$0x3FA2]  }
0x30: {  	s3 =	sld [smem:$0x3FA5]  }
0x31: {  	[smem:$0x3FAE] =	sst s10  }
0x32: {  	s10 =	sld [smem:$0x3FAC];
	_ =	sdelay $0x3  }
0x33: {  	p0 =	seq.s32 s10, $0x1;
	s10 =	sld [smem:$0x3FAE];
	_ =	sdelay $0x3  }
0x34: {  	[smem:$0x3FAE] =	sst s10  }
0x35: {  	s10 =	sld [smem:$0x3FAD];
	_ =	sdelay $0x3  }
0x36: {  	p1 =	seq.s32 s10, $0x1;
	s10 =	sld [smem:$0x3FAE];
	_ =	sdelay $0x3  }
0x37: {  	[smem:$0x3FAE] =	sst s10  }
0x38: {  	s10 =	sld [smem:$0x3FAF]  }
0x39: {  	_ = 	snop;
	(pc) =	sbr.ind lr, $3  }
0x3a: {  	_ = 	snop  }
0x3b: {  	_ = 	snop  }
0x3c: {  	p2 =	seq.s32 s10, $0x1;
	s10 =	sld [smem:$0x3FAE]  }
0x3d: {  	_ =	shalt  }
0x3e: {  	_ =	shalt  }
0x3f: {  	_ =	shalt  }
0x40: {  	_ =	shalt  }
0x41: {  	_ =	shalt  }
0x42: {  	_ =	shalt  }
0x43: {  	_ =	shalt  }
0x44: {  	_ =	shalt  }
0x45: {  	_ =	shalt  }
0x46: {  	_ =	shalt  }
0x47: {  	_ =	shalt  }
0x48: {  	_ =	shalt  }
0x49: {  	_ =	shalt  }
0x4a: {  	_ =	shalt  }
0x4b: {  	_ =	shalt  }
0x4c: {  	_ =	shalt  }
0x4d: {  	_ =	shalt  }
0x4e: {  	_ =	shalt  }
0x4f: {  	_ =	shalt  }
0x50: {  	_ =	shalt  }
0x51: {  	_ =	shalt  }
0x52: {  	_ =	shalt  }
0x53: {  	_ =	shalt  }
0x54: {  	_ =	shalt  }
0x55: {  	_ =	shalt  }
0x56: {  	_ =	shalt  }
0x57: {  	_ =	shalt  }
0x58: {  	_ =	shalt  }
0x59: {  	_ =	shalt  }
0x5a: {  	_ =	shalt  }
0x5b: {  	_ =	shalt  }
0x5c: {  	_ =	shalt  }
0x5d: {  	_ =	shalt  }
0x5e: {  	_ =	shalt  }
0x5f: {  	_ =	shalt  }
0x60: {  	_ =	shalt  }
0x61: {  	_ =	shalt  }
0x62: {  	_ =	shalt  }
0x63: {  	_ =	shalt  }
0x64: {  	_ =	shalt  }
0x65: {  	_ =	shalt  }
0x66: {  	_ =	shalt  }
0x67: {  	_ =	shalt  }
0x68: {  	_ =	shalt  }
0x69: {  	_ =	shalt  }
0x6a: {  	_ =	shalt  }
0x6b: {  	_ =	shalt  }
0x6c: {  	_ =	shalt  }
0x6d: {  	_ =	shalt  }
0x6e: {  	_ =	shalt  }
0x6f: {  	_ =	shalt  }
0x70: {  	_ =	shalt  }
0x71: {  	_ =	shalt  }
0x72: {  	_ =	shalt  }
0x73: {  	_ =	shalt  }
0x74: {  	_ =	shalt  }
0x75: {  	_ =	shalt  }
0x76: {  	_ =	shalt  }
0x77: {  	_ =	shalt  }
0x78: {  	_ =	shalt  }
0x79: {  	_ =	shalt  }
0x7a: {  	_ =	shalt  }
0x7b: {  	_ =	shalt  }
0x7c: {  	_ =	shalt  }
0x7d: {  	_ =	shalt  }
0x7e: {  	_ =	shalt  }
0x7f: {  	_ =	shalt  }
0x80: {  	_ =	shalt  }
0x81: {  	_ =	shalt  }
0x82: {  	_ =	shalt  }
0x83: {  	_ =	shalt  }
0x84: {  	_ =	shalt  }
0x85: {  	_ =	shalt  }
0x86: {  	_ =	shalt  }
0x87: {  	_ =	shalt  }
.Lfunc_end0:
.L_simem_size_0:
called_computation_lowered:
.L_overlay_start_0:
0x88: {  	s2 =	sld [smem:$0x3FD9]  }
0x89: {  	s3 =	sld [smem:$0x3FFE];
	_ =	sdelay $0x1  }
0x8a: {  	s1 =	srdreg.scid  }
0x8b: {  	s0 =	sand.u32 $0x1, s1  }
0x8c: {  	s17 =	sshll.u32 s0, $0xA;
	s2 =	sadd.s32 s3, s2  }
0x8d: {  	s2 =	sadd.s32 s2, s17  }
0x8e: {  	[smem:$0x3FBA] =	sst s2  }
0x8f: {  	_ = 	snop  }
0x90: {  	s2 =	sld [smem:$0x3FC8]  }
0x91: {  	s18 =	sld [smem:$0x3FC7]  }
0x92: {  	s4 =	sld [smem:$0x3FC6];
	(tm) =	ssettm $0x1  }
0x93: {  	s5 =	sld [smem:$0x3FFB];
	_ =	sdelay $0x3  }
0x94: {  	_ =	strace s5  }
0x95: {  	s5 =	sld [smem:$0x3FFC];
	_ =	sdelay $0x3  }
0x96: {  	_ =	strace s5  }
0x97: {  	s5 =	sld [smem:$0x3FFD];
	_ =	sdelay $0x3  }
0x98: {  	_ =	strace s5  }
0x99: {  	_ =	strace $0x8FFFFFFF  }
0x9a: {  	s19 =	sld [smem:$0x3FDB];
	_ =	sdelay $0x1  }
0x9b: {  	s6 =	simm.s32 $_scs_section_size  }
0x9c: {  	s7 =	simm.s32 $_size__tile_overlayer_lowered;
	s8 =	simm.s32 $_tile_overlayer_lowered  }
0x9d: {  	s22 =	simm.s32 $0x1BFF;
	s21 =	sshll.u32 s8, $0x1;
	s5 =	sadd.s32 s6, s19  }
0x9e: {  	s9 =	simm.s32 $0x0;
	s20 =	sshll.u32 s7, $0x1;
	s7 =	sadd.s32 s21, s5  }
0x9f: {  	[timem:s9], [sflag:s22] =	dma.local [hbm:s7], s20  }
0xa0: {  	_ =	swait.ge [sflag:s22], s20  }
0xa1: {  	s6 =	ssub.s32 $0x0, s20;
	[sflag:s22] =	ssyncset.done $0x0  }
0xa2: {  	[sflag:s22] =	ssyncadd.s32 s6;
	_ =	sdelay $0x1  }
0xa3: {  	s23 =	simm.s32 $0x1B8B  }
0xa4: {  	_ =	swait.ge [sflag:s23], $0x1  }
0xa5: {  	[sflag:s23] =	ssyncset.done $0x0  }
0xa6: {  	s25 =	simm.s32 $0x1B8E;
	s24 =	sld [smem:$0x3FFE];
	[sflag:s23] =	ssyncadd.s32 $0xFFFFFFFF  }
0xa7: {  	s26 =	simm.s32 $execute0_lowered;
	[smem:$0x3FD2] =	sst s25  }
0xa8: {  	s7 =	sshll.u32 s26, $0x1;
	_ =	strace $0x80000046;
	[dreg:$0x1] =	wrdreg $0xFFFFFFFF  }
0xa9: {  	s28 =	simm.s32 $_size_execute0_lowered;
	s5 =	sadd.s32 s5, s7;
	[dreg:$0x0] =	wrdreg $0x0  }
0xaa: {  	s7 =	sshll.u32 s28, $0x1;
	[dreg:$0x2] =	wrdreg s5  }
0xab: {  	[dreg:$0x3] =	wrdreg s7  }
0xac: {  	[dreg:$0x4] =	wrdreg $0xC0  }
0xad: {  	_ =	task [dreg:s9], $0x5FFFF  }
0xae: {  	[dreg:$0x1] =	wrdreg $0xFFFFFFFF  }
0xaf: {  	[dreg:$0x0] =	wrdreg $0x60  }
0xb0: {  	[dreg:$0x2] =	wrdreg s2  }
0xb1: {  	[dreg:$0x3] =	wrdreg s18  }
0xb2: {  	[dreg:$0x4] =	wrdreg s4  }
0xb3: {  	[dreg:$0x5] =	wrdreg s24  }
0xb4: {  	[dreg:$0x6] =	wrdreg $0x9  }
0xb5: {  	_ =	task.clear_ibuf [dreg:s9], $0x7FFFF;
	_ =	strace $0x90000046  }
0xb6: {  	s29 =	simm.s32 $0x9;
	_ =	strace $0x80000048  }
0xb7: {  	_ =	swait.ge [sflag:s29], $0x1  }
0xb8: {  	[sflag:s29] =	ssyncadd.s32 $0xFFFFFFFF  }
0xb9: {  	_ =	strace $0x90000048  }
0xba: {  	_ =	sfence  }
0xbb: {  	s30 =	sld [smem:$0x0];
	_ =	sdelay $0x2  }
0xbc: {  	s31 =	sshll.u32 s1, $0xD;
	s1 =	sshrl.u32 s1, $0x2  }
0xbd: {  	s3 =	sand.u32 $0x4000, s31;
	s1 =	sadd.s32 s1, s30  }
0xbe: {  	s0 =	sor.u32 s3, s0;
	s1 =	sshll.u32 s1, $0x11  }
0xbf: {  	s0 =	sor.u32 s1, s0  }
0xc0: {  	s0 =	sadd.s32 $0x8F2B, s0  }
0xc1: {  	[sflag:s0] =	ssyncadd.remote.s32 $0x1  }
0xc2: {  	_ =	sfence.sel $0xFFFF  }
0xc3: {  	[dreg:$0x0] =	wrdreg $0xFFFFFFFF;
	(pc) =	sbr.abs _section_cstart, $3  }
0xc4: {  	[dreg:$0x1] =	wrdreg $0xFFFFFFFF  }
0xc5: {  	_ =	task.clear_ibuf [dreg:s9], $0x2FFFF;
	_ =	strace $0x9FFFFFFF  }
0xc6: {  	(tm) =	ssettm $0x7FFFFFFF  }
0xc7: {  	_ =	shalt  }
tec
execute0_lowered:
.L_overlay_start_1:
0x0: {  	(tag) =	ssettag $0x1  }
0x1: {  	s4 =	rddreg [dreg:$0x0]  }
0x2: {  	s5 =	rddreg [dreg:$0x1]  }
0x3: {  	s6 =	rddreg [dreg:$0x2]  }
0x4: {  	s7 =	rddreg [dreg:$0x3]  }
0x5: {  	s0 =	rddreg [dreg:$0x4];
	s3 =	srdreg.scid  }
0x6: {  	s1 =	stileid.u32;
	s2 =	simm.s32 $0x0;
	s13 =	simm.s32 $0x100  }
0x7: {  	s14 =	simm.s32 $0xA00;
	s15 =	simm.s32 $0x180;
	s16 =	simm.s32 $0xB80  }
0x8: {  	s17 =	simm.s32 $0x1;
	s3 =	sand.u32 $0x1, s3;
	s8 =	sshll.u32 s1, $0x1  }
0x9: {  	s18 =	simm.s32 $0x0;
	[smem:$0x7FF] =	sst s2;
	s8 =	sor.u32 s3, s8  }
0xa: {  	_ =	strace $0x80000047;
	s10 =	ssub.s32 $0x2, s3;
	s3 =	sadd.s32 $0x2A00, s7  }
0xb: {  	s9 =	smul.u32 $0x140, s8;
	s8 =	sshll.u32 s8, $0x4;
	s11 =	sshrl.u32 s10, $0x1  }
0xc: {  	s12 =	sadd.s32 s8, s7;
	s10 =	ssub.s32 s10, s11;
	s4 =	sadd.s32 s4, s8  }
0xd: {  	s5 =	sadd.s32 s5, s8;
	s6 =	sadd.s32 s6, s8;
	s11 =	simm.s32 $0x2  }
0xe: {  	s9 =	sadd.s32 s9, s7;
	s7 =	sadd.s32 $0xF200, s12;
	s8 =	sadd.s32 $0xF400, s12  }
0xf: {  	v0 =	vlaneseq.u32;
	s10 =	smax.u32 s10, $0x1;
	s12 =	simm.s32 $0x80;
	s9 =	sadd.s32 $0xCA00, s9  }
.LBB2_1:
0x10: {  	[tilespmem:s2], [sflag:$0x2] =	stream.linear.gather [hbm4b:s4+s2], $0x80, $0x38;
	[tilespmem:$0x1580] =	vst v63  }
0x11: {  	_ =	swait.ge [sflag:s11], $0x80  }
0x12: {  	[sflag:s11] =	ssyncset.done $0x0  }
0x13: {  	[sflag:s11] =	ssyncadd.s32 $0xFFFFFF80  }
0x14: {  	[tilespmem:s12], [sflag:$0x2] =	stream.linear.gather [hbm4b:s5+s2], $0x80, $0x38;
	[tilespmem:$0x1580] =	vst v63  }
0x15: {  	_ =	swait.ge [sflag:s11], $0x80  }
0x16: {  	[sflag:s11] =	ssyncset.done $0x0  }
0x17: {  	[sflag:s11] =	ssyncadd.s32 $0xFFFFFF80  }
0x18: {  	[tilespmem:s13], [sflag:$0x2] =	stream.linear.gather [hbm4b:s6+s2], $0x80, $0x38;
	[tilespmem:$0x1580] =	vst v63  }
0x19: {  	_ =	swait.ge [sflag:s11], $0x80  }
0x1a: {  	[sflag:s11] =	ssyncset.done $0x0  }
0x1b: {  	[sflag:s11] =	ssyncadd.s32 $0xFFFFFF80  }
0x1c: {  	v1 =	vld [tilespmem:$0x80]  }
0x1d: {  	v2 =	vld [tilespmem:$0x90]  }
0x1e: {  	v9 =	vld [tilespmem:$0xE0]  }
0x1f: {  	v49 =	vld [tilespmem:$0xF0]  }
0x20: {  	v11 =	vld [tilespmem:$0x100]  }
0x21: {  	v12 =	vld [tilespmem:$0x110]  }
0x22: {  	v53 =	vld [tilespmem:$0x120]  }
0x23: {  	v14 =	vld [tilespmem:$0x130]  }
0x24: {  	v59 =	vld [tilespmem:$0x150];
	v3 =	vshll.u32 v1, $0x1;
	v5 =	vand.u32 $0xFFFFF000, v1;
	v1 =	vshrl.u32 v1, $0xB  }
0x25: {  	v7 =	vshrl.u32 v2, $0xB;
	v50 =	vshll.u32 v9, $0x1;
	v51 =	vshll.u32 v49, $0x1  }
0x26: {  	v13 =	vshrl.u32 v49, $0xB;
	v54 =	vshll.u32 v11, $0x1;
	v55 =	vshrl.u32 v11, $0xB  }
0x27: {  	v4 =	vld [tilespmem:$0xA0];
	v11 =	vand.u32 $0xFFFFF000, v11;
	v56 =	vshll.u32 v12, $0x1;
	v57 =	vand.u32 $0xFFFFF000, v12  }
0x28: {  	v12 =	vshrl.u32 v12, $0xB;
	v58 =	vshll.u32 v53, $0x1;
	v60 =	vand.u32 $0xFFFFF000, v14  }
0x29: {  	v62 =	vshrl.u32 v59, $0xB;
	v63 =	vand.u32 $0xFFFFF000, v59;
	v3 =	vand.u32 $0xFFE, v3  }
0x2a: {  	v1 =	vand.u32 $0x1, v1;
	v52 =	vand.u32 $0x1, v13;
	v13 =	vand.u32 $0xFFFFF000, v53  }
0x2b: {  	v6 =	vld [tilespmem:$0xB0];
	v3 =	vor.u32 v5, v3;
	v5 =	vshll.u32 v2, $0x1;
	v2 =	vand.u32 $0xFFFFF000, v2  }
0x2c: {  	v5 =	vand.u32 $0xFFE, v5;
	v1 =	vor.u32 v1, v3;
	v3 =	vshll.u32 v4, $0x1  }
0x2d: {  	v2 =	vor.u32 v2, v5;
	v5 =	vand.u32 $0x1, v7;
	v3 =	vand.u32 $0xFFE, v3  }
0x2e: {  	v7 =	vld [tilespmem:$0xC0];
	v2 =	vor.u32 v5, v2;
	v5 =	vshrl.u32 v4, $0xB;
	v4 =	vand.u32 $0xFFFFF000, v4  }
0x2f: {  	v8 =	vld [tilespmem:$0xD0];
	[tilespmem:$0x80] =	vst v1;
	v1 =	vshrl.u32 v53, $0xB;
	v3 =	vor.u32 v4, v3;
	v4 =	vand.u32 $0x1, v5  }
0x30: {  	v1 =	vand.u32 $0x1, v1;
	v5 =	vshll.u32 v6, $0x1;
	v3 =	vor.u32 v4, v3  }
0x31: {  	v4 =	vand.u32 $0xFFFFF000, v6;
	v5 =	vand.u32 $0xFFE, v5;
	v6 =	vshrl.u32 v6, $0xB  }
0x32: {  	[tilespmem:$0x90] =	vst v2;
	v2 =	vand.u32 $0x1, v12;
	v4 =	vor.u32 v4, v5;
	v6 =	vand.u32 $0x1, v6  }
0x33: {  	[tilespmem:$0xA0] =	vst v3;
	v3 =	vshll.u32 v14, $0x1;
	v5 =	vshll.u32 v7, $0x1;
	v10 =	vshrl.u32 v7, $0xB  }
0x34: {  	v15 =	vld [tilespmem:$0x140];
	v7 =	vand.u32 $0xFFFFF000, v7;
	v4 =	vor.u32 v6, v4;
	v6 =	vshll.u32 v8, $0x1  }
0x35: {  	v3 =	vand.u32 $0xFFE, v3;
	v5 =	vand.u32 $0xFFE, v5;
	v6 =	vand.u32 $0xFFE, v6  }
0x36: {  	[tilespmem:$0xB0] =	vst v4;
	v4 =	vshrl.u32 v14, $0xB;
	v3 =	vor.u32 v60, v3;
	v5 =	vor.u32 v7, v5  }
0x37: {  	v7 =	vand.u32 $0x1, v10;
	v10 =	vand.u32 $0xFFFFF000, v49;
	v4 =	vand.u32 $0x1, v4  }
0x38: {  	v5 =	vor.u32 v7, v5;
	v7 =	vshrl.u32 v8, $0xB;
	v8 =	vand.u32 $0xFFFFF000, v8  }
0x39: {  	v3 =	vor.u32 v4, v3;
	v4 =	vand.u32 $0xFFFFF000, v15;
	v6 =	vor.u32 v8, v6  }
0x3a: {  	v7 =	vand.u32 $0x1, v7;
	v8 =	vand.u32 $0xFFE, v50;
	[tilespmem:$0xC0] =	vst v5;
	v5 =	vshll.u32 v15, $0x1  }
0x3b: {  	v6 =	vor.u32 v7, v6;
	v7 =	vand.u32 $0xFFFFF000, v9;
	v9 =	vshrl.u32 v9, $0xB  }
0x3c: {  	v5 =	vand.u32 $0xFFE, v5;
	v7 =	vor.u32 v7, v8;
	v8 =	vand.u32 $0xFFE, v51  }
0x3d: {  	v9 =	vand.u32 $0x1, v9;
	[tilespmem:$0xD0] =	vst v6;
	v6 =	vshrl.u32 v15, $0xB;
	v4 =	vor.u32 v4, v5  }
0x3e: {  	v5 =	vshll.u32 v59, $0x1;
	v8 =	vor.u32 v10, v8;
	v7 =	vor.u32 v9, v7  }
0x3f: {  	v61 =	vld [tilespmem:$0x160];
	v9 =	vand.u32 $0xFFE, v54;
	v10 =	vand.u32 $0x1, v55;
	v5 =	vand.u32 $0xFFE, v5  }
0x40: {  	v6 =	vand.u32 $0x1, v6;
	v9 =	vor.u32 v11, v9;
	v11 =	vand.u32 $0xFFE, v56  }
0x41: {  	[tilespmem:$0xE0] =	vst v7;
	v7 =	vld [tilespmem:$0x170];
	v9 =	vor.u32 v10, v9;
	v10 =	vor.u32 v57, v11;
	v11 =	vand.u32 $0xFFE, v58  }
0x42: {  	[tilespmem:$0x130] =	vst v3;
	v8 =	vor.u32 v52, v8;
	v5 =	vor.u32 v63, v5;
	v11 =	vor.u32 v13, v11  }
0x43: {  	[tilespmem:$0xF0] =	vst v8;
	v8 =	vand.u32 $0x1, v62;
	v2 =	vor.u32 v2, v10;
	v1 =	vor.u32 v1, v11  }
0x44: {  	[tilespmem:$0x110] =	vst v2;
	v2 =	vor.u32 v6, v4;
	v4 =	vor.u32 v8, v5;
	v5 =	vshll.u32 v61, $0x1  }
0x45: {  	v6 =	vand.u32 $0xFFFFF000, v61;
	[tilespmem:$0x120] =	vst v1;
	v1 =	vshrl.u32 v61, $0xB;
	v5 =	vand.u32 $0xFFE, v5  }
0x46: {  	[tilespmem:$0x100] =	vst v9;
	v3 =	vor.u32 v6, v5;
	v1 =	vand.u32 $0x1, v1;
	v5 =	vshll.u32 v7, $0x1  }
0x47: {  	[tilespmem:$0x140] =	vst v2;
	v2 =	vshrl.u32 v7, $0xB;
	v6 =	vand.u32 $0xFFFFF000, v7;
	v5 =	vand.u32 $0xFFE, v5  }
0x48: {  	[tilespmem:$0x150] =	vst v4;
	v1 =	vor.u32 v1, v3;
	v2 =	vand.u32 $0x1, v2;
	v3 =	vor.u32 v6, v5  }
0x49: {  	[tilespmem:$0x160] =	vst v1;
	v1 =	vor.u32 v2, v3  }
0x4a: {  	[tilespmem:$0x170] =	vst v1  }
0x4b: {  	v3 =	vor.u32 s2, v0;
	[hbm4b:s7+s2] =	stream.linear.scatter [tilespmem:s12], [sflag:$0x2], $0x80, $0x38;
	[tilespmem:$0x1580] =	vst v63  }
0x4c: {  	v1 =	vmul.u32 $0xCCD, v3;
	_ =	swait.ge [sflag:s11], $0x80  }
0x4d: {  	[sflag:s11] =	ssyncset.done $0x0  }
0x4e: {  	v2 =	vshrl.u32 v1, $0x10;
	[sflag:s11] =	ssyncadd.s32 $0xFFFFFF80  }
0x4f: {  	[hbm4b:s8+s2] =	stream.linear.scatter [tilespmem:s13], [sflag:$0x2], $0x80, $0x38;
	[tilespmem:$0x1580] =	vst v63  }
0x50: {  	_ =	swait.ge [sflag:s11], $0x80  }
0x51: {  	s19 =	simm.s32 $0x10;
	[sflag:s11] =	ssyncset.done $0x0  }
0x52: {  	v1 =	vor.u32 s19, v0;
	[sflag:s11] =	ssyncadd.s32 $0xFFFFFF80  }
0x53: {  	v5 =	vmul.u32 $0xCCD, v1;
	v4 =	vld.idx.msk [tilespmem:v2+s2+$0x0], $0xffff  }
0x54: {  	v6 =	vmul.u32 $0x3FFEC, v2  }
0x55: {  	v2 =	vshrl.u32 v5, $0x10  }
0x56: {  	v3 =	vadd.s32 v3, v6  }
0x57: {  	v3 =	vshll.u32 v3, $0xE  }
0x58: {  	v3 =	vadd.s32 v3, v4  }
0x59: {  	s31 =	simm.s32 $0x20;
	[tilespmem:s15+$0x0] =	vst v3  }
0x5a: {  	s20 =	simm.s32 $0x30;
	s19 =	simm.s32 $0x180;
	v3 =	vor.u32 s31, v0;
	v4 =	vld.idx.msk [tilespmem:v2+s2+$0x0], $0xffff  }
.LBB2_2:
0x5b: {  	p0 =	sne.s32 s20, $0x9F0;
	v5 =	vmul.u32 $0xCCD, v3  }
0x5c: {  	v6 =	vmul.u32 $0x3FFEC, v2  }
0x5d: {  	v2 =	vshrl.u32 v5, $0x10  }
.Ltmp0:
0x5e: {  	v5 =	vadd.s32 v1, v6;
	v1 =	vmov v3;
	(pc) =	sbr.rel @p0 .LBB2_2-.Ltmp0, $4  }
0x5f: {  	v3 =	vshll.u32 v5, $0xE  }
0x60: {  	s19 =	sadd.s32 $0x10, s19;
	v3 =	vadd.s32 v3, v4  }
0x61: {  	[tilespmem:s19+$0x0] =	vst v3  }
0x62: {  	v3 =	vor.u32 s20, v0;
	s20 =	sadd.s32 $0x10, s20;
	v4 =	vld.idx.msk [tilespmem:v2+s2+$0x0], $0xffff  }
0x63: {  	v5 =	vmul.u32 $0xCCD, v3  }
0x64: {  	v2 =	vmul.u32 $0x3FFEC, v2  }
0x65: {  	v5 =	vshrl.u32 v5, $0x10  }
0x66: {  	v1 =	vadd.s32 v1, v2  }
0x67: {  	v1 =	vshll.u32 v1, $0xE  }
0x68: {  	s19 =	sadd.s32 $0x10, s19;
	v1 =	vadd.s32 v1, v4  }
0x69: {  	[tilespmem:s19+$0x0] =	vst v1  }
0x6a: {  	v1 =	vld.idx.msk [tilespmem:v5+s2+$0x0], $0xffff  }
0x6b: {  	v2 =	vmul.u32 $0x3FFEC, v5;
	_ =	sdelay $0x1  }
0x6c: {  	v2 =	vadd.s32 v3, v2  }
0x6d: {  	v2 =	vshll.u32 v2, $0xE  }
0x6e: {  	s19 =	sadd.s32 $0x10, s19;
	v1 =	vadd.s32 v2, v1  }
0x6f: {  	[tilespmem:s19+$0x0] =	vst v1  }
0x70: {  	[tilespmem:s16], [sflag:$0x1] =	stream.indirect.gather [hbm4b:s3+s14], $0x1, s15, s14, $0xb8;
	[tilespmem:$0x1580] =	vst v63  }
0x71: {  	_ =	swait.ge [sflag:s17], $0xA00  }
0x72: {  	[sflag:s17] =	ssyncset.done $0x0  }
0x73: {  	s20 =	simm.s32 $0x40;
	s19 =	simm.s32 $0x0;
	[sflag:s17] =	ssyncadd.s32 $0xFFFFF600  }
.LBB2_4:
0x74: {  	p0 =	sne.s32 s20, $0x27C0;
	v1 =	vld [tilespmem:s19+$0xB80];
	_ =	sdelay $0x4  }
.Ltmp1:
0x75: {  	v2 =	vshll.u32 v1, $0x1;
	(pc) =	sbr.rel @p0 .LBB2_4-.Ltmp1, $4  }
0x76: {  	v3 =	vshrl.u32 v1, $0xB;
	v1 =	vand.u32 $0xFFFFF000, v1;
	v2 =	vand.u32 $0xFFE, v2  }
0x77: {  	v1 =	vor.u32 v1, v2;
	v2 =	vand.u32 $0x1, v3  }
0x78: {  	v1 =	vor.u32 v2, v1  }
0x79: {  	[tilespmem:s19+$0xB80] =	vst v1;
	s19 =	sshra.s32 s20, $0x2;
	s20 =	sadd.s32 $0x40, s20  }
0x7a: {  	v1 =	vld [tilespmem:s19+$0xB80];
	_ =	sdelay $0x4  }
0x7b: {  	v2 =	vshll.u32 v1, $0x1  }
0x7c: {  	v3 =	vshrl.u32 v1, $0xB;
	v1 =	vand.u32 $0xFFFFF000, v1;
	v2 =	vand.u32 $0xFFE, v2  }
0x7d: {  	s18 =	sadd.s32 $0x1, s18;
	v1 =	vor.u32 v1, v2;
	v2 =	vand.u32 $0x1, v3  }
0x7e: {  	p0 =	sne.s32 s18, s10;
	v1 =	vor.u32 v2, v1  }
.Ltmp2:
0x7f: {  	[tilespmem:s19+$0xB80] =	vst v1;
	(pc) =	sbr.rel @p0 .LBB2_1-.Ltmp2, $4  }
0x80: {  	[hbm4b:s9+s2] =	stream.linear.scatter [tilespmem:s16], [sflag:$0x2], $0xA00, $0x38;
	[tilespmem:$0x1580] =	vst v63  }
0x81: {  	_ =	swait.ge [sflag:s11], $0xA00  }
0x82: {  	[sflag:s11] =	ssyncset.done $0x0  }
0x83: {  	[sflag:s11] =	ssyncadd.s32 $0xFFFFF600  }
0x84: {  	_ =	sfence.sel $0x180000  }
0x85: {  	[bflag:$0x0] =	sbarrier.arrive $0xFFFF  }
0x86: {  	p0 =	sne.s32 s1, $0x0;
	_ =	strace $0x90000047  }
0x87: {  	s0 =	sadd.s32 @!p0 $0x100000, s0;
	[bflag:$0x2] =	sbarrier.arrive $0xFFFF  }
0x88: {  	[sflag:s0] =	ssyncadd.tile.s32 @!p0 $0x1;
	_ =	shalt  }
.Lfunc_end2:
_tile_overlayer_lowered:
.L_overlay_start_2:
0x89: {  	(tag) =	ssettag $0x2  }
0x8a: {  	s0 =	rddreg [dreg:$0x0];
	s2 =	stileid.u32  }
0x8b: {  	s1 =	rddreg [dreg:$0x1];
	p0 =	sne.s32 s2, $0x0  }
0x8c: {  	s3 =	rddreg [dreg:$0x2];
	[bflag:$0x3] =	sbarrier.arrive $0xFFFF;
	s2 =	simm.s32 @!p0 $0x1C02  }
0x8d: {  	[timem:s3], [sflag:s2] =	dma.local @!p0 [hbm:s0], s1  }
0x8e: {  	s0 =	simm.s32 @!p0 $0x2  }
0x8f: {  	_ =	swait.ge @!p0 [sflag:s0], s1  }
0x90: {  	s1 =	ssub.s32 @!p0 $0x0, s1;
	[sflag:s0] =	ssyncset.done @!p0 $0x0  }
0x91: {  	[sflag:s0] =	ssyncadd.s32 @!p0 s1  }
0x92: {  	[bflag:$0x3] =	sbarrier.arrive $0xFFFF  }
0x93: {  	_ =	shalt  }

// kernel: kernel.9.cloned.1.call-start
scs
__scs_entry_jumppad:
0x0: {  	(pc) =	sbr.rel $0x88, $3  }
0x1: {  	(tag) =	ssettag $0x0;
	lr =	simm.s32 $0x1  }
0x2: {  	[smem:$0x3F93] =	sst lr;
	_ =	strace $0xD0000000  }
0x3: {  	_ = 	snop  }
0x4: {  	_ = 	snop  }
0x5: {  	_ = 	snop  }
0x6: {  	_ = 	snop  }
0x7: {  	_ = 	snop  }
__scs_overlays_trampoline_lowered:
0x8: {  	[smem:$0x3FA2] =	sst s0  }
0x9: {  	[smem:$0x3FA3] =	sst s1  }
0xa: {  	[smem:$0x3FA4] =	sst s2  }
0xb: {  	[smem:$0x3FA5] =	sst s3  }
0xc: {  	[smem:$0x3FA6] =	sst s4  }
0xd: {  	[smem:$0x3FA7] =	sst s5  }
0xe: {  	[smem:$0x3FA8] =	sst s6  }
0xf: {  	[smem:$0x3FA9] =	sst s7  }
0x10: {  	[smem:$0x3FAA] =	sst s8  }
0x11: {  	[smem:$0x3FAB] =	sst s9;
	s0 =	simm.s32 @!p0 $0x0  }
0x12: {  	s1 =	sld [smem:$0x3F91];
	s0 =	simm.s32 @p0 $0x1  }
0x13: {  	[smem:$0x3FAC] =	sst s0;
	s0 =	simm.s32 @!p1 $0x0  }
0x14: {  	s2 =	sld [smem:$0x3F90];
	s0 =	simm.s32 @p1 $0x1  }
0x15: {  	[smem:$0x3FAD] =	sst s0;
	s0 =	simm.s32 @!p2 $0x0  }
0x16: {  	s3 =	sld [smem:$0x3FDB];
	s0 =	simm.s32 @p2 $0x1  }
0x17: {  	s4 =	simm.s32 $0x1BF5;
	[smem:$0x3FAF] =	sst s0  }
0x18: {  	s0 =	sld [smem:$0x3F92];
	_ =	swait.ge [sflag:s4], $0x0  }
0x19: {  	s7 =	sld [smem:$0x3F93]  }
0x1a: {  	s8 =	sadd.s32 $0xFFFFE003, lr  }
0x1b: {  	s9 =	sadd.s32 $0xFFFFFEF7, lr;
	s5 =	simm.s32 $0xFFFFFFFF;
	p2 =	slt.u32 s8, $0xFFFFF086  }
0x1c: {  	p1 =	slt.u32 s9, $0xF7A;
	s5 =	simm.s32 @!p2 $0x0  }
0x1d: {  	s5 =	simm.s32 @p1 $0x1;
	p0 =	seq.s32 s7, s2  }
0x1e: {  	s7 =	smul.u32 @!p0 $0xF7A, s2;
	p2 =	seq.s32 @!p0 s5, $0x0  }
0x1f: {  	s9 =	smul.u32 $0xF7A, s1;
	s8 =	simm.s32 @!p0 $0x1BF5;
	p2 =	por !p2, p0  }
0x20: {  	[sflag:s8] =	ssyncset.s32 @!p0 $0xFFFFF086;
	s6 =	sadd.s32 @!p0 s3, s7;
	s7 =	simm.s32 @!p0 $0x108  }
0x21: {  	s3 =	sadd.s32 s3, s9;
	s6 =	sadd.s32 @!p0 $0x88, s6;
	s7 =	simm.s32 @p2 $0x1082  }
0x22: {  	[simem:s7], [sflag:s8] =	dma.local @!p0 [hbm:s6], $0xF7A  }
0x23: {  	s9 =	sor.u32 $0xD0000000, s2;
	s6 =	simm.s32 $0x108;
	_ =	swait.ge @!p0 [sflag:s8], $0x0  }
0x24: {  	s3 =	sadd.s32 $0x88, s3;
	s6 =	simm.s32 @!p1 $0x1082;
	[sflag:s4] =	ssyncset.s32 $0xFFFFF086  }
0x25: {  	[simem:s6], [sflag:s4] =	dma.local [hbm:s3], $0xF7A  }
0x26: {  	[smem:$0x3F93] =	sst s1;
	(tag) =	ssettag s2;
	_ =	strace s9  }
0x27: {  	s1 =	sld [smem:$0x3FA3]  }
0x28: {  	s2 =	sld [smem:$0x3FA4]  }
0x29: {  	s4 =	sld [smem:$0x3FA6]  }
0x2a: {  	p0 =	seq.s32 s5, $0x0;
	s5 =	sld [smem:$0x3FA7]  }
0x2b: {  	s6 =	sld [smem:$0x3FA8]  }
0x2c: {  	s7 =	sld [smem:$0x3FA9]  }
0x2d: {  	s3 =	simm.s32 $0x108;
	s8 =	sld [smem:$0x3FAA]  }
0x2e: {  	s3 =	simm.s32 @!p0 $0x1082;
	s9 =	sld [smem:$0x3FAB]  }
0x2f: {  	lr =	sadd.s32 s0, s3;
	s0 =	sld [smem:$0x3FA2]  }
0x30: {  	s3 =	sld [smem:$0x3FA5]  }
0x31: {  	[smem:$0x3FAE] =	sst s10  }
0x32: {  	s10 =	sld [smem:$0x3FAC];
	_ =	sdelay $0x3  }
0x33: {  	p0 =	seq.s32 s10, $0x1;
	s10 =	sld [smem:$0x3FAE];
	_ =	sdelay $0x3  }
0x34: {  	[smem:$0x3FAE] =	sst s10  }
0x35: {  	s10 =	sld [smem:$0x3FAD];
	_ =	sdelay $0x3  }
0x36: {  	p1 =	seq.s32 s10, $0x1;
	s10 =	sld [smem:$0x3FAE];
	_ =	sdelay $0x3  }
0x37: {  	[smem:$0x3FAE] =	sst s10  }
0x38: {  	s10 =	sld [smem:$0x3FAF]  }
0x39: {  	_ = 	snop;
	(pc) =	sbr.ind lr, $3  }
0x3a: {  	_ = 	snop  }
0x3b: {  	_ = 	snop  }
0x3c: {  	p2 =	seq.s32 s10, $0x1;
	s10 =	sld [smem:$0x3FAE]  }
0x3d: {  	_ =	shalt  }
0x3e: {  	_ =	shalt  }
0x3f: {  	_ =	shalt  }
0x40: {  	_ =	shalt  }
0x41: {  	_ =	shalt  }
0x42: {  	_ =	shalt  }
0x43: {  	_ =	shalt  }
0x44: {  	_ =	shalt  }
0x45: {  	_ =	shalt  }
0x46: {  	_ =	shalt  }
0x47: {  	_ =	shalt  }
0x48: {  	_ =	shalt  }
0x49: {  	_ =	shalt  }
0x4a: {  	_ =	shalt  }
0x4b: {  	_ =	shalt  }
0x4c: {  	_ =	shalt  }
0x4d: {  	_ =	shalt  }
0x4e: {  	_ =	shalt  }
0x4f: {  	_ =	shalt  }
0x50: {  	_ =	shalt  }
0x51: {  	_ =	shalt  }
0x52: {  	_ =	shalt  }
0x53: {  	_ =	shalt  }
0x54: {  	_ =	shalt  }
0x55: {  	_ =	shalt  }
0x56: {  	_ =	shalt  }
0x57: {  	_ =	shalt  }
0x58: {  	_ =	shalt  }
0x59: {  	_ =	shalt  }
0x5a: {  	_ =	shalt  }
0x5b: {  	_ =	shalt  }
0x5c: {  	_ =	shalt  }
0x5d: {  	_ =	shalt  }
0x5e: {  	_ =	shalt  }
0x5f: {  	_ =	shalt  }
0x60: {  	_ =	shalt  }
0x61: {  	_ =	shalt  }
0x62: {  	_ =	shalt  }
0x63: {  	_ =	shalt  }
0x64: {  	_ =	shalt  }
0x65: {  	_ =	shalt  }
0x66: {  	_ =	shalt  }
0x67: {  	_ =	shalt  }
0x68: {  	_ =	shalt  }
0x69: {  	_ =	shalt  }
0x6a: {  	_ =	shalt  }
0x6b: {  	_ =	shalt  }
0x6c: {  	_ =	shalt  }
0x6d: {  	_ =	shalt  }
0x6e: {  	_ =	shalt  }
0x6f: {  	_ =	shalt  }
0x70: {  	_ =	shalt  }
0x71: {  	_ =	shalt  }
0x72: {  	_ =	shalt  }
0x73: {  	_ =	shalt  }
0x74: {  	_ =	shalt  }
0x75: {  	_ =	shalt  }
0x76: {  	_ =	shalt  }
0x77: {  	_ =	shalt  }
0x78: {  	_ =	shalt  }
0x79: {  	_ =	shalt  }
0x7a: {  	_ =	shalt  }
0x7b: {  	_ =	shalt  }
0x7c: {  	_ =	shalt  }
0x7d: {  	_ =	shalt  }
0x7e: {  	_ =	shalt  }
0x7f: {  	_ =	shalt  }
0x80: {  	_ =	shalt  }
0x81: {  	_ =	shalt  }
0x82: {  	_ =	shalt  }
0x83: {  	_ =	shalt  }
0x84: {  	_ =	shalt  }
0x85: {  	_ =	shalt  }
0x86: {  	_ =	shalt  }
0x87: {  	_ =	shalt  }
.Lfunc_end0:
.L_simem_size_0:
called_computation.1_lowered:
.L_overlay_start_0:
0x88: {  	s2 =	sld [smem:$0x3FD9]  }
0x89: {  	s3 =	sld [smem:$0x3FFE];
	_ =	sdelay $0x1  }
0x8a: {  	s1 =	srdreg.scid  }
0x8b: {  	s0 =	sand.u32 $0x1, s1  }
0x8c: {  	s14 =	sshll.u32 s0, $0xA;
	s2 =	sadd.s32 s3, s2  }
0x8d: {  	s2 =	sadd.s32 s2, s14  }
0x8e: {  	[smem:$0x3FBA] =	sst s2  }
0x8f: {  	_ = 	snop  }
0x90: {  	s2 =	sld [smem:$0x3FD0];
	_ =	sdelay $0x2  }
0x91: {  	s15 =	simm.s32 $0xA;
	s4 =	simm.s32 $0x10  }
0x92: {  	[smem:s4], [sflag:s15] =	dma.local [hbm:s2], $0x1  }
0x93: {  	_ =	swait.eq [sflag:s15], $0x1  }
0x94: {  	s16 =	sld [smem:$0x10];
	[sflag:s15] =	ssyncset.done $0x0  }
0x95: {  	s17 =	sld [smem:$0x11];
	[sflag:s15] =	ssyncadd.s32 $0xFFFFFFFF  }
0x96: {  	s18 =	sld [smem:$0x12];
	(tm) =	ssettm $0x1  }
0x97: {  	s5 =	sld [smem:$0x3FFB];
	_ =	sdelay $0x3  }
0x98: {  	_ =	strace s5  }
0x99: {  	s5 =	sld [smem:$0x3FFC];
	_ =	sdelay $0x3  }
0x9a: {  	_ =	strace s5  }
0x9b: {  	s5 =	sld [smem:$0x3FFD];
	_ =	sdelay $0x3  }
0x9c: {  	_ =	strace s5  }
0x9d: {  	_ =	strace $0x8FFFFFFF  }
0x9e: {  	s19 =	sld [smem:$0x3FDB];
	_ =	sdelay $0x1  }
0x9f: {  	s6 =	simm.s32 $_scs_section_size  }
0xa0: {  	s7 =	simm.s32 $_size__tile_overlayer_lowered;
	s8 =	simm.s32 $_tile_overlayer_lowered  }
0xa1: {  	s22 =	simm.s32 $0x1BFF;
	s21 =	sshll.u32 s8, $0x1;
	s5 =	sadd.s32 s6, s19  }
0xa2: {  	s9 =	simm.s32 $0x0;
	s20 =	sshll.u32 s7, $0x1;
	s7 =	sadd.s32 s21, s5  }
0xa3: {  	[timem:s9], [sflag:s22] =	dma.local [hbm:s7], s20  }
0xa4: {  	_ =	swait.ge [sflag:s22], s20  }
0xa5: {  	s6 =	ssub.s32 $0x0, s20;
	[sflag:s22] =	ssyncset.done $0x0  }
0xa6: {  	[sflag:s22] =	ssyncadd.s32 s6;
	_ =	sdelay $0x1  }
0xa7: {  	s23 =	simm.s32 $0x1B8B  }
0xa8: {  	_ =	swait.ge [sflag:s23], $0x1  }
0xa9: {  	[sflag:s23] =	ssyncset.done $0x0  }
0xaa: {  	s25 =	simm.s32 $0x1B8E;
	s24 =	sld [smem:$0x3FFE];
	[sflag:s23] =	ssyncadd.s32 $0xFFFFFFFF  }
0xab: {  	s26 =	simm.s32 $execute0_lowered;
	[smem:$0x3FD2] =	sst s25  }
0xac: {  	s7 =	sshll.u32 s26, $0x1;
	_ =	strace $0x80000049;
	[dreg:$0x1] =	wrdreg $0xFFFFFFFF  }
0xad: {  	s28 =	simm.s32 $_size_execute0_lowered;
	s5 =	sadd.s32 s5, s7;
	[dreg:$0x0] =	wrdreg $0x0  }
0xae: {  	s7 =	sshll.u32 s28, $0x1;
	[dreg:$0x2] =	wrdreg s5  }
0xaf: {  	[dreg:$0x3] =	wrdreg s7  }
0xb0: {  	[dreg:$0x4] =	wrdreg $0xC0  }
0xb1: {  	_ =	task [dreg:s9], $0x5FFFF  }
0xb2: {  	[dreg:$0x1] =	wrdreg $0xFFFFFFFF  }
0xb3: {  	[dreg:$0x0] =	wrdreg $0x60  }
0xb4: {  	[dreg:$0x2] =	wrdreg s24  }
0xb5: {  	[dreg:$0x3] =	wrdreg s18  }
0xb6: {  	[dreg:$0x4] =	wrdreg s17  }
0xb7: {  	[dreg:$0x5] =	wrdreg s16  }
0xb8: {  	[dreg:$0x6] =	wrdreg $0x9  }
0xb9: {  	_ =	task.clear_ibuf [dreg:s9], $0x7FFFF;
	_ =	strace $0x90000049  }
0xba: {  	s29 =	simm.s32 $0x9;
	_ =	strace $0x8000004B  }
0xbb: {  	_ =	swait.ge [sflag:s29], $0x1  }
0xbc: {  	[sflag:s29] =	ssyncadd.s32 $0xFFFFFFFF  }
0xbd: {  	_ =	strace $0x9000004B  }
0xbe: {  	_ =	sfence  }
0xbf: {  	s30 =	sld [smem:$0x0];
	_ =	sdelay $0x2  }
0xc0: {  	s31 =	sshll.u32 s1, $0xD;
	s1 =	sshrl.u32 s1, $0x2  }
0xc1: {  	s3 =	sand.u32 $0x4000, s31;
	s1 =	sadd.s32 s1, s30  }
0xc2: {  	s0 =	sor.u32 s3, s0;
	s1 =	sshll.u32 s1, $0x11  }
0xc3: {  	s0 =	sor.u32 s1, s0  }
0xc4: {  	s0 =	sadd.s32 $0x8F2B, s0  }
0xc5: {  	[sflag:s0] =	ssyncadd.remote.s32 $0x1  }
0xc6: {  	_ =	sfence.sel $0xFFFF  }
0xc7: {  	[dreg:$0x0] =	wrdreg $0xFFFFFFFF;
	(pc) =	sbr.abs _section_cstart, $3  }
0xc8: {  	[dreg:$0x1] =	wrdreg $0xFFFFFFFF  }
0xc9: {  	_ =	task.clear_ibuf [dreg:s9], $0x2FFFF;
	_ =	strace $0x9FFFFFFF  }
0xca: {  	(tm) =	ssettm $0x7FFFFFFF  }
0xcb: {  	_ =	shalt  }
tec
execute0_lowered:
.L_overlay_start_1:
0x0: {  	(tag) =	ssettag $0x1  }
0x1: {  	s0 =	rddreg [dreg:$0x0]  }
0x2: {  	s1 =	rddreg [dreg:$0x1]  }
0x3: {  	s8 =	rddreg [dreg:$0x2];
	s2 =	srdreg.scid  }
0x4: {  	s4 =	stileid.u32;
	s9 =	rddreg [dreg:$0x3]  }
0x5: {  	s11 =	simm.s32 $0x7;
	s12 =	simm.s32 $0x80;
	s13 =	simm.s32 $0x16B00  }
0x6: {  	s14 =	simm.s32 $0x18B00;
	s15 =	simm.s32 $0x100;
	s16 =	simm.s32 $0x140  }
0x7: {  	s20 =	simm.s32 $0x380;
	s21 =	simm.s32 $0xAB00;
	s22 =	simm.s32 $0xFB00  }
0x8: {  	s23 =	simm.s32 $0x3;
	s28 =	simm.s32 $0x14B00;
	s29 =	simm.s32 $0x1  }
0x9: {  	s30 =	simm.s32 $0x2;
	s3 =	sand.u32 $0x1, s2;
	s4 =	sshll.u32 s4, $0x1  }
0xa: {  	s31 =	simm.s32 $0x0;
	s2 =	simm.s32 $0x0;
	s7 =	sor.u32 s3, s4  }
0xb: {  	[smem:$0x7FF] =	sst s2;
	s6 =	ssub.s32 $0x2, s3;
	s3 =	sadd.s32 $0xF600, s0  }
0xc: {  	s4 =	smul.u32 $0x140, s7;
	_ =	strace $0x8000004A;
	s5 =	sshll.u32 s7, $0x4  }
0xd: {  	s24 =	sshrl.u32 s6, $0x1;
	s26 =	sshll.u32 s7, $0xA;
	s5 =	sadd.s32 s5, s0  }
0xe: {  	s25 =	ssub.s32 s6, s24;
	s7 =	sadd.s32 s1, s26;
	s8 =	sadd.s32 s8, s26  }
0xf: {  	s9 =	sadd.s32 s9, s26;
	s24 =	simm.s32 $0x4;
	s26 =	simm.s32 $0x6  }
0x10: {  	s10 =	sadd.s32 s4, s0;
	s4 =	sadd.s32 $0xF200, s5;
	s5 =	sadd.s32 $0xF400, s5  }
0x11: {  	s6 =	sadd.s32 $0xCA00, s10;
	s10 =	smax.u32 s25, $0x1;
	s25 =	simm.s32 $0x5  }
.LBB2_1:
0x12: {  	[tilespmem:s2], [sflag:$0x7] =	stream.linear.gather [hbm4b:s4+s2], $0x80, $0x38;
	[tilespmem:$0x1AB00] =	vst v63  }
0x13: {  	_ =	swait.ge [sflag:s11], $0x80  }
0x14: {  	[sflag:s11] =	ssyncset.done $0x0  }
0x15: {  	[sflag:s11] =	ssyncadd.s32 $0xFFFFFF80  }
0x16: {  	[tilespmem:s12], [sflag:$0x7] =	stream.linear.gather [hbm4b:s5+s2], $0x80, $0x38;
	[tilespmem:$0x1AB00] =	vst v63  }
0x17: {  	_ =	swait.ge [sflag:s11], $0x80  }
0x18: {  	[sflag:s11] =	ssyncset.done $0x0  }
0x19: {  	[sflag:s11] =	ssyncadd.s32 $0xFFFFFF80  }
0x1a: {  	[tilespmem:s13], [sflag:$0x1] =	stream.indirect.gather [hbm4b:s3+s12], $0x40, s2, s12, $0xb8;
	[tilespmem:$0x1AB00] =	vst v63  }
0x1b: {  	_ = 	snop  }
0x1c: {  	[tilespmem:s14], [sflag:$0x2] =	stream.indirect.gather [hbm4b:s3+s12], $0x40, s12, s12, $0xb8;
	[tilespmem:$0x1AB00] =	vst v63  }
0x1d: {  	_ = 	snop  }
0x1e: {  	[tilespmem:s15], [sflag:$0x7] =	stream.linear.gather [hbm4b:s6+s2], $0xA00, $0x38;
	[tilespmem:$0x1AB00] =	vst v63  }
0x1f: {  	_ =	swait.ge [sflag:s11], $0xA00  }
0x20: {  	[sflag:s11] =	ssyncset.done $0x0  }
0x21: {  	s0 =	simm.s32 $0xB00;
	[sflag:s11] =	ssyncadd.s32 $0xFFFFF600  }
0x22: {  	[tilespmem:s0], [sflag:$0x3] =	stream.indirect.gather [hbm4b:s3+s16], $0x40, s15, s16, $0xb8;
	[tilespmem:$0x1AB00] =	vst v63  }
0x23: {  	s19 =	simm.s32 $0x240;
	s1 =	simm.s32 $0x5B00  }
0x24: {  	[tilespmem:s1], [sflag:$0x4] =	stream.indirect.gather [hbm4b:s3+s16], $0x40, s19, s16, $0xb8;
	[tilespmem:$0x1AB00] =	vst v63  }
0x25: {  	p1 =	por $0x1, $0x1;
	s0 =	simm.s32 $0x4C0;
	s1 =	simm.s32 $0x0  }
0x26: {  	[tilespmem:s21], [sflag:$0x5] =	stream.indirect.gather [hbm4b:s3+s16], $0x40, s20, s16, $0xb8;
	[tilespmem:$0x1AB00] =	vst v63  }
.LBB2_2:
0x27: {  	[tilespmem:s22], [sflag:$0x6] =	stream.indirect.gather [hbm4b:s3+s16], $0x40, s0, s16, $0xb8;
	[tilespmem:$0x1AB00] =	vst v63  }
0x28: {  	_ =	swait.ge [sflag:s23], $0x5000  }
0x29: {  	[sflag:s23] =	ssyncset.done $0x0  }
0x2a: {  	s0 =	simm.s32 $0xD80;
	[sflag:s23] =	ssyncadd.s32 $0xFFFFB000  }
0x2b: {  	v0 =	vld [tilespmem:s0+$0xFFFFFDC0]  }
0x2c: {  	v1 =	vld [tilespmem:s0+$0xFFFFFD80];
	_ =	sdelay $0x1  }
0x2d: {  	v2 =	vld [tilespmem:s0+$0xFFFFFE00];
	_ =	sdelay $0x1  }
0x2e: {  	v3 =	vld [tilespmem:s0+$0xFFFFFE40]  }
0x2f: {  	v0 =	vadd.f32 v0, v1  }
0x30: {  	v1 =	vld [tilespmem:s0+$0xFFFFFE80]  }
0x31: {  	v0 =	vadd.f32 v2, v0  }
0x32: {  	v2 =	vld [tilespmem:s0+$0xFFFFFEC0]  }
0x33: {  	v0 =	vadd.f32 v3, v0  }
0x34: {  	v3 =	vld [tilespmem:s0+$0xFFFFFF00]  }
0x35: {  	v0 =	vadd.f32 v1, v0  }
0x36: {  	v1 =	vld [tilespmem:s0+$0xFFFFFF40]  }
0x37: {  	v0 =	vadd.f32 v2, v0  }
0x38: {  	v2 =	vld [tilespmem:s0+$0xFFFFFF80]  }
0x39: {  	v0 =	vadd.f32 v3, v0  }
0x3a: {  	v3 =	vld [tilespmem:s0+$0xFFFFFFC0]  }
0x3b: {  	v0 =	vadd.f32 v1, v0  }
0x3c: {  	v1 =	vld [tilespmem:s0+$0x0]  }
0x3d: {  	v0 =	vadd.f32 v2, v0  }
0x3e: {  	v2 =	vld [tilespmem:s0+$0x40]  }
0x3f: {  	v0 =	vadd.f32 v3, v0  }
0x40: {  	v3 =	vld [tilespmem:s0+$0x80]  }
0x41: {  	v0 =	vadd.f32 v1, v0  }
0x42: {  	v1 =	vld [tilespmem:s0+$0xC0]  }
0x43: {  	v0 =	vadd.f32 v2, v0  }
0x44: {  	v2 =	vld [tilespmem:s0+$0x100]  }
0x45: {  	v0 =	vadd.f32 v3, v0  }
0x46: {  	v3 =	vld [tilespmem:s0+$0x140]  }
0x47: {  	v0 =	vadd.f32 v1, v0  }
0x48: {  	v1 =	vld [tilespmem:s0+$0x180]  }
0x49: {  	v0 =	vadd.f32 v2, v0  }
0x4a: {  	v2 =	vld [tilespmem:s0+$0x1C0]  }
0x4b: {  	v0 =	vadd.f32 v3, v0  }
0x4c: {  	v3 =	vld [tilespmem:s0+$0x200]  }
0x4d: {  	v0 =	vadd.f32 v1, v0  }
0x4e: {  	s1 =	sshra.s32 s1, $0x2;
	v1 =	vld [tilespmem:s0+$0x240]  }
0x4f: {  	s17 =	sadd.s32 $0x14B30, s1;
	v2 =	vadd.f32 v2, v0  }
0x50: {  	v0 =	vmov s17  }
0x51: {  	v2 =	vadd.f32 v3, v2;
	_ =	sdelay $0x1  }
0x52: {  	v1 =	vadd.f32 v1, v2  }
0x53: {  	s17 =	simm.s32 $0x0  }
0x54: {  	[tilespmem:v0+s17+$0xFFFFFFD0 ss:$0x1] =	vst.idx.msk $0xffff, v1  }
0x55: {  	v1 =	vld [tilespmem:s0+$0xFFFFFD90]  }
0x56: {  	v2 =	vld [tilespmem:s0+$0xFFFFFDD0];
	_ =	sdelay $0x1  }
0x57: {  	v3 =	vld [tilespmem:s0+$0xFFFFFE10];
	_ =	sdelay $0x1  }
0x58: {  	v4 =	vld [tilespmem:s0+$0xFFFFFE50]  }
0x59: {  	v1 =	vadd.f32 v2, v1  }
0x5a: {  	v2 =	vld [tilespmem:s0+$0xFFFFFE90]  }
0x5b: {  	v1 =	vadd.f32 v3, v1  }
0x5c: {  	v3 =	vld [tilespmem:s0+$0xFFFFFED0]  }
0x5d: {  	v1 =	vadd.f32 v4, v1  }
0x5e: {  	v4 =	vld [tilespmem:s0+$0xFFFFFF10]  }
0x5f: {  	v1 =	vadd.f32 v2, v1  }
0x60: {  	v2 =	vld [tilespmem:s0+$0xFFFFFF50]  }
0x61: {  	v1 =	vadd.f32 v3, v1  }
0x62: {  	v3 =	vld [tilespmem:s0+$0xFFFFFF90]  }
0x63: {  	v1 =	vadd.f32 v4, v1  }
0x64: {  	v4 =	vld [tilespmem:s0+$0xFFFFFFD0]  }
0x65: {  	v1 =	vadd.f32 v2, v1  }
0x66: {  	v2 =	vld [tilespmem:s0+$0x10]  }
0x67: {  	v1 =	vadd.f32 v3, v1  }
0x68: {  	v3 =	vld [tilespmem:s0+$0x50]  }
0x69: {  	v1 =	vadd.f32 v4, v1  }
0x6a: {  	v4 =	vld [tilespmem:s0+$0x90]  }
0x6b: {  	v1 =	vadd.f32 v2, v1  }
0x6c: {  	v2 =	vld [tilespmem:s0+$0xD0]  }
0x6d: {  	v1 =	vadd.f32 v3, v1  }
0x6e: {  	v3 =	vld [tilespmem:s0+$0x110]  }
0x6f: {  	v1 =	vadd.f32 v4, v1  }
0x70: {  	v4 =	vld [tilespmem:s0+$0x150]  }
0x71: {  	v1 =	vadd.f32 v2, v1  }
0x72: {  	v2 =	vld [tilespmem:s0+$0x190]  }
0x73: {  	v1 =	vadd.f32 v3, v1  }
0x74: {  	v3 =	vld [tilespmem:s0+$0x1D0]  }
0x75: {  	v1 =	vadd.f32 v4, v1  }
0x76: {  	v4 =	vld [tilespmem:s0+$0x210]  }
0x77: {  	v1 =	vadd.f32 v2, v1  }
0x78: {  	v2 =	vld [tilespmem:s0+$0x250]  }
0x79: {  	v1 =	vadd.f32 v3, v1;
	_ =	sdelay $0x1  }
0x7a: {  	v1 =	vadd.f32 v4, v1;
	_ =	sdelay $0x1  }
0x7b: {  	v1 =	vadd.f32 v2, v1;
	_ =	sdelay $0x1  }
0x7c: {  	[tilespmem:v0+s17+$0xFFFFFFE0 ss:$0x1] =	vst.idx.msk $0xffff, v1  }
0x7d: {  	v1 =	vld [tilespmem:s0+$0xFFFFFDA0]  }
0x7e: {  	v2 =	vld [tilespmem:s0+$0xFFFFFDE0];
	_ =	sdelay $0x1  }
0x7f: {  	v3 =	vld [tilespmem:s0+$0xFFFFFE20];
	_ =	sdelay $0x1  }
0x80: {  	v4 =	vld [tilespmem:s0+$0xFFFFFE60]  }
0x81: {  	v1 =	vadd.f32 v2, v1  }
0x82: {  	v2 =	vld [tilespmem:s0+$0xFFFFFEA0]  }
0x83: {  	v1 =	vadd.f32 v3, v1  }
0x84: {  	v3 =	vld [tilespmem:s0+$0xFFFFFEE0]  }
0x85: {  	v1 =	vadd.f32 v4, v1  }
0x86: {  	v4 =	vld [tilespmem:s0+$0xFFFFFF20]  }
0x87: {  	v1 =	vadd.f32 v2, v1  }
0x88: {  	v2 =	vld [tilespmem:s0+$0xFFFFFF60]  }
0x89: {  	v1 =	vadd.f32 v3, v1  }
0x8a: {  	v3 =	vld [tilespmem:s0+$0xFFFFFFA0]  }
0x8b: {  	v1 =	vadd.f32 v4, v1  }
0x8c: {  	v4 =	vld [tilespmem:s0+$0xFFFFFFE0]  }
0x8d: {  	v1 =	vadd.f32 v2, v1  }
0x8e: {  	v2 =	vld [tilespmem:s0+$0x20]  }
0x8f: {  	v1 =	vadd.f32 v3, v1  }
0x90: {  	v3 =	vld [tilespmem:s0+$0x60]  }
0x91: {  	v1 =	vadd.f32 v4, v1  }
0x92: {  	v4 =	vld [tilespmem:s0+$0xA0]  }
0x93: {  	v1 =	vadd.f32 v2, v1  }
0x94: {  	v2 =	vld [tilespmem:s0+$0xE0]  }
0x95: {  	v1 =	vadd.f32 v3, v1  }
0x96: {  	v3 =	vld [tilespmem:s0+$0x120]  }
0x97: {  	v1 =	vadd.f32 v4, v1  }
0x98: {  	v4 =	vld [tilespmem:s0+$0x160]  }
0x99: {  	v1 =	vadd.f32 v2, v1  }
0x9a: {  	v2 =	vld [tilespmem:s0+$0x1A0]  }
0x9b: {  	v1 =	vadd.f32 v3, v1  }
0x9c: {  	v3 =	vld [tilespmem:s0+$0x1E0]  }
0x9d: {  	v1 =	vadd.f32 v4, v1  }
0x9e: {  	v4 =	vld [tilespmem:s0+$0x220]  }
0x9f: {  	v1 =	vadd.f32 v2, v1  }
0xa0: {  	v2 =	vld [tilespmem:s0+$0x260]  }
0xa1: {  	v1 =	vadd.f32 v3, v1;
	_ =	sdelay $0x1  }
0xa2: {  	v1 =	vadd.f32 v4, v1;
	_ =	sdelay $0x1  }
0xa3: {  	v1 =	vadd.f32 v2, v1;
	_ =	sdelay $0x1  }
0xa4: {  	[tilespmem:v0+s17+$0xFFFFFFF0 ss:$0x1] =	vst.idx.msk $0xffff, v1  }
0xa5: {  	v1 =	vld [tilespmem:s0+$0xFFFFFDB0]  }
0xa6: {  	v2 =	vld [tilespmem:s0+$0xFFFFFDF0];
	_ =	sdelay $0x1  }
0xa7: {  	v3 =	vld [tilespmem:s0+$0xFFFFFE30];
	_ =	sdelay $0x1  }
0xa8: {  	v4 =	vld [tilespmem:s0+$0xFFFFFE70]  }
0xa9: {  	v1 =	vadd.f32 v2, v1  }
0xaa: {  	v2 =	vld [tilespmem:s0+$0xFFFFFEB0]  }
0xab: {  	v1 =	vadd.f32 v3, v1  }
0xac: {  	v3 =	vld [tilespmem:s0+$0xFFFFFEF0]  }
0xad: {  	v1 =	vadd.f32 v4, v1  }
0xae: {  	v4 =	vld [tilespmem:s0+$0xFFFFFF30]  }
0xaf: {  	v1 =	vadd.f32 v2, v1  }
0xb0: {  	v2 =	vld [tilespmem:s0+$0xFFFFFF70]  }
0xb1: {  	v1 =	vadd.f32 v3, v1  }
0xb2: {  	v3 =	vld [tilespmem:s0+$0xFFFFFFB0]  }
0xb3: {  	v1 =	vadd.f32 v4, v1  }
0xb4: {  	v4 =	vld [tilespmem:s0+$0xFFFFFFF0]  }
0xb5: {  	v1 =	vadd.f32 v2, v1  }
0xb6: {  	v2 =	vld [tilespmem:s0+$0x30]  }
0xb7: {  	v1 =	vadd.f32 v3, v1  }
0xb8: {  	v3 =	vld [tilespmem:s0+$0x70]  }
0xb9: {  	v1 =	vadd.f32 v4, v1  }
0xba: {  	v4 =	vld [tilespmem:s0+$0xB0]  }
0xbb: {  	v1 =	vadd.f32 v2, v1  }
0xbc: {  	v2 =	vld [tilespmem:s0+$0xF0]  }
0xbd: {  	v1 =	vadd.f32 v3, v1  }
0xbe: {  	v3 =	vld [tilespmem:s0+$0x130]  }
0xbf: {  	v1 =	vadd.f32 v4, v1  }
0xc0: {  	v4 =	vld [tilespmem:s0+$0x170]  }
0xc1: {  	v1 =	vadd.f32 v2, v1  }
0xc2: {  	v2 =	vld [tilespmem:s0+$0x1B0]  }
0xc3: {  	v1 =	vadd.f32 v3, v1;
	_ =	sdelay $0x1  }
0xc4: {  	v3 =	vld [tilespmem:s0+$0x1F0];
	v1 =	vadd.f32 v4, v1;
	_ =	sdelay $0x1  }
0xc5: {  	v4 =	vadd.f32 v2, v1;
	v2 =	vld [tilespmem:s0+$0x230];
	_ =	sdelay $0x1  }
0xc6: {  	v1 =	vld [tilespmem:s0+$0x270]  }
0xc7: {  	p0 =	por p1, p1;
	s18 =	simm.s32 $0x100;
	v3 =	vadd.f32 v3, v4  }
.LBB2_3:
0xc8: {  	p1 =	sne.s32 s18, $0xF00  }
0xc9: {  	s0 =	sadd.s32 $0x500, s0;
	s19 =	smov.u32 s18;
	s18 =	sadd.s32 $0x100, s18;
	v2 =	vadd.f32 v2, v3  }
0xca: {  	_ = 	snop  }
0xcb: {  	v1 =	vadd.f32 v1, v2;
	_ =	sdelay $0x1  }
0xcc: {  	[tilespmem:v0+s17+$0x0 ss:$0x1] =	vst.idx.msk $0xffff, v1  }
0xcd: {  	v1 =	vld [tilespmem:s0+$0xFFFFFDC0]  }
0xce: {  	v2 =	vld [tilespmem:s0+$0xFFFFFD80];
	_ =	sdelay $0x1  }
0xcf: {  	v3 =	vld [tilespmem:s0+$0xFFFFFE00];
	_ =	sdelay $0x1  }
0xd0: {  	v4 =	vld [tilespmem:s0+$0xFFFFFE40]  }
0xd1: {  	v1 =	vadd.f32 v1, v2  }
0xd2: {  	v2 =	vld [tilespmem:s0+$0xFFFFFE80]  }
0xd3: {  	v1 =	vadd.f32 v3, v1  }
0xd4: {  	v3 =	vld [tilespmem:s0+$0xFFFFFEC0]  }
0xd5: {  	v1 =	vadd.f32 v4, v1  }
0xd6: {  	v4 =	vld [tilespmem:s0+$0xFFFFFF00]  }
0xd7: {  	v1 =	vadd.f32 v2, v1  }
0xd8: {  	v2 =	vld [tilespmem:s0+$0xFFFFFF40]  }
0xd9: {  	v1 =	vadd.f32 v3, v1  }
0xda: {  	v3 =	vld [tilespmem:s0+$0xFFFFFF80]  }
0xdb: {  	v1 =	vadd.f32 v4, v1  }
0xdc: {  	v4 =	vld [tilespmem:s0+$0xFFFFFFC0]  }
0xdd: {  	v1 =	vadd.f32 v2, v1  }
0xde: {  	v2 =	vld [tilespmem:s0+$0x0]  }
0xdf: {  	v1 =	vadd.f32 v3, v1  }
0xe0: {  	v3 =	vld [tilespmem:s0+$0x40]  }
0xe1: {  	v1 =	vadd.f32 v4, v1  }
0xe2: {  	v4 =	vld [tilespmem:s0+$0x80]  }
0xe3: {  	v1 =	vadd.f32 v2, v1  }
0xe4: {  	v2 =	vld [tilespmem:s0+$0xC0]  }
0xe5: {  	v1 =	vadd.f32 v3, v1  }
0xe6: {  	v3 =	vld [tilespmem:s0+$0x100]  }
0xe7: {  	v1 =	vadd.f32 v4, v1  }
0xe8: {  	v4 =	vld [tilespmem:s0+$0x140]  }
0xe9: {  	v1 =	vadd.f32 v2, v1  }
0xea: {  	v2 =	vld [tilespmem:s0+$0x180]  }
0xeb: {  	v1 =	vadd.f32 v3, v1  }
0xec: {  	v3 =	vld [tilespmem:s0+$0x1C0]  }
0xed: {  	v1 =	vadd.f32 v4, v1  }
0xee: {  	v4 =	vld [tilespmem:s0+$0x200]  }
0xef: {  	v1 =	vadd.f32 v2, v1  }
0xf0: {  	v2 =	vld [tilespmem:s0+$0x240]  }
0xf1: {  	v1 =	vadd.f32 v3, v1;
	_ =	sdelay $0x1  }
0xf2: {  	v1 =	vadd.f32 v4, v1;
	_ =	sdelay $0x1  }
0xf3: {  	v1 =	vadd.f32 v2, v1  }
0xf4: {  	s17 =	sshra.s32 s19, $0x2  }
0xf5: {  	[tilespmem:v0+s17+$0xFFFFFFD0 ss:$0x1] =	vst.idx.msk $0xffff, v1  }
0xf6: {  	v1 =	vld [tilespmem:s0+$0xFFFFFD90]  }
0xf7: {  	v2 =	vld [tilespmem:s0+$0xFFFFFDD0];
	_ =	sdelay $0x1  }
0xf8: {  	v3 =	vld [tilespmem:s0+$0xFFFFFE10];
	_ =	sdelay $0x1  }
0xf9: {  	v4 =	vld [tilespmem:s0+$0xFFFFFE50]  }
0xfa: {  	v1 =	vadd.f32 v2, v1  }
0xfb: {  	v2 =	vld [tilespmem:s0+$0xFFFFFE90]  }
0xfc: {  	v1 =	vadd.f32 v3, v1  }
0xfd: {  	v3 =	vld [tilespmem:s0+$0xFFFFFED0]  }
0xfe: {  	v1 =	vadd.f32 v4, v1  }
0xff: {  	v4 =	vld [tilespmem:s0+$0xFFFFFF10]  }
0x100: {  	v1 =	vadd.f32 v2, v1  }
0x101: {  	v2 =	vld [tilespmem:s0+$0xFFFFFF50]  }
0x102: {  	v1 =	vadd.f32 v3, v1  }
0x103: {  	v3 =	vld [tilespmem:s0+$0xFFFFFF90]  }
0x104: {  	v1 =	vadd.f32 v4, v1  }
0x105: {  	v4 =	vld [tilespmem:s0+$0xFFFFFFD0]  }
0x106: {  	v1 =	vadd.f32 v2, v1  }
0x107: {  	v2 =	vld [tilespmem:s0+$0x10]  }
0x108: {  	v1 =	vadd.f32 v3, v1  }
0x109: {  	v3 =	vld [tilespmem:s0+$0x50]  }
0x10a: {  	v1 =	vadd.f32 v4, v1  }
0x10b: {  	v4 =	vld [tilespmem:s0+$0x90]  }
0x10c: {  	v1 =	vadd.f32 v2, v1  }
0x10d: {  	v2 =	vld [tilespmem:s0+$0xD0]  }
0x10e: {  	v1 =	vadd.f32 v3, v1  }
0x10f: {  	v3 =	vld [tilespmem:s0+$0x110]  }
0x110: {  	v1 =	vadd.f32 v4, v1  }
0x111: {  	v4 =	vld [tilespmem:s0+$0x150]  }
0x112: {  	v1 =	vadd.f32 v2, v1  }
0x113: {  	v2 =	vld [tilespmem:s0+$0x190]  }
0x114: {  	v1 =	vadd.f32 v3, v1  }
0x115: {  	v3 =	vld [tilespmem:s0+$0x1D0]  }
0x116: {  	v1 =	vadd.f32 v4, v1  }
0x117: {  	v4 =	vld [tilespmem:s0+$0x210]  }
0x118: {  	v1 =	vadd.f32 v2, v1  }
0x119: {  	v2 =	vld [tilespmem:s0+$0x250]  }
0x11a: {  	v1 =	vadd.f32 v3, v1;
	_ =	sdelay $0x1  }
0x11b: {  	v1 =	vadd.f32 v4, v1;
	_ =	sdelay $0x1  }
0x11c: {  	v1 =	vadd.f32 v2, v1;
	_ =	sdelay $0x1  }
0x11d: {  	[tilespmem:v0+s17+$0xFFFFFFE0 ss:$0x1] =	vst.idx.msk $0xffff, v1  }
0x11e: {  	v1 =	vld [tilespmem:s0+$0xFFFFFDA0]  }
0x11f: {  	v2 =	vld [tilespmem:s0+$0xFFFFFDE0];
	_ =	sdelay $0x1  }
0x120: {  	v3 =	vld [tilespmem:s0+$0xFFFFFE20];
	_ =	sdelay $0x1  }
0x121: {  	v4 =	vld [tilespmem:s0+$0xFFFFFE60]  }
0x122: {  	v1 =	vadd.f32 v2, v1  }
0x123: {  	v2 =	vld [tilespmem:s0+$0xFFFFFEA0]  }
0x124: {  	v1 =	vadd.f32 v3, v1  }
0x125: {  	v3 =	vld [tilespmem:s0+$0xFFFFFEE0]  }
0x126: {  	v1 =	vadd.f32 v4, v1  }
0x127: {  	v4 =	vld [tilespmem:s0+$0xFFFFFF20]  }
0x128: {  	v1 =	vadd.f32 v2, v1  }
0x129: {  	v2 =	vld [tilespmem:s0+$0xFFFFFF60]  }
0x12a: {  	v1 =	vadd.f32 v3, v1  }
0x12b: {  	v3 =	vld [tilespmem:s0+$0xFFFFFFA0]  }
0x12c: {  	v1 =	vadd.f32 v4, v1  }
0x12d: {  	v4 =	vld [tilespmem:s0+$0xFFFFFFE0]  }
0x12e: {  	v1 =	vadd.f32 v2, v1  }
0x12f: {  	v2 =	vld [tilespmem:s0+$0x20]  }
0x130: {  	v1 =	vadd.f32 v3, v1  }
0x131: {  	v3 =	vld [tilespmem:s0+$0x60]  }
0x132: {  	v1 =	vadd.f32 v4, v1  }
0x133: {  	v4 =	vld [tilespmem:s0+$0xA0]  }
0x134: {  	v1 =	vadd.f32 v2, v1  }
0x135: {  	v2 =	vld [tilespmem:s0+$0xE0]  }
0x136: {  	v1 =	vadd.f32 v3, v1  }
0x137: {  	v3 =	vld [tilespmem:s0+$0x120]  }
0x138: {  	v1 =	vadd.f32 v4, v1  }
0x139: {  	v4 =	vld [tilespmem:s0+$0x160]  }
0x13a: {  	v1 =	vadd.f32 v2, v1  }
0x13b: {  	v2 =	vld [tilespmem:s0+$0x1A0]  }
0x13c: {  	v1 =	vadd.f32 v3, v1  }
0x13d: {  	v3 =	vld [tilespmem:s0+$0x1E0]  }
0x13e: {  	v1 =	vadd.f32 v4, v1  }
0x13f: {  	v4 =	vld [tilespmem:s0+$0x220]  }
0x140: {  	v1 =	vadd.f32 v2, v1  }
0x141: {  	v2 =	vld [tilespmem:s0+$0x260]  }
0x142: {  	v1 =	vadd.f32 v3, v1;
	_ =	sdelay $0x1  }
0x143: {  	v1 =	vadd.f32 v4, v1;
	_ =	sdelay $0x1  }
0x144: {  	v1 =	vadd.f32 v2, v1;
	_ =	sdelay $0x1  }
0x145: {  	[tilespmem:v0+s17+$0xFFFFFFF0 ss:$0x1] =	vst.idx.msk $0xffff, v1  }
0x146: {  	v1 =	vld [tilespmem:s0+$0xFFFFFDB0]  }
0x147: {  	v2 =	vld [tilespmem:s0+$0xFFFFFDF0]  }
0x148: {  	v3 =	vld [tilespmem:s0+$0xFFFFFE30]  }
0x149: {  	v4 =	vld [tilespmem:s0+$0xFFFFFE70]  }
0x14a: {  	v5 =	vld [tilespmem:s0+$0xFFFFFEB0]  }
0x14b: {  	v6 =	vld [tilespmem:s0+$0xFFFFFEF0]  }
0x14c: {  	v1 =	vadd.f32 v2, v1;
	v2 =	vld [tilespmem:s0+$0xFFFFFF30]  }
0x14d: {  	v7 =	vld [tilespmem:s0+$0xFFFFFF70]  }
0x14e: {  	v1 =	vadd.f32 v3, v1;
	v3 =	vld [tilespmem:s0+$0xFFFFFFB0]  }
0x14f: {  	v8 =	vld [tilespmem:s0+$0xFFFFFFF0]  }
0x150: {  	v1 =	vadd.f32 v4, v1;
	v4 =	vld [tilespmem:s0+$0x30]  }
0x151: {  	v9 =	vld [tilespmem:s0+$0x70]  }
0x152: {  	v1 =	vadd.f32 v5, v1;
	v5 =	vld [tilespmem:s0+$0xB0]  }
0x153: {  	v10 =	vld [tilespmem:s0+$0xF0]  }
0x154: {  	v1 =	vadd.f32 v6, v1;
	v6 =	vld [tilespmem:s0+$0x130]  }
0x155: {  	v11 =	vld [tilespmem:s0+$0x170]  }
0x156: {  	v1 =	vadd.f32 v2, v1;
	v12 =	vld [tilespmem:s0+$0x1B0]  }
0x157: {  	v13 =	vld [tilespmem:s0+$0x1F0]  }
0x158: {  	v7 =	vadd.f32 v7, v1;
	v2 =	vld [tilespmem:s0+$0x230]  }
0x159: {  	v1 =	vld [tilespmem:s0+$0x270]  }
0x15a: {  	v3 =	vadd.f32 v3, v7;
	_ =	sdelay $0x1  }
0x15b: {  	v3 =	vadd.f32 v8, v3;
	_ =	sdelay $0x1  }
0x15c: {  	v3 =	vadd.f32 v4, v3;
	_ =	sdelay $0x1  }
0x15d: {  	v3 =	vadd.f32 v9, v3;
	_ =	sdelay $0x1  }
0x15e: {  	v3 =	vadd.f32 v5, v3;
	_ =	sdelay $0x1  }
0x15f: {  	v3 =	vadd.f32 v10, v3;
	_ =	sdelay $0x1  }
0x160: {  	v3 =	vadd.f32 v6, v3;
	_ =	sdelay $0x1  }
.Ltmp0:
0x161: {  	v3 =	vadd.f32 v11, v3;
	(pc) =	sbr.rel @p1 .LBB2_3-.Ltmp0, $3  }
0x162: {  	_ = 	snop  }
0x163: {  	v3 =	vadd.f32 v12, v3;
	_ =	sdelay $0x1  }
0x164: {  	v3 =	vadd.f32 v13, v3  }
0x165: {  	_ = 	snop  }
0x166: {  	v2 =	vadd.f32 v2, v3;
	_ =	sdelay $0x1  }
0x167: {  	v1 =	vadd.f32 v1, v2;
	_ =	sdelay $0x1  }
0x168: {  	s0 =	simm.s32 @p0 $0x140;
	s18 =	simm.s32 @p0 $0xB00;
	[tilespmem:v0+s17+$0x0 ss:$0x1] =	vst.idx.msk $0xffff, v1;
	s17 =	simm.s32 @p0 $0x600  }
0x169: {  	[tilespmem:s18], [sflag:$0x3] =	stream.indirect.gather @p0 [hbm4b:s3+s0], $0x40, s17, s0, $0xb8;
	[tilespmem:$0x1AB00] =	vst v63  }
0x16a: {  	_ =	swait.ge [sflag:s24], $0x5000  }
0x16b: {  	[sflag:s24] =	ssyncset.done $0x0  }
0x16c: {  	s19 =	simm.s32 $0x0;
	[sflag:s24] =	ssyncadd.s32 $0xFFFFB000  }
0x16d: {  	v0 =	vld [tilespmem:s19+$0x5B00]  }
0x16e: {  	v1 =	vld [tilespmem:s19+$0x5B40];
	_ =	sdelay $0x1  }
0x16f: {  	v2 =	vld [tilespmem:s19+$0x5B80];
	_ =	sdelay $0x1  }
0x170: {  	v3 =	vld [tilespmem:s19+$0x5BC0]  }
0x171: {  	v0 =	vadd.f32 v1, v0  }
0x172: {  	v1 =	vld [tilespmem:s19+$0x5C00]  }
0x173: {  	v0 =	vadd.f32 v2, v0  }
0x174: {  	v2 =	vld [tilespmem:s19+$0x5C40]  }
0x175: {  	v0 =	vadd.f32 v3, v0  }
0x176: {  	v3 =	vld [tilespmem:s19+$0x5C80]  }
0x177: {  	v0 =	vadd.f32 v1, v0  }
0x178: {  	v1 =	vld [tilespmem:s19+$0x5CC0]  }
0x179: {  	v0 =	vadd.f32 v2, v0  }
0x17a: {  	v2 =	vld [tilespmem:s19+$0x5D00]  }
0x17b: {  	v0 =	vadd.f32 v3, v0  }
0x17c: {  	v3 =	vld [tilespmem:s19+$0x5D40]  }
0x17d: {  	v0 =	vadd.f32 v1, v0  }
0x17e: {  	v1 =	vld [tilespmem:s19+$0x5D80]  }
0x17f: {  	v0 =	vadd.f32 v2, v0  }
0x180: {  	v2 =	vld [tilespmem:s19+$0x5DC0]  }
0x181: {  	v0 =	vadd.f32 v3, v0  }
0x182: {  	v3 =	vld [tilespmem:s19+$0x5E00]  }
0x183: {  	v0 =	vadd.f32 v1, v0  }
0x184: {  	v1 =	vld [tilespmem:s19+$0x5E40]  }
0x185: {  	v0 =	vadd.f32 v2, v0  }
0x186: {  	v2 =	vld [tilespmem:s19+$0x5E80]  }
0x187: {  	v0 =	vadd.f32 v3, v0  }
0x188: {  	v3 =	vld [tilespmem:s19+$0x5EC0]  }
0x189: {  	v0 =	vadd.f32 v1, v0  }
0x18a: {  	v1 =	vld [tilespmem:s19+$0x5F00]  }
0x18b: {  	v0 =	vadd.f32 v2, v0  }
0x18c: {  	v2 =	vld [tilespmem:s19+$0x5F40]  }
0x18d: {  	v0 =	vadd.f32 v3, v0  }
0x18e: {  	v3 =	vld [tilespmem:s19+$0x5F80]  }
0x18f: {  	v0 =	vadd.f32 v1, v0  }
0x190: {  	v1 =	vld [tilespmem:s19+$0x5FC0]  }
0x191: {  	v0 =	vadd.f32 v2, v0;
	_ =	sdelay $0x1  }
0x192: {  	v0 =	vadd.f32 v3, v0;
	_ =	sdelay $0x1  }
0x193: {  	v0 =	vadd.f32 v1, v0  }
0x194: {  	s0 =	sadd.s32 $0x14F30, s1  }
0x195: {  	[tilespmem:s0+$0xFFFFFFD0] =	vst v0  }
0x196: {  	v0 =	vld [tilespmem:s19+$0x5B10]  }
0x197: {  	v1 =	vld [tilespmem:s19+$0x5B50];
	_ =	sdelay $0x1  }
0x198: {  	v2 =	vld [tilespmem:s19+$0x5B90];
	_ =	sdelay $0x1  }
0x199: {  	v3 =	vld [tilespmem:s19+$0x5BD0]  }
0x19a: {  	v0 =	vadd.f32 v1, v0  }
0x19b: {  	v1 =	vld [tilespmem:s19+$0x5C10]  }
0x19c: {  	v0 =	vadd.f32 v2, v0  }
0x19d: {  	v2 =	vld [tilespmem:s19+$0x5C50]  }
0x19e: {  	v0 =	vadd.f32 v3, v0  }
0x19f: {  	v3 =	vld [tilespmem:s19+$0x5C90]  }
0x1a0: {  	v0 =	vadd.f32 v1, v0  }
0x1a1: {  	v1 =	vld [tilespmem:s19+$0x5CD0]  }
0x1a2: {  	v0 =	vadd.f32 v2, v0  }
0x1a3: {  	v2 =	vld [tilespmem:s19+$0x5D10]  }
0x1a4: {  	v0 =	vadd.f32 v3, v0  }
0x1a5: {  	v3 =	vld [tilespmem:s19+$0x5D50]  }
0x1a6: {  	v0 =	vadd.f32 v1, v0  }
0x1a7: {  	v1 =	vld [tilespmem:s19+$0x5D90]  }
0x1a8: {  	v0 =	vadd.f32 v2, v0  }
0x1a9: {  	v2 =	vld [tilespmem:s19+$0x5DD0]  }
0x1aa: {  	v0 =	vadd.f32 v3, v0  }
0x1ab: {  	v3 =	vld [tilespmem:s19+$0x5E10]  }
0x1ac: {  	v0 =	vadd.f32 v1, v0  }
0x1ad: {  	v1 =	vld [tilespmem:s19+$0x5E50]  }
0x1ae: {  	v0 =	vadd.f32 v2, v0  }
0x1af: {  	v2 =	vld [tilespmem:s19+$0x5E90]  }
0x1b0: {  	v0 =	vadd.f32 v3, v0  }
0x1b1: {  	v3 =	vld [tilespmem:s19+$0x5ED0]  }
0x1b2: {  	v0 =	vadd.f32 v1, v0  }
0x1b3: {  	v1 =	vld [tilespmem:s19+$0x5F10]  }
0x1b4: {  	v0 =	vadd.f32 v2, v0  }
0x1b5: {  	v2 =	vld [tilespmem:s19+$0x5F50]  }
0x1b6: {  	v0 =	vadd.f32 v3, v0  }
0x1b7: {  	v3 =	vld [tilespmem:s19+$0x5F90]  }
0x1b8: {  	v0 =	vadd.f32 v1, v0  }
0x1b9: {  	v1 =	vld [tilespmem:s19+$0x5FD0]  }
0x1ba: {  	v0 =	vadd.f32 v2, v0;
	_ =	sdelay $0x1  }
0x1bb: {  	v0 =	vadd.f32 v3, v0;
	_ =	sdelay $0x1  }
0x1bc: {  	v0 =	vadd.f32 v1, v0;
	_ =	sdelay $0x1  }
0x1bd: {  	[tilespmem:s0+$0xFFFFFFE0] =	vst v0  }
0x1be: {  	v0 =	vld [tilespmem:s19+$0x5B20]  }
0x1bf: {  	v1 =	vld [tilespmem:s19+$0x5B60];
	_ =	sdelay $0x1  }
0x1c0: {  	v2 =	vld [tilespmem:s19+$0x5BA0];
	_ =	sdelay $0x1  }
0x1c1: {  	v3 =	vld [tilespmem:s19+$0x5BE0]  }
0x1c2: {  	v0 =	vadd.f32 v1, v0  }
0x1c3: {  	v1 =	vld [tilespmem:s19+$0x5C20]  }
0x1c4: {  	v0 =	vadd.f32 v2, v0  }
0x1c5: {  	v2 =	vld [tilespmem:s19+$0x5C60]  }
0x1c6: {  	v0 =	vadd.f32 v3, v0  }
0x1c7: {  	v3 =	vld [tilespmem:s19+$0x5CA0]  }
0x1c8: {  	v0 =	vadd.f32 v1, v0  }
0x1c9: {  	v1 =	vld [tilespmem:s19+$0x5CE0]  }
0x1ca: {  	v0 =	vadd.f32 v2, v0  }
0x1cb: {  	v2 =	vld [tilespmem:s19+$0x5D20]  }
0x1cc: {  	v0 =	vadd.f32 v3, v0  }
0x1cd: {  	v3 =	vld [tilespmem:s19+$0x5D60]  }
0x1ce: {  	v0 =	vadd.f32 v1, v0  }
0x1cf: {  	v1 =	vld [tilespmem:s19+$0x5DA0]  }
0x1d0: {  	v0 =	vadd.f32 v2, v0  }
0x1d1: {  	v2 =	vld [tilespmem:s19+$0x5DE0]  }
0x1d2: {  	v0 =	vadd.f32 v3, v0  }
0x1d3: {  	v3 =	vld [tilespmem:s19+$0x5E20]  }
0x1d4: {  	v0 =	vadd.f32 v1, v0  }
0x1d5: {  	v1 =	vld [tilespmem:s19+$0x5E60]  }
0x1d6: {  	v0 =	vadd.f32 v2, v0  }
0x1d7: {  	v2 =	vld [tilespmem:s19+$0x5EA0]  }
0x1d8: {  	v0 =	vadd.f32 v3, v0  }
0x1d9: {  	v3 =	vld [tilespmem:s19+$0x5EE0]  }
0x1da: {  	v0 =	vadd.f32 v1, v0  }
0x1db: {  	v1 =	vld [tilespmem:s19+$0x5F20]  }
0x1dc: {  	v0 =	vadd.f32 v2, v0  }
0x1dd: {  	v2 =	vld [tilespmem:s19+$0x5F60]  }
0x1de: {  	v0 =	vadd.f32 v3, v0  }
0x1df: {  	v3 =	vld [tilespmem:s19+$0x5FA0]  }
0x1e0: {  	v0 =	vadd.f32 v1, v0  }
0x1e1: {  	v1 =	vld [tilespmem:s19+$0x5FE0]  }
0x1e2: {  	v0 =	vadd.f32 v2, v0;
	_ =	sdelay $0x1  }
0x1e3: {  	v0 =	vadd.f32 v3, v0;
	_ =	sdelay $0x1  }
0x1e4: {  	v0 =	vadd.f32 v1, v0;
	_ =	sdelay $0x1  }
0x1e5: {  	[tilespmem:s0+$0xFFFFFFF0] =	vst v0  }
0x1e6: {  	v0 =	vld [tilespmem:s19+$0x5B30]  }
0x1e7: {  	v1 =	vld [tilespmem:s19+$0x5B70];
	_ =	sdelay $0x1  }
0x1e8: {  	v2 =	vld [tilespmem:s19+$0x5BB0];
	_ =	sdelay $0x1  }
0x1e9: {  	v3 =	vld [tilespmem:s19+$0x5BF0]  }
0x1ea: {  	v0 =	vadd.f32 v1, v0  }
0x1eb: {  	v1 =	vld [tilespmem:s19+$0x5C30]  }
0x1ec: {  	v0 =	vadd.f32 v2, v0  }
0x1ed: {  	v2 =	vld [tilespmem:s19+$0x5C70]  }
0x1ee: {  	v0 =	vadd.f32 v3, v0  }
0x1ef: {  	v3 =	vld [tilespmem:s19+$0x5CB0]  }
0x1f0: {  	v0 =	vadd.f32 v1, v0  }
0x1f1: {  	v1 =	vld [tilespmem:s19+$0x5CF0]  }
0x1f2: {  	v0 =	vadd.f32 v2, v0  }
0x1f3: {  	v2 =	vld [tilespmem:s19+$0x5D30]  }
0x1f4: {  	v0 =	vadd.f32 v3, v0  }
0x1f5: {  	v3 =	vld [tilespmem:s19+$0x5D70]  }
0x1f6: {  	v0 =	vadd.f32 v1, v0  }
0x1f7: {  	v1 =	vld [tilespmem:s19+$0x5DB0]  }
0x1f8: {  	v0 =	vadd.f32 v2, v0  }
0x1f9: {  	v2 =	vld [tilespmem:s19+$0x5DF0]  }
0x1fa: {  	v0 =	vadd.f32 v3, v0  }
0x1fb: {  	v3 =	vld [tilespmem:s19+$0x5E30]  }
0x1fc: {  	v0 =	vadd.f32 v1, v0  }
0x1fd: {  	v1 =	vld [tilespmem:s19+$0x5E70]  }
0x1fe: {  	v0 =	vadd.f32 v2, v0  }
0x1ff: {  	v2 =	vld [tilespmem:s19+$0x5EB0]  }
0x200: {  	v0 =	vadd.f32 v3, v0  }
0x201: {  	v3 =	vld [tilespmem:s19+$0x5EF0]  }
0x202: {  	v0 =	vadd.f32 v1, v0  }
0x203: {  	v1 =	vld [tilespmem:s19+$0x5F30]  }
0x204: {  	v0 =	vadd.f32 v2, v0  }
0x205: {  	v2 =	vld [tilespmem:s19+$0x5F70]  }
0x206: {  	v0 =	vadd.f32 v3, v0;
	_ =	sdelay $0x1  }
0x207: {  	v3 =	vadd.f32 v1, v0;
	v0 =	vld [tilespmem:s19+$0x5FB0];
	_ =	sdelay $0x1  }
0x208: {  	s17 =	simm.s32 $0x1400;
	s18 =	smov.u32 s0;
	v1 =	vld [tilespmem:s19+$0x5FF0];
	v2 =	vadd.f32 v2, v3  }
.LBB2_5:
0x209: {  	p1 =	sne.s32 s17, $0x12C00  }
0x20a: {  	s0 =	sadd.s32 $0x40, s0;
	s19 =	smov.u32 s17;
	s17 =	sadd.s32 $0x1400, s17  }
0x20b: {  	v0 =	vadd.f32 v0, v2;
	_ =	sdelay $0x1  }
0x20c: {  	v0 =	vadd.f32 v1, v0  }
0x20d: {  	s19 =	sshra.s32 s19, $0x2  }
0x20e: {  	[tilespmem:s18+$0x0] =	vst v0;
	s18 =	smov.u32 s0  }
0x20f: {  	v0 =	vld [tilespmem:s19+$0x5B00]  }
0x210: {  	v1 =	vld [tilespmem:s19+$0x5B40];
	_ =	sdelay $0x1  }
0x211: {  	v2 =	vld [tilespmem:s19+$0x5B80];
	_ =	sdelay $0x1  }
0x212: {  	v3 =	vld [tilespmem:s19+$0x5BC0]  }
0x213: {  	v0 =	vadd.f32 v1, v0  }
0x214: {  	v1 =	vld [tilespmem:s19+$0x5C00]  }
0x215: {  	v0 =	vadd.f32 v2, v0  }
0x216: {  	v2 =	vld [tilespmem:s19+$0x5C40]  }
0x217: {  	v0 =	vadd.f32 v3, v0  }
0x218: {  	v3 =	vld [tilespmem:s19+$0x5C80]  }
0x219: {  	v0 =	vadd.f32 v1, v0  }
0x21a: {  	v1 =	vld [tilespmem:s19+$0x5CC0]  }
0x21b: {  	v0 =	vadd.f32 v2, v0  }
0x21c: {  	v2 =	vld [tilespmem:s19+$0x5D00]  }
0x21d: {  	v0 =	vadd.f32 v3, v0  }
0x21e: {  	v3 =	vld [tilespmem:s19+$0x5D40]  }
0x21f: {  	v0 =	vadd.f32 v1, v0  }
0x220: {  	v1 =	vld [tilespmem:s19+$0x5D80]  }
0x221: {  	v0 =	vadd.f32 v2, v0  }
0x222: {  	v2 =	vld [tilespmem:s19+$0x5DC0]  }
0x223: {  	v0 =	vadd.f32 v3, v0  }
0x224: {  	v3 =	vld [tilespmem:s19+$0x5E00]  }
0x225: {  	v0 =	vadd.f32 v1, v0  }
0x226: {  	v1 =	vld [tilespmem:s19+$0x5E40]  }
0x227: {  	v0 =	vadd.f32 v2, v0  }
0x228: {  	v2 =	vld [tilespmem:s19+$0x5E80]  }
0x229: {  	v0 =	vadd.f32 v3, v0  }
0x22a: {  	v3 =	vld [tilespmem:s19+$0x5EC0]  }
0x22b: {  	v0 =	vadd.f32 v1, v0  }
0x22c: {  	v1 =	vld [tilespmem:s19+$0x5F00]  }
0x22d: {  	v0 =	vadd.f32 v2, v0  }
0x22e: {  	v2 =	vld [tilespmem:s19+$0x5F40]  }
0x22f: {  	v0 =	vadd.f32 v3, v0  }
0x230: {  	v3 =	vld [tilespmem:s19+$0x5F80]  }
0x231: {  	v0 =	vadd.f32 v1, v0  }
0x232: {  	v1 =	vld [tilespmem:s19+$0x5FC0]  }
0x233: {  	v0 =	vadd.f32 v2, v0;
	_ =	sdelay $0x1  }
0x234: {  	v0 =	vadd.f32 v3, v0;
	_ =	sdelay $0x1  }
0x235: {  	v0 =	vadd.f32 v1, v0;
	_ =	sdelay $0x1  }
0x236: {  	[tilespmem:s0+$0xFFFFFFD0] =	vst v0  }
0x237: {  	v0 =	vld [tilespmem:s19+$0x5B10]  }
0x238: {  	v1 =	vld [tilespmem:s19+$0x5B50];
	_ =	sdelay $0x1  }
0x239: {  	v2 =	vld [tilespmem:s19+$0x5B90];
	_ =	sdelay $0x1  }
0x23a: {  	v3 =	vld [tilespmem:s19+$0x5BD0]  }
0x23b: {  	v0 =	vadd.f32 v1, v0  }
0x23c: {  	v1 =	vld [tilespmem:s19+$0x5C10]  }
0x23d: {  	v0 =	vadd.f32 v2, v0  }
0x23e: {  	v2 =	vld [tilespmem:s19+$0x5C50]  }
0x23f: {  	v0 =	vadd.f32 v3, v0  }
0x240: {  	v3 =	vld [tilespmem:s19+$0x5C90]  }
0x241: {  	v0 =	vadd.f32 v1, v0  }
0x242: {  	v1 =	vld [tilespmem:s19+$0x5CD0]  }
0x243: {  	v0 =	vadd.f32 v2, v0  }
0x244: {  	v2 =	vld [tilespmem:s19+$0x5D10]  }
0x245: {  	v0 =	vadd.f32 v3, v0  }
0x246: {  	v3 =	vld [tilespmem:s19+$0x5D50]  }
0x247: {  	v0 =	vadd.f32 v1, v0  }
0x248: {  	v1 =	vld [tilespmem:s19+$0x5D90]  }
0x249: {  	v0 =	vadd.f32 v2, v0  }
0x24a: {  	v2 =	vld [tilespmem:s19+$0x5DD0]  }
0x24b: {  	v0 =	vadd.f32 v3, v0  }
0x24c: {  	v3 =	vld [tilespmem:s19+$0x5E10]  }
0x24d: {  	v0 =	vadd.f32 v1, v0  }
0x24e: {  	v1 =	vld [tilespmem:s19+$0x5E50]  }
0x24f: {  	v0 =	vadd.f32 v2, v0  }
0x250: {  	v2 =	vld [tilespmem:s19+$0x5E90]  }
0x251: {  	v0 =	vadd.f32 v3, v0  }
0x252: {  	v3 =	vld [tilespmem:s19+$0x5ED0]  }
0x253: {  	v0 =	vadd.f32 v1, v0  }
0x254: {  	v1 =	vld [tilespmem:s19+$0x5F10]  }
0x255: {  	v0 =	vadd.f32 v2, v0  }
0x256: {  	v2 =	vld [tilespmem:s19+$0x5F50]  }
0x257: {  	v0 =	vadd.f32 v3, v0  }
0x258: {  	v3 =	vld [tilespmem:s19+$0x5F90]  }
0x259: {  	v0 =	vadd.f32 v1, v0  }
0x25a: {  	v1 =	vld [tilespmem:s19+$0x5FD0]  }
0x25b: {  	v0 =	vadd.f32 v2, v0;
	_ =	sdelay $0x1  }
0x25c: {  	v0 =	vadd.f32 v3, v0;
	_ =	sdelay $0x1  }
0x25d: {  	v0 =	vadd.f32 v1, v0;
	_ =	sdelay $0x1  }
0x25e: {  	[tilespmem:s0+$0xFFFFFFE0] =	vst v0  }
0x25f: {  	v0 =	vld [tilespmem:s19+$0x5B20]  }
0x260: {  	v1 =	vld [tilespmem:s19+$0x5B60];
	_ =	sdelay $0x1  }
0x261: {  	v2 =	vld [tilespmem:s19+$0x5BA0];
	_ =	sdelay $0x1  }
0x262: {  	v3 =	vld [tilespmem:s19+$0x5BE0]  }
0x263: {  	v0 =	vadd.f32 v1, v0  }
0x264: {  	v1 =	vld [tilespmem:s19+$0x5C20]  }
0x265: {  	v0 =	vadd.f32 v2, v0  }
0x266: {  	v2 =	vld [tilespmem:s19+$0x5C60]  }
0x267: {  	v0 =	vadd.f32 v3, v0  }
0x268: {  	v3 =	vld [tilespmem:s19+$0x5CA0]  }
0x269: {  	v0 =	vadd.f32 v1, v0  }
0x26a: {  	v1 =	vld [tilespmem:s19+$0x5CE0]  }
0x26b: {  	v0 =	vadd.f32 v2, v0  }
0x26c: {  	v2 =	vld [tilespmem:s19+$0x5D20]  }
0x26d: {  	v0 =	vadd.f32 v3, v0  }
0x26e: {  	v3 =	vld [tilespmem:s19+$0x5D60]  }
0x26f: {  	v0 =	vadd.f32 v1, v0  }
0x270: {  	v1 =	vld [tilespmem:s19+$0x5DA0]  }
0x271: {  	v0 =	vadd.f32 v2, v0  }
0x272: {  	v2 =	vld [tilespmem:s19+$0x5DE0]  }
0x273: {  	v0 =	vadd.f32 v3, v0  }
0x274: {  	v3 =	vld [tilespmem:s19+$0x5E20]  }
0x275: {  	v0 =	vadd.f32 v1, v0  }
0x276: {  	v1 =	vld [tilespmem:s19+$0x5E60]  }
0x277: {  	v0 =	vadd.f32 v2, v0  }
0x278: {  	v2 =	vld [tilespmem:s19+$0x5EA0]  }
0x279: {  	v0 =	vadd.f32 v3, v0  }
0x27a: {  	v3 =	vld [tilespmem:s19+$0x5EE0]  }
0x27b: {  	v0 =	vadd.f32 v1, v0  }
0x27c: {  	v1 =	vld [tilespmem:s19+$0x5F20]  }
0x27d: {  	v0 =	vadd.f32 v2, v0  }
0x27e: {  	v2 =	vld [tilespmem:s19+$0x5F60]  }
0x27f: {  	v0 =	vadd.f32 v3, v0  }
0x280: {  	v3 =	vld [tilespmem:s19+$0x5FA0]  }
0x281: {  	v0 =	vadd.f32 v1, v0  }
0x282: {  	v1 =	vld [tilespmem:s19+$0x5FE0]  }
0x283: {  	v0 =	vadd.f32 v2, v0;
	_ =	sdelay $0x1  }
0x284: {  	v0 =	vadd.f32 v3, v0;
	_ =	sdelay $0x1  }
0x285: {  	v0 =	vadd.f32 v1, v0;
	_ =	sdelay $0x1  }
0x286: {  	[tilespmem:s0+$0xFFFFFFF0] =	vst v0  }
0x287: {  	v0 =	vld [tilespmem:s19+$0x5B30]  }
0x288: {  	v1 =	vld [tilespmem:s19+$0x5B70]  }
0x289: {  	v2 =	vld [tilespmem:s19+$0x5BB0]  }
0x28a: {  	v3 =	vld [tilespmem:s19+$0x5BF0]  }
0x28b: {  	v4 =	vld [tilespmem:s19+$0x5C30]  }
0x28c: {  	v5 =	vld [tilespmem:s19+$0x5C70]  }
0x28d: {  	v0 =	vadd.f32 v1, v0;
	v1 =	vld [tilespmem:s19+$0x5CB0]  }
0x28e: {  	v6 =	vld [tilespmem:s19+$0x5CF0]  }
0x28f: {  	v0 =	vadd.f32 v2, v0;
	v2 =	vld [tilespmem:s19+$0x5D30]  }
0x290: {  	v7 =	vld [tilespmem:s19+$0x5D70]  }
0x291: {  	v0 =	vadd.f32 v3, v0;
	v3 =	vld [tilespmem:s19+$0x5DB0]  }
0x292: {  	v8 =	vld [tilespmem:s19+$0x5DF0]  }
0x293: {  	v0 =	vadd.f32 v4, v0;
	v4 =	vld [tilespmem:s19+$0x5E30]  }
0x294: {  	v9 =	vld [tilespmem:s19+$0x5E70]  }
0x295: {  	v0 =	vadd.f32 v5, v0;
	v5 =	vld [tilespmem:s19+$0x5EB0]  }
0x296: {  	v10 =	vld [tilespmem:s19+$0x5EF0]  }
0x297: {  	v0 =	vadd.f32 v1, v0;
	v11 =	vld [tilespmem:s19+$0x5F30]  }
0x298: {  	v12 =	vld [tilespmem:s19+$0x5F70]  }
0x299: {  	v6 =	vadd.f32 v6, v0;
	v0 =	vld [tilespmem:s19+$0x5FB0]  }
0x29a: {  	v1 =	vld [tilespmem:s19+$0x5FF0]  }
0x29b: {  	v2 =	vadd.f32 v2, v6;
	_ =	sdelay $0x1  }
0x29c: {  	v2 =	vadd.f32 v7, v2;
	_ =	sdelay $0x1  }
0x29d: {  	v2 =	vadd.f32 v3, v2;
	_ =	sdelay $0x1  }
0x29e: {  	v2 =	vadd.f32 v8, v2;
	_ =	sdelay $0x1  }
0x29f: {  	v2 =	vadd.f32 v4, v2;
	_ =	sdelay $0x1  }
0x2a0: {  	v2 =	vadd.f32 v9, v2;
	_ =	sdelay $0x1  }
0x2a1: {  	v2 =	vadd.f32 v5, v2;
	_ =	sdelay $0x1  }
.Ltmp1:
0x2a2: {  	v2 =	vadd.f32 v10, v2;
	(pc) =	sbr.rel @p1 .LBB2_5-.Ltmp1, $3  }
0x2a3: {  	_ = 	snop  }
0x2a4: {  	v2 =	vadd.f32 v11, v2;
	_ =	sdelay $0x1  }
0x2a5: {  	v2 =	vadd.f32 v12, v2  }
0x2a6: {  	_ = 	snop  }
0x2a7: {  	v0 =	vadd.f32 v0, v2;
	_ =	sdelay $0x1  }
0x2a8: {  	v0 =	vadd.f32 v1, v0;
	_ =	sdelay $0x1  }
0x2a9: {  	s0 =	simm.s32 @p0 $0x140;
	s17 =	simm.s32 @p0 $0x740;
	[tilespmem:s18+$0x0] =	vst v0;
	s18 =	simm.s32 @p0 $0x5B00  }
0x2aa: {  	[tilespmem:s18], [sflag:$0x4] =	stream.indirect.gather @p0 [hbm4b:s3+s0], $0x40, s17, s0, $0xb8;
	[tilespmem:$0x1AB00] =	vst v63  }
0x2ab: {  	_ =	swait.ge [sflag:s25], $0x5000  }
0x2ac: {  	[sflag:s25] =	ssyncset.done $0x0  }
0x2ad: {  	s19 =	simm.s32 $0x0;
	[sflag:s25] =	ssyncadd.s32 $0xFFFFB000  }
0x2ae: {  	v0 =	vld [tilespmem:s19+$0xAB00]  }
0x2af: {  	v1 =	vld [tilespmem:s19+$0xAB40];
	_ =	sdelay $0x1  }
0x2b0: {  	v2 =	vld [tilespmem:s19+$0xAB80];
	_ =	sdelay $0x1  }
0x2b1: {  	v3 =	vld [tilespmem:s19+$0xABC0]  }
0x2b2: {  	v0 =	vadd.f32 v1, v0  }
0x2b3: {  	v1 =	vld [tilespmem:s19+$0xAC00]  }
0x2b4: {  	v0 =	vadd.f32 v2, v0  }
0x2b5: {  	v2 =	vld [tilespmem:s19+$0xAC40]  }
0x2b6: {  	v0 =	vadd.f32 v3, v0  }
0x2b7: {  	v3 =	vld [tilespmem:s19+$0xAC80]  }
0x2b8: {  	v0 =	vadd.f32 v1, v0  }
0x2b9: {  	v1 =	vld [tilespmem:s19+$0xACC0]  }
0x2ba: {  	v0 =	vadd.f32 v2, v0  }
0x2bb: {  	v2 =	vld [tilespmem:s19+$0xAD00]  }
0x2bc: {  	v0 =	vadd.f32 v3, v0  }
0x2bd: {  	v3 =	vld [tilespmem:s19+$0xAD40]  }
0x2be: {  	v0 =	vadd.f32 v1, v0  }
0x2bf: {  	v1 =	vld [tilespmem:s19+$0xAD80]  }
0x2c0: {  	v0 =	vadd.f32 v2, v0  }
0x2c1: {  	v2 =	vld [tilespmem:s19+$0xADC0]  }
0x2c2: {  	v0 =	vadd.f32 v3, v0  }
0x2c3: {  	v3 =	vld [tilespmem:s19+$0xAE00]  }
0x2c4: {  	v0 =	vadd.f32 v1, v0  }
0x2c5: {  	v1 =	vld [tilespmem:s19+$0xAE40]  }
0x2c6: {  	v0 =	vadd.f32 v2, v0  }
0x2c7: {  	v2 =	vld [tilespmem:s19+$0xAE80]  }
0x2c8: {  	v0 =	vadd.f32 v3, v0  }
0x2c9: {  	v3 =	vld [tilespmem:s19+$0xAEC0]  }
0x2ca: {  	v0 =	vadd.f32 v1, v0  }
0x2cb: {  	v1 =	vld [tilespmem:s19+$0xAF00]  }
0x2cc: {  	v0 =	vadd.f32 v2, v0  }
0x2cd: {  	v2 =	vld [tilespmem:s19+$0xAF40]  }
0x2ce: {  	v0 =	vadd.f32 v3, v0  }
0x2cf: {  	v3 =	vld [tilespmem:s19+$0xAF80]  }
0x2d0: {  	v0 =	vadd.f32 v1, v0  }
0x2d1: {  	v1 =	vld [tilespmem:s19+$0xAFC0]  }
0x2d2: {  	v0 =	vadd.f32 v2, v0;
	_ =	sdelay $0x1  }
0x2d3: {  	v0 =	vadd.f32 v3, v0;
	_ =	sdelay $0x1  }
0x2d4: {  	v0 =	vadd.f32 v1, v0  }
0x2d5: {  	s0 =	sadd.s32 $0x15330, s1  }
0x2d6: {  	[tilespmem:s0+$0xFFFFFFD0] =	vst v0  }
0x2d7: {  	v0 =	vld [tilespmem:s19+$0xAB10]  }
0x2d8: {  	v1 =	vld [tilespmem:s19+$0xAB50];
	_ =	sdelay $0x1  }
0x2d9: {  	v2 =	vld [tilespmem:s19+$0xAB90];
	_ =	sdelay $0x1  }
0x2da: {  	v3 =	vld [tilespmem:s19+$0xABD0]  }
0x2db: {  	v0 =	vadd.f32 v1, v0  }
0x2dc: {  	v1 =	vld [tilespmem:s19+$0xAC10]  }
0x2dd: {  	v0 =	vadd.f32 v2, v0  }
0x2de: {  	v2 =	vld [tilespmem:s19+$0xAC50]  }
0x2df: {  	v0 =	vadd.f32 v3, v0  }
0x2e0: {  	v3 =	vld [tilespmem:s19+$0xAC90]  }
0x2e1: {  	v0 =	vadd.f32 v1, v0  }
0x2e2: {  	v1 =	vld [tilespmem:s19+$0xACD0]  }
0x2e3: {  	v0 =	vadd.f32 v2, v0  }
0x2e4: {  	v2 =	vld [tilespmem:s19+$0xAD10]  }
0x2e5: {  	v0 =	vadd.f32 v3, v0  }
0x2e6: {  	v3 =	vld [tilespmem:s19+$0xAD50]  }
0x2e7: {  	v0 =	vadd.f32 v1, v0  }
0x2e8: {  	v1 =	vld [tilespmem:s19+$0xAD90]  }
0x2e9: {  	v0 =	vadd.f32 v2, v0  }
0x2ea: {  	v2 =	vld [tilespmem:s19+$0xADD0]  }
0x2eb: {  	v0 =	vadd.f32 v3, v0  }
0x2ec: {  	v3 =	vld [tilespmem:s19+$0xAE10]  }
0x2ed: {  	v0 =	vadd.f32 v1, v0  }
0x2ee: {  	v1 =	vld [tilespmem:s19+$0xAE50]  }
0x2ef: {  	v0 =	vadd.f32 v2, v0  }
0x2f0: {  	v2 =	vld [tilespmem:s19+$0xAE90]  }
0x2f1: {  	v0 =	vadd.f32 v3, v0  }
0x2f2: {  	v3 =	vld [tilespmem:s19+$0xAED0]  }
0x2f3: {  	v0 =	vadd.f32 v1, v0  }
0x2f4: {  	v1 =	vld [tilespmem:s19+$0xAF10]  }
0x2f5: {  	v0 =	vadd.f32 v2, v0  }
0x2f6: {  	v2 =	vld [tilespmem:s19+$0xAF50]  }
0x2f7: {  	v0 =	vadd.f32 v3, v0  }
0x2f8: {  	v3 =	vld [tilespmem:s19+$0xAF90]  }
0x2f9: {  	v0 =	vadd.f32 v1, v0  }
0x2fa: {  	v1 =	vld [tilespmem:s19+$0xAFD0]  }
0x2fb: {  	v0 =	vadd.f32 v2, v0;
	_ =	sdelay $0x1  }
0x2fc: {  	v0 =	vadd.f32 v3, v0;
	_ =	sdelay $0x1  }
0x2fd: {  	v0 =	vadd.f32 v1, v0;
	_ =	sdelay $0x1  }
0x2fe: {  	[tilespmem:s0+$0xFFFFFFE0] =	vst v0  }
0x2ff: {  	v0 =	vld [tilespmem:s19+$0xAB20]  }
0x300: {  	v1 =	vld [tilespmem:s19+$0xAB60];
	_ =	sdelay $0x1  }
0x301: {  	v2 =	vld [tilespmem:s19+$0xABA0];
	_ =	sdelay $0x1  }
0x302: {  	v3 =	vld [tilespmem:s19+$0xABE0]  }
0x303: {  	v0 =	vadd.f32 v1, v0  }
0x304: {  	v1 =	vld [tilespmem:s19+$0xAC20]  }
0x305: {  	v0 =	vadd.f32 v2, v0  }
0x306: {  	v2 =	vld [tilespmem:s19+$0xAC60]  }
0x307: {  	v0 =	vadd.f32 v3, v0  }
0x308: {  	v3 =	vld [tilespmem:s19+$0xACA0]  }
0x309: {  	v0 =	vadd.f32 v1, v0  }
0x30a: {  	v1 =	vld [tilespmem:s19+$0xACE0]  }
0x30b: {  	v0 =	vadd.f32 v2, v0  }
0x30c: {  	v2 =	vld [tilespmem:s19+$0xAD20]  }
0x30d: {  	v0 =	vadd.f32 v3, v0  }
0x30e: {  	v3 =	vld [tilespmem:s19+$0xAD60]  }
0x30f: {  	v0 =	vadd.f32 v1, v0  }
0x310: {  	v1 =	vld [tilespmem:s19+$0xADA0]  }
0x311: {  	v0 =	vadd.f32 v2, v0  }
0x312: {  	v2 =	vld [tilespmem:s19+$0xADE0]  }
0x313: {  	v0 =	vadd.f32 v3, v0  }
0x314: {  	v3 =	vld [tilespmem:s19+$0xAE20]  }
0x315: {  	v0 =	vadd.f32 v1, v0  }
0x316: {  	v1 =	vld [tilespmem:s19+$0xAE60]  }
0x317: {  	v0 =	vadd.f32 v2, v0  }
0x318: {  	v2 =	vld [tilespmem:s19+$0xAEA0]  }
0x319: {  	v0 =	vadd.f32 v3, v0  }
0x31a: {  	v3 =	vld [tilespmem:s19+$0xAEE0]  }
0x31b: {  	v0 =	vadd.f32 v1, v0  }
0x31c: {  	v1 =	vld [tilespmem:s19+$0xAF20]  }
0x31d: {  	v0 =	vadd.f32 v2, v0  }
0x31e: {  	v2 =	vld [tilespmem:s19+$0xAF60]  }
0x31f: {  	v0 =	vadd.f32 v3, v0  }
0x320: {  	v3 =	vld [tilespmem:s19+$0xAFA0]  }
0x321: {  	v0 =	vadd.f32 v1, v0  }
0x322: {  	v1 =	vld [tilespmem:s19+$0xAFE0]  }
0x323: {  	v0 =	vadd.f32 v2, v0;
	_ =	sdelay $0x1  }
0x324: {  	v0 =	vadd.f32 v3, v0;
	_ =	sdelay $0x1  }
0x325: {  	v0 =	vadd.f32 v1, v0;
	_ =	sdelay $0x1  }
0x326: {  	[tilespmem:s0+$0xFFFFFFF0] =	vst v0  }
0x327: {  	v0 =	vld [tilespmem:s19+$0xAB30]  }
0x328: {  	v1 =	vld [tilespmem:s19+$0xAB70];
	_ =	sdelay $0x1  }
0x329: {  	v2 =	vld [tilespmem:s19+$0xABB0];
	_ =	sdelay $0x1  }
0x32a: {  	v3 =	vld [tilespmem:s19+$0xABF0]  }
0x32b: {  	v0 =	vadd.f32 v1, v0  }
0x32c: {  	v1 =	vld [tilespmem:s19+$0xAC30]  }
0x32d: {  	v0 =	vadd.f32 v2, v0  }
0x32e: {  	v2 =	vld [tilespmem:s19+$0xAC70]  }
0x32f: {  	v0 =	vadd.f32 v3, v0  }
0x330: {  	v3 =	vld [tilespmem:s19+$0xACB0]  }
0x331: {  	v0 =	vadd.f32 v1, v0  }
0x332: {  	v1 =	vld [tilespmem:s19+$0xACF0]  }
0x333: {  	v0 =	vadd.f32 v2, v0  }
0x334: {  	v2 =	vld [tilespmem:s19+$0xAD30]  }
0x335: {  	v0 =	vadd.f32 v3, v0  }
0x336: {  	v3 =	vld [tilespmem:s19+$0xAD70]  }
0x337: {  	v0 =	vadd.f32 v1, v0  }
0x338: {  	v1 =	vld [tilespmem:s19+$0xADB0]  }
0x339: {  	v0 =	vadd.f32 v2, v0  }
0x33a: {  	v2 =	vld [tilespmem:s19+$0xADF0]  }
0x33b: {  	v0 =	vadd.f32 v3, v0  }
0x33c: {  	v3 =	vld [tilespmem:s19+$0xAE30]  }
0x33d: {  	v0 =	vadd.f32 v1, v0  }
0x33e: {  	v1 =	vld [tilespmem:s19+$0xAE70]  }
0x33f: {  	v0 =	vadd.f32 v2, v0  }
0x340: {  	v2 =	vld [tilespmem:s19+$0xAEB0]  }
0x341: {  	v0 =	vadd.f32 v3, v0  }
0x342: {  	v3 =	vld [tilespmem:s19+$0xAEF0]  }
0x343: {  	v0 =	vadd.f32 v1, v0  }
0x344: {  	v1 =	vld [tilespmem:s19+$0xAF30]  }
0x345: {  	v0 =	vadd.f32 v2, v0  }
0x346: {  	v2 =	vld [tilespmem:s19+$0xAF70]  }
0x347: {  	v0 =	vadd.f32 v3, v0;
	_ =	sdelay $0x1  }
0x348: {  	v3 =	vadd.f32 v1, v0;
	v0 =	vld [tilespmem:s19+$0xAFB0];
	_ =	sdelay $0x1  }
0x349: {  	s17 =	simm.s32 $0x1400;
	s18 =	smov.u32 s0;
	v1 =	vld [tilespmem:s19+$0xAFF0];
	v2 =	vadd.f32 v2, v3  }
.LBB2_7:
0x34a: {  	p1 =	sne.s32 s17, $0x12C00  }
0x34b: {  	s0 =	sadd.s32 $0x40, s0;
	s19 =	smov.u32 s17;
	s17 =	sadd.s32 $0x1400, s17  }
0x34c: {  	v0 =	vadd.f32 v0, v2;
	_ =	sdelay $0x1  }
0x34d: {  	v0 =	vadd.f32 v1, v0  }
0x34e: {  	s19 =	sshra.s32 s19, $0x2  }
0x34f: {  	[tilespmem:s18+$0x0] =	vst v0;
	s18 =	smov.u32 s0  }
0x350: {  	v0 =	vld [tilespmem:s19+$0xAB00]  }
0x351: {  	v1 =	vld [tilespmem:s19+$0xAB40];
	_ =	sdelay $0x1  }
0x352: {  	v2 =	vld [tilespmem:s19+$0xAB80];
	_ =	sdelay $0x1  }
0x353: {  	v3 =	vld [tilespmem:s19+$0xABC0]  }
0x354: {  	v0 =	vadd.f32 v1, v0  }
0x355: {  	v1 =	vld [tilespmem:s19+$0xAC00]  }
0x356: {  	v0 =	vadd.f32 v2, v0  }
0x357: {  	v2 =	vld [tilespmem:s19+$0xAC40]  }
0x358: {  	v0 =	vadd.f32 v3, v0  }
0x359: {  	v3 =	vld [tilespmem:s19+$0xAC80]  }
0x35a: {  	v0 =	vadd.f32 v1, v0  }
0x35b: {  	v1 =	vld [tilespmem:s19+$0xACC0]  }
0x35c: {  	v0 =	vadd.f32 v2, v0  }
0x35d: {  	v2 =	vld [tilespmem:s19+$0xAD00]  }
0x35e: {  	v0 =	vadd.f32 v3, v0  }
0x35f: {  	v3 =	vld [tilespmem:s19+$0xAD40]  }
0x360: {  	v0 =	vadd.f32 v1, v0  }
0x361: {  	v1 =	vld [tilespmem:s19+$0xAD80]  }
0x362: {  	v0 =	vadd.f32 v2, v0  }
0x363: {  	v2 =	vld [tilespmem:s19+$0xADC0]  }
0x364: {  	v0 =	vadd.f32 v3, v0  }
0x365: {  	v3 =	vld [tilespmem:s19+$0xAE00]  }
0x366: {  	v0 =	vadd.f32 v1, v0  }
0x367: {  	v1 =	vld [tilespmem:s19+$0xAE40]  }
0x368: {  	v0 =	vadd.f32 v2, v0  }
0x369: {  	v2 =	vld [tilespmem:s19+$0xAE80]  }
0x36a: {  	v0 =	vadd.f32 v3, v0  }
0x36b: {  	v3 =	vld [tilespmem:s19+$0xAEC0]  }
0x36c: {  	v0 =	vadd.f32 v1, v0  }
0x36d: {  	v1 =	vld [tilespmem:s19+$0xAF00]  }
0x36e: {  	v0 =	vadd.f32 v2, v0  }
0x36f: {  	v2 =	vld [tilespmem:s19+$0xAF40]  }
0x370: {  	v0 =	vadd.f32 v3, v0  }
0x371: {  	v3 =	vld [tilespmem:s19+$0xAF80]  }
0x372: {  	v0 =	vadd.f32 v1, v0  }
0x373: {  	v1 =	vld [tilespmem:s19+$0xAFC0]  }
0x374: {  	v0 =	vadd.f32 v2, v0;
	_ =	sdelay $0x1  }
0x375: {  	v0 =	vadd.f32 v3, v0;
	_ =	sdelay $0x1  }
0x376: {  	v0 =	vadd.f32 v1, v0;
	_ =	sdelay $0x1  }
0x377: {  	[tilespmem:s0+$0xFFFFFFD0] =	vst v0  }
0x378: {  	v0 =	vld [tilespmem:s19+$0xAB10]  }
0x379: {  	v1 =	vld [tilespmem:s19+$0xAB50];
	_ =	sdelay $0x1  }
0x37a: {  	v2 =	vld [tilespmem:s19+$0xAB90];
	_ =	sdelay $0x1  }
0x37b: {  	v3 =	vld [tilespmem:s19+$0xABD0]  }
0x37c: {  	v0 =	vadd.f32 v1, v0  }
0x37d: {  	v1 =	vld [tilespmem:s19+$0xAC10]  }
0x37e: {  	v0 =	vadd.f32 v2, v0  }
0x37f: {  	v2 =	vld [tilespmem:s19+$0xAC50]  }
0x380: {  	v0 =	vadd.f32 v3, v0  }
0x381: {  	v3 =	vld [tilespmem:s19+$0xAC90]  }
0x382: {  	v0 =	vadd.f32 v1, v0  }
0x383: {  	v1 =	vld [tilespmem:s19+$0xACD0]  }
0x384: {  	v0 =	vadd.f32 v2, v0  }
0x385: {  	v2 =	vld [tilespmem:s19+$0xAD10]  }
0x386: {  	v0 =	vadd.f32 v3, v0  }
0x387: {  	v3 =	vld [tilespmem:s19+$0xAD50]  }
0x388: {  	v0 =	vadd.f32 v1, v0  }
0x389: {  	v1 =	vld [tilespmem:s19+$0xAD90]  }
0x38a: {  	v0 =	vadd.f32 v2, v0  }
0x38b: {  	v2 =	vld [tilespmem:s19+$0xADD0]  }
0x38c: {  	v0 =	vadd.f32 v3, v0  }
0x38d: {  	v3 =	vld [tilespmem:s19+$0xAE10]  }
0x38e: {  	v0 =	vadd.f32 v1, v0  }
0x38f: {  	v1 =	vld [tilespmem:s19+$0xAE50]  }
0x390: {  	v0 =	vadd.f32 v2, v0  }
0x391: {  	v2 =	vld [tilespmem:s19+$0xAE90]  }
0x392: {  	v0 =	vadd.f32 v3, v0  }
0x393: {  	v3 =	vld [tilespmem:s19+$0xAED0]  }
0x394: {  	v0 =	vadd.f32 v1, v0  }
0x395: {  	v1 =	vld [tilespmem:s19+$0xAF10]  }
0x396: {  	v0 =	vadd.f32 v2, v0  }
0x397: {  	v2 =	vld [tilespmem:s19+$0xAF50]  }
0x398: {  	v0 =	vadd.f32 v3, v0  }
0x399: {  	v3 =	vld [tilespmem:s19+$0xAF90]  }
0x39a: {  	v0 =	vadd.f32 v1, v0  }
0x39b: {  	v1 =	vld [tilespmem:s19+$0xAFD0]  }
0x39c: {  	v0 =	vadd.f32 v2, v0;
	_ =	sdelay $0x1  }
0x39d: {  	v0 =	vadd.f32 v3, v0;
	_ =	sdelay $0x1  }
0x39e: {  	v0 =	vadd.f32 v1, v0;
	_ =	sdelay $0x1  }
0x39f: {  	[tilespmem:s0+$0xFFFFFFE0] =	vst v0  }
0x3a0: {  	v0 =	vld [tilespmem:s19+$0xAB20]  }
0x3a1: {  	v1 =	vld [tilespmem:s19+$0xAB60];
	_ =	sdelay $0x1  }
0x3a2: {  	v2 =	vld [tilespmem:s19+$0xABA0];
	_ =	sdelay $0x1  }
0x3a3: {  	v3 =	vld [tilespmem:s19+$0xABE0]  }
0x3a4: {  	v0 =	vadd.f32 v1, v0  }
0x3a5: {  	v1 =	vld [tilespmem:s19+$0xAC20]  }
0x3a6: {  	v0 =	vadd.f32 v2, v0  }
0x3a7: {  	v2 =	vld [tilespmem:s19+$0xAC60]  }
0x3a8: {  	v0 =	vadd.f32 v3, v0  }
0x3a9: {  	v3 =	vld [tilespmem:s19+$0xACA0]  }
0x3aa: {  	v0 =	vadd.f32 v1, v0  }
0x3ab: {  	v1 =	vld [tilespmem:s19+$0xACE0]  }
0x3ac: {  	v0 =	vadd.f32 v2, v0  }
0x3ad: {  	v2 =	vld [tilespmem:s19+$0xAD20]  }
0x3ae: {  	v0 =	vadd.f32 v3, v0  }
0x3af: {  	v3 =	vld [tilespmem:s19+$0xAD60]  }
0x3b0: {  	v0 =	vadd.f32 v1, v0  }
0x3b1: {  	v1 =	vld [tilespmem:s19+$0xADA0]  }
0x3b2: {  	v0 =	vadd.f32 v2, v0  }
0x3b3: {  	v2 =	vld [tilespmem:s19+$0xADE0]  }
0x3b4: {  	v0 =	vadd.f32 v3, v0  }
0x3b5: {  	v3 =	vld [tilespmem:s19+$0xAE20]  }
0x3b6: {  	v0 =	vadd.f32 v1, v0  }
0x3b7: {  	v1 =	vld [tilespmem:s19+$0xAE60]  }
0x3b8: {  	v0 =	vadd.f32 v2, v0  }
0x3b9: {  	v2 =	vld [tilespmem:s19+$0xAEA0]  }
0x3ba: {  	v0 =	vadd.f32 v3, v0  }
0x3bb: {  	v3 =	vld [tilespmem:s19+$0xAEE0]  }
0x3bc: {  	v0 =	vadd.f32 v1, v0  }
0x3bd: {  	v1 =	vld [tilespmem:s19+$0xAF20]  }
0x3be: {  	v0 =	vadd.f32 v2, v0  }
0x3bf: {  	v2 =	vld [tilespmem:s19+$0xAF60]  }
0x3c0: {  	v0 =	vadd.f32 v3, v0  }
0x3c1: {  	v3 =	vld [tilespmem:s19+$0xAFA0]  }
0x3c2: {  	v0 =	vadd.f32 v1, v0  }
0x3c3: {  	v1 =	vld [tilespmem:s19+$0xAFE0]  }
0x3c4: {  	v0 =	vadd.f32 v2, v0;
	_ =	sdelay $0x1  }
0x3c5: {  	v0 =	vadd.f32 v3, v0;
	_ =	sdelay $0x1  }
0x3c6: {  	v0 =	vadd.f32 v1, v0;
	_ =	sdelay $0x1  }
0x3c7: {  	[tilespmem:s0+$0xFFFFFFF0] =	vst v0  }
0x3c8: {  	v0 =	vld [tilespmem:s19+$0xAB30]  }
0x3c9: {  	v1 =	vld [tilespmem:s19+$0xAB70]  }
0x3ca: {  	v2 =	vld [tilespmem:s19+$0xABB0]  }
0x3cb: {  	v3 =	vld [tilespmem:s19+$0xABF0]  }
0x3cc: {  	v4 =	vld [tilespmem:s19+$0xAC30]  }
0x3cd: {  	v5 =	vld [tilespmem:s19+$0xAC70]  }
0x3ce: {  	v0 =	vadd.f32 v1, v0;
	v1 =	vld [tilespmem:s19+$0xACB0]  }
0x3cf: {  	v6 =	vld [tilespmem:s19+$0xACF0]  }
0x3d0: {  	v0 =	vadd.f32 v2, v0;
	v2 =	vld [tilespmem:s19+$0xAD30]  }
0x3d1: {  	v7 =	vld [tilespmem:s19+$0xAD70]  }
0x3d2: {  	v0 =	vadd.f32 v3, v0;
	v3 =	vld [tilespmem:s19+$0xADB0]  }
0x3d3: {  	v8 =	vld [tilespmem:s19+$0xADF0]  }
0x3d4: {  	v0 =	vadd.f32 v4, v0;
	v4 =	vld [tilespmem:s19+$0xAE30]  }
0x3d5: {  	v9 =	vld [tilespmem:s19+$0xAE70]  }
0x3d6: {  	v0 =	vadd.f32 v5, v0;
	v5 =	vld [tilespmem:s19+$0xAEB0]  }
0x3d7: {  	v10 =	vld [tilespmem:s19+$0xAEF0]  }
0x3d8: {  	v0 =	vadd.f32 v1, v0;
	v11 =	vld [tilespmem:s19+$0xAF30]  }
0x3d9: {  	v12 =	vld [tilespmem:s19+$0xAF70]  }
0x3da: {  	v6 =	vadd.f32 v6, v0;
	v0 =	vld [tilespmem:s19+$0xAFB0]  }
0x3db: {  	v1 =	vld [tilespmem:s19+$0xAFF0]  }
0x3dc: {  	v2 =	vadd.f32 v2, v6;
	_ =	sdelay $0x1  }
0x3dd: {  	v2 =	vadd.f32 v7, v2;
	_ =	sdelay $0x1  }
0x3de: {  	v2 =	vadd.f32 v3, v2;
	_ =	sdelay $0x1  }
0x3df: {  	v2 =	vadd.f32 v8, v2;
	_ =	sdelay $0x1  }
0x3e0: {  	v2 =	vadd.f32 v4, v2;
	_ =	sdelay $0x1  }
0x3e1: {  	v2 =	vadd.f32 v9, v2;
	_ =	sdelay $0x1  }
0x3e2: {  	v2 =	vadd.f32 v5, v2;
	_ =	sdelay $0x1  }
.Ltmp2:
0x3e3: {  	v2 =	vadd.f32 v10, v2;
	(pc) =	sbr.rel @p1 .LBB2_7-.Ltmp2, $3  }
0x3e4: {  	_ = 	snop  }
0x3e5: {  	v2 =	vadd.f32 v11, v2;
	_ =	sdelay $0x1  }
0x3e6: {  	v2 =	vadd.f32 v12, v2  }
0x3e7: {  	_ = 	snop  }
0x3e8: {  	v0 =	vadd.f32 v0, v2;
	_ =	sdelay $0x1  }
0x3e9: {  	v0 =	vadd.f32 v1, v0;
	_ =	sdelay $0x1  }
0x3ea: {  	s0 =	simm.s32 @p0 $0x140;
	s17 =	simm.s32 @p0 $0x880;
	[tilespmem:s18+$0x0] =	vst v0;
	s18 =	simm.s32 @p0 $0xAB00  }
0x3eb: {  	[tilespmem:s18], [sflag:$0x5] =	stream.indirect.gather @p0 [hbm4b:s3+s0], $0x40, s17, s0, $0xb8;
	[tilespmem:$0x1AB00] =	vst v63  }
0x3ec: {  	_ =	swait.ge [sflag:s26], $0x5000  }
0x3ed: {  	[sflag:s26] =	ssyncset.done $0x0  }
0x3ee: {  	s19 =	simm.s32 $0x0;
	[sflag:s26] =	ssyncadd.s32 $0xFFFFB000  }
0x3ef: {  	v0 =	vld [tilespmem:s19+$0xFB00]  }
0x3f0: {  	v1 =	vld [tilespmem:s19+$0xFB40];
	_ =	sdelay $0x1  }
0x3f1: {  	v2 =	vld [tilespmem:s19+$0xFB80];
	_ =	sdelay $0x1  }
0x3f2: {  	v3 =	vld [tilespmem:s19+$0xFBC0]  }
0x3f3: {  	v0 =	vadd.f32 v1, v0  }
0x3f4: {  	v1 =	vld [tilespmem:s19+$0xFC00]  }
0x3f5: {  	v0 =	vadd.f32 v2, v0  }
0x3f6: {  	v2 =	vld [tilespmem:s19+$0xFC40]  }
0x3f7: {  	v0 =	vadd.f32 v3, v0  }
0x3f8: {  	v3 =	vld [tilespmem:s19+$0xFC80]  }
0x3f9: {  	v0 =	vadd.f32 v1, v0  }
0x3fa: {  	v1 =	vld [tilespmem:s19+$0xFCC0]  }
0x3fb: {  	v0 =	vadd.f32 v2, v0  }
0x3fc: {  	v2 =	vld [tilespmem:s19+$0xFD00]  }
0x3fd: {  	v0 =	vadd.f32 v3, v0  }
0x3fe: {  	v3 =	vld [tilespmem:s19+$0xFD40]  }
0x3ff: {  	v0 =	vadd.f32 v1, v0  }
0x400: {  	v1 =	vld [tilespmem:s19+$0xFD80]  }
0x401: {  	v0 =	vadd.f32 v2, v0  }
0x402: {  	v2 =	vld [tilespmem:s19+$0xFDC0]  }
0x403: {  	v0 =	vadd.f32 v3, v0  }
0x404: {  	v3 =	vld [tilespmem:s19+$0xFE00]  }
0x405: {  	v0 =	vadd.f32 v1, v0  }
0x406: {  	v1 =	vld [tilespmem:s19+$0xFE40]  }
0x407: {  	v0 =	vadd.f32 v2, v0  }
0x408: {  	v2 =	vld [tilespmem:s19+$0xFE80]  }
0x409: {  	v0 =	vadd.f32 v3, v0  }
0x40a: {  	v3 =	vld [tilespmem:s19+$0xFEC0]  }
0x40b: {  	v0 =	vadd.f32 v1, v0  }
0x40c: {  	v1 =	vld [tilespmem:s19+$0xFF00]  }
0x40d: {  	v0 =	vadd.f32 v2, v0  }
0x40e: {  	v2 =	vld [tilespmem:s19+$0xFF40]  }
0x40f: {  	v0 =	vadd.f32 v3, v0  }
0x410: {  	v3 =	vld [tilespmem:s19+$0xFF80]  }
0x411: {  	v0 =	vadd.f32 v1, v0  }
0x412: {  	v1 =	vld [tilespmem:s19+$0xFFC0]  }
0x413: {  	v0 =	vadd.f32 v2, v0;
	_ =	sdelay $0x1  }
0x414: {  	v0 =	vadd.f32 v3, v0;
	_ =	sdelay $0x1  }
0x415: {  	v0 =	vadd.f32 v1, v0  }
0x416: {  	s0 =	sadd.s32 $0x15730, s1  }
0x417: {  	[tilespmem:s0+$0xFFFFFFD0] =	vst v0  }
0x418: {  	v0 =	vld [tilespmem:s19+$0xFB10]  }
0x419: {  	v1 =	vld [tilespmem:s19+$0xFB50];
	_ =	sdelay $0x1  }
0x41a: {  	v2 =	vld [tilespmem:s19+$0xFB90];
	_ =	sdelay $0x1  }
0x41b: {  	v3 =	vld [tilespmem:s19+$0xFBD0]  }
0x41c: {  	v0 =	vadd.f32 v1, v0  }
0x41d: {  	v1 =	vld [tilespmem:s19+$0xFC10]  }
0x41e: {  	v0 =	vadd.f32 v2, v0  }
0x41f: {  	v2 =	vld [tilespmem:s19+$0xFC50]  }
0x420: {  	v0 =	vadd.f32 v3, v0  }
0x421: {  	v3 =	vld [tilespmem:s19+$0xFC90]  }
0x422: {  	v0 =	vadd.f32 v1, v0  }
0x423: {  	v1 =	vld [tilespmem:s19+$0xFCD0]  }
0x424: {  	v0 =	vadd.f32 v2, v0  }
0x425: {  	v2 =	vld [tilespmem:s19+$0xFD10]  }
0x426: {  	v0 =	vadd.f32 v3, v0  }
0x427: {  	v3 =	vld [tilespmem:s19+$0xFD50]  }
0x428: {  	v0 =	vadd.f32 v1, v0  }
0x429: {  	v1 =	vld [tilespmem:s19+$0xFD90]  }
0x42a: {  	v0 =	vadd.f32 v2, v0  }
0x42b: {  	v2 =	vld [tilespmem:s19+$0xFDD0]  }
0x42c: {  	v0 =	vadd.f32 v3, v0  }
0x42d: {  	v3 =	vld [tilespmem:s19+$0xFE10]  }
0x42e: {  	v0 =	vadd.f32 v1, v0  }
0x42f: {  	v1 =	vld [tilespmem:s19+$0xFE50]  }
0x430: {  	v0 =	vadd.f32 v2, v0  }
0x431: {  	v2 =	vld [tilespmem:s19+$0xFE90]  }
0x432: {  	v0 =	vadd.f32 v3, v0  }
0x433: {  	v3 =	vld [tilespmem:s19+$0xFED0]  }
0x434: {  	v0 =	vadd.f32 v1, v0  }
0x435: {  	v1 =	vld [tilespmem:s19+$0xFF10]  }
0x436: {  	v0 =	vadd.f32 v2, v0  }
0x437: {  	v2 =	vld [tilespmem:s19+$0xFF50]  }
0x438: {  	v0 =	vadd.f32 v3, v0  }
0x439: {  	v3 =	vld [tilespmem:s19+$0xFF90]  }
0x43a: {  	v0 =	vadd.f32 v1, v0  }
0x43b: {  	v1 =	vld [tilespmem:s19+$0xFFD0]  }
0x43c: {  	v0 =	vadd.f32 v2, v0;
	_ =	sdelay $0x1  }
0x43d: {  	v0 =	vadd.f32 v3, v0;
	_ =	sdelay $0x1  }
0x43e: {  	v0 =	vadd.f32 v1, v0;
	_ =	sdelay $0x1  }
0x43f: {  	[tilespmem:s0+$0xFFFFFFE0] =	vst v0  }
0x440: {  	v0 =	vld [tilespmem:s19+$0xFB20]  }
0x441: {  	v1 =	vld [tilespmem:s19+$0xFB60];
	_ =	sdelay $0x1  }
0x442: {  	v2 =	vld [tilespmem:s19+$0xFBA0];
	_ =	sdelay $0x1  }
0x443: {  	v3 =	vld [tilespmem:s19+$0xFBE0]  }
0x444: {  	v0 =	vadd.f32 v1, v0  }
0x445: {  	v1 =	vld [tilespmem:s19+$0xFC20]  }
0x446: {  	v0 =	vadd.f32 v2, v0  }
0x447: {  	v2 =	vld [tilespmem:s19+$0xFC60]  }
0x448: {  	v0 =	vadd.f32 v3, v0  }
0x449: {  	v3 =	vld [tilespmem:s19+$0xFCA0]  }
0x44a: {  	v0 =	vadd.f32 v1, v0  }
0x44b: {  	v1 =	vld [tilespmem:s19+$0xFCE0]  }
0x44c: {  	v0 =	vadd.f32 v2, v0  }
0x44d: {  	v2 =	vld [tilespmem:s19+$0xFD20]  }
0x44e: {  	v0 =	vadd.f32 v3, v0  }
0x44f: {  	v3 =	vld [tilespmem:s19+$0xFD60]  }
0x450: {  	v0 =	vadd.f32 v1, v0  }
0x451: {  	v1 =	vld [tilespmem:s19+$0xFDA0]  }
0x452: {  	v0 =	vadd.f32 v2, v0  }
0x453: {  	v2 =	vld [tilespmem:s19+$0xFDE0]  }
0x454: {  	v0 =	vadd.f32 v3, v0  }
0x455: {  	v3 =	vld [tilespmem:s19+$0xFE20]  }
0x456: {  	v0 =	vadd.f32 v1, v0  }
0x457: {  	v1 =	vld [tilespmem:s19+$0xFE60]  }
0x458: {  	v0 =	vadd.f32 v2, v0  }
0x459: {  	v2 =	vld [tilespmem:s19+$0xFEA0]  }
0x45a: {  	v0 =	vadd.f32 v3, v0  }
0x45b: {  	v3 =	vld [tilespmem:s19+$0xFEE0]  }
0x45c: {  	v0 =	vadd.f32 v1, v0  }
0x45d: {  	v1 =	vld [tilespmem:s19+$0xFF20]  }
0x45e: {  	v0 =	vadd.f32 v2, v0  }
0x45f: {  	v2 =	vld [tilespmem:s19+$0xFF60]  }
0x460: {  	v0 =	vadd.f32 v3, v0  }
0x461: {  	v3 =	vld [tilespmem:s19+$0xFFA0]  }
0x462: {  	v0 =	vadd.f32 v1, v0  }
0x463: {  	v1 =	vld [tilespmem:s19+$0xFFE0]  }
0x464: {  	v0 =	vadd.f32 v2, v0;
	_ =	sdelay $0x1  }
0x465: {  	v0 =	vadd.f32 v3, v0;
	_ =	sdelay $0x1  }
0x466: {  	v0 =	vadd.f32 v1, v0;
	_ =	sdelay $0x1  }
0x467: {  	[tilespmem:s0+$0xFFFFFFF0] =	vst v0  }
0x468: {  	v0 =	vld [tilespmem:s19+$0xFB30]  }
0x469: {  	v1 =	vld [tilespmem:s19+$0xFB70];
	_ =	sdelay $0x1  }
0x46a: {  	v2 =	vld [tilespmem:s19+$0xFBB0];
	_ =	sdelay $0x1  }
0x46b: {  	v3 =	vld [tilespmem:s19+$0xFBF0]  }
0x46c: {  	v0 =	vadd.f32 v1, v0  }
0x46d: {  	v1 =	vld [tilespmem:s19+$0xFC30]  }
0x46e: {  	v0 =	vadd.f32 v2, v0  }
0x46f: {  	v2 =	vld [tilespmem:s19+$0xFC70]  }
0x470: {  	v0 =	vadd.f32 v3, v0  }
0x471: {  	v3 =	vld [tilespmem:s19+$0xFCB0]  }
0x472: {  	v0 =	vadd.f32 v1, v0  }
0x473: {  	v1 =	vld [tilespmem:s19+$0xFCF0]  }
0x474: {  	v0 =	vadd.f32 v2, v0  }
0x475: {  	v2 =	vld [tilespmem:s19+$0xFD30]  }
0x476: {  	v0 =	vadd.f32 v3, v0  }
0x477: {  	v3 =	vld [tilespmem:s19+$0xFD70]  }
0x478: {  	v0 =	vadd.f32 v1, v0  }
0x479: {  	v1 =	vld [tilespmem:s19+$0xFDB0]  }
0x47a: {  	v0 =	vadd.f32 v2, v0  }
0x47b: {  	v2 =	vld [tilespmem:s19+$0xFDF0]  }
0x47c: {  	v0 =	vadd.f32 v3, v0  }
0x47d: {  	v3 =	vld [tilespmem:s19+$0xFE30]  }
0x47e: {  	v0 =	vadd.f32 v1, v0  }
0x47f: {  	v1 =	vld [tilespmem:s19+$0xFE70]  }
0x480: {  	v0 =	vadd.f32 v2, v0  }
0x481: {  	v2 =	vld [tilespmem:s19+$0xFEB0]  }
0x482: {  	v0 =	vadd.f32 v3, v0  }
0x483: {  	v3 =	vld [tilespmem:s19+$0xFEF0]  }
0x484: {  	v0 =	vadd.f32 v1, v0  }
0x485: {  	v1 =	vld [tilespmem:s19+$0xFF30]  }
0x486: {  	v0 =	vadd.f32 v2, v0  }
0x487: {  	v2 =	vld [tilespmem:s19+$0xFF70]  }
0x488: {  	v0 =	vadd.f32 v3, v0;
	_ =	sdelay $0x1  }
0x489: {  	v3 =	vadd.f32 v1, v0;
	v0 =	vld [tilespmem:s19+$0xFFB0];
	_ =	sdelay $0x1  }
0x48a: {  	s1 =	simm.s32 $0x1400;
	s17 =	smov.u32 s0;
	v1 =	vld [tilespmem:s19+$0xFFF0];
	v2 =	vadd.f32 v2, v3  }
.LBB2_9:
0x48b: {  	p1 =	sne.s32 s1, $0x12C00  }
0x48c: {  	s0 =	sadd.s32 $0x40, s0;
	s18 =	smov.u32 s1;
	s1 =	sadd.s32 $0x1400, s1  }
0x48d: {  	v0 =	vadd.f32 v0, v2;
	_ =	sdelay $0x1  }
0x48e: {  	v0 =	vadd.f32 v1, v0  }
0x48f: {  	s18 =	sshra.s32 s18, $0x2  }
0x490: {  	[tilespmem:s17+$0x0] =	vst v0;
	s17 =	smov.u32 s0  }
0x491: {  	v0 =	vld [tilespmem:s18+$0xFB00]  }
0x492: {  	v1 =	vld [tilespmem:s18+$0xFB40];
	_ =	sdelay $0x1  }
0x493: {  	v2 =	vld [tilespmem:s18+$0xFB80];
	_ =	sdelay $0x1  }
0x494: {  	v3 =	vld [tilespmem:s18+$0xFBC0]  }
0x495: {  	v0 =	vadd.f32 v1, v0  }
0x496: {  	v1 =	vld [tilespmem:s18+$0xFC00]  }
0x497: {  	v0 =	vadd.f32 v2, v0  }
0x498: {  	v2 =	vld [tilespmem:s18+$0xFC40]  }
0x499: {  	v0 =	vadd.f32 v3, v0  }
0x49a: {  	v3 =	vld [tilespmem:s18+$0xFC80]  }
0x49b: {  	v0 =	vadd.f32 v1, v0  }
0x49c: {  	v1 =	vld [tilespmem:s18+$0xFCC0]  }
0x49d: {  	v0 =	vadd.f32 v2, v0  }
0x49e: {  	v2 =	vld [tilespmem:s18+$0xFD00]  }
0x49f: {  	v0 =	vadd.f32 v3, v0  }
0x4a0: {  	v3 =	vld [tilespmem:s18+$0xFD40]  }
0x4a1: {  	v0 =	vadd.f32 v1, v0  }
0x4a2: {  	v1 =	vld [tilespmem:s18+$0xFD80]  }
0x4a3: {  	v0 =	vadd.f32 v2, v0  }
0x4a4: {  	v2 =	vld [tilespmem:s18+$0xFDC0]  }
0x4a5: {  	v0 =	vadd.f32 v3, v0  }
0x4a6: {  	v3 =	vld [tilespmem:s18+$0xFE00]  }
0x4a7: {  	v0 =	vadd.f32 v1, v0  }
0x4a8: {  	v1 =	vld [tilespmem:s18+$0xFE40]  }
0x4a9: {  	v0 =	vadd.f32 v2, v0  }
0x4aa: {  	v2 =	vld [tilespmem:s18+$0xFE80]  }
0x4ab: {  	v0 =	vadd.f32 v3, v0  }
0x4ac: {  	v3 =	vld [tilespmem:s18+$0xFEC0]  }
0x4ad: {  	v0 =	vadd.f32 v1, v0  }
0x4ae: {  	v1 =	vld [tilespmem:s18+$0xFF00]  }
0x4af: {  	v0 =	vadd.f32 v2, v0  }
0x4b0: {  	v2 =	vld [tilespmem:s18+$0xFF40]  }
0x4b1: {  	v0 =	vadd.f32 v3, v0  }
0x4b2: {  	v3 =	vld [tilespmem:s18+$0xFF80]  }
0x4b3: {  	v0 =	vadd.f32 v1, v0  }
0x4b4: {  	v1 =	vld [tilespmem:s18+$0xFFC0]  }
0x4b5: {  	v0 =	vadd.f32 v2, v0;
	_ =	sdelay $0x1  }
0x4b6: {  	v0 =	vadd.f32 v3, v0;
	_ =	sdelay $0x1  }
0x4b7: {  	v0 =	vadd.f32 v1, v0;
	_ =	sdelay $0x1  }
0x4b8: {  	[tilespmem:s0+$0xFFFFFFD0] =	vst v0  }
0x4b9: {  	v0 =	vld [tilespmem:s18+$0xFB10]  }
0x4ba: {  	v1 =	vld [tilespmem:s18+$0xFB50];
	_ =	sdelay $0x1  }
0x4bb: {  	v2 =	vld [tilespmem:s18+$0xFB90];
	_ =	sdelay $0x1  }
0x4bc: {  	v3 =	vld [tilespmem:s18+$0xFBD0]  }
0x4bd: {  	v0 =	vadd.f32 v1, v0  }
0x4be: {  	v1 =	vld [tilespmem:s18+$0xFC10]  }
0x4bf: {  	v0 =	vadd.f32 v2, v0  }
0x4c0: {  	v2 =	vld [tilespmem:s18+$0xFC50]  }
0x4c1: {  	v0 =	vadd.f32 v3, v0  }
0x4c2: {  	v3 =	vld [tilespmem:s18+$0xFC90]  }
0x4c3: {  	v0 =	vadd.f32 v1, v0  }
0x4c4: {  	v1 =	vld [tilespmem:s18+$0xFCD0]  }
0x4c5: {  	v0 =	vadd.f32 v2, v0  }
0x4c6: {  	v2 =	vld [tilespmem:s18+$0xFD10]  }
0x4c7: {  	v0 =	vadd.f32 v3, v0  }
0x4c8: {  	v3 =	vld [tilespmem:s18+$0xFD50]  }
0x4c9: {  	v0 =	vadd.f32 v1, v0  }
0x4ca: {  	v1 =	vld [tilespmem:s18+$0xFD90]  }
0x4cb: {  	v0 =	vadd.f32 v2, v0  }
0x4cc: {  	v2 =	vld [tilespmem:s18+$0xFDD0]  }
0x4cd: {  	v0 =	vadd.f32 v3, v0  }
0x4ce: {  	v3 =	vld [tilespmem:s18+$0xFE10]  }
0x4cf: {  	v0 =	vadd.f32 v1, v0  }
0x4d0: {  	v1 =	vld [tilespmem:s18+$0xFE50]  }
0x4d1: {  	v0 =	vadd.f32 v2, v0  }
0x4d2: {  	v2 =	vld [tilespmem:s18+$0xFE90]  }
0x4d3: {  	v0 =	vadd.f32 v3, v0  }
0x4d4: {  	v3 =	vld [tilespmem:s18+$0xFED0]  }
0x4d5: {  	v0 =	vadd.f32 v1, v0  }
0x4d6: {  	v1 =	vld [tilespmem:s18+$0xFF10]  }
0x4d7: {  	v0 =	vadd.f32 v2, v0  }
0x4d8: {  	v2 =	vld [tilespmem:s18+$0xFF50]  }
0x4d9: {  	v0 =	vadd.f32 v3, v0  }
0x4da: {  	v3 =	vld [tilespmem:s18+$0xFF90]  }
0x4db: {  	v0 =	vadd.f32 v1, v0  }
0x4dc: {  	v1 =	vld [tilespmem:s18+$0xFFD0]  }
0x4dd: {  	v0 =	vadd.f32 v2, v0;
	_ =	sdelay $0x1  }
0x4de: {  	v0 =	vadd.f32 v3, v0;
	_ =	sdelay $0x1  }
0x4df: {  	v0 =	vadd.f32 v1, v0;
	_ =	sdelay $0x1  }
0x4e0: {  	[tilespmem:s0+$0xFFFFFFE0] =	vst v0  }
0x4e1: {  	v0 =	vld [tilespmem:s18+$0xFB20]  }
0x4e2: {  	v1 =	vld [tilespmem:s18+$0xFB60];
	_ =	sdelay $0x1  }
0x4e3: {  	v2 =	vld [tilespmem:s18+$0xFBA0];
	_ =	sdelay $0x1  }
0x4e4: {  	v3 =	vld [tilespmem:s18+$0xFBE0]  }
0x4e5: {  	v0 =	vadd.f32 v1, v0  }
0x4e6: {  	v1 =	vld [tilespmem:s18+$0xFC20]  }
0x4e7: {  	v0 =	vadd.f32 v2, v0  }
0x4e8: {  	v2 =	vld [tilespmem:s18+$0xFC60]  }
0x4e9: {  	v0 =	vadd.f32 v3, v0  }
0x4ea: {  	v3 =	vld [tilespmem:s18+$0xFCA0]  }
0x4eb: {  	v0 =	vadd.f32 v1, v0  }
0x4ec: {  	v1 =	vld [tilespmem:s18+$0xFCE0]  }
0x4ed: {  	v0 =	vadd.f32 v2, v0  }
0x4ee: {  	v2 =	vld [tilespmem:s18+$0xFD20]  }
0x4ef: {  	v0 =	vadd.f32 v3, v0  }
0x4f0: {  	v3 =	vld [tilespmem:s18+$0xFD60]  }
0x4f1: {  	v0 =	vadd.f32 v1, v0  }
0x4f2: {  	v1 =	vld [tilespmem:s18+$0xFDA0]  }
0x4f3: {  	v0 =	vadd.f32 v2, v0  }
0x4f4: {  	v2 =	vld [tilespmem:s18+$0xFDE0]  }
0x4f5: {  	v0 =	vadd.f32 v3, v0  }
0x4f6: {  	v3 =	vld [tilespmem:s18+$0xFE20]  }
0x4f7: {  	v0 =	vadd.f32 v1, v0  }
0x4f8: {  	v1 =	vld [tilespmem:s18+$0xFE60]  }
0x4f9: {  	v0 =	vadd.f32 v2, v0  }
0x4fa: {  	v2 =	vld [tilespmem:s18+$0xFEA0]  }
0x4fb: {  	v0 =	vadd.f32 v3, v0  }
0x4fc: {  	v3 =	vld [tilespmem:s18+$0xFEE0]  }
0x4fd: {  	v0 =	vadd.f32 v1, v0  }
0x4fe: {  	v1 =	vld [tilespmem:s18+$0xFF20]  }
0x4ff: {  	v0 =	vadd.f32 v2, v0  }
0x500: {  	v2 =	vld [tilespmem:s18+$0xFF60]  }
0x501: {  	v0 =	vadd.f32 v3, v0  }
0x502: {  	v3 =	vld [tilespmem:s18+$0xFFA0]  }
0x503: {  	v0 =	vadd.f32 v1, v0  }
0x504: {  	v1 =	vld [tilespmem:s18+$0xFFE0]  }
0x505: {  	v0 =	vadd.f32 v2, v0;
	_ =	sdelay $0x1  }
0x506: {  	v0 =	vadd.f32 v3, v0;
	_ =	sdelay $0x1  }
0x507: {  	v0 =	vadd.f32 v1, v0;
	_ =	sdelay $0x1  }
0x508: {  	[tilespmem:s0+$0xFFFFFFF0] =	vst v0  }
0x509: {  	v0 =	vld [tilespmem:s18+$0xFB30]  }
0x50a: {  	v1 =	vld [tilespmem:s18+$0xFB70]  }
0x50b: {  	v2 =	vld [tilespmem:s18+$0xFBB0]  }
0x50c: {  	v3 =	vld [tilespmem:s18+$0xFBF0]  }
0x50d: {  	v4 =	vld [tilespmem:s18+$0xFC30]  }
0x50e: {  	v5 =	vld [tilespmem:s18+$0xFC70]  }
0x50f: {  	v0 =	vadd.f32 v1, v0;
	v1 =	vld [tilespmem:s18+$0xFCB0]  }
0x510: {  	v6 =	vld [tilespmem:s18+$0xFCF0]  }
0x511: {  	v0 =	vadd.f32 v2, v0;
	v2 =	vld [tilespmem:s18+$0xFD30]  }
0x512: {  	v7 =	vld [tilespmem:s18+$0xFD70]  }
0x513: {  	v0 =	vadd.f32 v3, v0;
	v3 =	vld [tilespmem:s18+$0xFDB0]  }
0x514: {  	v8 =	vld [tilespmem:s18+$0xFDF0]  }
0x515: {  	v0 =	vadd.f32 v4, v0;
	v4 =	vld [tilespmem:s18+$0xFE30]  }
0x516: {  	v9 =	vld [tilespmem:s18+$0xFE70]  }
0x517: {  	v0 =	vadd.f32 v5, v0;
	v5 =	vld [tilespmem:s18+$0xFEB0]  }
0x518: {  	v10 =	vld [tilespmem:s18+$0xFEF0]  }
0x519: {  	v0 =	vadd.f32 v1, v0;
	v11 =	vld [tilespmem:s18+$0xFF30]  }
0x51a: {  	v12 =	vld [tilespmem:s18+$0xFF70]  }
0x51b: {  	v6 =	vadd.f32 v6, v0;
	v0 =	vld [tilespmem:s18+$0xFFB0]  }
0x51c: {  	v1 =	vld [tilespmem:s18+$0xFFF0]  }
0x51d: {  	v2 =	vadd.f32 v2, v6;
	_ =	sdelay $0x1  }
0x51e: {  	v2 =	vadd.f32 v7, v2;
	_ =	sdelay $0x1  }
0x51f: {  	v2 =	vadd.f32 v3, v2;
	_ =	sdelay $0x1  }
0x520: {  	v2 =	vadd.f32 v8, v2;
	_ =	sdelay $0x1  }
0x521: {  	v2 =	vadd.f32 v4, v2;
	_ =	sdelay $0x1  }
0x522: {  	v2 =	vadd.f32 v9, v2;
	_ =	sdelay $0x1  }
0x523: {  	v2 =	vadd.f32 v5, v2;
	_ =	sdelay $0x1  }
.Ltmp3:
0x524: {  	v2 =	vadd.f32 v10, v2;
	(pc) =	sbr.rel @p1 .LBB2_9-.Ltmp3, $3  }
0x525: {  	_ = 	snop  }
0x526: {  	v2 =	vadd.f32 v11, v2;
	_ =	sdelay $0x1  }
0x527: {  	v2 =	vadd.f32 v12, v2  }
0x528: {  	_ = 	snop  }
.Ltmp4:
0x529: {  	v0 =	vadd.f32 v0, v2;
	(pc) =	sbr.rel @p0 .LBB2_2-.Ltmp4, $3  }
0x52a: {  	_ = 	snop  }
0x52b: {  	v0 =	vadd.f32 v1, v0;
	_ =	sdelay $0x1  }
0x52c: {  	s1 =	simm.s32 $0x4000;
	p1 =	por $0x0, $0x0;
	s0 =	simm.s32 $0x9C0;
	[tilespmem:s17+$0x0] =	vst v0  }
0x52d: {  	[hbm4b:s7+s2] =	stream.linear.scatter [tilespmem:s28], [sflag:$0x7], $0x2000, $0x38;
	[tilespmem:$0x1AB00] =	vst v63  }
0x52e: {  	_ =	swait.ge [sflag:s11], $0x2000  }
0x52f: {  	[sflag:s11] =	ssyncset.done $0x0  }
0x530: {  	[sflag:s11] =	ssyncadd.s32 $0xFFFFE000  }
0x531: {  	_ =	swait.ge [sflag:s29], $0x2000  }
0x532: {  	[sflag:s29] =	ssyncset.done $0x0  }
0x533: {  	[sflag:s29] =	ssyncadd.s32 $0xFFFFE000  }
0x534: {  	[hbm4b:s8+s2] =	stream.linear.scatter [tilespmem:s13], [sflag:$0x7], $0x2000, $0x38;
	[tilespmem:$0x1AB00] =	vst v63  }
0x535: {  	_ =	swait.ge [sflag:s11], $0x2000  }
0x536: {  	[sflag:s11] =	ssyncset.done $0x0  }
0x537: {  	[sflag:s11] =	ssyncadd.s32 $0xFFFFE000  }
0x538: {  	s31 =	sadd.s32 $0x1, s31;
	_ =	swait.ge [sflag:s30], $0x2000  }
0x539: {  	p0 =	sne.s32 s31, s10;
	[sflag:s30] =	ssyncset.done $0x0  }
.Ltmp5:
0x53a: {  	[sflag:s30] =	ssyncadd.s32 $0xFFFFE000;
	(pc) =	sbr.rel @p0 .LBB2_1-.Ltmp5, $4  }
0x53b: {  	[hbm4b:s9+s2] =	stream.linear.scatter [tilespmem:s14], [sflag:$0x7], $0x2000, $0x38;
	[tilespmem:$0x1AB00] =	vst v63  }
0x53c: {  	_ =	swait.ge [sflag:s11], $0x2000  }
0x53d: {  	[sflag:s11] =	ssyncset.done $0x0  }
0x53e: {  	[sflag:s11] =	ssyncadd.s32 $0xFFFFE000  }
0x53f: {  	_ =	sfence.sel $0x180000  }
0x540: {  	[bflag:$0x0] =	sbarrier.arrive $0xFFFF  }
0x541: {  	_ =	strace $0x9000004A  }
0x542: {  	s0 =	stileid.u32;
	[bflag:$0x2] =	sbarrier.arrive $0xFFFF  }
0x543: {  	p0 =	sne.s32 s0, $0x0;
	s0 =	rddreg [dreg:$0x4]  }
0x544: {  	s0 =	sadd.s32 @!p0 $0x100000, s0  }
0x545: {  	[sflag:s0] =	ssyncadd.tile.s32 @!p0 $0x1;
	_ =	shalt  }
.Lfunc_end2:
_tile_overlayer_lowered:
.L_overlay_start_2:
0x546: {  	(tag) =	ssettag $0x2  }
0x547: {  	s0 =	rddreg [dreg:$0x0];
	s2 =	stileid.u32  }
0x548: {  	s1 =	rddreg [dreg:$0x1];
	p0 =	sne.s32 s2, $0x0  }
0x549: {  	s3 =	rddreg [dreg:$0x2];
	[bflag:$0x3] =	sbarrier.arrive $0xFFFF;
	s2 =	simm.s32 @!p0 $0x1C07  }
0x54a: {  	[timem:s3], [sflag:s2] =	dma.local @!p0 [hbm:s0], s1  }
0x54b: {  	s0 =	simm.s32 @!p0 $0x7  }
0x54c: {  	_ =	swait.ge @!p0 [sflag:s0], s1  }
0x54d: {  	s1 =	ssub.s32 @!p0 $0x0, s1;
	[sflag:s0] =	ssyncset.done @!p0 $0x0  }
0x54e: {  	[sflag:s0] =	ssyncadd.s32 @!p0 s1  }
0x54f: {  	[bflag:$0x3] =	sbarrier.arrive $0xFFFF  }
0x550: {  	_ =	shalt  }

</sc_bundles>
